<compile_context>
chip_gen: v7x
topology: tpu7x:2x2x1
jax: 0.10.2.dev20260603
libtpu: 0.0.44.dev20260713+nightly
codegen_flags: <defaults>
</compile_context>

<pallas_src>
import functools

import jax
import jax.numpy as jnp
from jax import lax
from jax.experimental import pallas as pl
from jax.experimental.pallas import tpu as pltpu
from jax.experimental.pallas import tpu_sc as plsc

N = 10000
E = 160000
H = 128
NC = 2
NS = 16
CH = 128
NCHUNK = 79
EPT = NCHUNK * CH
PADN = NS * EPT - E
N_PAD = 10240
STRIPE = N_PAD // NS
DUMMY = N
EPW = 2 * 2 * E // (NC * NS)
GCH = 128
NFULL = EPW // GCH
TAIL = EPW - NFULL * GCH

_PIECES = []
_r = 0
while _r < STRIPE:
    _n = min(CH, STRIPE - _r)
    _PIECES.append((_r, _n))
    _r += _n


@functools.lru_cache(maxsize=None)
def _mk_agg(width):
    mesh = plsc.VectorSubcoreMesh(core_axis_name="c", subcore_axis_name="s",
                                  num_cores=NC, num_subcores=NS)

    def body(table, srcs, dsts, z_in, sums_out,
             acc, idxs, idxd, rows0, sem0):
        c = lax.axis_index("c")
        s = lax.axis_index("s")
        off = pl.multiple_of(s * STRIPE, STRIPE)
        rbase = (c * NS + s) * NCHUNK

        pltpu.sync_copy(z_in, rows0)
        for (r, n) in _PIECES:
            pltpu.sync_copy(rows0.at[pl.ds(0, n)],
                            acc.at[pl.ds(off + r, n)])
        plsc.subcore_barrier()

        @pl.loop(0, NCHUNK)
        def _chunk(j):
            pltpu.sync_copy(srcs.at[rbase + j], idxs)
            gather = pltpu.async_copy(table.at[idxs], rows0, sem0)
            pltpu.sync_copy(dsts.at[rbase + j], idxd)
            gather.wait()
            pltpu.sync_copy(rows0, acc.at[idxd], add=True)

        plsc.subcore_barrier()
        obase = pl.multiple_of(c * N_PAD + s * STRIPE, STRIPE)
        for (r, n) in _PIECES:
            pltpu.sync_copy(acc.at[pl.ds(off + r, n)], rows0.at[pl.ds(0, n)])
            pltpu.sync_copy(rows0.at[pl.ds(0, n)],
                            sums_out.at[pl.ds(obase + r, n)])

    return pl.kernel(
        body,
        out_type=jax.ShapeDtypeStruct((NC * N_PAD, width), jnp.float32),
        mesh=mesh,
        scratch_types=[
            pltpu.VMEM_SHARED((N_PAD, width), jnp.float32),
            pltpu.VMEM((CH,), jnp.int32),
            pltpu.VMEM((CH,), jnp.int32),
            pltpu.VMEM((CH, width), jnp.float32),
            pltpu.SemaphoreType.DMA,
        ])


@functools.lru_cache(maxsize=None)
def _mk_cnt():
    mesh = plsc.VectorSubcoreMesh(core_axis_name="c", subcore_axis_name="s",
                                  num_cores=NC, num_subcores=NS)

    def body(dsts, z_in, ones_in, cnts_out, acc, idxd, rows, sem):
        c = lax.axis_index("c")
        s = lax.axis_index("s")
        off = pl.multiple_of(s * STRIPE, STRIPE)
        rbase = (c * NS + s) * NCHUNK
        pltpu.sync_copy(z_in, rows)
        for (r, n) in _PIECES:
            pltpu.sync_copy(rows.at[pl.ds(0, n)], acc.at[pl.ds(off + r, n)])
        pltpu.sync_copy(ones_in, rows)
        plsc.subcore_barrier()

        @pl.loop(0, NCHUNK)
        def _chunk(j):
            pltpu.sync_copy(dsts.at[rbase + j], idxd)
            pltpu.sync_copy(rows, acc.at[idxd], add=True)

        plsc.subcore_barrier()
        obase = pl.multiple_of(c * N_PAD + s * STRIPE, STRIPE)
        for (r, n) in _PIECES:
            pltpu.sync_copy(acc.at[pl.ds(off + r, n)], rows.at[pl.ds(0, n)])
            pltpu.sync_copy(rows.at[pl.ds(0, n)],
                            cnts_out.at[pl.ds(obase + r, n)])

    return pl.kernel(
        body,
        out_type=jax.ShapeDtypeStruct((NC * N_PAD, H), jnp.float32),
        mesh=mesh,
        scratch_types=[
            pltpu.VMEM_SHARED((N_PAD, H), jnp.float32),
            pltpu.VMEM((CH,), jnp.int32),
            pltpu.VMEM((CH, H), jnp.float32),
            pltpu.SemaphoreType.DMA,
        ])


def _edge_gather_body(table, bigidx, out, idx_v, rows0, rows1, rows_t,
                      sem0, sem1):
    c = lax.axis_index("c")
    s = lax.axis_index("s")
    wid = s * NC + c
    base = pl.multiple_of(wid * EPW, EPW)
    pltpu.sync_copy(bigidx.at[pl.ds(base, EPW)], idx_v)
    NB = 13
    NGRP = NFULL // NB
    bufs = (rows0, rows1)
    sems = (sem0, sem1)

    def g_src(o):
        return table.at[idx_v.at[pl.ds(o, GCH)]]

    @pl.loop(0, NGRP)
    def _grp(g):
        gb = pl.multiple_of(g * NB * GCH, GCH)
        pltpu.async_copy(g_src(gb), bufs[0], sems[0])
        for jj in range(NB):
            o = pl.multiple_of(gb + jj * GCH, GCH)
            if jj + 1 < NB:
                o1 = pl.multiple_of(gb + (jj + 1) * GCH, GCH)
                pltpu.async_copy(g_src(o1), bufs[(jj + 1) % 2],
                                 sems[(jj + 1) % 2])
            pltpu.make_async_copy(g_src(o), bufs[jj % 2], sems[jj % 2]).wait()
            pltpu.sync_copy(bufs[jj % 2], out.at[pl.ds(base + o, GCH)])

    pltpu.async_copy(table.at[idx_v.at[pl.ds(NFULL * GCH, TAIL)]],
                     rows_t, sem0).wait()
    pltpu.sync_copy(rows_t, out.at[pl.ds(base + NFULL * GCH, TAIL)])


@functools.lru_cache(maxsize=None)
def _mk_edge_gather():
    return pl.kernel(
        _edge_gather_body,
        out_type=jax.ShapeDtypeStruct((2 * 2 * E, H), jnp.float32),
        mesh=plsc.VectorSubcoreMesh(core_axis_name="c", subcore_axis_name="s",
                                    num_cores=NC, num_subcores=NS),
        scratch_types=[
            pltpu.VMEM((EPW,), jnp.int32),
            pltpu.VMEM((GCH, H), jnp.float32),
            pltpu.VMEM((GCH, H), jnp.float32),
            pltpu.VMEM((TAIL, H), jnp.float32),
            pltpu.SemaphoreType.DMA,
            pltpu.SemaphoreType.DMA,
        ])


def _mmt(a, w):
    return lax.dot_general(a, w, (((1,), (1,)), ((), ())),
                           preferred_element_type=jnp.float32)


def _dense_body(t_ref, ps_ref, cs_ref,
                wda_ref, wsa_ref, wua_ref, wdb_ref, wsb_ref, wub_ref,
                g_ref, b_ref, o_ref):
    T = t_ref[...]
    ps = ps_ref[...]
    cs = cs_ref[...]

    def rel(p, cnt, wd_ref, ws_ref, wu_ref):
        m = p / jnp.maximum(cnt, 1.0)
        wu = wu_ref[...]
        a = _mmt(T, wd_ref[...])
        b = _mmt(m, ws_ref[...])
        return _mmt(a, wu[:, :H]) + _mmt(b, wu[:, H:])

    pre = 0.5 * (rel(ps[0:N], cs[0:N, :1], wda_ref, wsa_ref, wua_ref)
                 + rel(ps[N_PAD:N_PAD + N], cs[N_PAD:N_PAD + N, :1],
                       wdb_ref, wsb_ref, wub_ref))
    mu = jnp.mean(pre, axis=0, keepdims=True)
    var = jnp.mean((pre - mu) ** 2, axis=0, keepdims=True)
    y = g_ref[...] * (pre - mu) * lax.rsqrt(var + 1.0) + b_ref[...]
    o_ref[...] = jnp.where(y > 0, y, 0.01 * y)


_dense = pl.pallas_call(
    _dense_body,
    out_shape=jax.ShapeDtypeStruct((N, H), jnp.float32))


def _pad_flat(v, fill):
    return jnp.concatenate([v, jnp.full((PADN,), fill, jnp.int32)])


def kernel(x, edge_index0, edge_index1,
           W1a_dst, W1a_src, W1a_upd, W1b_dst, W1b_src, W1b_upd,
           W2a_dst, W2a_src, W2a_upd, W2b_dst, W2b_src, W2b_upd,
           bn1_g, bn1_b, bn2_g, bn2_b):
    srcs = jnp.concatenate([_pad_flat(edge_index0[0], 0),
                            _pad_flat(edge_index1[0], 0)])
    dsts = jnp.concatenate([_pad_flat(edge_index0[1], DUMMY),
                            _pad_flat(edge_index1[1], DUMMY)])
    srcs = srcs.reshape(-1, CH)
    dsts = dsts.reshape(-1, CH)
    z_in = jnp.zeros((CH, H), jnp.float32)
    ones_in = jnp.ones((CH, H), jnp.float32)
    cnts16 = _mk_cnt()(dsts, z_in, ones_in)[:, :16]
    sums1 = _mk_agg(H)(x, srcs, dsts, z_in)
    h1 = _dense(x, sums1, cnts16,
                W1a_dst, W1a_src, W1a_upd, W1b_dst, W1b_src, W1b_upd,
                bn1_g.reshape(1, H), bn1_b.reshape(1, H))
    sums2 = _mk_agg(H)(h1, srcs, dsts, z_in)
    h2 = _dense(h1, sums2, cnts16,
                W2a_dst, W2a_src, W2a_upd, W2b_dst, W2b_src, W2b_upd,
                bn2_g.reshape(1, H), bn2_b.reshape(1, H))

    bigidx = jnp.concatenate([edge_index0.T.reshape(-1),
                              edge_index1.T.reshape(-1)])
    ef = _mk_edge_gather()(h2, bigidx)
    return ef.reshape(2 * E, 2 * H)

# --- scband reference (transcript-rebuilt; emitter-appended) ---
"""Pipeline reference for scband-hetero-gnn-46712064311418 (READ-ONLY COPY).

The authoritative reference and input builder live on the scoring server;
editing this copy changes nothing except your own understanding.
"""

import jax, jax.numpy as jnp
import numpy as np

N = 10000
E = 160000
DF = 128
H = 128


def _glorot(k, shape):
    return jax.random.normal(k, shape, dtype=jnp.float32) * (1.0 / np.sqrt(shape[1]))


def setup_inputs(seed: int = 0) -> dict:
    key = jax.random.key(seed)
    ks = jax.random.split(key, 20)
    inp = {}
    inp['x'] = jax.random.normal(ks[0], (N, DF), dtype=jnp.float32)
    inp['edge_index0'] = jax.random.randint(ks[1], (2, E), 0, N, dtype=jnp.int32)
    inp['edge_index1'] = jax.random.randint(ks[2], (2, E), 0, N, dtype=jnp.int32)
    # layer 1 convs (in = DF), one per message type
    inp['W1a_dst'] = _glorot(ks[3], (H, DF))
    inp['W1a_src'] = _glorot(ks[4], (H, DF))
    inp['W1a_upd'] = _glorot(ks[5], (H, 2 * H))
    inp['W1b_dst'] = _glorot(ks[6], (H, DF))
    inp['W1b_src'] = _glorot(ks[7], (H, DF))
    inp['W1b_upd'] = _glorot(ks[8], (H, 2 * H))
    # layer 2 convs (in = H)
    inp['W2a_dst'] = _glorot(ks[9], (H, H))
    inp['W2a_src'] = _glorot(ks[10], (H, H))
    inp['W2a_upd'] = _glorot(ks[11], (H, 2 * H))
    inp['W2b_dst'] = _glorot(ks[12], (H, H))
    inp['W2b_src'] = _glorot(ks[13], (H, H))
    inp['W2b_upd'] = _glorot(ks[14], (H, 2 * H))
    # batchnorm affine params (eps=1, training-mode batch stats)
    inp['bn1_g'] = jnp.ones((H,), dtype=jnp.float32)
    inp['bn1_b'] = jnp.zeros((H,), dtype=jnp.float32)
    inp['bn2_g'] = jnp.ones((H,), dtype=jnp.float32)
    inp['bn2_b'] = jnp.zeros((H,), dtype=jnp.float32)
    return inp


def _mean_agg(xs, src, dst, n):
    msgs = xs[src]
    s = jax.ops.segment_sum(msgs, dst, num_segments=n)
    c = jax.ops.segment_sum(jnp.ones((src.shape[0],), dtype=xs.dtype), dst, num_segments=n)
    return s / jnp.maximum(c, 1.0)[:, None]


def _conv(x, ei, Wd, Ws, Wu):
    # HeteroGNNConv: mean-aggregate src features at dst, then
    # lin_update(cat(lin_dst(x_dst), lin_src(aggr)))
    agg = _mean_agg(x, ei[0], ei[1], x.shape[0])
    wd = x @ Wd.T
    ws = agg @ Ws.T
    return jnp.concatenate([wd, ws], axis=-1) @ Wu.T


def _bn(x, g, b):
    mu = x.mean(axis=0)
    var = x.var(axis=0)
    return g * (x - mu) / jnp.sqrt(var + 1.0) + b


def _lrelu(x):
    return jnp.where(x > 0, x, 0.01 * x)


def reference(x, edge_index0, edge_index1,
              W1a_dst, W1a_src, W1a_upd, W1b_dst, W1b_src, W1b_upd,
              W2a_dst, W2a_src, W2a_upd, W2b_dst, W2b_src, W2b_upd,
              bn1_g, bn1_b, bn2_g, bn2_b):
    # HeteroGNNWrapperConv with aggr='mean' over the two message types
    h = 0.5 * (_conv(x, edge_index0, W1a_dst, W1a_src, W1a_upd)
               + _conv(x, edge_index1, W1b_dst, W1b_src, W1b_upd))
    h = _lrelu(_bn(h, bn1_g, bn1_b))
    h = 0.5 * (_conv(h, edge_index0, W2a_dst, W2a_src, W2a_upd)
               + _conv(h, edge_index1, W2b_dst, W2b_src, W2b_upd))
    h = _lrelu(_bn(h, bn2_g, bn2_b))
    # edge embeddings: cat(src_feat, dst_feat) per edge, per message type
    e0 = jnp.concatenate([h[edge_index0[0]], h[edge_index0[1]]], axis=1)
    e1 = jnp.concatenate([h[edge_index1[0]], h[edge_index1[1]]], axis=1)
    return jnp.concatenate([e0, e1], axis=0)

if __name__ == "__main__":
    import jax
    _d = setup_inputs()
    print(jax.jit(kernel)(*tuple(_d.values())))

</pallas_src>

<mosaic_0001>
#map = affine_map<(d0, d1) -> (0, 0)>
#map1 = affine_map<(d0, d1) -> (0)>
module attributes {stable_mosaic.version = 14 : i64} {
  func.func @_edge_gather_body(%arg0: i32, %arg1: i32, %arg2: memref<10000x128xf32, #tpu.memory_space<hbm>>, %arg3: memref<640000xi32, #tpu.memory_space<hbm>>, %arg4: memref<640000x128xf32, #tpu.memory_space<hbm>>, %arg5: memref<20000xi32, #tpu.memory_space<vmem>>, %arg6: memref<128x128xf32, #tpu.memory_space<vmem>>, %arg7: memref<128x128xf32, #tpu.memory_space<vmem>>, %arg8: memref<32x128xf32, #tpu.memory_space<vmem>>, %arg9: memref<!tpu.dma_semaphore, #tpu.memory_space<semaphore_mem>>, %arg10: memref<!tpu.dma_semaphore, #tpu.memory_space<semaphore_mem>>) attributes {dimension_semantics = [#tpu.dimension_semantics<core_parallel>, #tpu.dimension_semantics<subcore_parallel>], iteration_bounds = array<i64: 2, 16>, scalar_prefetch = 0 : i64, scratch_operands = 6 : i64, tpu.core_type = #tpu.core_type<sc_vector_subcore>, window_params = [{transform_indices = #map}, {transform_indices = #map1}, {transform_indices = #map}]} {
    %mul3A = arith.constant 2 : i32
    %mul3A_0 = arith.muli %arg1, %mul3A : i32
    %add3A = arith.addi %mul3A_0, %arg0 : i32
    %mul3A_1 = arith.constant 20000 : i32
    %mul3A_2 = arith.muli %add3A, %mul3A_1 : i32
    %multiple_of3A = tpu.assume_multiple %mul3A_2, 20000 : i32
    "tpu.region"() ({
      %run_scoped3A = tpu.sem_alloc : memref<!tpu.dma_semaphore, #tpu.memory_space<semaphore_mem>>
      %dma_start3A_17 = tpu.memref_slice %arg3[%multiple_of3A] : memref<640000xi32, #tpu.memory_space<hbm>> -> memref<20000xi32, #tpu.memory_space<hbm>>
      %dma_start3A_18 = tpu.memref_slice %arg3[%multiple_of3A] : memref<640000xi32, #tpu.memory_space<hbm>> -> memref<20000xi32, #tpu.memory_space<hbm>>
      tpu.enqueue_dma source(%dma_start3A_18 : memref<20000xi32, #tpu.memory_space<hbm>>) target(%arg5 : memref<20000xi32, #tpu.memory_space<vmem>>) target_semaphore(%run_scoped3A : memref<!tpu.dma_semaphore, #tpu.memory_space<semaphore_mem>>)
      %dma_wait3A_19 = tpu.memref_slice %arg3[%multiple_of3A] : memref<640000xi32, #tpu.memory_space<hbm>> -> memref<20000xi32, #tpu.memory_space<hbm>>
      %dma_wait3A_20 = tpu.memref_slice %arg3[%multiple_of3A] : memref<640000xi32, #tpu.memory_space<hbm>> -> memref<20000xi32, #tpu.memory_space<hbm>>
      tpu.wait_dma2 semaphore(%run_scoped3A : memref<!tpu.dma_semaphore, #tpu.memory_space<semaphore_mem>>) src(%dma_wait3A_20 : memref<20000xi32, #tpu.memory_space<hbm>>) dst(%arg5 : memref<20000xi32, #tpu.memory_space<vmem>>)
      tpu.yield
    }) : () -> ()
    %scan3A = arith.constant 0 : i32
    %scan3A_3 = arith.constant 12 : i32
    %scan3A_4 = arith.addi %scan3A, %scan3A_3 : i32
    %scan3A_5 = arith.constant 1 : i32
    scf.for %scan3A_17 = %scan3A to %scan3A_4 step %scan3A_5  : i32 {
      %mul3A_18 = arith.constant 1 : i32
      %mul3A_19 = arith.muli %scan3A_17, %mul3A_18 : i32
      %add3A_20 = arith.constant 0 : i32
      %add3A_21 = arith.addi %add3A_20, %mul3A_19 : i32
      %mul3A_22 = arith.constant 13 : i32
      %mul3A_23 = arith.muli %add3A_21, %mul3A_22 : i32
      %mul3A_24 = arith.constant 128 : i32
      %mul3A_25 = arith.muli %mul3A_23, %mul3A_24 : i32
      %multiple_of3A_26 = tpu.assume_multiple %mul3A_25, 128 : i32
      %dma_start3A_27 = tpu.memref_slice %arg5[%multiple_of3A_26] : memref<20000xi32, #tpu.memory_space<vmem>> -> memref<128xi32, #tpu.memory_space<vmem>>
      %dma_start3A_28 = arith.constant 0 : i32
      %dma_start3A_29 = arith.constant 0 : i32
      %dma_start3A_30 = tpu.memref_slice %arg2[%dma_start3A_28, %dma_start3A_29] : memref<10000x128xf32, #tpu.memory_space<hbm>> -> memref<10000x128xf32, #tpu.memory_space<hbm>>
      tpu.enqueue_indirect_dma source(%dma_start3A_30 : memref<10000x128xf32, #tpu.memory_space<hbm>>) target(%arg6 : memref<128x128xf32, #tpu.memory_space<vmem>>) offsets(%dma_start3A_27 : memref<128xi32, #tpu.memory_space<vmem>>) semaphore(%arg9 : memref<!tpu.dma_semaphore, #tpu.memory_space<semaphore_mem>>)
      %add3A_31 = arith.constant 0 : i32
      %add3A_32 = arith.addi %multiple_of3A_26, %add3A_31 : i32
      %multiple_of3A_33 = tpu.assume_multiple %add3A_32, 128 : i32
      %add3A_34 = arith.constant 128 : i32
      %add3A_35 = arith.addi %multiple_of3A_26, %add3A_34 : i32
      %multiple_of3A_36 = tpu.assume_multiple %add3A_35, 128 : i32
      %dma_start3A_37 = tpu.memref_slice %arg5[%multiple_of3A_36] : memref<20000xi32, #tpu.memory_space<vmem>> -> memref<128xi32, #tpu.memory_space<vmem>>
      %dma_start3A_38 = arith.constant 0 : i32
      %dma_start3A_39 = arith.constant 0 : i32
      %dma_start3A_40 = tpu.memref_slice %arg2[%dma_start3A_38, %dma_start3A_39] : memref<10000x128xf32, #tpu.memory_space<hbm>> -> memref<10000x128xf32, #tpu.memory_space<hbm>>
      tpu.enqueue_indirect_dma source(%dma_start3A_40 : memref<10000x128xf32, #tpu.memory_space<hbm>>) target(%arg7 : memref<128x128xf32, #tpu.memory_space<vmem>>) offsets(%dma_start3A_37 : memref<128xi32, #tpu.memory_space<vmem>>) semaphore(%arg10 : memref<!tpu.dma_semaphore, #tpu.memory_space<semaphore_mem>>)
      %dma_wait3A_41 = tpu.memref_slice %arg5[%multiple_of3A_33] : memref<20000xi32, #tpu.memory_space<vmem>> -> memref<128xi32, #tpu.memory_space<vmem>>
      %dma_wait3A_42 = arith.constant 0 : i32
      %dma_wait3A_43 = arith.constant 0 : i32
      %dma_wait3A_44 = tpu.memref_slice %arg2[%dma_wait3A_42, %dma_wait3A_43] : memref<10000x128xf32, #tpu.memory_space<hbm>> -> memref<10000x128xf32, #tpu.memory_space<hbm>>
      tpu.wait_indirect_dma semaphore(%arg9 : memref<!tpu.dma_semaphore, #tpu.memory_space<semaphore_mem>>) src(%dma_wait3A_44 : memref<10000x128xf32, #tpu.memory_space<hbm>>) dst(%arg6 : memref<128x128xf32, #tpu.memory_space<vmem>>)
      %add3A_45 = arith.addi %multiple_of3A, %multiple_of3A_33 : i32
      "tpu.region"() ({
        %run_scoped3A = tpu.sem_alloc : memref<!tpu.dma_semaphore, #tpu.memory_space<semaphore_mem>>
        %dma_start3A_219 = arith.constant 0 : i32
        %dma_start3A_220 = tpu.memref_slice %arg4[%add3A_45, %dma_start3A_219] : memref<640000x128xf32, #tpu.memory_space<hbm>> -> memref<128x128xf32, #tpu.memory_space<hbm>>
        %dma_start3A_221 = arith.constant 0 : i32
        %dma_start3A_222 = tpu.memref_slice %arg4[%add3A_45, %dma_start3A_221] : memref<640000x128xf32, #tpu.memory_space<hbm>> -> memref<128x128xf32, #tpu.memory_space<hbm>>
        tpu.enqueue_dma source(%arg6 : memref<128x128xf32, #tpu.memory_space<vmem>>) target(%dma_start3A_222 : memref<128x128xf32, #tpu.memory_space<hbm>>) target_semaphore(%run_scoped3A : memref<!tpu.dma_semaphore, #tpu.memory_space<semaphore_mem>>)
        %dma_wait3A_223 = arith.constant 0 : i32
        %dma_wait3A_224 = tpu.memref_slice %arg4[%add3A_45, %dma_wait3A_223] : memref<640000x128xf32, #tpu.memory_space<hbm>> -> memref<128x128xf32, #tpu.memory_space<hbm>>
        %dma_wait3A_225 = arith.constant 0 : i32
        %dma_wait3A_226 = tpu.memref_slice %arg4[%add3A_45, %dma_wait3A_225] : memref<640000x128xf32, #tpu.memory_space<hbm>> -> memref<128x128xf32, #tpu.memory_space<hbm>>
        tpu.wait_dma2 semaphore(%run_scoped3A : memref<!tpu.dma_semaphore, #tpu.memory_space<semaphore_mem>>) src(%arg6 : memref<128x128xf32, #tpu.memory_space<vmem>>) dst(%dma_wait3A_226 : memref<128x128xf32, #tpu.memory_space<hbm>>)
        tpu.yield
      }) : () -> ()
      %add3A_46 = arith.constant 128 : i32
      %add3A_47 = arith.addi %multiple_of3A_26, %add3A_46 : i32
      %multiple_of3A_48 = tpu.assume_multiple %add3A_47, 128 : i32
      %add3A_49 = arith.constant 256 : i32
      %add3A_50 = arith.addi %multiple_of3A_26, %add3A_49 : i32
      %multiple_of3A_51 = tpu.assume_multiple %add3A_50, 128 : i32
      %dma_start3A_52 = tpu.memref_slice %arg5[%multiple_of3A_51] : memref<20000xi32, #tpu.memory_space<vmem>> -> memref<128xi32, #tpu.memory_space<vmem>>
      %dma_start3A_53 = arith.constant 0 : i32
      %dma_start3A_54 = arith.constant 0 : i32
      %dma_start3A_55 = tpu.memref_slice %arg2[%dma_start3A_53, %dma_start3A_54] : memref<10000x128xf32, #tpu.memory_space<hbm>> -> memref<10000x128xf32, #tpu.memory_space<hbm>>
      tpu.enqueue_indirect_dma source(%dma_start3A_55 : memref<10000x128xf32, #tpu.memory_space<hbm>>) target(%arg6 : memref<128x128xf32, #tpu.memory_space<vmem>>) offsets(%dma_start3A_52 : memref<128xi32, #tpu.memory_space<vmem>>) semaphore(%arg9 : memref<!tpu.dma_semaphore, #tpu.memory_space<semaphore_mem>>)
      %dma_wait3A_56 = tpu.memref_slice %arg5[%multiple_of3A_48] : memref<20000xi32, #tpu.memory_space<vmem>> -> memref<128xi32, #tpu.memory_space<vmem>>
      %dma_wait3A_57 = arith.constant 0 : i32
      %dma_wait3A_58 = arith.constant 0 : i32
      %dma_wait3A_59 = tpu.memref_slice %arg2[%dma_wait3A_57, %dma_wait3A_58] : memref<10000x128xf32, #tpu.memory_space<hbm>> -> memref<10000x128xf32, #tpu.memory_space<hbm>>
      tpu.wait_indirect_dma semaphore(%arg10 : memref<!tpu.dma_semaphore, #tpu.memory_space<semaphore_mem>>) src(%dma_wait3A_59 : memref<10000x128xf32, #tpu.memory_space<hbm>>) dst(%arg7 : memref<128x128xf32, #tpu.memory_space<vmem>>)
      %add3A_60 = arith.addi %multiple_of3A, %multiple_of3A_48 : i32
      "tpu.region"() ({
        %run_scoped3A = tpu.sem_alloc : memref<!tpu.dma_semaphore, #tpu.memory_space<semaphore_mem>>
        %dma_start3A_219 = arith.constant 0 : i32
        %dma_start3A_220 = tpu.memref_slice %arg4[%add3A_60, %dma_start3A_219] : memref<640000x128xf32, #tpu.memory_space<hbm>> -> memref<128x128xf32, #tpu.memory_space<hbm>>
        %dma_start3A_221 = arith.constant 0 : i32
        %dma_start3A_222 = tpu.memref_slice %arg4[%add3A_60, %dma_start3A_221] : memref<640000x128xf32, #tpu.memory_space<hbm>> -> memref<128x128xf32, #tpu.memory_space<hbm>>
        tpu.enqueue_dma source(%arg7 : memref<128x128xf32, #tpu.memory_space<vmem>>) target(%dma_start3A_222 : memref<128x128xf32, #tpu.memory_space<hbm>>) target_semaphore(%run_scoped3A : memref<!tpu.dma_semaphore, #tpu.memory_space<semaphore_mem>>)
        %dma_wait3A_223 = arith.constant 0 : i32
        %dma_wait3A_224 = tpu.memref_slice %arg4[%add3A_60, %dma_wait3A_223] : memref<640000x128xf32, #tpu.memory_space<hbm>> -> memref<128x128xf32, #tpu.memory_space<hbm>>
        %dma_wait3A_225 = arith.constant 0 : i32
        %dma_wait3A_226 = tpu.memref_slice %arg4[%add3A_60, %dma_wait3A_225] : memref<640000x128xf32, #tpu.memory_space<hbm>> -> memref<128x128xf32, #tpu.memory_space<hbm>>
        tpu.wait_dma2 semaphore(%run_scoped3A : memref<!tpu.dma_semaphore, #tpu.memory_space<semaphore_mem>>) src(%arg7 : memref<128x128xf32, #tpu.memory_space<vmem>>) dst(%dma_wait3A_226 : memref<128x128xf32, #tpu.memory_space<hbm>>)
        tpu.yield
      }) : () -> ()
      %add3A_61 = arith.constant 256 : i32
      %add3A_62 = arith.addi %multiple_of3A_26, %add3A_61 : i32
      %multiple_of3A_63 = tpu.assume_multiple %add3A_62, 128 : i32
      %add3A_64 = arith.constant 384 : i32
      %add3A_65 = arith.addi %multiple_of3A_26, %add3A_64 : i32
      %multiple_of3A_66 = tpu.assume_multiple %add3A_65, 128 : i32
      %dma_start3A_67 = tpu.memref_slice %arg5[%multiple_of3A_66] : memref<20000xi32, #tpu.memory_space<vmem>> -> memref<128xi32, #tpu.memory_space<vmem>>
      %dma_start3A_68 = arith.constant 0 : i32
      %dma_start3A_69 = arith.constant 0 : i32
      %dma_start3A_70 = tpu.memref_slice %arg2[%dma_start3A_68, %dma_start3A_69] : memref<10000x128xf32, #tpu.memory_space<hbm>> -> memref<10000x128xf32, #tpu.memory_space<hbm>>
      tpu.enqueue_indirect_dma source(%dma_start3A_70 : memref<10000x128xf32, #tpu.memory_space<hbm>>) target(%arg7 : memref<128x128xf32, #tpu.memory_space<vmem>>) offsets(%dma_start3A_67 : memref<128xi32, #tpu.memory_space<vmem>>) semaphore(%arg10 : memref<!tpu.dma_semaphore, #tpu.memory_space<semaphore_mem>>)
      %dma_wait3A_71 = tpu.memref_slice %arg5[%multiple_of3A_63] : memref<20000xi32, #tpu.memory_space<vmem>> -> memref<128xi32, #tpu.memory_space<vmem>>
      %dma_wait3A_72 = arith.constant 0 : i32
      %dma_wait3A_73 = arith.constant 0 : i32
      %dma_wait3A_74 = tpu.memref_slice %arg2[%dma_wait3A_72, %dma_wait3A_73] : memref<10000x128xf32, #tpu.memory_space<hbm>> -> memref<10000x128xf32, #tpu.memory_space<hbm>>
      tpu.wait_indirect_dma semaphore(%arg9 : memref<!tpu.dma_semaphore, #tpu.memory_space<semaphore_mem>>) src(%dma_wait3A_74 : memref<10000x128xf32, #tpu.memory_space<hbm>>) dst(%arg6 : memref<128x128xf32, #tpu.memory_space<vmem>>)
      %add3A_75 = arith.addi %multiple_of3A, %multiple_of3A_63 : i32
      "tpu.region"() ({
        %run_scoped3A = tpu.sem_alloc : memref<!tpu.dma_semaphore, #tpu.memory_space<semaphore_mem>>
        %dma_start3A_219 = arith.constant 0 : i32
        %dma_start3A_220 = tpu.memref_slice %arg4[%add3A_75, %dma_start3A_219] : memref<640000x128xf32, #tpu.memory_space<hbm>> -> memref<128x128xf32, #tpu.memory_space<hbm>>
        %dma_start3A_221 = arith.constant 0 : i32
        %dma_start3A_222 = tpu.memref_slice %arg4[%add3A_75, %dma_start3A_221] : memref<640000x128xf32, #tpu.memory_space<hbm>> -> memref<128x128xf32, #tpu.memory_space<hbm>>
        tpu.enqueue_dma source(%arg6 : memref<128x128xf32, #tpu.memory_space<vmem>>) target(%dma_start3A_222 : memref<128x128xf32, #tpu.memory_space<hbm>>) target_semaphore(%run_scoped3A : memref<!tpu.dma_semaphore, #tpu.memory_space<semaphore_mem>>)
        %dma_wait3A_223 = arith.constant 0 : i32
        %dma_wait3A_224 = tpu.memref_slice %arg4[%add3A_75, %dma_wait3A_223] : memref<640000x128xf32, #tpu.memory_space<hbm>> -> memref<128x128xf32, #tpu.memory_space<hbm>>
        %dma_wait3A_225 = arith.constant 0 : i32
        %dma_wait3A_226 = tpu.memref_slice %arg4[%add3A_75, %dma_wait3A_225] : memref<640000x128xf32, #tpu.memory_space<hbm>> -> memref<128x128xf32, #tpu.memory_space<hbm>>
        tpu.wait_dma2 semaphore(%run_scoped3A : memref<!tpu.dma_semaphore, #tpu.memory_space<semaphore_mem>>) src(%arg6 : memref<128x128xf32, #tpu.memory_space<vmem>>) dst(%dma_wait3A_226 : memref<128x128xf32, #tpu.memory_space<hbm>>)
        tpu.yield
      }) : () -> ()
      %add3A_76 = arith.constant 384 : i32
      %add3A_77 = arith.addi %multiple_of3A_26, %add3A_76 : i32
      %multiple_of3A_78 = tpu.assume_multiple %add3A_77, 128 : i32
      %add3A_79 = arith.constant 512 : i32
      %add3A_80 = arith.addi %multiple_of3A_26, %add3A_79 : i32
      %multiple_of3A_81 = tpu.assume_multiple %add3A_80, 128 : i32
      %dma_start3A_82 = tpu.memref_slice %arg5[%multiple_of3A_81] : memref<20000xi32, #tpu.memory_space<vmem>> -> memref<128xi32, #tpu.memory_space<vmem>>
      %dma_start3A_83 = arith.constant 0 : i32
      %dma_start3A_84 = arith.constant 0 : i32
      %dma_start3A_85 = tpu.memref_slice %arg2[%dma_start3A_83, %dma_start3A_84] : memref<10000x128xf32, #tpu.memory_space<hbm>> -> memref<10000x128xf32, #tpu.memory_space<hbm>>
      tpu.enqueue_indirect_dma source(%dma_start3A_85 : memref<10000x128xf32, #tpu.memory_space<hbm>>) target(%arg6 : memref<128x128xf32, #tpu.memory_space<vmem>>) offsets(%dma_start3A_82 : memref<128xi32, #tpu.memory_space<vmem>>) semaphore(%arg9 : memref<!tpu.dma_semaphore, #tpu.memory_space<semaphore_mem>>)
      %dma_wait3A_86 = tpu.memref_slice %arg5[%multiple_of3A_78] : memref<20000xi32, #tpu.memory_space<vmem>> -> memref<128xi32, #tpu.memory_space<vmem>>
      %dma_wait3A_87 = arith.constant 0 : i32
      %dma_wait3A_88 = arith.constant 0 : i32
      %dma_wait3A_89 = tpu.memref_slice %arg2[%dma_wait3A_87, %dma_wait3A_88] : memref<10000x128xf32, #tpu.memory_space<hbm>> -> memref<10000x128xf32, #tpu.memory_space<hbm>>
      tpu.wait_indirect_dma semaphore(%arg10 : memref<!tpu.dma_semaphore, #tpu.memory_space<semaphore_mem>>) src(%dma_wait3A_89 : memref<10000x128xf32, #tpu.memory_space<hbm>>) dst(%arg7 : memref<128x128xf32, #tpu.memory_space<vmem>>)
      %add3A_90 = arith.addi %multiple_of3A, %multiple_of3A_78 : i32
      "tpu.region"() ({
        %run_scoped3A = tpu.sem_alloc : memref<!tpu.dma_semaphore, #tpu.memory_space<semaphore_mem>>
        %dma_start3A_219 = arith.constant 0 : i32
        %dma_start3A_220 = tpu.memref_slice %arg4[%add3A_90, %dma_start3A_219] : memref<640000x128xf32, #tpu.memory_space<hbm>> -> memref<128x128xf32, #tpu.memory_space<hbm>>
        %dma_start3A_221 = arith.constant 0 : i32
        %dma_start3A_222 = tpu.memref_slice %arg4[%add3A_90, %dma_start3A_221] : memref<640000x128xf32, #tpu.memory_space<hbm>> -> memref<128x128xf32, #tpu.memory_space<hbm>>
        tpu.enqueue_dma source(%arg7 : memref<128x128xf32, #tpu.memory_space<vmem>>) target(%dma_start3A_222 : memref<128x128xf32, #tpu.memory_space<hbm>>) target_semaphore(%run_scoped3A : memref<!tpu.dma_semaphore, #tpu.memory_space<semaphore_mem>>)
        %dma_wait3A_223 = arith.constant 0 : i32
        %dma_wait3A_224 = tpu.memref_slice %arg4[%add3A_90, %dma_wait3A_223] : memref<640000x128xf32, #tpu.memory_space<hbm>> -> memref<128x128xf32, #tpu.memory_space<hbm>>
        %dma_wait3A_225 = arith.constant 0 : i32
        %dma_wait3A_226 = tpu.memref_slice %arg4[%add3A_90, %dma_wait3A_225] : memref<640000x128xf32, #tpu.memory_space<hbm>> -> memref<128x128xf32, #tpu.memory_space<hbm>>
        tpu.wait_dma2 semaphore(%run_scoped3A : memref<!tpu.dma_semaphore, #tpu.memory_space<semaphore_mem>>) src(%arg7 : memref<128x128xf32, #tpu.memory_space<vmem>>) dst(%dma_wait3A_226 : memref<128x128xf32, #tpu.memory_space<hbm>>)
        tpu.yield
      }) : () -> ()
      %add3A_91 = arith.constant 512 : i32
      %add3A_92 = arith.addi %multiple_of3A_26, %add3A_91 : i32
      %multiple_of3A_93 = tpu.assume_multiple %add3A_92, 128 : i32
      %add3A_94 = arith.constant 640 : i32
      %add3A_95 = arith.addi %multiple_of3A_26, %add3A_94 : i32
      %multiple_of3A_96 = tpu.assume_multiple %add3A_95, 128 : i32
      %dma_start3A_97 = tpu.memref_slice %arg5[%multiple_of3A_96] : memref<20000xi32, #tpu.memory_space<vmem>> -> memref<128xi32, #tpu.memory_space<vmem>>
      %dma_start3A_98 = arith.constant 0 : i32
      %dma_start3A_99 = arith.constant 0 : i32
      %dma_start3A_100 = tpu.memref_slice %arg2[%dma_start3A_98, %dma_start3A_99] : memref<10000x128xf32, #tpu.memory_space<hbm>> -> memref<10000x128xf32, #tpu.memory_space<hbm>>
      tpu.enqueue_indirect_dma source(%dma_start3A_100 : memref<10000x128xf32, #tpu.memory_space<hbm>>) target(%arg7 : memref<128x128xf32, #tpu.memory_space<vmem>>) offsets(%dma_start3A_97 : memref<128xi32, #tpu.memory_space<vmem>>) semaphore(%arg10 : memref<!tpu.dma_semaphore, #tpu.memory_space<semaphore_mem>>)
      %dma_wait3A_101 = tpu.memref_slice %arg5[%multiple_of3A_93] : memref<20000xi32, #tpu.memory_space<vmem>> -> memref<128xi32, #tpu.memory_space<vmem>>
      %dma_wait3A_102 = arith.constant 0 : i32
      %dma_wait3A_103 = arith.constant 0 : i32
      %dma_wait3A_104 = tpu.memref_slice %arg2[%dma_wait3A_102, %dma_wait3A_103] : memref<10000x128xf32, #tpu.memory_space<hbm>> -> memref<10000x128xf32, #tpu.memory_space<hbm>>
      tpu.wait_indirect_dma semaphore(%arg9 : memref<!tpu.dma_semaphore, #tpu.memory_space<semaphore_mem>>) src(%dma_wait3A_104 : memref<10000x128xf32, #tpu.memory_space<hbm>>) dst(%arg6 : memref<128x128xf32, #tpu.memory_space<vmem>>)
      %add3A_105 = arith.addi %multiple_of3A, %multiple_of3A_93 : i32
      "tpu.region"() ({
        %run_scoped3A = tpu.sem_alloc : memref<!tpu.dma_semaphore, #tpu.memory_space<semaphore_mem>>
        %dma_start3A_219 = arith.constant 0 : i32
        %dma_start3A_220 = tpu.memref_slice %arg4[%add3A_105, %dma_start3A_219] : memref<640000x128xf32, #tpu.memory_space<hbm>> -> memref<128x128xf32, #tpu.memory_space<hbm>>
        %dma_start3A_221 = arith.constant 0 : i32
        %dma_start3A_222 = tpu.memref_slice %arg4[%add3A_105, %dma_start3A_221] : memref<640000x128xf32, #tpu.memory_space<hbm>> -> memref<128x128xf32, #tpu.memory_space<hbm>>
        tpu.enqueue_dma source(%arg6 : memref<128x128xf32, #tpu.memory_space<vmem>>) target(%dma_start3A_222 : memref<128x128xf32, #tpu.memory_space<hbm>>) target_semaphore(%run_scoped3A : memref<!tpu.dma_semaphore, #tpu.memory_space<semaphore_mem>>)
        %dma_wait3A_223 = arith.constant 0 : i32
        %dma_wait3A_224 = tpu.memref_slice %arg4[%add3A_105, %dma_wait3A_223] : memref<640000x128xf32, #tpu.memory_space<hbm>> -> memref<128x128xf32, #tpu.memory_space<hbm>>
        %dma_wait3A_225 = arith.constant 0 : i32
        %dma_wait3A_226 = tpu.memref_slice %arg4[%add3A_105, %dma_wait3A_225] : memref<640000x128xf32, #tpu.memory_space<hbm>> -> memref<128x128xf32, #tpu.memory_space<hbm>>
        tpu.wait_dma2 semaphore(%run_scoped3A : memref<!tpu.dma_semaphore, #tpu.memory_space<semaphore_mem>>) src(%arg6 : memref<128x128xf32, #tpu.memory_space<vmem>>) dst(%dma_wait3A_226 : memref<128x128xf32, #tpu.memory_space<hbm>>)
        tpu.yield
      }) : () -> ()
      %add3A_106 = arith.constant 640 : i32
      %add3A_107 = arith.addi %multiple_of3A_26, %add3A_106 : i32
      %multiple_of3A_108 = tpu.assume_multiple %add3A_107, 128 : i32
      %add3A_109 = arith.constant 768 : i32
      %add3A_110 = arith.addi %multiple_of3A_26, %add3A_109 : i32
      %multiple_of3A_111 = tpu.assume_multiple %add3A_110, 128 : i32
      %dma_start3A_112 = tpu.memref_slice %arg5[%multiple_of3A_111] : memref<20000xi32, #tpu.memory_space<vmem>> -> memref<128xi32, #tpu.memory_space<vmem>>
      %dma_start3A_113 = arith.constant 0 : i32
      %dma_start3A_114 = arith.constant 0 : i32
      %dma_start3A_115 = tpu.memref_slice %arg2[%dma_start3A_113, %dma_start3A_114] : memref<10000x128xf32, #tpu.memory_space<hbm>> -> memref<10000x128xf32, #tpu.memory_space<hbm>>
      tpu.enqueue_indirect_dma source(%dma_start3A_115 : memref<10000x128xf32, #tpu.memory_space<hbm>>) target(%arg6 : memref<128x128xf32, #tpu.memory_space<vmem>>) offsets(%dma_start3A_112 : memref<128xi32, #tpu.memory_space<vmem>>) semaphore(%arg9 : memref<!tpu.dma_semaphore, #tpu.memory_space<semaphore_mem>>)
      %dma_wait3A_116 = tpu.memref_slice %arg5[%multiple_of3A_108] : memref<20000xi32, #tpu.memory_space<vmem>> -> memref<128xi32, #tpu.memory_space<vmem>>
      %dma_wait3A_117 = arith.constant 0 : i32
      %dma_wait3A_118 = arith.constant 0 : i32
      %dma_wait3A_119 = tpu.memref_slice %arg2[%dma_wait3A_117, %dma_wait3A_118] : memref<10000x128xf32, #tpu.memory_space<hbm>> -> memref<10000x128xf32, #tpu.memory_space<hbm>>
      tpu.wait_indirect_dma semaphore(%arg10 : memref<!tpu.dma_semaphore, #tpu.memory_space<semaphore_mem>>) src(%dma_wait3A_119 : memref<10000x128xf32, #tpu.memory_space<hbm>>) dst(%arg7 : memref<128x128xf32, #tpu.memory_space<vmem>>)
      %add3A_120 = arith.addi %multiple_of3A, %multiple_of3A_108 : i32
      "tpu.region"() ({
        %run_scoped3A = tpu.sem_alloc : memref<!tpu.dma_semaphore, #tpu.memory_space<semaphore_mem>>
        %dma_start3A_219 = arith.constant 0 : i32
        %dma_start3A_220 = tpu.memref_slice %arg4[%add3A_120, %dma_start3A_219] : memref<640000x128xf32, #tpu.memory_space<hbm>> -> memref<128x128xf32, #tpu.memory_space<hbm>>
        %dma_start3A_221 = arith.constant 0 : i32
        %dma_start3A_222 = tpu.memref_slice %arg4[%add3A_120, %dma_start3A_221] : memref<640000x128xf32, #tpu.memory_space<hbm>> -> memref<128x128xf32, #tpu.memory_space<hbm>>
        tpu.enqueue_dma source(%arg7 : memref<128x128xf32, #tpu.memory_space<vmem>>) target(%dma_start3A_222 : memref<128x128xf32, #tpu.memory_space<hbm>>) target_semaphore(%run_scoped3A : memref<!tpu.dma_semaphore, #tpu.memory_space<semaphore_mem>>)
        %dma_wait3A_223 = arith.constant 0 : i32
        %dma_wait3A_224 = tpu.memref_slice %arg4[%add3A_120, %dma_wait3A_223] : memref<640000x128xf32, #tpu.memory_space<hbm>> -> memref<128x128xf32, #tpu.memory_space<hbm>>
        %dma_wait3A_225 = arith.constant 0 : i32
        %dma_wait3A_226 = tpu.memref_slice %arg4[%add3A_120, %dma_wait3A_225] : memref<640000x128xf32, #tpu.memory_space<hbm>> -> memref<128x128xf32, #tpu.memory_space<hbm>>
        tpu.wait_dma2 semaphore(%run_scoped3A : memref<!tpu.dma_semaphore, #tpu.memory_space<semaphore_mem>>) src(%arg7 : memref<128x128xf32, #tpu.memory_space<vmem>>) dst(%dma_wait3A_226 : memref<128x128xf32, #tpu.memory_space<hbm>>)
        tpu.yield
      }) : () -> ()
      %add3A_121 = arith.constant 768 : i32
      %add3A_122 = arith.addi %multiple_of3A_26, %add3A_121 : i32
      %multiple_of3A_123 = tpu.assume_multiple %add3A_122, 128 : i32
      %add3A_124 = arith.constant 896 : i32
      %add3A_125 = arith.addi %multiple_of3A_26, %add3A_124 : i32
      %multiple_of3A_126 = tpu.assume_multiple %add3A_125, 128 : i32
      %dma_start3A_127 = tpu.memref_slice %arg5[%multiple_of3A_126] : memref<20000xi32, #tpu.memory_space<vmem>> -> memref<128xi32, #tpu.memory_space<vmem>>
      %dma_start3A_128 = arith.constant 0 : i32
      %dma_start3A_129 = arith.constant 0 : i32
      %dma_start3A_130 = tpu.memref_slice %arg2[%dma_start3A_128, %dma_start3A_129] : memref<10000x128xf32, #tpu.memory_space<hbm>> -> memref<10000x128xf32, #tpu.memory_space<hbm>>
      tpu.enqueue_indirect_dma source(%dma_start3A_130 : memref<10000x128xf32, #tpu.memory_space<hbm>>) target(%arg7 : memref<128x128xf32, #tpu.memory_space<vmem>>) offsets(%dma_start3A_127 : memref<128xi32, #tpu.memory_space<vmem>>) semaphore(%arg10 : memref<!tpu.dma_semaphore, #tpu.memory_space<semaphore_mem>>)
      %dma_wait3A_131 = tpu.memref_slice %arg5[%multiple_of3A_123] : memref<20000xi32, #tpu.memory_space<vmem>> -> memref<128xi32, #tpu.memory_space<vmem>>
      %dma_wait3A_132 = arith.constant 0 : i32
      %dma_wait3A_133 = arith.constant 0 : i32
      %dma_wait3A_134 = tpu.memref_slice %arg2[%dma_wait3A_132, %dma_wait3A_133] : memref<10000x128xf32, #tpu.memory_space<hbm>> -> memref<10000x128xf32, #tpu.memory_space<hbm>>
      tpu.wait_indirect_dma semaphore(%arg9 : memref<!tpu.dma_semaphore, #tpu.memory_space<semaphore_mem>>) src(%dma_wait3A_134 : memref<10000x128xf32, #tpu.memory_space<hbm>>) dst(%arg6 : memref<128x128xf32, #tpu.memory_space<vmem>>)
      %add3A_135 = arith.addi %multiple_of3A, %multiple_of3A_123 : i32
      "tpu.region"() ({
        %run_scoped3A = tpu.sem_alloc : memref<!tpu.dma_semaphore, #tpu.memory_space<semaphore_mem>>
        %dma_start3A_219 = arith.constant 0 : i32
        %dma_start3A_220 = tpu.memref_slice %arg4[%add3A_135, %dma_start3A_219] : memref<640000x128xf32, #tpu.memory_space<hbm>> -> memref<128x128xf32, #tpu.memory_space<hbm>>
        %dma_start3A_221 = arith.constant 0 : i32
        %dma_start3A_222 = tpu.memref_slice %arg4[%add3A_135, %dma_start3A_221] : memref<640000x128xf32, #tpu.memory_space<hbm>> -> memref<128x128xf32, #tpu.memory_space<hbm>>
        tpu.enqueue_dma source(%arg6 : memref<128x128xf32, #tpu.memory_space<vmem>>) target(%dma_start3A_222 : memref<128x128xf32, #tpu.memory_space<hbm>>) target_semaphore(%run_scoped3A : memref<!tpu.dma_semaphore, #tpu.memory_space<semaphore_mem>>)
        %dma_wait3A_223 = arith.constant 0 : i32
        %dma_wait3A_224 = tpu.memref_slice %arg4[%add3A_135, %dma_wait3A_223] : memref<640000x128xf32, #tpu.memory_space<hbm>> -> memref<128x128xf32, #tpu.memory_space<hbm>>
        %dma_wait3A_225 = arith.constant 0 : i32
        %dma_wait3A_226 = tpu.memref_slice %arg4[%add3A_135, %dma_wait3A_225] : memref<640000x128xf32, #tpu.memory_space<hbm>> -> memref<128x128xf32, #tpu.memory_space<hbm>>
        tpu.wait_dma2 semaphore(%run_scoped3A : memref<!tpu.dma_semaphore, #tpu.memory_space<semaphore_mem>>) src(%arg6 : memref<128x128xf32, #tpu.memory_space<vmem>>) dst(%dma_wait3A_226 : memref<128x128xf32, #tpu.memory_space<hbm>>)
        tpu.yield
      }) : () -> ()
      %add3A_136 = arith.constant 896 : i32
      %add3A_137 = arith.addi %multiple_of3A_26, %add3A_136 : i32
      %multiple_of3A_138 = tpu.assume_multiple %add3A_137, 128 : i32
      %add3A_139 = arith.constant 1024 : i32
      %add3A_140 = arith.addi %multiple_of3A_26, %add3A_139 : i32
      %multiple_of3A_141 = tpu.assume_multiple %add3A_140, 128 : i32
      %dma_start3A_142 = tpu.memref_slice %arg5[%multiple_of3A_141] : memref<20000xi32, #tpu.memory_space<vmem>> -> memref<128xi32, #tpu.memory_space<vmem>>
      %dma_start3A_143 = arith.constant 0 : i32
      %dma_start3A_144 = arith.constant 0 : i32
      %dma_start3A_145 = tpu.memref_slice %arg2[%dma_start3A_143, %dma_start3A_144] : memref<10000x128xf32, #tpu.memory_space<hbm>> -> memref<10000x128xf32, #tpu.memory_space<hbm>>
      tpu.enqueue_indirect_dma source(%dma_start3A_145 : memref<10000x128xf32, #tpu.memory_space<hbm>>) target(%arg6 : memref<128x128xf32, #tpu.memory_space<vmem>>) offsets(%dma_start3A_142 : memref<128xi32, #tpu.memory_space<vmem>>) semaphore(%arg9 : memref<!tpu.dma_semaphore, #tpu.memory_space<semaphore_mem>>)
      %dma_wait3A_146 = tpu.memref_slice %arg5[%multiple_of3A_138] : memref<20000xi32, #tpu.memory_space<vmem>> -> memref<128xi32, #tpu.memory_space<vmem>>
      %dma_wait3A_147 = arith.constant 0 : i32
      %dma_wait3A_148 = arith.constant 0 : i32
      %dma_wait3A_149 = tpu.memref_slice %arg2[%dma_wait3A_147, %dma_wait3A_148] : memref<10000x128xf32, #tpu.memory_space<hbm>> -> memref<10000x128xf32, #tpu.memory_space<hbm>>
      tpu.wait_indirect_dma semaphore(%arg10 : memref<!tpu.dma_semaphore, #tpu.memory_space<semaphore_mem>>) src(%dma_wait3A_149 : memref<10000x128xf32, #tpu.memory_space<hbm>>) dst(%arg7 : memref<128x128xf32, #tpu.memory_space<vmem>>)
      %add3A_150 = arith.addi %multiple_of3A, %multiple_of3A_138 : i32
      "tpu.region"() ({
        %run_scoped3A = tpu.sem_alloc : memref<!tpu.dma_semaphore, #tpu.memory_space<semaphore_mem>>
        %dma_start3A_219 = arith.constant 0 : i32
        %dma_start3A_220 = tpu.memref_slice %arg4[%add3A_150, %dma_start3A_219] : memref<640000x128xf32, #tpu.memory_space<hbm>> -> memref<128x128xf32, #tpu.memory_space<hbm>>
        %dma_start3A_221 = arith.constant 0 : i32
        %dma_start3A_222 = tpu.memref_slice %arg4[%add3A_150, %dma_start3A_221] : memref<640000x128xf32, #tpu.memory_space<hbm>> -> memref<128x128xf32, #tpu.memory_space<hbm>>
        tpu.enqueue_dma source(%arg7 : memref<128x128xf32, #tpu.memory_space<vmem>>) target(%dma_start3A_222 : memref<128x128xf32, #tpu.memory_space<hbm>>) target_semaphore(%run_scoped3A : memref<!tpu.dma_semaphore, #tpu.memory_space<semaphore_mem>>)
        %dma_wait3A_223 = arith.constant 0 : i32
        %dma_wait3A_224 = tpu.memref_slice %arg4[%add3A_150, %dma_wait3A_223] : memref<640000x128xf32, #tpu.memory_space<hbm>> -> memref<128x128xf32, #tpu.memory_space<hbm>>
        %dma_wait3A_225 = arith.constant 0 : i32
        %dma_wait3A_226 = tpu.memref_slice %arg4[%add3A_150, %dma_wait3A_225] : memref<640000x128xf32, #tpu.memory_space<hbm>> -> memref<128x128xf32, #tpu.memory_space<hbm>>
        tpu.wait_dma2 semaphore(%run_scoped3A : memref<!tpu.dma_semaphore, #tpu.memory_space<semaphore_mem>>) src(%arg7 : memref<128x128xf32, #tpu.memory_space<vmem>>) dst(%dma_wait3A_226 : memref<128x128xf32, #tpu.memory_space<hbm>>)
        tpu.yield
      }) : () -> ()
      %add3A_151 = arith.constant 1024 : i32
      %add3A_152 = arith.addi %multiple_of3A_26, %add3A_151 : i32
      %multiple_of3A_153 = tpu.assume_multiple %add3A_152, 128 : i32
      %add3A_154 = arith.constant 1152 : i32
      %add3A_155 = arith.addi %multiple_of3A_26, %add3A_154 : i32
      %multiple_of3A_156 = tpu.assume_multiple %add3A_155, 128 : i32
      %dma_start3A_157 = tpu.memref_slice %arg5[%multiple_of3A_156] : memref<20000xi32, #tpu.memory_space<vmem>> -> memref<128xi32, #tpu.memory_space<vmem>>
      %dma_start3A_158 = arith.constant 0 : i32
      %dma_start3A_159 = arith.constant 0 : i32
      %dma_start3A_160 = tpu.memref_slice %arg2[%dma_start3A_158, %dma_start3A_159] : memref<10000x128xf32, #tpu.memory_space<hbm>> -> memref<10000x128xf32, #tpu.memory_space<hbm>>
      tpu.enqueue_indirect_dma source(%dma_start3A_160 : memref<10000x128xf32, #tpu.memory_space<hbm>>) target(%arg7 : memref<128x128xf32, #tpu.memory_space<vmem>>) offsets(%dma_start3A_157 : memref<128xi32, #tpu.memory_space<vmem>>) semaphore(%arg10 : memref<!tpu.dma_semaphore, #tpu.memory_space<semaphore_mem>>)
      %dma_wait3A_161 = tpu.memref_slice %arg5[%multiple_of3A_153] : memref<20000xi32, #tpu.memory_space<vmem>> -> memref<128xi32, #tpu.memory_space<vmem>>
      %dma_wait3A_162 = arith.constant 0 : i32
      %dma_wait3A_163 = arith.constant 0 : i32
      %dma_wait3A_164 = tpu.memref_slice %arg2[%dma_wait3A_162, %dma_wait3A_163] : memref<10000x128xf32, #tpu.memory_space<hbm>> -> memref<10000x128xf32, #tpu.memory_space<hbm>>
      tpu.wait_indirect_dma semaphore(%arg9 : memref<!tpu.dma_semaphore, #tpu.memory_space<semaphore_mem>>) src(%dma_wait3A_164 : memref<10000x128xf32, #tpu.memory_space<hbm>>) dst(%arg6 : memref<128x128xf32, #tpu.memory_space<vmem>>)
      %add3A_165 = arith.addi %multiple_of3A, %multiple_of3A_153 : i32
      "tpu.region"() ({
        %run_scoped3A = tpu.sem_alloc : memref<!tpu.dma_semaphore, #tpu.memory_space<semaphore_mem>>
        %dma_start3A_219 = arith.constant 0 : i32
        %dma_start3A_220 = tpu.memref_slice %arg4[%add3A_165, %dma_start3A_219] : memref<640000x128xf32, #tpu.memory_space<hbm>> -> memref<128x128xf32, #tpu.memory_space<hbm>>
        %dma_start3A_221 = arith.constant 0 : i32
        %dma_start3A_222 = tpu.memref_slice %arg4[%add3A_165, %dma_start3A_221] : memref<640000x128xf32, #tpu.memory_space<hbm>> -> memref<128x128xf32, #tpu.memory_space<hbm>>
        tpu.enqueue_dma source(%arg6 : memref<128x128xf32, #tpu.memory_space<vmem>>) target(%dma_start3A_222 : memref<128x128xf32, #tpu.memory_space<hbm>>) target_semaphore(%run_scoped3A : memref<!tpu.dma_semaphore, #tpu.memory_space<semaphore_mem>>)
        %dma_wait3A_223 = arith.constant 0 : i32
        %dma_wait3A_224 = tpu.memref_slice %arg4[%add3A_165, %dma_wait3A_223] : memref<640000x128xf32, #tpu.memory_space<hbm>> -> memref<128x128xf32, #tpu.memory_space<hbm>>
        %dma_wait3A_225 = arith.constant 0 : i32
        %dma_wait3A_226 = tpu.memref_slice %arg4[%add3A_165, %dma_wait3A_225] : memref<640000x128xf32, #tpu.memory_space<hbm>> -> memref<128x128xf32, #tpu.memory_space<hbm>>
        tpu.wait_dma2 semaphore(%run_scoped3A : memref<!tpu.dma_semaphore, #tpu.memory_space<semaphore_mem>>) src(%arg6 : memref<128x128xf32, #tpu.memory_space<vmem>>) dst(%dma_wait3A_226 : memref<128x128xf32, #tpu.memory_space<hbm>>)
        tpu.yield
      }) : () -> ()
      %add3A_166 = arith.constant 1152 : i32
      %add3A_167 = arith.addi %multiple_of3A_26, %add3A_166 : i32
      %multiple_of3A_168 = tpu.assume_multiple %add3A_167, 128 : i32
      %add3A_169 = arith.constant 1280 : i32
      %add3A_170 = arith.addi %multiple_of3A_26, %add3A_169 : i32
      %multiple_of3A_171 = tpu.assume_multiple %add3A_170, 128 : i32
      %dma_start3A_172 = tpu.memref_slice %arg5[%multiple_of3A_171] : memref<20000xi32, #tpu.memory_space<vmem>> -> memref<128xi32, #tpu.memory_space<vmem>>
      %dma_start3A_173 = arith.constant 0 : i32
      %dma_start3A_174 = arith.constant 0 : i32
      %dma_start3A_175 = tpu.memref_slice %arg2[%dma_start3A_173, %dma_start3A_174] : memref<10000x128xf32, #tpu.memory_space<hbm>> -> memref<10000x128xf32, #tpu.memory_space<hbm>>
      tpu.enqueue_indirect_dma source(%dma_start3A_175 : memref<10000x128xf32, #tpu.memory_space<hbm>>) target(%arg6 : memref<128x128xf32, #tpu.memory_space<vmem>>) offsets(%dma_start3A_172 : memref<128xi32, #tpu.memory_space<vmem>>) semaphore(%arg9 : memref<!tpu.dma_semaphore, #tpu.memory_space<semaphore_mem>>)
      %dma_wait3A_176 = tpu.memref_slice %arg5[%multiple_of3A_168] : memref<20000xi32, #tpu.memory_space<vmem>> -> memref<128xi32, #tpu.memory_space<vmem>>
      %dma_wait3A_177 = arith.constant 0 : i32
      %dma_wait3A_178 = arith.constant 0 : i32
      %dma_wait3A_179 = tpu.memref_slice %arg2[%dma_wait3A_177, %dma_wait3A_178] : memref<10000x128xf32, #tpu.memory_space<hbm>> -> memref<10000x128xf32, #tpu.memory_space<hbm>>
      tpu.wait_indirect_dma semaphore(%arg10 : memref<!tpu.dma_semaphore, #tpu.memory_space<semaphore_mem>>) src(%dma_wait3A_179 : memref<10000x128xf32, #tpu.memory_space<hbm>>) dst(%arg7 : memref<128x128xf32, #tpu.memory_space<vmem>>)
      %add3A_180 = arith.addi %multiple_of3A, %multiple_of3A_168 : i32
      "tpu.region"() ({
        %run_scoped3A = tpu.sem_alloc : memref<!tpu.dma_semaphore, #tpu.memory_space<semaphore_mem>>
        %dma_start3A_219 = arith.constant 0 : i32
        %dma_start3A_220 = tpu.memref_slice %arg4[%add3A_180, %dma_start3A_219] : memref<640000x128xf32, #tpu.memory_space<hbm>> -> memref<128x128xf32, #tpu.memory_space<hbm>>
        %dma_start3A_221 = arith.constant 0 : i32
        %dma_start3A_222 = tpu.memref_slice %arg4[%add3A_180, %dma_start3A_221] : memref<640000x128xf32, #tpu.memory_space<hbm>> -> memref<128x128xf32, #tpu.memory_space<hbm>>
        tpu.enqueue_dma source(%arg7 : memref<128x128xf32, #tpu.memory_space<vmem>>) target(%dma_start3A_222 : memref<128x128xf32, #tpu.memory_space<hbm>>) target_semaphore(%run_scoped3A : memref<!tpu.dma_semaphore, #tpu.memory_space<semaphore_mem>>)
        %dma_wait3A_223 = arith.constant 0 : i32
        %dma_wait3A_224 = tpu.memref_slice %arg4[%add3A_180, %dma_wait3A_223] : memref<640000x128xf32, #tpu.memory_space<hbm>> -> memref<128x128xf32, #tpu.memory_space<hbm>>
        %dma_wait3A_225 = arith.constant 0 : i32
        %dma_wait3A_226 = tpu.memref_slice %arg4[%add3A_180, %dma_wait3A_225] : memref<640000x128xf32, #tpu.memory_space<hbm>> -> memref<128x128xf32, #tpu.memory_space<hbm>>
        tpu.wait_dma2 semaphore(%run_scoped3A : memref<!tpu.dma_semaphore, #tpu.memory_space<semaphore_mem>>) src(%arg7 : memref<128x128xf32, #tpu.memory_space<vmem>>) dst(%dma_wait3A_226 : memref<128x128xf32, #tpu.memory_space<hbm>>)
        tpu.yield
      }) : () -> ()
      %add3A_181 = arith.constant 1280 : i32
      %add3A_182 = arith.addi %multiple_of3A_26, %add3A_181 : i32
      %multiple_of3A_183 = tpu.assume_multiple %add3A_182, 128 : i32
      %add3A_184 = arith.constant 1408 : i32
      %add3A_185 = arith.addi %multiple_of3A_26, %add3A_184 : i32
      %multiple_of3A_186 = tpu.assume_multiple %add3A_185, 128 : i32
      %dma_start3A_187 = tpu.memref_slice %arg5[%multiple_of3A_186] : memref<20000xi32, #tpu.memory_space<vmem>> -> memref<128xi32, #tpu.memory_space<vmem>>
      %dma_start3A_188 = arith.constant 0 : i32
      %dma_start3A_189 = arith.constant 0 : i32
      %dma_start3A_190 = tpu.memref_slice %arg2[%dma_start3A_188, %dma_start3A_189] : memref<10000x128xf32, #tpu.memory_space<hbm>> -> memref<10000x128xf32, #tpu.memory_space<hbm>>
      tpu.enqueue_indirect_dma source(%dma_start3A_190 : memref<10000x128xf32, #tpu.memory_space<hbm>>) target(%arg7 : memref<128x128xf32, #tpu.memory_space<vmem>>) offsets(%dma_start3A_187 : memref<128xi32, #tpu.memory_space<vmem>>) semaphore(%arg10 : memref<!tpu.dma_semaphore, #tpu.memory_space<semaphore_mem>>)
      %dma_wait3A_191 = tpu.memref_slice %arg5[%multiple_of3A_183] : memref<20000xi32, #tpu.memory_space<vmem>> -> memref<128xi32, #tpu.memory_space<vmem>>
      %dma_wait3A_192 = arith.constant 0 : i32
      %dma_wait3A_193 = arith.constant 0 : i32
      %dma_wait3A_194 = tpu.memref_slice %arg2[%dma_wait3A_192, %dma_wait3A_193] : memref<10000x128xf32, #tpu.memory_space<hbm>> -> memref<10000x128xf32, #tpu.memory_space<hbm>>
      tpu.wait_indirect_dma semaphore(%arg9 : memref<!tpu.dma_semaphore, #tpu.memory_space<semaphore_mem>>) src(%dma_wait3A_194 : memref<10000x128xf32, #tpu.memory_space<hbm>>) dst(%arg6 : memref<128x128xf32, #tpu.memory_space<vmem>>)
      %add3A_195 = arith.addi %multiple_of3A, %multiple_of3A_183 : i32
      "tpu.region"() ({
        %run_scoped3A = tpu.sem_alloc : memref<!tpu.dma_semaphore, #tpu.memory_space<semaphore_mem>>
        %dma_start3A_219 = arith.constant 0 : i32
        %dma_start3A_220 = tpu.memref_slice %arg4[%add3A_195, %dma_start3A_219] : memref<640000x128xf32, #tpu.memory_space<hbm>> -> memref<128x128xf32, #tpu.memory_space<hbm>>
        %dma_start3A_221 = arith.constant 0 : i32
        %dma_start3A_222 = tpu.memref_slice %arg4[%add3A_195, %dma_start3A_221] : memref<640000x128xf32, #tpu.memory_space<hbm>> -> memref<128x128xf32, #tpu.memory_space<hbm>>
        tpu.enqueue_dma source(%arg6 : memref<128x128xf32, #tpu.memory_space<vmem>>) target(%dma_start3A_222 : memref<128x128xf32, #tpu.memory_space<hbm>>) target_semaphore(%run_scoped3A : memref<!tpu.dma_semaphore, #tpu.memory_space<semaphore_mem>>)
        %dma_wait3A_223 = arith.constant 0 : i32
        %dma_wait3A_224 = tpu.memref_slice %arg4[%add3A_195, %dma_wait3A_223] : memref<640000x128xf32, #tpu.memory_space<hbm>> -> memref<128x128xf32, #tpu.memory_space<hbm>>
        %dma_wait3A_225 = arith.constant 0 : i32
        %dma_wait3A_226 = tpu.memref_slice %arg4[%add3A_195, %dma_wait3A_225] : memref<640000x128xf32, #tpu.memory_space<hbm>> -> memref<128x128xf32, #tpu.memory_space<hbm>>
        tpu.wait_dma2 semaphore(%run_scoped3A : memref<!tpu.dma_semaphore, #tpu.memory_space<semaphore_mem>>) src(%arg6 : memref<128x128xf32, #tpu.memory_space<vmem>>) dst(%dma_wait3A_226 : memref<128x128xf32, #tpu.memory_space<hbm>>)
        tpu.yield
      }) : () -> ()
      %add3A_196 = arith.constant 1408 : i32
      %add3A_197 = arith.addi %multiple_of3A_26, %add3A_196 : i32
      %multiple_of3A_198 = tpu.assume_multiple %add3A_197, 128 : i32
      %add3A_199 = arith.constant 1536 : i32
      %add3A_200 = arith.addi %multiple_of3A_26, %add3A_199 : i32
      %multiple_of3A_201 = tpu.assume_multiple %add3A_200, 128 : i32
      %dma_start3A_202 = tpu.memref_slice %arg5[%multiple_of3A_201] : memref<20000xi32, #tpu.memory_space<vmem>> -> memref<128xi32, #tpu.memory_space<vmem>>
      %dma_start3A_203 = arith.constant 0 : i32
      %dma_start3A_204 = arith.constant 0 : i32
      %dma_start3A_205 = tpu.memref_slice %arg2[%dma_start3A_203, %dma_start3A_204] : memref<10000x128xf32, #tpu.memory_space<hbm>> -> memref<10000x128xf32, #tpu.memory_space<hbm>>
      tpu.enqueue_indirect_dma source(%dma_start3A_205 : memref<10000x128xf32, #tpu.memory_space<hbm>>) target(%arg6 : memref<128x128xf32, #tpu.memory_space<vmem>>) offsets(%dma_start3A_202 : memref<128xi32, #tpu.memory_space<vmem>>) semaphore(%arg9 : memref<!tpu.dma_semaphore, #tpu.memory_space<semaphore_mem>>)
      %dma_wait3A_206 = tpu.memref_slice %arg5[%multiple_of3A_198] : memref<20000xi32, #tpu.memory_space<vmem>> -> memref<128xi32, #tpu.memory_space<vmem>>
      %dma_wait3A_207 = arith.constant 0 : i32
      %dma_wait3A_208 = arith.constant 0 : i32
      %dma_wait3A_209 = tpu.memref_slice %arg2[%dma_wait3A_207, %dma_wait3A_208] : memref<10000x128xf32, #tpu.memory_space<hbm>> -> memref<10000x128xf32, #tpu.memory_space<hbm>>
      tpu.wait_indirect_dma semaphore(%arg10 : memref<!tpu.dma_semaphore, #tpu.memory_space<semaphore_mem>>) src(%dma_wait3A_209 : memref<10000x128xf32, #tpu.memory_space<hbm>>) dst(%arg7 : memref<128x128xf32, #tpu.memory_space<vmem>>)
      %add3A_210 = arith.addi %multiple_of3A, %multiple_of3A_198 : i32
      "tpu.region"() ({
        %run_scoped3A = tpu.sem_alloc : memref<!tpu.dma_semaphore, #tpu.memory_space<semaphore_mem>>
        %dma_start3A_219 = arith.constant 0 : i32
        %dma_start3A_220 = tpu.memref_slice %arg4[%add3A_210, %dma_start3A_219] : memref<640000x128xf32, #tpu.memory_space<hbm>> -> memref<128x128xf32, #tpu.memory_space<hbm>>
        %dma_start3A_221 = arith.constant 0 : i32
        %dma_start3A_222 = tpu.memref_slice %arg4[%add3A_210, %dma_start3A_221] : memref<640000x128xf32, #tpu.memory_space<hbm>> -> memref<128x128xf32, #tpu.memory_space<hbm>>
        tpu.enqueue_dma source(%arg7 : memref<128x128xf32, #tpu.memory_space<vmem>>) target(%dma_start3A_222 : memref<128x128xf32, #tpu.memory_space<hbm>>) target_semaphore(%run_scoped3A : memref<!tpu.dma_semaphore, #tpu.memory_space<semaphore_mem>>)
        %dma_wait3A_223 = arith.constant 0 : i32
        %dma_wait3A_224 = tpu.memref_slice %arg4[%add3A_210, %dma_wait3A_223] : memref<640000x128xf32, #tpu.memory_space<hbm>> -> memref<128x128xf32, #tpu.memory_space<hbm>>
        %dma_wait3A_225 = arith.constant 0 : i32
        %dma_wait3A_226 = tpu.memref_slice %arg4[%add3A_210, %dma_wait3A_225] : memref<640000x128xf32, #tpu.memory_space<hbm>> -> memref<128x128xf32, #tpu.memory_space<hbm>>
        tpu.wait_dma2 semaphore(%run_scoped3A : memref<!tpu.dma_semaphore, #tpu.memory_space<semaphore_mem>>) src(%arg7 : memref<128x128xf32, #tpu.memory_space<vmem>>) dst(%dma_wait3A_226 : memref<128x128xf32, #tpu.memory_space<hbm>>)
        tpu.yield
      }) : () -> ()
      %add3A_211 = arith.constant 1536 : i32
      %add3A_212 = arith.addi %multiple_of3A_26, %add3A_211 : i32
      %multiple_of3A_213 = tpu.assume_multiple %add3A_212, 128 : i32
      %dma_wait3A_214 = tpu.memref_slice %arg5[%multiple_of3A_213] : memref<20000xi32, #tpu.memory_space<vmem>> -> memref<128xi32, #tpu.memory_space<vmem>>
      %dma_wait3A_215 = arith.constant 0 : i32
      %dma_wait3A_216 = arith.constant 0 : i32
      %dma_wait3A_217 = tpu.memref_slice %arg2[%dma_wait3A_215, %dma_wait3A_216] : memref<10000x128xf32, #tpu.memory_space<hbm>> -> memref<10000x128xf32, #tpu.memory_space<hbm>>
      tpu.wait_indirect_dma semaphore(%arg9 : memref<!tpu.dma_semaphore, #tpu.memory_space<semaphore_mem>>) src(%dma_wait3A_217 : memref<10000x128xf32, #tpu.memory_space<hbm>>) dst(%arg6 : memref<128x128xf32, #tpu.memory_space<vmem>>)
      %add3A_218 = arith.addi %multiple_of3A, %multiple_of3A_213 : i32
      "tpu.region"() ({
        %run_scoped3A = tpu.sem_alloc : memref<!tpu.dma_semaphore, #tpu.memory_space<semaphore_mem>>
        %dma_start3A_219 = arith.constant 0 : i32
        %dma_start3A_220 = tpu.memref_slice %arg4[%add3A_218, %dma_start3A_219] : memref<640000x128xf32, #tpu.memory_space<hbm>> -> memref<128x128xf32, #tpu.memory_space<hbm>>
        %dma_start3A_221 = arith.constant 0 : i32
        %dma_start3A_222 = tpu.memref_slice %arg4[%add3A_218, %dma_start3A_221] : memref<640000x128xf32, #tpu.memory_space<hbm>> -> memref<128x128xf32, #tpu.memory_space<hbm>>
        tpu.enqueue_dma source(%arg6 : memref<128x128xf32, #tpu.memory_space<vmem>>) target(%dma_start3A_222 : memref<128x128xf32, #tpu.memory_space<hbm>>) target_semaphore(%run_scoped3A : memref<!tpu.dma_semaphore, #tpu.memory_space<semaphore_mem>>)
        %dma_wait3A_223 = arith.constant 0 : i32
        %dma_wait3A_224 = tpu.memref_slice %arg4[%add3A_218, %dma_wait3A_223] : memref<640000x128xf32, #tpu.memory_space<hbm>> -> memref<128x128xf32, #tpu.memory_space<hbm>>
        %dma_wait3A_225 = arith.constant 0 : i32
        %dma_wait3A_226 = tpu.memref_slice %arg4[%add3A_218, %dma_wait3A_225] : memref<640000x128xf32, #tpu.memory_space<hbm>> -> memref<128x128xf32, #tpu.memory_space<hbm>>
        tpu.wait_dma2 semaphore(%run_scoped3A : memref<!tpu.dma_semaphore, #tpu.memory_space<semaphore_mem>>) src(%arg6 : memref<128x128xf32, #tpu.memory_space<vmem>>) dst(%dma_wait3A_226 : memref<128x128xf32, #tpu.memory_space<hbm>>)
        tpu.yield
      }) : () -> ()
    }
    %scan3A_6 = arith.constant 12 : i32
    %dma_start3A = arith.constant 19968 : i32
    %dma_start3A_7 = tpu.memref_slice %arg5[%dma_start3A] : memref<20000xi32, #tpu.memory_space<vmem>> -> memref<32xi32, #tpu.memory_space<vmem>>
    %dma_start3A_8 = arith.constant 0 : i32
    %dma_start3A_9 = arith.constant 0 : i32
    %dma_start3A_10 = tpu.memref_slice %arg2[%dma_start3A_8, %dma_start3A_9] : memref<10000x128xf32, #tpu.memory_space<hbm>> -> memref<10000x128xf32, #tpu.memory_space<hbm>>
    tpu.enqueue_indirect_dma source(%dma_start3A_10 : memref<10000x128xf32, #tpu.memory_space<hbm>>) target(%arg8 : memref<32x128xf32, #tpu.memory_space<vmem>>) offsets(%dma_start3A_7 : memref<32xi32, #tpu.memory_space<vmem>>) semaphore(%arg9 : memref<!tpu.dma_semaphore, #tpu.memory_space<semaphore_mem>>)
    %dma_wait3A = arith.constant 19968 : i32
    %dma_wait3A_11 = tpu.memref_slice %arg5[%dma_wait3A] : memref<20000xi32, #tpu.memory_space<vmem>> -> memref<32xi32, #tpu.memory_space<vmem>>
    %dma_wait3A_12 = arith.constant 0 : i32
    %dma_wait3A_13 = arith.constant 0 : i32
    %dma_wait3A_14 = tpu.memref_slice %arg2[%dma_wait3A_12, %dma_wait3A_13] : memref<10000x128xf32, #tpu.memory_space<hbm>> -> memref<10000x128xf32, #tpu.memory_space<hbm>>
    tpu.wait_indirect_dma semaphore(%arg9 : memref<!tpu.dma_semaphore, #tpu.memory_space<semaphore_mem>>) src(%dma_wait3A_14 : memref<10000x128xf32, #tpu.memory_space<hbm>>) dst(%arg8 : memref<32x128xf32, #tpu.memory_space<vmem>>)
    %add3A_15 = arith.constant 19968 : i32
    %add3A_16 = arith.addi %multiple_of3A, %add3A_15 : i32
    "tpu.region"() ({
      %run_scoped3A = tpu.sem_alloc : memref<!tpu.dma_semaphore, #tpu.memory_space<semaphore_mem>>
      %dma_start3A_17 = arith.constant 0 : i32
      %dma_start3A_18 = tpu.memref_slice %arg4[%add3A_16, %dma_start3A_17] : memref<640000x128xf32, #tpu.memory_space<hbm>> -> memref<32x128xf32, #tpu.memory_space<hbm>>
      %dma_start3A_19 = arith.constant 0 : i32
      %dma_start3A_20 = tpu.memref_slice %arg4[%add3A_16, %dma_start3A_19] : memref<640000x128xf32, #tpu.memory_space<hbm>> -> memref<32x128xf32, #tpu.memory_space<hbm>>
      tpu.enqueue_dma source(%arg8 : memref<32x128xf32, #tpu.memory_space<vmem>>) target(%dma_start3A_20 : memref<32x128xf32, #tpu.memory_space<hbm>>) target_semaphore(%run_scoped3A : memref<!tpu.dma_semaphore, #tpu.memory_space<semaphore_mem>>)
      %dma_wait3A_21 = arith.constant 0 : i32
      %dma_wait3A_22 = tpu.memref_slice %arg4[%add3A_16, %dma_wait3A_21] : memref<640000x128xf32, #tpu.memory_space<hbm>> -> memref<32x128xf32, #tpu.memory_space<hbm>>
      %dma_wait3A_23 = arith.constant 0 : i32
      %dma_wait3A_24 = tpu.memref_slice %arg4[%add3A_16, %dma_wait3A_23] : memref<640000x128xf32, #tpu.memory_space<hbm>> -> memref<32x128xf32, #tpu.memory_space<hbm>>
      tpu.wait_dma2 semaphore(%run_scoped3A : memref<!tpu.dma_semaphore, #tpu.memory_space<semaphore_mem>>) src(%arg8 : memref<32x128xf32, #tpu.memory_space<vmem>>) dst(%dma_wait3A_24 : memref<32x128xf32, #tpu.memory_space<hbm>>)
      tpu.yield
    }) : () -> ()
    return
  }
}

#map = affine_map<(d0, d1) -> (0, 0)>
module attributes {stable_mosaic.version = 14 : i64} {
  func.func @body(%arg0: i32, %arg1: i32, %arg2: memref<2528x128xi32, #tpu.memory_space<hbm>>, %arg3: memref<128x128xf32, #tpu.memory_space<hbm>>, %arg4: memref<128x128xf32, #tpu.memory_space<hbm>>, %arg5: memref<20480x128xf32, #tpu.memory_space<hbm>>, %arg6: memref<10240x128xf32, #tpu.memory_space<vmem_shared>>, %arg7: memref<128xi32, #tpu.memory_space<vmem>>, %arg8: memref<128x128xf32, #tpu.memory_space<vmem>>, %arg9: memref<!tpu.dma_semaphore, #tpu.memory_space<semaphore_mem>>) attributes {dimension_semantics = [#tpu.dimension_semantics<core_parallel>, #tpu.dimension_semantics<subcore_parallel>], iteration_bounds = array<i64: 2, 16>, scalar_prefetch = 0 : i64, scratch_operands = 4 : i64, tpu.core_type = #tpu.core_type<sc_vector_subcore>, window_params = [{transform_indices = #map}, {transform_indices = #map}, {transform_indices = #map}, {transform_indices = #map}]} {
    %mul3A = arith.constant 640 : i32
    %mul3A_0 = arith.muli %arg1, %mul3A : i32
    %multiple_of3A = tpu.assume_multiple %mul3A_0, 640 : i32
    %mul3A_1 = arith.constant 16 : i32
    %mul3A_2 = arith.muli %arg0, %mul3A_1 : i32
    %add3A = arith.addi %mul3A_2, %arg1 : i32
    %mul3A_3 = arith.constant 79 : i32
    %mul3A_4 = arith.muli %add3A, %mul3A_3 : i32
    "tpu.region"() ({
      %run_scoped3A = tpu.sem_alloc : memref<!tpu.dma_semaphore, #tpu.memory_space<semaphore_mem>>
      tpu.enqueue_dma source(%arg3 : memref<128x128xf32, #tpu.memory_space<hbm>>) target(%arg8 : memref<128x128xf32, #tpu.memory_space<vmem>>) target_semaphore(%run_scoped3A : memref<!tpu.dma_semaphore, #tpu.memory_space<semaphore_mem>>)
      tpu.wait_dma2 semaphore(%run_scoped3A : memref<!tpu.dma_semaphore, #tpu.memory_space<semaphore_mem>>) src(%arg3 : memref<128x128xf32, #tpu.memory_space<hbm>>) dst(%arg8 : memref<128x128xf32, #tpu.memory_space<vmem>>)
      tpu.yield
    }) : () -> ()
    %add3A_5 = arith.constant 0 : i32
    %add3A_6 = arith.addi %multiple_of3A, %add3A_5 : i32
    "tpu.region"() ({
      %run_scoped3A = tpu.sem_alloc : memref<!tpu.dma_semaphore, #tpu.memory_space<semaphore_mem>>
      %dma_start3A = arith.constant 0 : i32
      %dma_start3A_46 = arith.constant 0 : i32
      %dma_start3A_47 = tpu.memref_slice %arg8[%dma_start3A, %dma_start3A_46] : memref<128x128xf32, #tpu.memory_space<vmem>> -> memref<128x128xf32, #tpu.memory_space<vmem>>
      %dma_start3A_48 = arith.constant 0 : i32
      %dma_start3A_49 = tpu.memref_slice %arg6[%add3A_6, %dma_start3A_48] : memref<10240x128xf32, #tpu.memory_space<vmem_shared>> -> memref<128x128xf32, #tpu.memory_space<vmem_shared>>
      %dma_start3A_50 = arith.constant 0 : i32
      %dma_start3A_51 = tpu.memref_slice %arg6[%add3A_6, %dma_start3A_50] : memref<10240x128xf32, #tpu.memory_space<vmem_shared>> -> memref<128x128xf32, #tpu.memory_space<vmem_shared>>
      %dma_start3A_52 = arith.constant 0 : i32
      %dma_start3A_53 = arith.constant 0 : i32
      %dma_start3A_54 = tpu.memref_slice %arg8[%dma_start3A_52, %dma_start3A_53] : memref<128x128xf32, #tpu.memory_space<vmem>> -> memref<128x128xf32, #tpu.memory_space<vmem>>
      tpu.enqueue_dma source(%dma_start3A_54 : memref<128x128xf32, #tpu.memory_space<vmem>>) target(%dma_start3A_51 : memref<128x128xf32, #tpu.memory_space<vmem_shared>>) target_semaphore(%run_scoped3A : memref<!tpu.dma_semaphore, #tpu.memory_space<semaphore_mem>>)
      %dma_wait3A = arith.constant 0 : i32
      %dma_wait3A_55 = arith.constant 0 : i32
      %dma_wait3A_56 = tpu.memref_slice %arg8[%dma_wait3A, %dma_wait3A_55] : memref<128x128xf32, #tpu.memory_space<vmem>> -> memref<128x128xf32, #tpu.memory_space<vmem>>
      %dma_wait3A_57 = arith.constant 0 : i32
      %dma_wait3A_58 = tpu.memref_slice %arg6[%add3A_6, %dma_wait3A_57] : memref<10240x128xf32, #tpu.memory_space<vmem_shared>> -> memref<128x128xf32, #tpu.memory_space<vmem_shared>>
      %dma_wait3A_59 = arith.constant 0 : i32
      %dma_wait3A_60 = tpu.memref_slice %arg6[%add3A_6, %dma_wait3A_59] : memref<10240x128xf32, #tpu.memory_space<vmem_shared>> -> memref<128x128xf32, #tpu.memory_space<vmem_shared>>
      %dma_wait3A_61 = arith.constant 0 : i32
      %dma_wait3A_62 = arith.constant 0 : i32
      %dma_wait3A_63 = tpu.memref_slice %arg8[%dma_wait3A_61, %dma_wait3A_62] : memref<128x128xf32, #tpu.memory_space<vmem>> -> memref<128x128xf32, #tpu.memory_space<vmem>>
      tpu.wait_dma2 semaphore(%run_scoped3A : memref<!tpu.dma_semaphore, #tpu.memory_space<semaphore_mem>>) src(%dma_wait3A_63 : memref<128x128xf32, #tpu.memory_space<vmem>>) dst(%dma_wait3A_60 : memref<128x128xf32, #tpu.memory_space<vmem_shared>>)
      tpu.yield
    }) : () -> ()
    %add3A_7 = arith.constant 128 : i32
    %add3A_8 = arith.addi %multiple_of3A, %add3A_7 : i32
    "tpu.region"() ({
      %run_scoped3A = tpu.sem_alloc : memref<!tpu.dma_semaphore, #tpu.memory_space<semaphore_mem>>
      %dma_start3A = arith.constant 0 : i32
      %dma_start3A_46 = arith.constant 0 : i32
      %dma_start3A_47 = tpu.memref_slice %arg8[%dma_start3A, %dma_start3A_46] : memref<128x128xf32, #tpu.memory_space<vmem>> -> memref<128x128xf32, #tpu.memory_space<vmem>>
      %dma_start3A_48 = arith.constant 0 : i32
      %dma_start3A_49 = tpu.memref_slice %arg6[%add3A_8, %dma_start3A_48] : memref<10240x128xf32, #tpu.memory_space<vmem_shared>> -> memref<128x128xf32, #tpu.memory_space<vmem_shared>>
      %dma_start3A_50 = arith.constant 0 : i32
      %dma_start3A_51 = tpu.memref_slice %arg6[%add3A_8, %dma_start3A_50] : memref<10240x128xf32, #tpu.memory_space<vmem_shared>> -> memref<128x128xf32, #tpu.memory_space<vmem_shared>>
      %dma_start3A_52 = arith.constant 0 : i32
      %dma_start3A_53 = arith.constant 0 : i32
      %dma_start3A_54 = tpu.memref_slice %arg8[%dma_start3A_52, %dma_start3A_53] : memref<128x128xf32, #tpu.memory_space<vmem>> -> memref<128x128xf32, #tpu.memory_space<vmem>>
      tpu.enqueue_dma source(%dma_start3A_54 : memref<128x128xf32, #tpu.memory_space<vmem>>) target(%dma_start3A_51 : memref<128x128xf32, #tpu.memory_space<vmem_shared>>) target_semaphore(%run_scoped3A : memref<!tpu.dma_semaphore, #tpu.memory_space<semaphore_mem>>)
      %dma_wait3A = arith.constant 0 : i32
      %dma_wait3A_55 = arith.constant 0 : i32
      %dma_wait3A_56 = tpu.memref_slice %arg8[%dma_wait3A, %dma_wait3A_55] : memref<128x128xf32, #tpu.memory_space<vmem>> -> memref<128x128xf32, #tpu.memory_space<vmem>>
      %dma_wait3A_57 = arith.constant 0 : i32
      %dma_wait3A_58 = tpu.memref_slice %arg6[%add3A_8, %dma_wait3A_57] : memref<10240x128xf32, #tpu.memory_space<vmem_shared>> -> memref<128x128xf32, #tpu.memory_space<vmem_shared>>
      %dma_wait3A_59 = arith.constant 0 : i32
      %dma_wait3A_60 = tpu.memref_slice %arg6[%add3A_8, %dma_wait3A_59] : memref<10240x128xf32, #tpu.memory_space<vmem_shared>> -> memref<128x128xf32, #tpu.memory_space<vmem_shared>>
      %dma_wait3A_61 = arith.constant 0 : i32
      %dma_wait3A_62 = arith.constant 0 : i32
      %dma_wait3A_63 = tpu.memref_slice %arg8[%dma_wait3A_61, %dma_wait3A_62] : memref<128x128xf32, #tpu.memory_space<vmem>> -> memref<128x128xf32, #tpu.memory_space<vmem>>
      tpu.wait_dma2 semaphore(%run_scoped3A : memref<!tpu.dma_semaphore, #tpu.memory_space<semaphore_mem>>) src(%dma_wait3A_63 : memref<128x128xf32, #tpu.memory_space<vmem>>) dst(%dma_wait3A_60 : memref<128x128xf32, #tpu.memory_space<vmem_shared>>)
      tpu.yield
    }) : () -> ()
    %add3A_9 = arith.constant 256 : i32
    %add3A_10 = arith.addi %multiple_of3A, %add3A_9 : i32
    "tpu.region"() ({
      %run_scoped3A = tpu.sem_alloc : memref<!tpu.dma_semaphore, #tpu.memory_space<semaphore_mem>>
      %dma_start3A = arith.constant 0 : i32
      %dma_start3A_46 = arith.constant 0 : i32
      %dma_start3A_47 = tpu.memref_slice %arg8[%dma_start3A, %dma_start3A_46] : memref<128x128xf32, #tpu.memory_space<vmem>> -> memref<128x128xf32, #tpu.memory_space<vmem>>
      %dma_start3A_48 = arith.constant 0 : i32
      %dma_start3A_49 = tpu.memref_slice %arg6[%add3A_10, %dma_start3A_48] : memref<10240x128xf32, #tpu.memory_space<vmem_shared>> -> memref<128x128xf32, #tpu.memory_space<vmem_shared>>
      %dma_start3A_50 = arith.constant 0 : i32
      %dma_start3A_51 = tpu.memref_slice %arg6[%add3A_10, %dma_start3A_50] : memref<10240x128xf32, #tpu.memory_space<vmem_shared>> -> memref<128x128xf32, #tpu.memory_space<vmem_shared>>
      %dma_start3A_52 = arith.constant 0 : i32
      %dma_start3A_53 = arith.constant 0 : i32
      %dma_start3A_54 = tpu.memref_slice %arg8[%dma_start3A_52, %dma_start3A_53] : memref<128x128xf32, #tpu.memory_space<vmem>> -> memref<128x128xf32, #tpu.memory_space<vmem>>
      tpu.enqueue_dma source(%dma_start3A_54 : memref<128x128xf32, #tpu.memory_space<vmem>>) target(%dma_start3A_51 : memref<128x128xf32, #tpu.memory_space<vmem_shared>>) target_semaphore(%run_scoped3A : memref<!tpu.dma_semaphore, #tpu.memory_space<semaphore_mem>>)
      %dma_wait3A = arith.constant 0 : i32
      %dma_wait3A_55 = arith.constant 0 : i32
      %dma_wait3A_56 = tpu.memref_slice %arg8[%dma_wait3A, %dma_wait3A_55] : memref<128x128xf32, #tpu.memory_space<vmem>> -> memref<128x128xf32, #tpu.memory_space<vmem>>
      %dma_wait3A_57 = arith.constant 0 : i32
      %dma_wait3A_58 = tpu.memref_slice %arg6[%add3A_10, %dma_wait3A_57] : memref<10240x128xf32, #tpu.memory_space<vmem_shared>> -> memref<128x128xf32, #tpu.memory_space<vmem_shared>>
      %dma_wait3A_59 = arith.constant 0 : i32
      %dma_wait3A_60 = tpu.memref_slice %arg6[%add3A_10, %dma_wait3A_59] : memref<10240x128xf32, #tpu.memory_space<vmem_shared>> -> memref<128x128xf32, #tpu.memory_space<vmem_shared>>
      %dma_wait3A_61 = arith.constant 0 : i32
      %dma_wait3A_62 = arith.constant 0 : i32
      %dma_wait3A_63 = tpu.memref_slice %arg8[%dma_wait3A_61, %dma_wait3A_62] : memref<128x128xf32, #tpu.memory_space<vmem>> -> memref<128x128xf32, #tpu.memory_space<vmem>>
      tpu.wait_dma2 semaphore(%run_scoped3A : memref<!tpu.dma_semaphore, #tpu.memory_space<semaphore_mem>>) src(%dma_wait3A_63 : memref<128x128xf32, #tpu.memory_space<vmem>>) dst(%dma_wait3A_60 : memref<128x128xf32, #tpu.memory_space<vmem_shared>>)
      tpu.yield
    }) : () -> ()
    %add3A_11 = arith.constant 384 : i32
    %add3A_12 = arith.addi %multiple_of3A, %add3A_11 : i32
    "tpu.region"() ({
      %run_scoped3A = tpu.sem_alloc : memref<!tpu.dma_semaphore, #tpu.memory_space<semaphore_mem>>
      %dma_start3A = arith.constant 0 : i32
      %dma_start3A_46 = arith.constant 0 : i32
      %dma_start3A_47 = tpu.memref_slice %arg8[%dma_start3A, %dma_start3A_46] : memref<128x128xf32, #tpu.memory_space<vmem>> -> memref<128x128xf32, #tpu.memory_space<vmem>>
      %dma_start3A_48 = arith.constant 0 : i32
      %dma_start3A_49 = tpu.memref_slice %arg6[%add3A_12, %dma_start3A_48] : memref<10240x128xf32, #tpu.memory_space<vmem_shared>> -> memref<128x128xf32, #tpu.memory_space<vmem_shared>>
      %dma_start3A_50 = arith.constant 0 : i32
      %dma_start3A_51 = tpu.memref_slice %arg6[%add3A_12, %dma_start3A_50] : memref<10240x128xf32, #tpu.memory_space<vmem_shared>> -> memref<128x128xf32, #tpu.memory_space<vmem_shared>>
      %dma_start3A_52 = arith.constant 0 : i32
      %dma_start3A_53 = arith.constant 0 : i32
      %dma_start3A_54 = tpu.memref_slice %arg8[%dma_start3A_52, %dma_start3A_53] : memref<128x128xf32, #tpu.memory_space<vmem>> -> memref<128x128xf32, #tpu.memory_space<vmem>>
      tpu.enqueue_dma source(%dma_start3A_54 : memref<128x128xf32, #tpu.memory_space<vmem>>) target(%dma_start3A_51 : memref<128x128xf32, #tpu.memory_space<vmem_shared>>) target_semaphore(%run_scoped3A : memref<!tpu.dma_semaphore, #tpu.memory_space<semaphore_mem>>)
      %dma_wait3A = arith.constant 0 : i32
      %dma_wait3A_55 = arith.constant 0 : i32
      %dma_wait3A_56 = tpu.memref_slice %arg8[%dma_wait3A, %dma_wait3A_55] : memref<128x128xf32, #tpu.memory_space<vmem>> -> memref<128x128xf32, #tpu.memory_space<vmem>>
      %dma_wait3A_57 = arith.constant 0 : i32
      %dma_wait3A_58 = tpu.memref_slice %arg6[%add3A_12, %dma_wait3A_57] : memref<10240x128xf32, #tpu.memory_space<vmem_shared>> -> memref<128x128xf32, #tpu.memory_space<vmem_shared>>
      %dma_wait3A_59 = arith.constant 0 : i32
      %dma_wait3A_60 = tpu.memref_slice %arg6[%add3A_12, %dma_wait3A_59] : memref<10240x128xf32, #tpu.memory_space<vmem_shared>> -> memref<128x128xf32, #tpu.memory_space<vmem_shared>>
      %dma_wait3A_61 = arith.constant 0 : i32
      %dma_wait3A_62 = arith.constant 0 : i32
      %dma_wait3A_63 = tpu.memref_slice %arg8[%dma_wait3A_61, %dma_wait3A_62] : memref<128x128xf32, #tpu.memory_space<vmem>> -> memref<128x128xf32, #tpu.memory_space<vmem>>
      tpu.wait_dma2 semaphore(%run_scoped3A : memref<!tpu.dma_semaphore, #tpu.memory_space<semaphore_mem>>) src(%dma_wait3A_63 : memref<128x128xf32, #tpu.memory_space<vmem>>) dst(%dma_wait3A_60 : memref<128x128xf32, #tpu.memory_space<vmem_shared>>)
      tpu.yield
    }) : () -> ()
    %add3A_13 = arith.constant 512 : i32
    %add3A_14 = arith.addi %multiple_of3A, %add3A_13 : i32
    "tpu.region"() ({
      %run_scoped3A = tpu.sem_alloc : memref<!tpu.dma_semaphore, #tpu.memory_space<semaphore_mem>>
      %dma_start3A = arith.constant 0 : i32
      %dma_start3A_46 = arith.constant 0 : i32
      %dma_start3A_47 = tpu.memref_slice %arg8[%dma_start3A, %dma_start3A_46] : memref<128x128xf32, #tpu.memory_space<vmem>> -> memref<128x128xf32, #tpu.memory_space<vmem>>
      %dma_start3A_48 = arith.constant 0 : i32
      %dma_start3A_49 = tpu.memref_slice %arg6[%add3A_14, %dma_start3A_48] : memref<10240x128xf32, #tpu.memory_space<vmem_shared>> -> memref<128x128xf32, #tpu.memory_space<vmem_shared>>
      %dma_start3A_50 = arith.constant 0 : i32
      %dma_start3A_51 = tpu.memref_slice %arg6[%add3A_14, %dma_start3A_50] : memref<10240x128xf32, #tpu.memory_space<vmem_shared>> -> memref<128x128xf32, #tpu.memory_space<vmem_shared>>
      %dma_start3A_52 = arith.constant 0 : i32
      %dma_start3A_53 = arith.constant 0 : i32
      %dma_start3A_54 = tpu.memref_slice %arg8[%dma_start3A_52, %dma_start3A_53] : memref<128x128xf32, #tpu.memory_space<vmem>> -> memref<128x128xf32, #tpu.memory_space<vmem>>
      tpu.enqueue_dma source(%dma_start3A_54 : memref<128x128xf32, #tpu.memory_space<vmem>>) target(%dma_start3A_51 : memref<128x128xf32, #tpu.memory_space<vmem_shared>>) target_semaphore(%run_scoped3A : memref<!tpu.dma_semaphore, #tpu.memory_space<semaphore_mem>>)
      %dma_wait3A = arith.constant 0 : i32
      %dma_wait3A_55 = arith.constant 0 : i32
      %dma_wait3A_56 = tpu.memref_slice %arg8[%dma_wait3A, %dma_wait3A_55] : memref<128x128xf32, #tpu.memory_space<vmem>> -> memref<128x128xf32, #tpu.memory_space<vmem>>
      %dma_wait3A_57 = arith.constant 0 : i32
      %dma_wait3A_58 = tpu.memref_slice %arg6[%add3A_14, %dma_wait3A_57] : memref<10240x128xf32, #tpu.memory_space<vmem_shared>> -> memref<128x128xf32, #tpu.memory_space<vmem_shared>>
      %dma_wait3A_59 = arith.constant 0 : i32
      %dma_wait3A_60 = tpu.memref_slice %arg6[%add3A_14, %dma_wait3A_59] : memref<10240x128xf32, #tpu.memory_space<vmem_shared>> -> memref<128x128xf32, #tpu.memory_space<vmem_shared>>
      %dma_wait3A_61 = arith.constant 0 : i32
      %dma_wait3A_62 = arith.constant 0 : i32
      %dma_wait3A_63 = tpu.memref_slice %arg8[%dma_wait3A_61, %dma_wait3A_62] : memref<128x128xf32, #tpu.memory_space<vmem>> -> memref<128x128xf32, #tpu.memory_space<vmem>>
      tpu.wait_dma2 semaphore(%run_scoped3A : memref<!tpu.dma_semaphore, #tpu.memory_space<semaphore_mem>>) src(%dma_wait3A_63 : memref<128x128xf32, #tpu.memory_space<vmem>>) dst(%dma_wait3A_60 : memref<128x128xf32, #tpu.memory_space<vmem_shared>>)
      tpu.yield
    }) : () -> ()
    "tpu.region"() ({
      %run_scoped3A = tpu.sem_alloc : memref<!tpu.dma_semaphore, #tpu.memory_space<semaphore_mem>>
      tpu.enqueue_dma source(%arg4 : memref<128x128xf32, #tpu.memory_space<hbm>>) target(%arg8 : memref<128x128xf32, #tpu.memory_space<vmem>>) target_semaphore(%run_scoped3A : memref<!tpu.dma_semaphore, #tpu.memory_space<semaphore_mem>>)
      tpu.wait_dma2 semaphore(%run_scoped3A : memref<!tpu.dma_semaphore, #tpu.memory_space<semaphore_mem>>) src(%arg4 : memref<128x128xf32, #tpu.memory_space<hbm>>) dst(%arg8 : memref<128x128xf32, #tpu.memory_space<vmem>>)
      tpu.yield
    }) : () -> ()
    %barrier3A = arith.constant 0 : index
    tpu.barrier barrier_id(%barrier3A)
    %scan3A = arith.constant 0 : i32
    %scan3A_15 = arith.constant 79 : i32
    %scan3A_16 = arith.addi %scan3A, %scan3A_15 : i32
    %scan3A_17 = arith.constant 1 : i32
    scf.for %scan3A_46 = %scan3A to %scan3A_16 step %scan3A_17  : i32 {
      %mul3A_47 = arith.constant 1 : i32
      %mul3A_48 = arith.muli %scan3A_46, %mul3A_47 : i32
      %add3A_49 = arith.constant 0 : i32
      %add3A_50 = arith.addi %add3A_49, %mul3A_48 : i32
      %add3A_51 = arith.addi %mul3A_4, %add3A_50 : i32
      "tpu.region"() ({
        %run_scoped3A = tpu.sem_alloc : memref<!tpu.dma_semaphore, #tpu.memory_space<semaphore_mem>>
        %dma_start3A = arith.constant 0 : i32
        %dma_start3A_52 = tpu.memref_slice %arg2[%add3A_51, %dma_start3A] : memref<2528x128xi32, #tpu.memory_space<hbm>> -> memref<1x128xi32, #tpu.memory_space<hbm>>
        %dma_start3A_53 = tpu.memref_squeeze %dma_start3A_52 : memref<1x128xi32, #tpu.memory_space<hbm>> -> memref<128xi32, #tpu.memory_space<hbm>>
        %dma_start3A_54 = arith.constant 0 : i32
        %dma_start3A_55 = tpu.memref_slice %arg2[%add3A_51, %dma_start3A_54] : memref<2528x128xi32, #tpu.memory_space<hbm>> -> memref<1x128xi32, #tpu.memory_space<hbm>>
        %dma_start3A_56 = tpu.memref_squeeze %dma_start3A_55 : memref<1x128xi32, #tpu.memory_space<hbm>> -> memref<128xi32, #tpu.memory_space<hbm>>
        tpu.enqueue_dma source(%dma_start3A_56 : memref<128xi32, #tpu.memory_space<hbm>>) target(%arg7 : memref<128xi32, #tpu.memory_space<vmem>>) target_semaphore(%run_scoped3A : memref<!tpu.dma_semaphore, #tpu.memory_space<semaphore_mem>>)
        %dma_wait3A = arith.constant 0 : i32
        %dma_wait3A_57 = tpu.memref_slice %arg2[%add3A_51, %dma_wait3A] : memref<2528x128xi32, #tpu.memory_space<hbm>> -> memref<1x128xi32, #tpu.memory_space<hbm>>
        %dma_wait3A_58 = tpu.memref_squeeze %dma_wait3A_57 : memref<1x128xi32, #tpu.memory_space<hbm>> -> memref<128xi32, #tpu.memory_space<hbm>>
        %dma_wait3A_59 = arith.constant 0 : i32
        %dma_wait3A_60 = tpu.memref_slice %arg2[%add3A_51, %dma_wait3A_59] : memref<2528x128xi32, #tpu.memory_space<hbm>> -> memref<1x128xi32, #tpu.memory_space<hbm>>
        %dma_wait3A_61 = tpu.memref_squeeze %dma_wait3A_60 : memref<1x128xi32, #tpu.memory_space<hbm>> -> memref<128xi32, #tpu.memory_space<hbm>>
        tpu.wait_dma2 semaphore(%run_scoped3A : memref<!tpu.dma_semaphore, #tpu.memory_space<semaphore_mem>>) src(%dma_wait3A_61 : memref<128xi32, #tpu.memory_space<hbm>>) dst(%arg7 : memref<128xi32, #tpu.memory_space<vmem>>)
        tpu.yield
      }) : () -> ()
      "tpu.region"() ({
        %run_scoped3A = tpu.sem_alloc : memref<!tpu.dma_semaphore, #tpu.memory_space<semaphore_mem>>
        %dma_start3A = arith.constant 0 : i32
        %dma_start3A_52 = arith.constant 0 : i32
        %dma_start3A_53 = tpu.memref_slice %arg6[%dma_start3A, %dma_start3A_52] : memref<10240x128xf32, #tpu.memory_space<vmem_shared>> -> memref<10240x128xf32, #tpu.memory_space<vmem_shared>>
        tpu.enqueue_indirect_dma source(%arg8 : memref<128x128xf32, #tpu.memory_space<vmem>>) target(%dma_start3A_53 : memref<10240x128xf32, #tpu.memory_space<vmem_shared>>) offsets(%arg7 : memref<128xi32, #tpu.memory_space<vmem>>) semaphore(%run_scoped3A : memref<!tpu.dma_semaphore, #tpu.memory_space<semaphore_mem>>) {add = true}
        %dma_wait3A = arith.constant 0 : i32
        %dma_wait3A_54 = arith.constant 0 : i32
        %dma_wait3A_55 = tpu.memref_slice %arg6[%dma_wait3A, %dma_wait3A_54] : memref<10240x128xf32, #tpu.memory_space<vmem_shared>> -> memref<10240x128xf32, #tpu.memory_space<vmem_shared>>
        tpu.wait_indirect_dma semaphore(%run_scoped3A : memref<!tpu.dma_semaphore, #tpu.memory_space<semaphore_mem>>) src(%arg8 : memref<128x128xf32, #tpu.memory_space<vmem>>) dst(%dma_wait3A_55 : memref<10240x128xf32, #tpu.memory_space<vmem_shared>>)
        tpu.yield
      }) : () -> ()
    }
    %scan3A_18 = arith.constant 79 : i32
    %barrier3A_19 = arith.constant 0 : index
    tpu.barrier barrier_id(%barrier3A_19)
    %mul3A_20 = arith.constant 10240 : i32
    %mul3A_21 = arith.muli %arg0, %mul3A_20 : i32
    %mul3A_22 = arith.constant 640 : i32
    %mul3A_23 = arith.muli %arg1, %mul3A_22 : i32
    %add3A_24 = arith.addi %mul3A_21, %mul3A_23 : i32
    %multiple_of3A_25 = tpu.assume_multiple %add3A_24, 640 : i32
    %add3A_26 = arith.constant 0 : i32
    %add3A_27 = arith.addi %multiple_of3A, %add3A_26 : i32
    "tpu.region"() ({
      %run_scoped3A = tpu.sem_alloc : memref<!tpu.dma_semaphore, #tpu.memory_space<semaphore_mem>>
      %dma_start3A = arith.constant 0 : i32
      %dma_start3A_46 = arith.constant 0 : i32
      %dma_start3A_47 = tpu.memref_slice %arg8[%dma_start3A, %dma_start3A_46] : memref<128x128xf32, #tpu.memory_space<vmem>> -> memref<128x128xf32, #tpu.memory_space<vmem>>
      %dma_start3A_48 = arith.constant 0 : i32
      %dma_start3A_49 = tpu.memref_slice %arg6[%add3A_27, %dma_start3A_48] : memref<10240x128xf32, #tpu.memory_space<vmem_shared>> -> memref<128x128xf32, #tpu.memory_space<vmem_shared>>
      %dma_start3A_50 = arith.constant 0 : i32
      %dma_start3A_51 = arith.constant 0 : i32
      %dma_start3A_52 = tpu.memref_slice %arg8[%dma_start3A_50, %dma_start3A_51] : memref<128x128xf32, #tpu.memory_space<vmem>> -> memref<128x128xf32, #tpu.memory_space<vmem>>
      %dma_start3A_53 = arith.constant 0 : i32
      %dma_start3A_54 = tpu.memref_slice %arg6[%add3A_27, %dma_start3A_53] : memref<10240x128xf32, #tpu.memory_space<vmem_shared>> -> memref<128x128xf32, #tpu.memory_space<vmem_shared>>
      tpu.enqueue_dma source(%dma_start3A_54 : memref<128x128xf32, #tpu.memory_space<vmem_shared>>) target(%dma_start3A_52 : memref<128x128xf32, #tpu.memory_space<vmem>>) target_semaphore(%run_scoped3A : memref<!tpu.dma_semaphore, #tpu.memory_space<semaphore_mem>>)
      %dma_wait3A = arith.constant 0 : i32
      %dma_wait3A_55 = arith.constant 0 : i32
      %dma_wait3A_56 = tpu.memref_slice %arg8[%dma_wait3A, %dma_wait3A_55] : memref<128x128xf32, #tpu.memory_space<vmem>> -> memref<128x128xf32, #tpu.memory_space<vmem>>
      %dma_wait3A_57 = arith.constant 0 : i32
      %dma_wait3A_58 = tpu.memref_slice %arg6[%add3A_27, %dma_wait3A_57] : memref<10240x128xf32, #tpu.memory_space<vmem_shared>> -> memref<128x128xf32, #tpu.memory_space<vmem_shared>>
      %dma_wait3A_59 = arith.constant 0 : i32
      %dma_wait3A_60 = arith.constant 0 : i32
      %dma_wait3A_61 = tpu.memref_slice %arg8[%dma_wait3A_59, %dma_wait3A_60] : memref<128x128xf32, #tpu.memory_space<vmem>> -> memref<128x128xf32, #tpu.memory_space<vmem>>
      %dma_wait3A_62 = arith.constant 0 : i32
      %dma_wait3A_63 = tpu.memref_slice %arg6[%add3A_27, %dma_wait3A_62] : memref<10240x128xf32, #tpu.memory_space<vmem_shared>> -> memref<128x128xf32, #tpu.memory_space<vmem_shared>>
      tpu.wait_dma2 semaphore(%run_scoped3A : memref<!tpu.dma_semaphore, #tpu.memory_space<semaphore_mem>>) src(%dma_wait3A_63 : memref<128x128xf32, #tpu.memory_space<vmem_shared>>) dst(%dma_wait3A_61 : memref<128x128xf32, #tpu.memory_space<vmem>>)
      tpu.yield
    }) : () -> ()
    %add3A_28 = arith.constant 0 : i32
    %add3A_29 = arith.addi %multiple_of3A_25, %add3A_28 : i32
    "tpu.region"() ({
      %run_scoped3A = tpu.sem_alloc : memref<!tpu.dma_semaphore, #tpu.memory_space<semaphore_mem>>
      %dma_start3A = arith.constant 0 : i32
      %dma_start3A_46 = arith.constant 0 : i32
      %dma_start3A_47 = tpu.memref_slice %arg8[%dma_start3A, %dma_start3A_46] : memref<128x128xf32, #tpu.memory_space<vmem>> -> memref<128x128xf32, #tpu.memory_space<vmem>>
      %dma_start3A_48 = arith.constant 0 : i32
      %dma_start3A_49 = tpu.memref_slice %arg5[%add3A_29, %dma_start3A_48] : memref<20480x128xf32, #tpu.memory_space<hbm>> -> memref<128x128xf32, #tpu.memory_space<hbm>>
      %dma_start3A_50 = arith.constant 0 : i32
      %dma_start3A_51 = tpu.memref_slice %arg5[%add3A_29, %dma_start3A_50] : memref<20480x128xf32, #tpu.memory_space<hbm>> -> memref<128x128xf32, #tpu.memory_space<hbm>>
      %dma_start3A_52 = arith.constant 0 : i32
      %dma_start3A_53 = arith.constant 0 : i32
      %dma_start3A_54 = tpu.memref_slice %arg8[%dma_start3A_52, %dma_start3A_53] : memref<128x128xf32, #tpu.memory_space<vmem>> -> memref<128x128xf32, #tpu.memory_space<vmem>>
      tpu.enqueue_dma source(%dma_start3A_54 : memref<128x128xf32, #tpu.memory_space<vmem>>) target(%dma_start3A_51 : memref<128x128xf32, #tpu.memory_space<hbm>>) target_semaphore(%run_scoped3A : memref<!tpu.dma_semaphore, #tpu.memory_space<semaphore_mem>>)
      %dma_wait3A = arith.constant 0 : i32
      %dma_wait3A_55 = arith.constant 0 : i32
      %dma_wait3A_56 = tpu.memref_slice %arg8[%dma_wait3A, %dma_wait3A_55] : memref<128x128xf32, #tpu.memory_space<vmem>> -> memref<128x128xf32, #tpu.memory_space<vmem>>
      %dma_wait3A_57 = arith.constant 0 : i32
      %dma_wait3A_58 = tpu.memref_slice %arg5[%add3A_29, %dma_wait3A_57] : memref<20480x128xf32, #tpu.memory_space<hbm>> -> memref<128x128xf32, #tpu.memory_space<hbm>>
      %dma_wait3A_59 = arith.constant 0 : i32
      %dma_wait3A_60 = tpu.memref_slice %arg5[%add3A_29, %dma_wait3A_59] : memref<20480x128xf32, #tpu.memory_space<hbm>> -> memref<128x128xf32, #tpu.memory_space<hbm>>
      %dma_wait3A_61 = arith.constant 0 : i32
      %dma_wait3A_62 = arith.constant 0 : i32
      %dma_wait3A_63 = tpu.memref_slice %arg8[%dma_wait3A_61, %dma_wait3A_62] : memref<128x128xf32, #tpu.memory_space<vmem>> -> memref<128x128xf32, #tpu.memory_space<vmem>>
      tpu.wait_dma2 semaphore(%run_scoped3A : memref<!tpu.dma_semaphore, #tpu.memory_space<semaphore_mem>>) src(%dma_wait3A_63 : memref<128x128xf32, #tpu.memory_space<vmem>>) dst(%dma_wait3A_60 : memref<128x128xf32, #tpu.memory_space<hbm>>)
      tpu.yield
    }) : () -> ()
    %add3A_30 = arith.constant 128 : i32
    %add3A_31 = arith.addi %multiple_of3A, %add3A_30 : i32
    "tpu.region"() ({
      %run_scoped3A = tpu.sem_alloc : memref<!tpu.dma_semaphore, #tpu.memory_space<semaphore_mem>>
      %dma_start3A = arith.constant 0 : i32
      %dma_start3A_46 = arith.constant 0 : i32
      %dma_start3A_47 = tpu.memref_slice %arg8[%dma_start3A, %dma_start3A_46] : memref<128x128xf32, #tpu.memory_space<vmem>> -> memref<128x128xf32, #tpu.memory_space<vmem>>
      %dma_start3A_48 = arith.constant 0 : i32
      %dma_start3A_49 = tpu.memref_slice %arg6[%add3A_31, %dma_start3A_48] : memref<10240x128xf32, #tpu.memory_space<vmem_shared>> -> memref<128x128xf32, #tpu.memory_space<vmem_shared>>
      %dma_start3A_50 = arith.constant 0 : i32
      %dma_start3A_51 = arith.constant 0 : i32
      %dma_start3A_52 = tpu.memref_slice %arg8[%dma_start3A_50, %dma_start3A_51] : memref<128x128xf32, #tpu.memory_space<vmem>> -> memref<128x128xf32, #tpu.memory_space<vmem>>
      %dma_start3A_53 = arith.constant 0 : i32
      %dma_start3A_54 = tpu.memref_slice %arg6[%add3A_31, %dma_start3A_53] : memref<10240x128xf32, #tpu.memory_space<vmem_shared>> -> memref<128x128xf32, #tpu.memory_space<vmem_shared>>
      tpu.enqueue_dma source(%dma_start3A_54 : memref<128x128xf32, #tpu.memory_space<vmem_shared>>) target(%dma_start3A_52 : memref<128x128xf32, #tpu.memory_space<vmem>>) target_semaphore(%run_scoped3A : memref<!tpu.dma_semaphore, #tpu.memory_space<semaphore_mem>>)
      %dma_wait3A = arith.constant 0 : i32
      %dma_wait3A_55 = arith.constant 0 : i32
      %dma_wait3A_56 = tpu.memref_slice %arg8[%dma_wait3A, %dma_wait3A_55] : memref<128x128xf32, #tpu.memory_space<vmem>> -> memref<128x128xf32, #tpu.memory_space<vmem>>
      %dma_wait3A_57 = arith.constant 0 : i32
      %dma_wait3A_58 = tpu.memref_slice %arg6[%add3A_31, %dma_wait3A_57] : memref<10240x128xf32, #tpu.memory_space<vmem_shared>> -> memref<128x128xf32, #tpu.memory_space<vmem_shared>>
      %dma_wait3A_59 = arith.constant 0 : i32
      %dma_wait3A_60 = arith.constant 0 : i32
      %dma_wait3A_61 = tpu.memref_slice %arg8[%dma_wait3A_59, %dma_wait3A_60] : memref<128x128xf32, #tpu.memory_space<vmem>> -> memref<128x128xf32, #tpu.memory_space<vmem>>
      %dma_wait3A_62 = arith.constant 0 : i32
      %dma_wait3A_63 = tpu.memref_slice %arg6[%add3A_31, %dma_wait3A_62] : memref<10240x128xf32, #tpu.memory_space<vmem_shared>> -> memref<128x128xf32, #tpu.memory_space<vmem_shared>>
      tpu.wait_dma2 semaphore(%run_scoped3A : memref<!tpu.dma_semaphore, #tpu.memory_space<semaphore_mem>>) src(%dma_wait3A_63 : memref<128x128xf32, #tpu.memory_space<vmem_shared>>) dst(%dma_wait3A_61 : memref<128x128xf32, #tpu.memory_space<vmem>>)
      tpu.yield
    }) : () -> ()
    %add3A_32 = arith.constant 128 : i32
    %add3A_33 = arith.addi %multiple_of3A_25, %add3A_32 : i32
    "tpu.region"() ({
      %run_scoped3A = tpu.sem_alloc : memref<!tpu.dma_semaphore, #tpu.memory_space<semaphore_mem>>
      %dma_start3A = arith.constant 0 : i32
      %dma_start3A_46 = arith.constant 0 : i32
      %dma_start3A_47 = tpu.memref_slice %arg8[%dma_start3A, %dma_start3A_46] : memref<128x128xf32, #tpu.memory_space<vmem>> -> memref<128x128xf32, #tpu.memory_space<vmem>>
      %dma_start3A_48 = arith.constant 0 : i32
      %dma_start3A_49 = tpu.memref_slice %arg5[%add3A_33, %dma_start3A_48] : memref<20480x128xf32, #tpu.memory_space<hbm>> -> memref<128x128xf32, #tpu.memory_space<hbm>>
      %dma_start3A_50 = arith.constant 0 : i32
      %dma_start3A_51 = tpu.memref_slice %arg5[%add3A_33, %dma_start3A_50] : memref<20480x128xf32, #tpu.memory_space<hbm>> -> memref<128x128xf32, #tpu.memory_space<hbm>>
      %dma_start3A_52 = arith.constant 0 : i32
      %dma_start3A_53 = arith.constant 0 : i32
      %dma_start3A_54 = tpu.memref_slice %arg8[%dma_start3A_52, %dma_start3A_53] : memref<128x128xf32, #tpu.memory_space<vmem>> -> memref<128x128xf32, #tpu.memory_space<vmem>>
      tpu.enqueue_dma source(%dma_start3A_54 : memref<128x128xf32, #tpu.memory_space<vmem>>) target(%dma_start3A_51 : memref<128x128xf32, #tpu.memory_space<hbm>>) target_semaphore(%run_scoped3A : memref<!tpu.dma_semaphore, #tpu.memory_space<semaphore_mem>>)
      %dma_wait3A = arith.constant 0 : i32
      %dma_wait3A_55 = arith.constant 0 : i32
      %dma_wait3A_56 = tpu.memref_slice %arg8[%dma_wait3A, %dma_wait3A_55] : memref<128x128xf32, #tpu.memory_space<vmem>> -> memref<128x128xf32, #tpu.memory_space<vmem>>
      %dma_wait3A_57 = arith.constant 0 : i32
      %dma_wait3A_58 = tpu.memref_slice %arg5[%add3A_33, %dma_wait3A_57] : memref<20480x128xf32, #tpu.memory_space<hbm>> -> memref<128x128xf32, #tpu.memory_space<hbm>>
      %dma_wait3A_59 = arith.constant 0 : i32
      %dma_wait3A_60 = tpu.memref_slice %arg5[%add3A_33, %dma_wait3A_59] : memref<20480x128xf32, #tpu.memory_space<hbm>> -> memref<128x128xf32, #tpu.memory_space<hbm>>
      %dma_wait3A_61 = arith.constant 0 : i32
      %dma_wait3A_62 = arith.constant 0 : i32
      %dma_wait3A_63 = tpu.memref_slice %arg8[%dma_wait3A_61, %dma_wait3A_62] : memref<128x128xf32, #tpu.memory_space<vmem>> -> memref<128x128xf32, #tpu.memory_space<vmem>>
      tpu.wait_dma2 semaphore(%run_scoped3A : memref<!tpu.dma_semaphore, #tpu.memory_space<semaphore_mem>>) src(%dma_wait3A_63 : memref<128x128xf32, #tpu.memory_space<vmem>>) dst(%dma_wait3A_60 : memref<128x128xf32, #tpu.memory_space<hbm>>)
      tpu.yield
    }) : () -> ()
    %add3A_34 = arith.constant 256 : i32
    %add3A_35 = arith.addi %multiple_of3A, %add3A_34 : i32
    "tpu.region"() ({
      %run_scoped3A = tpu.sem_alloc : memref<!tpu.dma_semaphore, #tpu.memory_space<semaphore_mem>>
      %dma_start3A = arith.constant 0 : i32
      %dma_start3A_46 = arith.constant 0 : i32
      %dma_start3A_47 = tpu.memref_slice %arg8[%dma_start3A, %dma_start3A_46] : memref<128x128xf32, #tpu.memory_space<vmem>> -> memref<128x128xf32, #tpu.memory_space<vmem>>
      %dma_start3A_48 = arith.constant 0 : i32
      %dma_start3A_49 = tpu.memref_slice %arg6[%add3A_35, %dma_start3A_48] : memref<10240x128xf32, #tpu.memory_space<vmem_shared>> -> memref<128x128xf32, #tpu.memory_space<vmem_shared>>
      %dma_start3A_50 = arith.constant 0 : i32
      %dma_start3A_51 = arith.constant 0 : i32
      %dma_start3A_52 = tpu.memref_slice %arg8[%dma_start3A_50, %dma_start3A_51] : memref<128x128xf32, #tpu.memory_space<vmem>> -> memref<128x128xf32, #tpu.memory_space<vmem>>
      %dma_start3A_53 = arith.constant 0 : i32
      %dma_start3A_54 = tpu.memref_slice %arg6[%add3A_35, %dma_start3A_53] : memref<10240x128xf32, #tpu.memory_space<vmem_shared>> -> memref<128x128xf32, #tpu.memory_space<vmem_shared>>
      tpu.enqueue_dma source(%dma_start3A_54 : memref<128x128xf32, #tpu.memory_space<vmem_shared>>) target(%dma_start3A_52 : memref<128x128xf32, #tpu.memory_space<vmem>>) target_semaphore(%run_scoped3A : memref<!tpu.dma_semaphore, #tpu.memory_space<semaphore_mem>>)
      %dma_wait3A = arith.constant 0 : i32
      %dma_wait3A_55 = arith.constant 0 : i32
      %dma_wait3A_56 = tpu.memref_slice %arg8[%dma_wait3A, %dma_wait3A_55] : memref<128x128xf32, #tpu.memory_space<vmem>> -> memref<128x128xf32, #tpu.memory_space<vmem>>
      %dma_wait3A_57 = arith.constant 0 : i32
      %dma_wait3A_58 = tpu.memref_slice %arg6[%add3A_35, %dma_wait3A_57] : memref<10240x128xf32, #tpu.memory_space<vmem_shared>> -> memref<128x128xf32, #tpu.memory_space<vmem_shared>>
      %dma_wait3A_59 = arith.constant 0 : i32
      %dma_wait3A_60 = arith.constant 0 : i32
      %dma_wait3A_61 = tpu.memref_slice %arg8[%dma_wait3A_59, %dma_wait3A_60] : memref<128x128xf32, #tpu.memory_space<vmem>> -> memref<128x128xf32, #tpu.memory_space<vmem>>
      %dma_wait3A_62 = arith.constant 0 : i32
      %dma_wait3A_63 = tpu.memref_slice %arg6[%add3A_35, %dma_wait3A_62] : memref<10240x128xf32, #tpu.memory_space<vmem_shared>> -> memref<128x128xf32, #tpu.memory_space<vmem_shared>>
      tpu.wait_dma2 semaphore(%run_scoped3A : memref<!tpu.dma_semaphore, #tpu.memory_space<semaphore_mem>>) src(%dma_wait3A_63 : memref<128x128xf32, #tpu.memory_space<vmem_shared>>) dst(%dma_wait3A_61 : memref<128x128xf32, #tpu.memory_space<vmem>>)
      tpu.yield
    }) : () -> ()
    %add3A_36 = arith.constant 256 : i32
    %add3A_37 = arith.addi %multiple_of3A_25, %add3A_36 : i32
    "tpu.region"() ({
      %run_scoped3A = tpu.sem_alloc : memref<!tpu.dma_semaphore, #tpu.memory_space<semaphore_mem>>
      %dma_start3A = arith.constant 0 : i32
      %dma_start3A_46 = arith.constant 0 : i32
      %dma_start3A_47 = tpu.memref_slice %arg8[%dma_start3A, %dma_start3A_46] : memref<128x128xf32, #tpu.memory_space<vmem>> -> memref<128x128xf32, #tpu.memory_space<vmem>>
      %dma_start3A_48 = arith.constant 0 : i32
      %dma_start3A_49 = tpu.memref_slice %arg5[%add3A_37, %dma_start3A_48] : memref<20480x128xf32, #tpu.memory_space<hbm>> -> memref<128x128xf32, #tpu.memory_space<hbm>>
      %dma_start3A_50 = arith.constant 0 : i32
      %dma_start3A_51 = tpu.memref_slice %arg5[%add3A_37, %dma_start3A_50] : memref<20480x128xf32, #tpu.memory_space<hbm>> -> memref<128x128xf32, #tpu.memory_space<hbm>>
      %dma_start3A_52 = arith.constant 0 : i32
      %dma_start3A_53 = arith.constant 0 : i32
      %dma_start3A_54 = tpu.memref_slice %arg8[%dma_start3A_52, %dma_start3A_53] : memref<128x128xf32, #tpu.memory_space<vmem>> -> memref<128x128xf32, #tpu.memory_space<vmem>>
      tpu.enqueue_dma source(%dma_start3A_54 : memref<128x128xf32, #tpu.memory_space<vmem>>) target(%dma_start3A_51 : memref<128x128xf32, #tpu.memory_space<hbm>>) target_semaphore(%run_scoped3A : memref<!tpu.dma_semaphore, #tpu.memory_space<semaphore_mem>>)
      %dma_wait3A = arith.constant 0 : i32
      %dma_wait3A_55 = arith.constant 0 : i32
      %dma_wait3A_56 = tpu.memref_slice %arg8[%dma_wait3A, %dma_wait3A_55] : memref<128x128xf32, #tpu.memory_space<vmem>> -> memref<128x128xf32, #tpu.memory_space<vmem>>
      %dma_wait3A_57 = arith.constant 0 : i32
      %dma_wait3A_58 = tpu.memref_slice %arg5[%add3A_37, %dma_wait3A_57] : memref<20480x128xf32, #tpu.memory_space<hbm>> -> memref<128x128xf32, #tpu.memory_space<hbm>>
      %dma_wait3A_59 = arith.constant 0 : i32
      %dma_wait3A_60 = tpu.memref_slice %arg5[%add3A_37, %dma_wait3A_59] : memref<20480x128xf32, #tpu.memory_space<hbm>> -> memref<128x128xf32, #tpu.memory_space<hbm>>
      %dma_wait3A_61 = arith.constant 0 : i32
      %dma_wait3A_62 = arith.constant 0 : i32
      %dma_wait3A_63 = tpu.memref_slice %arg8[%dma_wait3A_61, %dma_wait3A_62] : memref<128x128xf32, #tpu.memory_space<vmem>> -> memref<128x128xf32, #tpu.memory_space<vmem>>
      tpu.wait_dma2 semaphore(%run_scoped3A : memref<!tpu.dma_semaphore, #tpu.memory_space<semaphore_mem>>) src(%dma_wait3A_63 : memref<128x128xf32, #tpu.memory_space<vmem>>) dst(%dma_wait3A_60 : memref<128x128xf32, #tpu.memory_space<hbm>>)
      tpu.yield
    }) : () -> ()
    %add3A_38 = arith.constant 384 : i32
    %add3A_39 = arith.addi %multiple_of3A, %add3A_38 : i32
    "tpu.region"() ({
      %run_scoped3A = tpu.sem_alloc : memref<!tpu.dma_semaphore, #tpu.memory_space<semaphore_mem>>
      %dma_start3A = arith.constant 0 : i32
      %dma_start3A_46 = arith.constant 0 : i32
      %dma_start3A_47 = tpu.memref_slice %arg8[%dma_start3A, %dma_start3A_46] : memref<128x128xf32, #tpu.memory_space<vmem>> -> memref<128x128xf32, #tpu.memory_space<vmem>>
      %dma_start3A_48 = arith.constant 0 : i32
      %dma_start3A_49 = tpu.memref_slice %arg6[%add3A_39, %dma_start3A_48] : memref<10240x128xf32, #tpu.memory_space<vmem_shared>> -> memref<128x128xf32, #tpu.memory_space<vmem_shared>>
      %dma_start3A_50 = arith.constant 0 : i32
      %dma_start3A_51 = arith.constant 0 : i32
      %dma_start3A_52 = tpu.memref_slice %arg8[%dma_start3A_50, %dma_start3A_51] : memref<128x128xf32, #tpu.memory_space<vmem>> -> memref<128x128xf32, #tpu.memory_space<vmem>>
      %dma_start3A_53 = arith.constant 0 : i32
      %dma_start3A_54 = tpu.memref_slice %arg6[%add3A_39, %dma_start3A_53] : memref<10240x128xf32, #tpu.memory_space<vmem_shared>> -> memref<128x128xf32, #tpu.memory_space<vmem_shared>>
      tpu.enqueue_dma source(%dma_start3A_54 : memref<128x128xf32, #tpu.memory_space<vmem_shared>>) target(%dma_start3A_52 : memref<128x128xf32, #tpu.memory_space<vmem>>) target_semaphore(%run_scoped3A : memref<!tpu.dma_semaphore, #tpu.memory_space<semaphore_mem>>)
      %dma_wait3A = arith.constant 0 : i32
      %dma_wait3A_55 = arith.constant 0 : i32
      %dma_wait3A_56 = tpu.memref_slice %arg8[%dma_wait3A, %dma_wait3A_55] : memref<128x128xf32, #tpu.memory_space<vmem>> -> memref<128x128xf32, #tpu.memory_space<vmem>>
      %dma_wait3A_57 = arith.constant 0 : i32
      %dma_wait3A_58 = tpu.memref_slice %arg6[%add3A_39, %dma_wait3A_57] : memref<10240x128xf32, #tpu.memory_space<vmem_shared>> -> memref<128x128xf32, #tpu.memory_space<vmem_shared>>
      %dma_wait3A_59 = arith.constant 0 : i32
      %dma_wait3A_60 = arith.constant 0 : i32
      %dma_wait3A_61 = tpu.memref_slice %arg8[%dma_wait3A_59, %dma_wait3A_60] : memref<128x128xf32, #tpu.memory_space<vmem>> -> memref<128x128xf32, #tpu.memory_space<vmem>>
      %dma_wait3A_62 = arith.constant 0 : i32
      %dma_wait3A_63 = tpu.memref_slice %arg6[%add3A_39, %dma_wait3A_62] : memref<10240x128xf32, #tpu.memory_space<vmem_shared>> -> memref<128x128xf32, #tpu.memory_space<vmem_shared>>
      tpu.wait_dma2 semaphore(%run_scoped3A : memref<!tpu.dma_semaphore, #tpu.memory_space<semaphore_mem>>) src(%dma_wait3A_63 : memref<128x128xf32, #tpu.memory_space<vmem_shared>>) dst(%dma_wait3A_61 : memref<128x128xf32, #tpu.memory_space<vmem>>)
      tpu.yield
    }) : () -> ()
    %add3A_40 = arith.constant 384 : i32
    %add3A_41 = arith.addi %multiple_of3A_25, %add3A_40 : i32
    "tpu.region"() ({
      %run_scoped3A = tpu.sem_alloc : memref<!tpu.dma_semaphore, #tpu.memory_space<semaphore_mem>>
      %dma_start3A = arith.constant 0 : i32
      %dma_start3A_46 = arith.constant 0 : i32
      %dma_start3A_47 = tpu.memref_slice %arg8[%dma_start3A, %dma_start3A_46] : memref<128x128xf32, #tpu.memory_space<vmem>> -> memref<128x128xf32, #tpu.memory_space<vmem>>
      %dma_start3A_48 = arith.constant 0 : i32
      %dma_start3A_49 = tpu.memref_slice %arg5[%add3A_41, %dma_start3A_48] : memref<20480x128xf32, #tpu.memory_space<hbm>> -> memref<128x128xf32, #tpu.memory_space<hbm>>
      %dma_start3A_50 = arith.constant 0 : i32
      %dma_start3A_51 = tpu.memref_slice %arg5[%add3A_41, %dma_start3A_50] : memref<20480x128xf32, #tpu.memory_space<hbm>> -> memref<128x128xf32, #tpu.memory_space<hbm>>
      %dma_start3A_52 = arith.constant 0 : i32
      %dma_start3A_53 = arith.constant 0 : i32
      %dma_start3A_54 = tpu.memref_slice %arg8[%dma_start3A_52, %dma_start3A_53] : memref<128x128xf32, #tpu.memory_space<vmem>> -> memref<128x128xf32, #tpu.memory_space<vmem>>
      tpu.enqueue_dma source(%dma_start3A_54 : memref<128x128xf32, #tpu.memory_space<vmem>>) target(%dma_start3A_51 : memref<128x128xf32, #tpu.memory_space<hbm>>) target_semaphore(%run_scoped3A : memref<!tpu.dma_semaphore, #tpu.memory_space<semaphore_mem>>)
      %dma_wait3A = arith.constant 0 : i32
      %dma_wait3A_55 = arith.constant 0 : i32
      %dma_wait3A_56 = tpu.memref_slice %arg8[%dma_wait3A, %dma_wait3A_55] : memref<128x128xf32, #tpu.memory_space<vmem>> -> memref<128x128xf32, #tpu.memory_space<vmem>>
      %dma_wait3A_57 = arith.constant 0 : i32
      %dma_wait3A_58 = tpu.memref_slice %arg5[%add3A_41, %dma_wait3A_57] : memref<20480x128xf32, #tpu.memory_space<hbm>> -> memref<128x128xf32, #tpu.memory_space<hbm>>
      %dma_wait3A_59 = arith.constant 0 : i32
      %dma_wait3A_60 = tpu.memref_slice %arg5[%add3A_41, %dma_wait3A_59] : memref<20480x128xf32, #tpu.memory_space<hbm>> -> memref<128x128xf32, #tpu.memory_space<hbm>>
      %dma_wait3A_61 = arith.constant 0 : i32
      %dma_wait3A_62 = arith.constant 0 : i32
      %dma_wait3A_63 = tpu.memref_slice %arg8[%dma_wait3A_61, %dma_wait3A_62] : memref<128x128xf32, #tpu.memory_space<vmem>> -> memref<128x128xf32, #tpu.memory_space<vmem>>
      tpu.wait_dma2 semaphore(%run_scoped3A : memref<!tpu.dma_semaphore, #tpu.memory_space<semaphore_mem>>) src(%dma_wait3A_63 : memref<128x128xf32, #tpu.memory_space<vmem>>) dst(%dma_wait3A_60 : memref<128x128xf32, #tpu.memory_space<hbm>>)
      tpu.yield
    }) : () -> ()
    %add3A_42 = arith.constant 512 : i32
    %add3A_43 = arith.addi %multiple_of3A, %add3A_42 : i32
    "tpu.region"() ({
      %run_scoped3A = tpu.sem_alloc : memref<!tpu.dma_semaphore, #tpu.memory_space<semaphore_mem>>
      %dma_start3A = arith.constant 0 : i32
      %dma_start3A_46 = arith.constant 0 : i32
      %dma_start3A_47 = tpu.memref_slice %arg8[%dma_start3A, %dma_start3A_46] : memref<128x128xf32, #tpu.memory_space<vmem>> -> memref<128x128xf32, #tpu.memory_space<vmem>>
      %dma_start3A_48 = arith.constant 0 : i32
      %dma_start3A_49 = tpu.memref_slice %arg6[%add3A_43, %dma_start3A_48] : memref<10240x128xf32, #tpu.memory_space<vmem_shared>> -> memref<128x128xf32, #tpu.memory_space<vmem_shared>>
      %dma_start3A_50 = arith.constant 0 : i32
      %dma_start3A_51 = arith.constant 0 : i32
      %dma_start3A_52 = tpu.memref_slice %arg8[%dma_start3A_50, %dma_start3A_51] : memref<128x128xf32, #tpu.memory_space<vmem>> -> memref<128x128xf32, #tpu.memory_space<vmem>>
      %dma_start3A_53 = arith.constant 0 : i32
      %dma_start3A_54 = tpu.memref_slice %arg6[%add3A_43, %dma_start3A_53] : memref<10240x128xf32, #tpu.memory_space<vmem_shared>> -> memref<128x128xf32, #tpu.memory_space<vmem_shared>>
      tpu.enqueue_dma source(%dma_start3A_54 : memref<128x128xf32, #tpu.memory_space<vmem_shared>>) target(%dma_start3A_52 : memref<128x128xf32, #tpu.memory_space<vmem>>) target_semaphore(%run_scoped3A : memref<!tpu.dma_semaphore, #tpu.memory_space<semaphore_mem>>)
      %dma_wait3A = arith.constant 0 : i32
      %dma_wait3A_55 = arith.constant 0 : i32
      %dma_wait3A_56 = tpu.memref_slice %arg8[%dma_wait3A, %dma_wait3A_55] : memref<128x128xf32, #tpu.memory_space<vmem>> -> memref<128x128xf32, #tpu.memory_space<vmem>>
      %dma_wait3A_57 = arith.constant 0 : i32
      %dma_wait3A_58 = tpu.memref_slice %arg6[%add3A_43, %dma_wait3A_57] : memref<10240x128xf32, #tpu.memory_space<vmem_shared>> -> memref<128x128xf32, #tpu.memory_space<vmem_shared>>
      %dma_wait3A_59 = arith.constant 0 : i32
      %dma_wait3A_60 = arith.constant 0 : i32
      %dma_wait3A_61 = tpu.memref_slice %arg8[%dma_wait3A_59, %dma_wait3A_60] : memref<128x128xf32, #tpu.memory_space<vmem>> -> memref<128x128xf32, #tpu.memory_space<vmem>>
      %dma_wait3A_62 = arith.constant 0 : i32
      %dma_wait3A_63 = tpu.memref_slice %arg6[%add3A_43, %dma_wait3A_62] : memref<10240x128xf32, #tpu.memory_space<vmem_shared>> -> memref<128x128xf32, #tpu.memory_space<vmem_shared>>
      tpu.wait_dma2 semaphore(%run_scoped3A : memref<!tpu.dma_semaphore, #tpu.memory_space<semaphore_mem>>) src(%dma_wait3A_63 : memref<128x128xf32, #tpu.memory_space<vmem_shared>>) dst(%dma_wait3A_61 : memref<128x128xf32, #tpu.memory_space<vmem>>)
      tpu.yield
    }) : () -> ()
    %add3A_44 = arith.constant 512 : i32
    %add3A_45 = arith.addi %multiple_of3A_25, %add3A_44 : i32
    "tpu.region"() ({
      %run_scoped3A = tpu.sem_alloc : memref<!tpu.dma_semaphore, #tpu.memory_space<semaphore_mem>>
      %dma_start3A = arith.constant 0 : i32
      %dma_start3A_46 = arith.constant 0 : i32
      %dma_start3A_47 = tpu.memref_slice %arg8[%dma_start3A, %dma_start3A_46] : memref<128x128xf32, #tpu.memory_space<vmem>> -> memref<128x128xf32, #tpu.memory_space<vmem>>
      %dma_start3A_48 = arith.constant 0 : i32
      %dma_start3A_49 = tpu.memref_slice %arg5[%add3A_45, %dma_start3A_48] : memref<20480x128xf32, #tpu.memory_space<hbm>> -> memref<128x128xf32, #tpu.memory_space<hbm>>
      %dma_start3A_50 = arith.constant 0 : i32
      %dma_start3A_51 = tpu.memref_slice %arg5[%add3A_45, %dma_start3A_50] : memref<20480x128xf32, #tpu.memory_space<hbm>> -> memref<128x128xf32, #tpu.memory_space<hbm>>
      %dma_start3A_52 = arith.constant 0 : i32
      %dma_start3A_53 = arith.constant 0 : i32
      %dma_start3A_54 = tpu.memref_slice %arg8[%dma_start3A_52, %dma_start3A_53] : memref<128x128xf32, #tpu.memory_space<vmem>> -> memref<128x128xf32, #tpu.memory_space<vmem>>
      tpu.enqueue_dma source(%dma_start3A_54 : memref<128x128xf32, #tpu.memory_space<vmem>>) target(%dma_start3A_51 : memref<128x128xf32, #tpu.memory_space<hbm>>) target_semaphore(%run_scoped3A : memref<!tpu.dma_semaphore, #tpu.memory_space<semaphore_mem>>)
      %dma_wait3A = arith.constant 0 : i32
      %dma_wait3A_55 = arith.constant 0 : i32
      %dma_wait3A_56 = tpu.memref_slice %arg8[%dma_wait3A, %dma_wait3A_55] : memref<128x128xf32, #tpu.memory_space<vmem>> -> memref<128x128xf32, #tpu.memory_space<vmem>>
      %dma_wait3A_57 = arith.constant 0 : i32
      %dma_wait3A_58 = tpu.memref_slice %arg5[%add3A_45, %dma_wait3A_57] : memref<20480x128xf32, #tpu.memory_space<hbm>> -> memref<128x128xf32, #tpu.memory_space<hbm>>
      %dma_wait3A_59 = arith.constant 0 : i32
      %dma_wait3A_60 = tpu.memref_slice %arg5[%add3A_45, %dma_wait3A_59] : memref<20480x128xf32, #tpu.memory_space<hbm>> -> memref<128x128xf32, #tpu.memory_space<hbm>>
      %dma_wait3A_61 = arith.constant 0 : i32
      %dma_wait3A_62 = arith.constant 0 : i32
      %dma_wait3A_63 = tpu.memref_slice %arg8[%dma_wait3A_61, %dma_wait3A_62] : memref<128x128xf32, #tpu.memory_space<vmem>> -> memref<128x128xf32, #tpu.memory_space<vmem>>
      tpu.wait_dma2 semaphore(%run_scoped3A : memref<!tpu.dma_semaphore, #tpu.memory_space<semaphore_mem>>) src(%dma_wait3A_63 : memref<128x128xf32, #tpu.memory_space<vmem>>) dst(%dma_wait3A_60 : memref<128x128xf32, #tpu.memory_space<hbm>>)
      tpu.yield
    }) : () -> ()
    return
  }
}

#map = affine_map<(d0, d1) -> (0, 0)>
module attributes {stable_mosaic.version = 14 : i64} {
  func.func @body(%arg0: i32, %arg1: i32, %arg2: memref<10000x128xf32, #tpu.memory_space<hbm>>, %arg3: memref<2528x128xi32, #tpu.memory_space<hbm>>, %arg4: memref<2528x128xi32, #tpu.memory_space<hbm>>, %arg5: memref<128x128xf32, #tpu.memory_space<hbm>>, %arg6: memref<20480x128xf32, #tpu.memory_space<hbm>>, %arg7: memref<10240x128xf32, #tpu.memory_space<vmem_shared>>, %arg8: memref<128xi32, #tpu.memory_space<vmem>>, %arg9: memref<128xi32, #tpu.memory_space<vmem>>, %arg10: memref<128x128xf32, #tpu.memory_space<vmem>>, %arg11: memref<!tpu.dma_semaphore, #tpu.memory_space<semaphore_mem>>) attributes {dimension_semantics = [#tpu.dimension_semantics<core_parallel>, #tpu.dimension_semantics<subcore_parallel>], iteration_bounds = array<i64: 2, 16>, scalar_prefetch = 0 : i64, scratch_operands = 5 : i64, tpu.core_type = #tpu.core_type<sc_vector_subcore>, window_params = [{transform_indices = #map}, {transform_indices = #map}, {transform_indices = #map}, {transform_indices = #map}, {transform_indices = #map}]} {
    %mul3A = arith.constant 640 : i32
    %mul3A_0 = arith.muli %arg1, %mul3A : i32
    %multiple_of3A = tpu.assume_multiple %mul3A_0, 640 : i32
    %mul3A_1 = arith.constant 16 : i32
    %mul3A_2 = arith.muli %arg0, %mul3A_1 : i32
    %add3A = arith.addi %mul3A_2, %arg1 : i32
    %mul3A_3 = arith.constant 79 : i32
    %mul3A_4 = arith.muli %add3A, %mul3A_3 : i32
    "tpu.region"() ({
      %run_scoped3A = tpu.sem_alloc : memref<!tpu.dma_semaphore, #tpu.memory_space<semaphore_mem>>
      tpu.enqueue_dma source(%arg5 : memref<128x128xf32, #tpu.memory_space<hbm>>) target(%arg10 : memref<128x128xf32, #tpu.memory_space<vmem>>) target_semaphore(%run_scoped3A : memref<!tpu.dma_semaphore, #tpu.memory_space<semaphore_mem>>)
      tpu.wait_dma2 semaphore(%run_scoped3A : memref<!tpu.dma_semaphore, #tpu.memory_space<semaphore_mem>>) src(%arg5 : memref<128x128xf32, #tpu.memory_space<hbm>>) dst(%arg10 : memref<128x128xf32, #tpu.memory_space<vmem>>)
      tpu.yield
    }) : () -> ()
    %add3A_5 = arith.constant 0 : i32
    %add3A_6 = arith.addi %multiple_of3A, %add3A_5 : i32
    "tpu.region"() ({
      %run_scoped3A = tpu.sem_alloc : memref<!tpu.dma_semaphore, #tpu.memory_space<semaphore_mem>>
      %dma_start3A = arith.constant 0 : i32
      %dma_start3A_46 = arith.constant 0 : i32
      %dma_start3A_47 = tpu.memref_slice %arg10[%dma_start3A, %dma_start3A_46] : memref<128x128xf32, #tpu.memory_space<vmem>> -> memref<128x128xf32, #tpu.memory_space<vmem>>
      %dma_start3A_48 = arith.constant 0 : i32
      %dma_start3A_49 = tpu.memref_slice %arg7[%add3A_6, %dma_start3A_48] : memref<10240x128xf32, #tpu.memory_space<vmem_shared>> -> memref<128x128xf32, #tpu.memory_space<vmem_shared>>
      %dma_start3A_50 = arith.constant 0 : i32
      %dma_start3A_51 = tpu.memref_slice %arg7[%add3A_6, %dma_start3A_50] : memref<10240x128xf32, #tpu.memory_space<vmem_shared>> -> memref<128x128xf32, #tpu.memory_space<vmem_shared>>
      %dma_start3A_52 = arith.constant 0 : i32
      %dma_start3A_53 = arith.constant 0 : i32
      %dma_start3A_54 = tpu.memref_slice %arg10[%dma_start3A_52, %dma_start3A_53] : memref<128x128xf32, #tpu.memory_space<vmem>> -> memref<128x128xf32, #tpu.memory_space<vmem>>
      tpu.enqueue_dma source(%dma_start3A_54 : memref<128x128xf32, #tpu.memory_space<vmem>>) target(%dma_start3A_51 : memref<128x128xf32, #tpu.memory_space<vmem_shared>>) target_semaphore(%run_scoped3A : memref<!tpu.dma_semaphore, #tpu.memory_space<semaphore_mem>>)
      %dma_wait3A = arith.constant 0 : i32
      %dma_wait3A_55 = arith.constant 0 : i32
      %dma_wait3A_56 = tpu.memref_slice %arg10[%dma_wait3A, %dma_wait3A_55] : memref<128x128xf32, #tpu.memory_space<vmem>> -> memref<128x128xf32, #tpu.memory_space<vmem>>
      %dma_wait3A_57 = arith.constant 0 : i32
      %dma_wait3A_58 = tpu.memref_slice %arg7[%add3A_6, %dma_wait3A_57] : memref<10240x128xf32, #tpu.memory_space<vmem_shared>> -> memref<128x128xf32, #tpu.memory_space<vmem_shared>>
      %dma_wait3A_59 = arith.constant 0 : i32
      %dma_wait3A_60 = tpu.memref_slice %arg7[%add3A_6, %dma_wait3A_59] : memref<10240x128xf32, #tpu.memory_space<vmem_shared>> -> memref<128x128xf32, #tpu.memory_space<vmem_shared>>
      %dma_wait3A_61 = arith.constant 0 : i32
      %dma_wait3A_62 = arith.constant 0 : i32
      %dma_wait3A_63 = tpu.memref_slice %arg10[%dma_wait3A_61, %dma_wait3A_62] : memref<128x128xf32, #tpu.memory_space<vmem>> -> memref<128x128xf32, #tpu.memory_space<vmem>>
      tpu.wait_dma2 semaphore(%run_scoped3A : memref<!tpu.dma_semaphore, #tpu.memory_space<semaphore_mem>>) src(%dma_wait3A_63 : memref<128x128xf32, #tpu.memory_space<vmem>>) dst(%dma_wait3A_60 : memref<128x128xf32, #tpu.memory_space<vmem_shared>>)
      tpu.yield
    }) : () -> ()
    %add3A_7 = arith.constant 128 : i32
    %add3A_8 = arith.addi %multiple_of3A, %add3A_7 : i32
    "tpu.region"() ({
      %run_scoped3A = tpu.sem_alloc : memref<!tpu.dma_semaphore, #tpu.memory_space<semaphore_mem>>
      %dma_start3A = arith.constant 0 : i32
      %dma_start3A_46 = arith.constant 0 : i32
      %dma_start3A_47 = tpu.memref_slice %arg10[%dma_start3A, %dma_start3A_46] : memref<128x128xf32, #tpu.memory_space<vmem>> -> memref<128x128xf32, #tpu.memory_space<vmem>>
      %dma_start3A_48 = arith.constant 0 : i32
      %dma_start3A_49 = tpu.memref_slice %arg7[%add3A_8, %dma_start3A_48] : memref<10240x128xf32, #tpu.memory_space<vmem_shared>> -> memref<128x128xf32, #tpu.memory_space<vmem_shared>>
      %dma_start3A_50 = arith.constant 0 : i32
      %dma_start3A_51 = tpu.memref_slice %arg7[%add3A_8, %dma_start3A_50] : memref<10240x128xf32, #tpu.memory_space<vmem_shared>> -> memref<128x128xf32, #tpu.memory_space<vmem_shared>>
      %dma_start3A_52 = arith.constant 0 : i32
      %dma_start3A_53 = arith.constant 0 : i32
      %dma_start3A_54 = tpu.memref_slice %arg10[%dma_start3A_52, %dma_start3A_53] : memref<128x128xf32, #tpu.memory_space<vmem>> -> memref<128x128xf32, #tpu.memory_space<vmem>>
      tpu.enqueue_dma source(%dma_start3A_54 : memref<128x128xf32, #tpu.memory_space<vmem>>) target(%dma_start3A_51 : memref<128x128xf32, #tpu.memory_space<vmem_shared>>) target_semaphore(%run_scoped3A : memref<!tpu.dma_semaphore, #tpu.memory_space<semaphore_mem>>)
      %dma_wait3A = arith.constant 0 : i32
      %dma_wait3A_55 = arith.constant 0 : i32
      %dma_wait3A_56 = tpu.memref_slice %arg10[%dma_wait3A, %dma_wait3A_55] : memref<128x128xf32, #tpu.memory_space<vmem>> -> memref<128x128xf32, #tpu.memory_space<vmem>>
      %dma_wait3A_57 = arith.constant 0 : i32
      %dma_wait3A_58 = tpu.memref_slice %arg7[%add3A_8, %dma_wait3A_57] : memref<10240x128xf32, #tpu.memory_space<vmem_shared>> -> memref<128x128xf32, #tpu.memory_space<vmem_shared>>
      %dma_wait3A_59 = arith.constant 0 : i32
      %dma_wait3A_60 = tpu.memref_slice %arg7[%add3A_8, %dma_wait3A_59] : memref<10240x128xf32, #tpu.memory_space<vmem_shared>> -> memref<128x128xf32, #tpu.memory_space<vmem_shared>>
      %dma_wait3A_61 = arith.constant 0 : i32
      %dma_wait3A_62 = arith.constant 0 : i32
      %dma_wait3A_63 = tpu.memref_slice %arg10[%dma_wait3A_61, %dma_wait3A_62] : memref<128x128xf32, #tpu.memory_space<vmem>> -> memref<128x128xf32, #tpu.memory_space<vmem>>
      tpu.wait_dma2 semaphore(%run_scoped3A : memref<!tpu.dma_semaphore, #tpu.memory_space<semaphore_mem>>) src(%dma_wait3A_63 : memref<128x128xf32, #tpu.memory_space<vmem>>) dst(%dma_wait3A_60 : memref<128x128xf32, #tpu.memory_space<vmem_shared>>)
      tpu.yield
    }) : () -> ()
    %add3A_9 = arith.constant 256 : i32
    %add3A_10 = arith.addi %multiple_of3A, %add3A_9 : i32
    "tpu.region"() ({
      %run_scoped3A = tpu.sem_alloc : memref<!tpu.dma_semaphore, #tpu.memory_space<semaphore_mem>>
      %dma_start3A = arith.constant 0 : i32
      %dma_start3A_46 = arith.constant 0 : i32
      %dma_start3A_47 = tpu.memref_slice %arg10[%dma_start3A, %dma_start3A_46] : memref<128x128xf32, #tpu.memory_space<vmem>> -> memref<128x128xf32, #tpu.memory_space<vmem>>
      %dma_start3A_48 = arith.constant 0 : i32
      %dma_start3A_49 = tpu.memref_slice %arg7[%add3A_10, %dma_start3A_48] : memref<10240x128xf32, #tpu.memory_space<vmem_shared>> -> memref<128x128xf32, #tpu.memory_space<vmem_shared>>
      %dma_start3A_50 = arith.constant 0 : i32
      %dma_start3A_51 = tpu.memref_slice %arg7[%add3A_10, %dma_start3A_50] : memref<10240x128xf32, #tpu.memory_space<vmem_shared>> -> memref<128x128xf32, #tpu.memory_space<vmem_shared>>
      %dma_start3A_52 = arith.constant 0 : i32
      %dma_start3A_53 = arith.constant 0 : i32
      %dma_start3A_54 = tpu.memref_slice %arg10[%dma_start3A_52, %dma_start3A_53] : memref<128x128xf32, #tpu.memory_space<vmem>> -> memref<128x128xf32, #tpu.memory_space<vmem>>
      tpu.enqueue_dma source(%dma_start3A_54 : memref<128x128xf32, #tpu.memory_space<vmem>>) target(%dma_start3A_51 : memref<128x128xf32, #tpu.memory_space<vmem_shared>>) target_semaphore(%run_scoped3A : memref<!tpu.dma_semaphore, #tpu.memory_space<semaphore_mem>>)
      %dma_wait3A = arith.constant 0 : i32
      %dma_wait3A_55 = arith.constant 0 : i32
      %dma_wait3A_56 = tpu.memref_slice %arg10[%dma_wait3A, %dma_wait3A_55] : memref<128x128xf32, #tpu.memory_space<vmem>> -> memref<128x128xf32, #tpu.memory_space<vmem>>
      %dma_wait3A_57 = arith.constant 0 : i32
      %dma_wait3A_58 = tpu.memref_slice %arg7[%add3A_10, %dma_wait3A_57] : memref<10240x128xf32, #tpu.memory_space<vmem_shared>> -> memref<128x128xf32, #tpu.memory_space<vmem_shared>>
      %dma_wait3A_59 = arith.constant 0 : i32
      %dma_wait3A_60 = tpu.memref_slice %arg7[%add3A_10, %dma_wait3A_59] : memref<10240x128xf32, #tpu.memory_space<vmem_shared>> -> memref<128x128xf32, #tpu.memory_space<vmem_shared>>
      %dma_wait3A_61 = arith.constant 0 : i32
      %dma_wait3A_62 = arith.constant 0 : i32
      %dma_wait3A_63 = tpu.memref_slice %arg10[%dma_wait3A_61, %dma_wait3A_62] : memref<128x128xf32, #tpu.memory_space<vmem>> -> memref<128x128xf32, #tpu.memory_space<vmem>>
      tpu.wait_dma2 semaphore(%run_scoped3A : memref<!tpu.dma_semaphore, #tpu.memory_space<semaphore_mem>>) src(%dma_wait3A_63 : memref<128x128xf32, #tpu.memory_space<vmem>>) dst(%dma_wait3A_60 : memref<128x128xf32, #tpu.memory_space<vmem_shared>>)
      tpu.yield
    }) : () -> ()
    %add3A_11 = arith.constant 384 : i32
    %add3A_12 = arith.addi %multiple_of3A, %add3A_11 : i32
    "tpu.region"() ({
      %run_scoped3A = tpu.sem_alloc : memref<!tpu.dma_semaphore, #tpu.memory_space<semaphore_mem>>
      %dma_start3A = arith.constant 0 : i32
      %dma_start3A_46 = arith.constant 0 : i32
      %dma_start3A_47 = tpu.memref_slice %arg10[%dma_start3A, %dma_start3A_46] : memref<128x128xf32, #tpu.memory_space<vmem>> -> memref<128x128xf32, #tpu.memory_space<vmem>>
      %dma_start3A_48 = arith.constant 0 : i32
      %dma_start3A_49 = tpu.memref_slice %arg7[%add3A_12, %dma_start3A_48] : memref<10240x128xf32, #tpu.memory_space<vmem_shared>> -> memref<128x128xf32, #tpu.memory_space<vmem_shared>>
      %dma_start3A_50 = arith.constant 0 : i32
      %dma_start3A_51 = tpu.memref_slice %arg7[%add3A_12, %dma_start3A_50] : memref<10240x128xf32, #tpu.memory_space<vmem_shared>> -> memref<128x128xf32, #tpu.memory_space<vmem_shared>>
      %dma_start3A_52 = arith.constant 0 : i32
      %dma_start3A_53 = arith.constant 0 : i32
      %dma_start3A_54 = tpu.memref_slice %arg10[%dma_start3A_52, %dma_start3A_53] : memref<128x128xf32, #tpu.memory_space<vmem>> -> memref<128x128xf32, #tpu.memory_space<vmem>>
      tpu.enqueue_dma source(%dma_start3A_54 : memref<128x128xf32, #tpu.memory_space<vmem>>) target(%dma_start3A_51 : memref<128x128xf32, #tpu.memory_space<vmem_shared>>) target_semaphore(%run_scoped3A : memref<!tpu.dma_semaphore, #tpu.memory_space<semaphore_mem>>)
      %dma_wait3A = arith.constant 0 : i32
      %dma_wait3A_55 = arith.constant 0 : i32
      %dma_wait3A_56 = tpu.memref_slice %arg10[%dma_wait3A, %dma_wait3A_55] : memref<128x128xf32, #tpu.memory_space<vmem>> -> memref<128x128xf32, #tpu.memory_space<vmem>>
      %dma_wait3A_57 = arith.constant 0 : i32
      %dma_wait3A_58 = tpu.memref_slice %arg7[%add3A_12, %dma_wait3A_57] : memref<10240x128xf32, #tpu.memory_space<vmem_shared>> -> memref<128x128xf32, #tpu.memory_space<vmem_shared>>
      %dma_wait3A_59 = arith.constant 0 : i32
      %dma_wait3A_60 = tpu.memref_slice %arg7[%add3A_12, %dma_wait3A_59] : memref<10240x128xf32, #tpu.memory_space<vmem_shared>> -> memref<128x128xf32, #tpu.memory_space<vmem_shared>>
      %dma_wait3A_61 = arith.constant 0 : i32
      %dma_wait3A_62 = arith.constant 0 : i32
      %dma_wait3A_63 = tpu.memref_slice %arg10[%dma_wait3A_61, %dma_wait3A_62] : memref<128x128xf32, #tpu.memory_space<vmem>> -> memref<128x128xf32, #tpu.memory_space<vmem>>
      tpu.wait_dma2 semaphore(%run_scoped3A : memref<!tpu.dma_semaphore, #tpu.memory_space<semaphore_mem>>) src(%dma_wait3A_63 : memref<128x128xf32, #tpu.memory_space<vmem>>) dst(%dma_wait3A_60 : memref<128x128xf32, #tpu.memory_space<vmem_shared>>)
      tpu.yield
    }) : () -> ()
    %add3A_13 = arith.constant 512 : i32
    %add3A_14 = arith.addi %multiple_of3A, %add3A_13 : i32
    "tpu.region"() ({
      %run_scoped3A = tpu.sem_alloc : memref<!tpu.dma_semaphore, #tpu.memory_space<semaphore_mem>>
      %dma_start3A = arith.constant 0 : i32
      %dma_start3A_46 = arith.constant 0 : i32
      %dma_start3A_47 = tpu.memref_slice %arg10[%dma_start3A, %dma_start3A_46] : memref<128x128xf32, #tpu.memory_space<vmem>> -> memref<128x128xf32, #tpu.memory_space<vmem>>
      %dma_start3A_48 = arith.constant 0 : i32
      %dma_start3A_49 = tpu.memref_slice %arg7[%add3A_14, %dma_start3A_48] : memref<10240x128xf32, #tpu.memory_space<vmem_shared>> -> memref<128x128xf32, #tpu.memory_space<vmem_shared>>
      %dma_start3A_50 = arith.constant 0 : i32
      %dma_start3A_51 = tpu.memref_slice %arg7[%add3A_14, %dma_start3A_50] : memref<10240x128xf32, #tpu.memory_space<vmem_shared>> -> memref<128x128xf32, #tpu.memory_space<vmem_shared>>
      %dma_start3A_52 = arith.constant 0 : i32
      %dma_start3A_53 = arith.constant 0 : i32
      %dma_start3A_54 = tpu.memref_slice %arg10[%dma_start3A_52, %dma_start3A_53] : memref<128x128xf32, #tpu.memory_space<vmem>> -> memref<128x128xf32, #tpu.memory_space<vmem>>
      tpu.enqueue_dma source(%dma_start3A_54 : memref<128x128xf32, #tpu.memory_space<vmem>>) target(%dma_start3A_51 : memref<128x128xf32, #tpu.memory_space<vmem_shared>>) target_semaphore(%run_scoped3A : memref<!tpu.dma_semaphore, #tpu.memory_space<semaphore_mem>>)
      %dma_wait3A = arith.constant 0 : i32
      %dma_wait3A_55 = arith.constant 0 : i32
      %dma_wait3A_56 = tpu.memref_slice %arg10[%dma_wait3A, %dma_wait3A_55] : memref<128x128xf32, #tpu.memory_space<vmem>> -> memref<128x128xf32, #tpu.memory_space<vmem>>
      %dma_wait3A_57 = arith.constant 0 : i32
      %dma_wait3A_58 = tpu.memref_slice %arg7[%add3A_14, %dma_wait3A_57] : memref<10240x128xf32, #tpu.memory_space<vmem_shared>> -> memref<128x128xf32, #tpu.memory_space<vmem_shared>>
      %dma_wait3A_59 = arith.constant 0 : i32
      %dma_wait3A_60 = tpu.memref_slice %arg7[%add3A_14, %dma_wait3A_59] : memref<10240x128xf32, #tpu.memory_space<vmem_shared>> -> memref<128x128xf32, #tpu.memory_space<vmem_shared>>
      %dma_wait3A_61 = arith.constant 0 : i32
      %dma_wait3A_62 = arith.constant 0 : i32
      %dma_wait3A_63 = tpu.memref_slice %arg10[%dma_wait3A_61, %dma_wait3A_62] : memref<128x128xf32, #tpu.memory_space<vmem>> -> memref<128x128xf32, #tpu.memory_space<vmem>>
      tpu.wait_dma2 semaphore(%run_scoped3A : memref<!tpu.dma_semaphore, #tpu.memory_space<semaphore_mem>>) src(%dma_wait3A_63 : memref<128x128xf32, #tpu.memory_space<vmem>>) dst(%dma_wait3A_60 : memref<128x128xf32, #tpu.memory_space<vmem_shared>>)
      tpu.yield
    }) : () -> ()
    %barrier3A = arith.constant 0 : index
    tpu.barrier barrier_id(%barrier3A)
    %scan3A = arith.constant 0 : i32
    %scan3A_15 = arith.constant 79 : i32
    %scan3A_16 = arith.addi %scan3A, %scan3A_15 : i32
    %scan3A_17 = arith.constant 1 : i32
    scf.for %scan3A_46 = %scan3A to %scan3A_16 step %scan3A_17  : i32 {
      %mul3A_47 = arith.constant 1 : i32
      %mul3A_48 = arith.muli %scan3A_46, %mul3A_47 : i32
      %add3A_49 = arith.constant 0 : i32
      %add3A_50 = arith.addi %add3A_49, %mul3A_48 : i32
      %add3A_51 = arith.addi %mul3A_4, %add3A_50 : i32
      "tpu.region"() ({
        %run_scoped3A = tpu.sem_alloc : memref<!tpu.dma_semaphore, #tpu.memory_space<semaphore_mem>>
        %dma_start3A_57 = arith.constant 0 : i32
        %dma_start3A_58 = tpu.memref_slice %arg3[%add3A_51, %dma_start3A_57] : memref<2528x128xi32, #tpu.memory_space<hbm>> -> memref<1x128xi32, #tpu.memory_space<hbm>>
        %dma_start3A_59 = tpu.memref_squeeze %dma_start3A_58 : memref<1x128xi32, #tpu.memory_space<hbm>> -> memref<128xi32, #tpu.memory_space<hbm>>
        %dma_start3A_60 = arith.constant 0 : i32
        %dma_start3A_61 = tpu.memref_slice %arg3[%add3A_51, %dma_start3A_60] : memref<2528x128xi32, #tpu.memory_space<hbm>> -> memref<1x128xi32, #tpu.memory_space<hbm>>
        %dma_start3A_62 = tpu.memref_squeeze %dma_start3A_61 : memref<1x128xi32, #tpu.memory_space<hbm>> -> memref<128xi32, #tpu.memory_space<hbm>>
        tpu.enqueue_dma source(%dma_start3A_62 : memref<128xi32, #tpu.memory_space<hbm>>) target(%arg8 : memref<128xi32, #tpu.memory_space<vmem>>) target_semaphore(%run_scoped3A : memref<!tpu.dma_semaphore, #tpu.memory_space<semaphore_mem>>)
        %dma_wait3A_63 = arith.constant 0 : i32
        %dma_wait3A_64 = tpu.memref_slice %arg3[%add3A_51, %dma_wait3A_63] : memref<2528x128xi32, #tpu.memory_space<hbm>> -> memref<1x128xi32, #tpu.memory_space<hbm>>
        %dma_wait3A_65 = tpu.memref_squeeze %dma_wait3A_64 : memref<1x128xi32, #tpu.memory_space<hbm>> -> memref<128xi32, #tpu.memory_space<hbm>>
        %dma_wait3A_66 = arith.constant 0 : i32
        %dma_wait3A_67 = tpu.memref_slice %arg3[%add3A_51, %dma_wait3A_66] : memref<2528x128xi32, #tpu.memory_space<hbm>> -> memref<1x128xi32, #tpu.memory_space<hbm>>
        %dma_wait3A_68 = tpu.memref_squeeze %dma_wait3A_67 : memref<1x128xi32, #tpu.memory_space<hbm>> -> memref<128xi32, #tpu.memory_space<hbm>>
        tpu.wait_dma2 semaphore(%run_scoped3A : memref<!tpu.dma_semaphore, #tpu.memory_space<semaphore_mem>>) src(%dma_wait3A_68 : memref<128xi32, #tpu.memory_space<hbm>>) dst(%arg8 : memref<128xi32, #tpu.memory_space<vmem>>)
        tpu.yield
      }) : () -> ()
      %dma_start3A = arith.constant 0 : i32
      %dma_start3A_52 = arith.constant 0 : i32
      %dma_start3A_53 = tpu.memref_slice %arg2[%dma_start3A, %dma_start3A_52] : memref<10000x128xf32, #tpu.memory_space<hbm>> -> memref<10000x128xf32, #tpu.memory_space<hbm>>
      tpu.enqueue_indirect_dma source(%dma_start3A_53 : memref<10000x128xf32, #tpu.memory_space<hbm>>) target(%arg10 : memref<128x128xf32, #tpu.memory_space<vmem>>) offsets(%arg8 : memref<128xi32, #tpu.memory_space<vmem>>) semaphore(%arg11 : memref<!tpu.dma_semaphore, #tpu.memory_space<semaphore_mem>>)
      %add3A_54 = arith.addi %mul3A_4, %add3A_50 : i32
      "tpu.region"() ({
        %run_scoped3A = tpu.sem_alloc : memref<!tpu.dma_semaphore, #tpu.memory_space<semaphore_mem>>
        %dma_start3A_57 = arith.constant 0 : i32
        %dma_start3A_58 = tpu.memref_slice %arg4[%add3A_54, %dma_start3A_57] : memref<2528x128xi32, #tpu.memory_space<hbm>> -> memref<1x128xi32, #tpu.memory_space<hbm>>
        %dma_start3A_59 = tpu.memref_squeeze %dma_start3A_58 : memref<1x128xi32, #tpu.memory_space<hbm>> -> memref<128xi32, #tpu.memory_space<hbm>>
        %dma_start3A_60 = arith.constant 0 : i32
        %dma_start3A_61 = tpu.memref_slice %arg4[%add3A_54, %dma_start3A_60] : memref<2528x128xi32, #tpu.memory_space<hbm>> -> memref<1x128xi32, #tpu.memory_space<hbm>>
        %dma_start3A_62 = tpu.memref_squeeze %dma_start3A_61 : memref<1x128xi32, #tpu.memory_space<hbm>> -> memref<128xi32, #tpu.memory_space<hbm>>
        tpu.enqueue_dma source(%dma_start3A_62 : memref<128xi32, #tpu.memory_space<hbm>>) target(%arg9 : memref<128xi32, #tpu.memory_space<vmem>>) target_semaphore(%run_scoped3A : memref<!tpu.dma_semaphore, #tpu.memory_space<semaphore_mem>>)
        %dma_wait3A_63 = arith.constant 0 : i32
        %dma_wait3A_64 = tpu.memref_slice %arg4[%add3A_54, %dma_wait3A_63] : memref<2528x128xi32, #tpu.memory_space<hbm>> -> memref<1x128xi32, #tpu.memory_space<hbm>>
        %dma_wait3A_65 = tpu.memref_squeeze %dma_wait3A_64 : memref<1x128xi32, #tpu.memory_space<hbm>> -> memref<128xi32, #tpu.memory_space<hbm>>
        %dma_wait3A_66 = arith.constant 0 : i32
        %dma_wait3A_67 = tpu.memref_slice %arg4[%add3A_54, %dma_wait3A_66] : memref<2528x128xi32, #tpu.memory_space<hbm>> -> memref<1x128xi32, #tpu.memory_space<hbm>>
        %dma_wait3A_68 = tpu.memref_squeeze %dma_wait3A_67 : memref<1x128xi32, #tpu.memory_space<hbm>> -> memref<128xi32, #tpu.memory_space<hbm>>
        tpu.wait_dma2 semaphore(%run_scoped3A : memref<!tpu.dma_semaphore, #tpu.memory_space<semaphore_mem>>) src(%dma_wait3A_68 : memref<128xi32, #tpu.memory_space<hbm>>) dst(%arg9 : memref<128xi32, #tpu.memory_space<vmem>>)
        tpu.yield
      }) : () -> ()
      %dma_wait3A = arith.constant 0 : i32
      %dma_wait3A_55 = arith.constant 0 : i32
      %dma_wait3A_56 = tpu.memref_slice %arg2[%dma_wait3A, %dma_wait3A_55] : memref<10000x128xf32, #tpu.memory_space<hbm>> -> memref<10000x128xf32, #tpu.memory_space<hbm>>
      tpu.wait_indirect_dma semaphore(%arg11 : memref<!tpu.dma_semaphore, #tpu.memory_space<semaphore_mem>>) src(%dma_wait3A_56 : memref<10000x128xf32, #tpu.memory_space<hbm>>) dst(%arg10 : memref<128x128xf32, #tpu.memory_space<vmem>>)
      "tpu.region"() ({
        %run_scoped3A = tpu.sem_alloc : memref<!tpu.dma_semaphore, #tpu.memory_space<semaphore_mem>>
        %dma_start3A_57 = arith.constant 0 : i32
        %dma_start3A_58 = arith.constant 0 : i32
        %dma_start3A_59 = tpu.memref_slice %arg7[%dma_start3A_57, %dma_start3A_58] : memref<10240x128xf32, #tpu.memory_space<vmem_shared>> -> memref<10240x128xf32, #tpu.memory_space<vmem_shared>>
        tpu.enqueue_indirect_dma source(%arg10 : memref<128x128xf32, #tpu.memory_space<vmem>>) target(%dma_start3A_59 : memref<10240x128xf32, #tpu.memory_space<vmem_shared>>) offsets(%arg9 : memref<128xi32, #tpu.memory_space<vmem>>) semaphore(%run_scoped3A : memref<!tpu.dma_semaphore, #tpu.memory_space<semaphore_mem>>) {add = true}
        %dma_wait3A_60 = arith.constant 0 : i32
        %dma_wait3A_61 = arith.constant 0 : i32
        %dma_wait3A_62 = tpu.memref_slice %arg7[%dma_wait3A_60, %dma_wait3A_61] : memref<10240x128xf32, #tpu.memory_space<vmem_shared>> -> memref<10240x128xf32, #tpu.memory_space<vmem_shared>>
        tpu.wait_indirect_dma semaphore(%run_scoped3A : memref<!tpu.dma_semaphore, #tpu.memory_space<semaphore_mem>>) src(%arg10 : memref<128x128xf32, #tpu.memory_space<vmem>>) dst(%dma_wait3A_62 : memref<10240x128xf32, #tpu.memory_space<vmem_shared>>)
        tpu.yield
      }) : () -> ()
    }
    %scan3A_18 = arith.constant 79 : i32
    %barrier3A_19 = arith.constant 0 : index
    tpu.barrier barrier_id(%barrier3A_19)
    %mul3A_20 = arith.constant 10240 : i32
    %mul3A_21 = arith.muli %arg0, %mul3A_20 : i32
    %mul3A_22 = arith.constant 640 : i32
    %mul3A_23 = arith.muli %arg1, %mul3A_22 : i32
    %add3A_24 = arith.addi %mul3A_21, %mul3A_23 : i32
    %multiple_of3A_25 = tpu.assume_multiple %add3A_24, 640 : i32
    %add3A_26 = arith.constant 0 : i32
    %add3A_27 = arith.addi %multiple_of3A, %add3A_26 : i32
    "tpu.region"() ({
      %run_scoped3A = tpu.sem_alloc : memref<!tpu.dma_semaphore, #tpu.memory_space<semaphore_mem>>
      %dma_start3A = arith.constant 0 : i32
      %dma_start3A_46 = arith.constant 0 : i32
      %dma_start3A_47 = tpu.memref_slice %arg10[%dma_start3A, %dma_start3A_46] : memref<128x128xf32, #tpu.memory_space<vmem>> -> memref<128x128xf32, #tpu.memory_space<vmem>>
      %dma_start3A_48 = arith.constant 0 : i32
      %dma_start3A_49 = tpu.memref_slice %arg7[%add3A_27, %dma_start3A_48] : memref<10240x128xf32, #tpu.memory_space<vmem_shared>> -> memref<128x128xf32, #tpu.memory_space<vmem_shared>>
      %dma_start3A_50 = arith.constant 0 : i32
      %dma_start3A_51 = arith.constant 0 : i32
      %dma_start3A_52 = tpu.memref_slice %arg10[%dma_start3A_50, %dma_start3A_51] : memref<128x128xf32, #tpu.memory_space<vmem>> -> memref<128x128xf32, #tpu.memory_space<vmem>>
      %dma_start3A_53 = arith.constant 0 : i32
      %dma_start3A_54 = tpu.memref_slice %arg7[%add3A_27, %dma_start3A_53] : memref<10240x128xf32, #tpu.memory_space<vmem_shared>> -> memref<128x128xf32, #tpu.memory_space<vmem_shared>>
      tpu.enqueue_dma source(%dma_start3A_54 : memref<128x128xf32, #tpu.memory_space<vmem_shared>>) target(%dma_start3A_52 : memref<128x128xf32, #tpu.memory_space<vmem>>) target_semaphore(%run_scoped3A : memref<!tpu.dma_semaphore, #tpu.memory_space<semaphore_mem>>)
      %dma_wait3A = arith.constant 0 : i32
      %dma_wait3A_55 = arith.constant 0 : i32
      %dma_wait3A_56 = tpu.memref_slice %arg10[%dma_wait3A, %dma_wait3A_55] : memref<128x128xf32, #tpu.memory_space<vmem>> -> memref<128x128xf32, #tpu.memory_space<vmem>>
      %dma_wait3A_57 = arith.constant 0 : i32
      %dma_wait3A_58 = tpu.memref_slice %arg7[%add3A_27, %dma_wait3A_57] : memref<10240x128xf32, #tpu.memory_space<vmem_shared>> -> memref<128x128xf32, #tpu.memory_space<vmem_shared>>
      %dma_wait3A_59 = arith.constant 0 : i32
      %dma_wait3A_60 = arith.constant 0 : i32
      %dma_wait3A_61 = tpu.memref_slice %arg10[%dma_wait3A_59, %dma_wait3A_60] : memref<128x128xf32, #tpu.memory_space<vmem>> -> memref<128x128xf32, #tpu.memory_space<vmem>>
      %dma_wait3A_62 = arith.constant 0 : i32
      %dma_wait3A_63 = tpu.memref_slice %arg7[%add3A_27, %dma_wait3A_62] : memref<10240x128xf32, #tpu.memory_space<vmem_shared>> -> memref<128x128xf32, #tpu.memory_space<vmem_shared>>
      tpu.wait_dma2 semaphore(%run_scoped3A : memref<!tpu.dma_semaphore, #tpu.memory_space<semaphore_mem>>) src(%dma_wait3A_63 : memref<128x128xf32, #tpu.memory_space<vmem_shared>>) dst(%dma_wait3A_61 : memref<128x128xf32, #tpu.memory_space<vmem>>)
      tpu.yield
    }) : () -> ()
    %add3A_28 = arith.constant 0 : i32
    %add3A_29 = arith.addi %multiple_of3A_25, %add3A_28 : i32
    "tpu.region"() ({
      %run_scoped3A = tpu.sem_alloc : memref<!tpu.dma_semaphore, #tpu.memory_space<semaphore_mem>>
      %dma_start3A = arith.constant 0 : i32
      %dma_start3A_46 = arith.constant 0 : i32
      %dma_start3A_47 = tpu.memref_slice %arg10[%dma_start3A, %dma_start3A_46] : memref<128x128xf32, #tpu.memory_space<vmem>> -> memref<128x128xf32, #tpu.memory_space<vmem>>
      %dma_start3A_48 = arith.constant 0 : i32
      %dma_start3A_49 = tpu.memref_slice %arg6[%add3A_29, %dma_start3A_48] : memref<20480x128xf32, #tpu.memory_space<hbm>> -> memref<128x128xf32, #tpu.memory_space<hbm>>
      %dma_start3A_50 = arith.constant 0 : i32
      %dma_start3A_51 = tpu.memref_slice %arg6[%add3A_29, %dma_start3A_50] : memref<20480x128xf32, #tpu.memory_space<hbm>> -> memref<128x128xf32, #tpu.memory_space<hbm>>
      %dma_start3A_52 = arith.constant 0 : i32
      %dma_start3A_53 = arith.constant 0 : i32
      %dma_start3A_54 = tpu.memref_slice %arg10[%dma_start3A_52, %dma_start3A_53] : memref<128x128xf32, #tpu.memory_space<vmem>> -> memref<128x128xf32, #tpu.memory_space<vmem>>
      tpu.enqueue_dma source(%dma_start3A_54 : memref<128x128xf32, #tpu.memory_space<vmem>>) target(%dma_start3A_51 : memref<128x128xf32, #tpu.memory_space<hbm>>) target_semaphore(%run_scoped3A : memref<!tpu.dma_semaphore, #tpu.memory_space<semaphore_mem>>)
      %dma_wait3A = arith.constant 0 : i32
      %dma_wait3A_55 = arith.constant 0 : i32
      %dma_wait3A_56 = tpu.memref_slice %arg10[%dma_wait3A, %dma_wait3A_55] : memref<128x128xf32, #tpu.memory_space<vmem>> -> memref<128x128xf32, #tpu.memory_space<vmem>>
      %dma_wait3A_57 = arith.constant 0 : i32
      %dma_wait3A_58 = tpu.memref_slice %arg6[%add3A_29, %dma_wait3A_57] : memref<20480x128xf32, #tpu.memory_space<hbm>> -> memref<128x128xf32, #tpu.memory_space<hbm>>
      %dma_wait3A_59 = arith.constant 0 : i32
      %dma_wait3A_60 = tpu.memref_slice %arg6[%add3A_29, %dma_wait3A_59] : memref<20480x128xf32, #tpu.memory_space<hbm>> -> memref<128x128xf32, #tpu.memory_space<hbm>>
      %dma_wait3A_61 = arith.constant 0 : i32
      %dma_wait3A_62 = arith.constant 0 : i32
      %dma_wait3A_63 = tpu.memref_slice %arg10[%dma_wait3A_61, %dma_wait3A_62] : memref<128x128xf32, #tpu.memory_space<vmem>> -> memref<128x128xf32, #tpu.memory_space<vmem>>
      tpu.wait_dma2 semaphore(%run_scoped3A : memref<!tpu.dma_semaphore, #tpu.memory_space<semaphore_mem>>) src(%dma_wait3A_63 : memref<128x128xf32, #tpu.memory_space<vmem>>) dst(%dma_wait3A_60 : memref<128x128xf32, #tpu.memory_space<hbm>>)
      tpu.yield
    }) : () -> ()
    %add3A_30 = arith.constant 128 : i32
    %add3A_31 = arith.addi %multiple_of3A, %add3A_30 : i32
    "tpu.region"() ({
      %run_scoped3A = tpu.sem_alloc : memref<!tpu.dma_semaphore, #tpu.memory_space<semaphore_mem>>
      %dma_start3A = arith.constant 0 : i32
      %dma_start3A_46 = arith.constant 0 : i32
      %dma_start3A_47 = tpu.memref_slice %arg10[%dma_start3A, %dma_start3A_46] : memref<128x128xf32, #tpu.memory_space<vmem>> -> memref<128x128xf32, #tpu.memory_space<vmem>>
      %dma_start3A_48 = arith.constant 0 : i32
      %dma_start3A_49 = tpu.memref_slice %arg7[%add3A_31, %dma_start3A_48] : memref<10240x128xf32, #tpu.memory_space<vmem_shared>> -> memref<128x128xf32, #tpu.memory_space<vmem_shared>>
      %dma_start3A_50 = arith.constant 0 : i32
      %dma_start3A_51 = arith.constant 0 : i32
      %dma_start3A_52 = tpu.memref_slice %arg10[%dma_start3A_50, %dma_start3A_51] : memref<128x128xf32, #tpu.memory_space<vmem>> -> memref<128x128xf32, #tpu.memory_space<vmem>>
      %dma_start3A_53 = arith.constant 0 : i32
      %dma_start3A_54 = tpu.memref_slice %arg7[%add3A_31, %dma_start3A_53] : memref<10240x128xf32, #tpu.memory_space<vmem_shared>> -> memref<128x128xf32, #tpu.memory_space<vmem_shared>>
      tpu.enqueue_dma source(%dma_start3A_54 : memref<128x128xf32, #tpu.memory_space<vmem_shared>>) target(%dma_start3A_52 : memref<128x128xf32, #tpu.memory_space<vmem>>) target_semaphore(%run_scoped3A : memref<!tpu.dma_semaphore, #tpu.memory_space<semaphore_mem>>)
      %dma_wait3A = arith.constant 0 : i32
      %dma_wait3A_55 = arith.constant 0 : i32
      %dma_wait3A_56 = tpu.memref_slice %arg10[%dma_wait3A, %dma_wait3A_55] : memref<128x128xf32, #tpu.memory_space<vmem>> -> memref<128x128xf32, #tpu.memory_space<vmem>>
      %dma_wait3A_57 = arith.constant 0 : i32
      %dma_wait3A_58 = tpu.memref_slice %arg7[%add3A_31, %dma_wait3A_57] : memref<10240x128xf32, #tpu.memory_space<vmem_shared>> -> memref<128x128xf32, #tpu.memory_space<vmem_shared>>
      %dma_wait3A_59 = arith.constant 0 : i32
      %dma_wait3A_60 = arith.constant 0 : i32
      %dma_wait3A_61 = tpu.memref_slice %arg10[%dma_wait3A_59, %dma_wait3A_60] : memref<128x128xf32, #tpu.memory_space<vmem>> -> memref<128x128xf32, #tpu.memory_space<vmem>>
      %dma_wait3A_62 = arith.constant 0 : i32
      %dma_wait3A_63 = tpu.memref_slice %arg7[%add3A_31, %dma_wait3A_62] : memref<10240x128xf32, #tpu.memory_space<vmem_shared>> -> memref<128x128xf32, #tpu.memory_space<vmem_shared>>
      tpu.wait_dma2 semaphore(%run_scoped3A : memref<!tpu.dma_semaphore, #tpu.memory_space<semaphore_mem>>) src(%dma_wait3A_63 : memref<128x128xf32, #tpu.memory_space<vmem_shared>>) dst(%dma_wait3A_61 : memref<128x128xf32, #tpu.memory_space<vmem>>)
      tpu.yield
    }) : () -> ()
    %add3A_32 = arith.constant 128 : i32
    %add3A_33 = arith.addi %multiple_of3A_25, %add3A_32 : i32
    "tpu.region"() ({
      %run_scoped3A = tpu.sem_alloc : memref<!tpu.dma_semaphore, #tpu.memory_space<semaphore_mem>>
      %dma_start3A = arith.constant 0 : i32
      %dma_start3A_46 = arith.constant 0 : i32
      %dma_start3A_47 = tpu.memref_slice %arg10[%dma_start3A, %dma_start3A_46] : memref<128x128xf32, #tpu.memory_space<vmem>> -> memref<128x128xf32, #tpu.memory_space<vmem>>
      %dma_start3A_48 = arith.constant 0 : i32
      %dma_start3A_49 = tpu.memref_slice %arg6[%add3A_33, %dma_start3A_48] : memref<20480x128xf32, #tpu.memory_space<hbm>> -> memref<128x128xf32, #tpu.memory_space<hbm>>
      %dma_start3A_50 = arith.constant 0 : i32
      %dma_start3A_51 = tpu.memref_slice %arg6[%add3A_33, %dma_start3A_50] : memref<20480x128xf32, #tpu.memory_space<hbm>> -> memref<128x128xf32, #tpu.memory_space<hbm>>
      %dma_start3A_52 = arith.constant 0 : i32
      %dma_start3A_53 = arith.constant 0 : i32
      %dma_start3A_54 = tpu.memref_slice %arg10[%dma_start3A_52, %dma_start3A_53] : memref<128x128xf32, #tpu.memory_space<vmem>> -> memref<128x128xf32, #tpu.memory_space<vmem>>
      tpu.enqueue_dma source(%dma_start3A_54 : memref<128x128xf32, #tpu.memory_space<vmem>>) target(%dma_start3A_51 : memref<128x128xf32, #tpu.memory_space<hbm>>) target_semaphore(%run_scoped3A : memref<!tpu.dma_semaphore, #tpu.memory_space<semaphore_mem>>)
      %dma_wait3A = arith.constant 0 : i32
      %dma_wait3A_55 = arith.constant 0 : i32
      %dma_wait3A_56 = tpu.memref_slice %arg10[%dma_wait3A, %dma_wait3A_55] : memref<128x128xf32, #tpu.memory_space<vmem>> -> memref<128x128xf32, #tpu.memory_space<vmem>>
      %dma_wait3A_57 = arith.constant 0 : i32
      %dma_wait3A_58 = tpu.memref_slice %arg6[%add3A_33, %dma_wait3A_57] : memref<20480x128xf32, #tpu.memory_space<hbm>> -> memref<128x128xf32, #tpu.memory_space<hbm>>
      %dma_wait3A_59 = arith.constant 0 : i32
      %dma_wait3A_60 = tpu.memref_slice %arg6[%add3A_33, %dma_wait3A_59] : memref<20480x128xf32, #tpu.memory_space<hbm>> -> memref<128x128xf32, #tpu.memory_space<hbm>>
      %dma_wait3A_61 = arith.constant 0 : i32
      %dma_wait3A_62 = arith.constant 0 : i32
      %dma_wait3A_63 = tpu.memref_slice %arg10[%dma_wait3A_61, %dma_wait3A_62] : memref<128x128xf32, #tpu.memory_space<vmem>> -> memref<128x128xf32, #tpu.memory_space<vmem>>
      tpu.wait_dma2 semaphore(%run_scoped3A : memref<!tpu.dma_semaphore, #tpu.memory_space<semaphore_mem>>) src(%dma_wait3A_63 : memref<128x128xf32, #tpu.memory_space<vmem>>) dst(%dma_wait3A_60 : memref<128x128xf32, #tpu.memory_space<hbm>>)
      tpu.yield
    }) : () -> ()
    %add3A_34 = arith.constant 256 : i32
    %add3A_35 = arith.addi %multiple_of3A, %add3A_34 : i32
    "tpu.region"() ({
      %run_scoped3A = tpu.sem_alloc : memref<!tpu.dma_semaphore, #tpu.memory_space<semaphore_mem>>
      %dma_start3A = arith.constant 0 : i32
      %dma_start3A_46 = arith.constant 0 : i32
      %dma_start3A_47 = tpu.memref_slice %arg10[%dma_start3A, %dma_start3A_46] : memref<128x128xf32, #tpu.memory_space<vmem>> -> memref<128x128xf32, #tpu.memory_space<vmem>>
      %dma_start3A_48 = arith.constant 0 : i32
      %dma_start3A_49 = tpu.memref_slice %arg7[%add3A_35, %dma_start3A_48] : memref<10240x128xf32, #tpu.memory_space<vmem_shared>> -> memref<128x128xf32, #tpu.memory_space<vmem_shared>>
      %dma_start3A_50 = arith.constant 0 : i32
      %dma_start3A_51 = arith.constant 0 : i32
      %dma_start3A_52 = tpu.memref_slice %arg10[%dma_start3A_50, %dma_start3A_51] : memref<128x128xf32, #tpu.memory_space<vmem>> -> memref<128x128xf32, #tpu.memory_space<vmem>>
      %dma_start3A_53 = arith.constant 0 : i32
      %dma_start3A_54 = tpu.memref_slice %arg7[%add3A_35, %dma_start3A_53] : memref<10240x128xf32, #tpu.memory_space<vmem_shared>> -> memref<128x128xf32, #tpu.memory_space<vmem_shared>>
      tpu.enqueue_dma source(%dma_start3A_54 : memref<128x128xf32, #tpu.memory_space<vmem_shared>>) target(%dma_start3A_52 : memref<128x128xf32, #tpu.memory_space<vmem>>) target_semaphore(%run_scoped3A : memref<!tpu.dma_semaphore, #tpu.memory_space<semaphore_mem>>)
      %dma_wait3A = arith.constant 0 : i32
      %dma_wait3A_55 = arith.constant 0 : i32
      %dma_wait3A_56 = tpu.memref_slice %arg10[%dma_wait3A, %dma_wait3A_55] : memref<128x128xf32, #tpu.memory_space<vmem>> -> memref<128x128xf32, #tpu.memory_space<vmem>>
      %dma_wait3A_57 = arith.constant 0 : i32
      %dma_wait3A_58 = tpu.memref_slice %arg7[%add3A_35, %dma_wait3A_57] : memref<10240x128xf32, #tpu.memory_space<vmem_shared>> -> memref<128x128xf32, #tpu.memory_space<vmem_shared>>
      %dma_wait3A_59 = arith.constant 0 : i32
      %dma_wait3A_60 = arith.constant 0 : i32
      %dma_wait3A_61 = tpu.memref_slice %arg10[%dma_wait3A_59, %dma_wait3A_60] : memref<128x128xf32, #tpu.memory_space<vmem>> -> memref<128x128xf32, #tpu.memory_space<vmem>>
      %dma_wait3A_62 = arith.constant 0 : i32
      %dma_wait3A_63 = tpu.memref_slice %arg7[%add3A_35, %dma_wait3A_62] : memref<10240x128xf32, #tpu.memory_space<vmem_shared>> -> memref<128x128xf32, #tpu.memory_space<vmem_shared>>
      tpu.wait_dma2 semaphore(%run_scoped3A : memref<!tpu.dma_semaphore, #tpu.memory_space<semaphore_mem>>) src(%dma_wait3A_63 : memref<128x128xf32, #tpu.memory_space<vmem_shared>>) dst(%dma_wait3A_61 : memref<128x128xf32, #tpu.memory_space<vmem>>)
      tpu.yield
    }) : () -> ()
    %add3A_36 = arith.constant 256 : i32
    %add3A_37 = arith.addi %multiple_of3A_25, %add3A_36 : i32
    "tpu.region"() ({
      %run_scoped3A = tpu.sem_alloc : memref<!tpu.dma_semaphore, #tpu.memory_space<semaphore_mem>>
      %dma_start3A = arith.constant 0 : i32
      %dma_start3A_46 = arith.constant 0 : i32
      %dma_start3A_47 = tpu.memref_slice %arg10[%dma_start3A, %dma_start3A_46] : memref<128x128xf32, #tpu.memory_space<vmem>> -> memref<128x128xf32, #tpu.memory_space<vmem>>
      %dma_start3A_48 = arith.constant 0 : i32
      %dma_start3A_49 = tpu.memref_slice %arg6[%add3A_37, %dma_start3A_48] : memref<20480x128xf32, #tpu.memory_space<hbm>> -> memref<128x128xf32, #tpu.memory_space<hbm>>
      %dma_start3A_50 = arith.constant 0 : i32
      %dma_start3A_51 = tpu.memref_slice %arg6[%add3A_37, %dma_start3A_50] : memref<20480x128xf32, #tpu.memory_space<hbm>> -> memref<128x128xf32, #tpu.memory_space<hbm>>
      %dma_start3A_52 = arith.constant 0 : i32
      %dma_start3A_53 = arith.constant 0 : i32
      %dma_start3A_54 = tpu.memref_slice %arg10[%dma_start3A_52, %dma_start3A_53] : memref<128x128xf32, #tpu.memory_space<vmem>> -> memref<128x128xf32, #tpu.memory_space<vmem>>
      tpu.enqueue_dma source(%dma_start3A_54 : memref<128x128xf32, #tpu.memory_space<vmem>>) target(%dma_start3A_51 : memref<128x128xf32, #tpu.memory_space<hbm>>) target_semaphore(%run_scoped3A : memref<!tpu.dma_semaphore, #tpu.memory_space<semaphore_mem>>)
      %dma_wait3A = arith.constant 0 : i32
      %dma_wait3A_55 = arith.constant 0 : i32
      %dma_wait3A_56 = tpu.memref_slice %arg10[%dma_wait3A, %dma_wait3A_55] : memref<128x128xf32, #tpu.memory_space<vmem>> -> memref<128x128xf32, #tpu.memory_space<vmem>>
      %dma_wait3A_57 = arith.constant 0 : i32
      %dma_wait3A_58 = tpu.memref_slice %arg6[%add3A_37, %dma_wait3A_57] : memref<20480x128xf32, #tpu.memory_space<hbm>> -> memref<128x128xf32, #tpu.memory_space<hbm>>
      %dma_wait3A_59 = arith.constant 0 : i32
      %dma_wait3A_60 = tpu.memref_slice %arg6[%add3A_37, %dma_wait3A_59] : memref<20480x128xf32, #tpu.memory_space<hbm>> -> memref<128x128xf32, #tpu.memory_space<hbm>>
      %dma_wait3A_61 = arith.constant 0 : i32
      %dma_wait3A_62 = arith.constant 0 : i32
      %dma_wait3A_63 = tpu.memref_slice %arg10[%dma_wait3A_61, %dma_wait3A_62] : memref<128x128xf32, #tpu.memory_space<vmem>> -> memref<128x128xf32, #tpu.memory_space<vmem>>
      tpu.wait_dma2 semaphore(%run_scoped3A : memref<!tpu.dma_semaphore, #tpu.memory_space<semaphore_mem>>) src(%dma_wait3A_63 : memref<128x128xf32, #tpu.memory_space<vmem>>) dst(%dma_wait3A_60 : memref<128x128xf32, #tpu.memory_space<hbm>>)
      tpu.yield
    }) : () -> ()
    %add3A_38 = arith.constant 384 : i32
    %add3A_39 = arith.addi %multiple_of3A, %add3A_38 : i32
    "tpu.region"() ({
      %run_scoped3A = tpu.sem_alloc : memref<!tpu.dma_semaphore, #tpu.memory_space<semaphore_mem>>
      %dma_start3A = arith.constant 0 : i32
      %dma_start3A_46 = arith.constant 0 : i32
      %dma_start3A_47 = tpu.memref_slice %arg10[%dma_start3A, %dma_start3A_46] : memref<128x128xf32, #tpu.memory_space<vmem>> -> memref<128x128xf32, #tpu.memory_space<vmem>>
      %dma_start3A_48 = arith.constant 0 : i32
      %dma_start3A_49 = tpu.memref_slice %arg7[%add3A_39, %dma_start3A_48] : memref<10240x128xf32, #tpu.memory_space<vmem_shared>> -> memref<128x128xf32, #tpu.memory_space<vmem_shared>>
      %dma_start3A_50 = arith.constant 0 : i32
      %dma_start3A_51 = arith.constant 0 : i32
      %dma_start3A_52 = tpu.memref_slice %arg10[%dma_start3A_50, %dma_start3A_51] : memref<128x128xf32, #tpu.memory_space<vmem>> -> memref<128x128xf32, #tpu.memory_space<vmem>>
      %dma_start3A_53 = arith.constant 0 : i32
      %dma_start3A_54 = tpu.memref_slice %arg7[%add3A_39, %dma_start3A_53] : memref<10240x128xf32, #tpu.memory_space<vmem_shared>> -> memref<128x128xf32, #tpu.memory_space<vmem_shared>>
      tpu.enqueue_dma source(%dma_start3A_54 : memref<128x128xf32, #tpu.memory_space<vmem_shared>>) target(%dma_start3A_52 : memref<128x128xf32, #tpu.memory_space<vmem>>) target_semaphore(%run_scoped3A : memref<!tpu.dma_semaphore, #tpu.memory_space<semaphore_mem>>)
      %dma_wait3A = arith.constant 0 : i32
      %dma_wait3A_55 = arith.constant 0 : i32
      %dma_wait3A_56 = tpu.memref_slice %arg10[%dma_wait3A, %dma_wait3A_55] : memref<128x128xf32, #tpu.memory_space<vmem>> -> memref<128x128xf32, #tpu.memory_space<vmem>>
      %dma_wait3A_57 = arith.constant 0 : i32
      %dma_wait3A_58 = tpu.memref_slice %arg7[%add3A_39, %dma_wait3A_57] : memref<10240x128xf32, #tpu.memory_space<vmem_shared>> -> memref<128x128xf32, #tpu.memory_space<vmem_shared>>
      %dma_wait3A_59 = arith.constant 0 : i32
      %dma_wait3A_60 = arith.constant 0 : i32
      %dma_wait3A_61 = tpu.memref_slice %arg10[%dma_wait3A_59, %dma_wait3A_60] : memref<128x128xf32, #tpu.memory_space<vmem>> -> memref<128x128xf32, #tpu.memory_space<vmem>>
      %dma_wait3A_62 = arith.constant 0 : i32
      %dma_wait3A_63 = tpu.memref_slice %arg7[%add3A_39, %dma_wait3A_62] : memref<10240x128xf32, #tpu.memory_space<vmem_shared>> -> memref<128x128xf32, #tpu.memory_space<vmem_shared>>
      tpu.wait_dma2 semaphore(%run_scoped3A : memref<!tpu.dma_semaphore, #tpu.memory_space<semaphore_mem>>) src(%dma_wait3A_63 : memref<128x128xf32, #tpu.memory_space<vmem_shared>>) dst(%dma_wait3A_61 : memref<128x128xf32, #tpu.memory_space<vmem>>)
      tpu.yield
    }) : () -> ()
    %add3A_40 = arith.constant 384 : i32
    %add3A_41 = arith.addi %multiple_of3A_25, %add3A_40 : i32
    "tpu.region"() ({
      %run_scoped3A = tpu.sem_alloc : memref<!tpu.dma_semaphore, #tpu.memory_space<semaphore_mem>>
      %dma_start3A = arith.constant 0 : i32
      %dma_start3A_46 = arith.constant 0 : i32
      %dma_start3A_47 = tpu.memref_slice %arg10[%dma_start3A, %dma_start3A_46] : memref<128x128xf32, #tpu.memory_space<vmem>> -> memref<128x128xf32, #tpu.memory_space<vmem>>
      %dma_start3A_48 = arith.constant 0 : i32
      %dma_start3A_49 = tpu.memref_slice %arg6[%add3A_41, %dma_start3A_48] : memref<20480x128xf32, #tpu.memory_space<hbm>> -> memref<128x128xf32, #tpu.memory_space<hbm>>
      %dma_start3A_50 = arith.constant 0 : i32
      %dma_start3A_51 = tpu.memref_slice %arg6[%add3A_41, %dma_start3A_50] : memref<20480x128xf32, #tpu.memory_space<hbm>> -> memref<128x128xf32, #tpu.memory_space<hbm>>
      %dma_start3A_52 = arith.constant 0 : i32
      %dma_start3A_53 = arith.constant 0 : i32
      %dma_start3A_54 = tpu.memref_slice %arg10[%dma_start3A_52, %dma_start3A_53] : memref<128x128xf32, #tpu.memory_space<vmem>> -> memref<128x128xf32, #tpu.memory_space<vmem>>
      tpu.enqueue_dma source(%dma_start3A_54 : memref<128x128xf32, #tpu.memory_space<vmem>>) target(%dma_start3A_51 : memref<128x128xf32, #tpu.memory_space<hbm>>) target_semaphore(%run_scoped3A : memref<!tpu.dma_semaphore, #tpu.memory_space<semaphore_mem>>)
      %dma_wait3A = arith.constant 0 : i32
      %dma_wait3A_55 = arith.constant 0 : i32
      %dma_wait3A_56 = tpu.memref_slice %arg10[%dma_wait3A, %dma_wait3A_55] : memref<128x128xf32, #tpu.memory_space<vmem>> -> memref<128x128xf32, #tpu.memory_space<vmem>>
      %dma_wait3A_57 = arith.constant 0 : i32
      %dma_wait3A_58 = tpu.memref_slice %arg6[%add3A_41, %dma_wait3A_57] : memref<20480x128xf32, #tpu.memory_space<hbm>> -> memref<128x128xf32, #tpu.memory_space<hbm>>
      %dma_wait3A_59 = arith.constant 0 : i32
      %dma_wait3A_60 = tpu.memref_slice %arg6[%add3A_41, %dma_wait3A_59] : memref<20480x128xf32, #tpu.memory_space<hbm>> -> memref<128x128xf32, #tpu.memory_space<hbm>>
      %dma_wait3A_61 = arith.constant 0 : i32
      %dma_wait3A_62 = arith.constant 0 : i32
      %dma_wait3A_63 = tpu.memref_slice %arg10[%dma_wait3A_61, %dma_wait3A_62] : memref<128x128xf32, #tpu.memory_space<vmem>> -> memref<128x128xf32, #tpu.memory_space<vmem>>
      tpu.wait_dma2 semaphore(%run_scoped3A : memref<!tpu.dma_semaphore, #tpu.memory_space<semaphore_mem>>) src(%dma_wait3A_63 : memref<128x128xf32, #tpu.memory_space<vmem>>) dst(%dma_wait3A_60 : memref<128x128xf32, #tpu.memory_space<hbm>>)
      tpu.yield
    }) : () -> ()
    %add3A_42 = arith.constant 512 : i32
    %add3A_43 = arith.addi %multiple_of3A, %add3A_42 : i32
    "tpu.region"() ({
      %run_scoped3A = tpu.sem_alloc : memref<!tpu.dma_semaphore, #tpu.memory_space<semaphore_mem>>
      %dma_start3A = arith.constant 0 : i32
      %dma_start3A_46 = arith.constant 0 : i32
      %dma_start3A_47 = tpu.memref_slice %arg10[%dma_start3A, %dma_start3A_46] : memref<128x128xf32, #tpu.memory_space<vmem>> -> memref<128x128xf32, #tpu.memory_space<vmem>>
      %dma_start3A_48 = arith.constant 0 : i32
      %dma_start3A_49 = tpu.memref_slice %arg7[%add3A_43, %dma_start3A_48] : memref<10240x128xf32, #tpu.memory_space<vmem_shared>> -> memref<128x128xf32, #tpu.memory_space<vmem_shared>>
      %dma_start3A_50 = arith.constant 0 : i32
      %dma_start3A_51 = arith.constant 0 : i32
      %dma_start3A_52 = tpu.memref_slice %arg10[%dma_start3A_50, %dma_start3A_51] : memref<128x128xf32, #tpu.memory_space<vmem>> -> memref<128x128xf32, #tpu.memory_space<vmem>>
      %dma_start3A_53 = arith.constant 0 : i32
      %dma_start3A_54 = tpu.memref_slice %arg7[%add3A_43, %dma_start3A_53] : memref<10240x128xf32, #tpu.memory_space<vmem_shared>> -> memref<128x128xf32, #tpu.memory_space<vmem_shared>>
      tpu.enqueue_dma source(%dma_start3A_54 : memref<128x128xf32, #tpu.memory_space<vmem_shared>>) target(%dma_start3A_52 : memref<128x128xf32, #tpu.memory_space<vmem>>) target_semaphore(%run_scoped3A : memref<!tpu.dma_semaphore, #tpu.memory_space<semaphore_mem>>)
      %dma_wait3A = arith.constant 0 : i32
      %dma_wait3A_55 = arith.constant 0 : i32
      %dma_wait3A_56 = tpu.memref_slice %arg10[%dma_wait3A, %dma_wait3A_55] : memref<128x128xf32, #tpu.memory_space<vmem>> -> memref<128x128xf32, #tpu.memory_space<vmem>>
      %dma_wait3A_57 = arith.constant 0 : i32
      %dma_wait3A_58 = tpu.memref_slice %arg7[%add3A_43, %dma_wait3A_57] : memref<10240x128xf32, #tpu.memory_space<vmem_shared>> -> memref<128x128xf32, #tpu.memory_space<vmem_shared>>
      %dma_wait3A_59 = arith.constant 0 : i32
      %dma_wait3A_60 = arith.constant 0 : i32
      %dma_wait3A_61 = tpu.memref_slice %arg10[%dma_wait3A_59, %dma_wait3A_60] : memref<128x128xf32, #tpu.memory_space<vmem>> -> memref<128x128xf32, #tpu.memory_space<vmem>>
      %dma_wait3A_62 = arith.constant 0 : i32
      %dma_wait3A_63 = tpu.memref_slice %arg7[%add3A_43, %dma_wait3A_62] : memref<10240x128xf32, #tpu.memory_space<vmem_shared>> -> memref<128x128xf32, #tpu.memory_space<vmem_shared>>
      tpu.wait_dma2 semaphore(%run_scoped3A : memref<!tpu.dma_semaphore, #tpu.memory_space<semaphore_mem>>) src(%dma_wait3A_63 : memref<128x128xf32, #tpu.memory_space<vmem_shared>>) dst(%dma_wait3A_61 : memref<128x128xf32, #tpu.memory_space<vmem>>)
      tpu.yield
    }) : () -> ()
    %add3A_44 = arith.constant 512 : i32
    %add3A_45 = arith.addi %multiple_of3A_25, %add3A_44 : i32
    "tpu.region"() ({
      %run_scoped3A = tpu.sem_alloc : memref<!tpu.dma_semaphore, #tpu.memory_space<semaphore_mem>>
      %dma_start3A = arith.constant 0 : i32
      %dma_start3A_46 = arith.constant 0 : i32
      %dma_start3A_47 = tpu.memref_slice %arg10[%dma_start3A, %dma_start3A_46] : memref<128x128xf32, #tpu.memory_space<vmem>> -> memref<128x128xf32, #tpu.memory_space<vmem>>
      %dma_start3A_48 = arith.constant 0 : i32
      %dma_start3A_49 = tpu.memref_slice %arg6[%add3A_45, %dma_start3A_48] : memref<20480x128xf32, #tpu.memory_space<hbm>> -> memref<128x128xf32, #tpu.memory_space<hbm>>
      %dma_start3A_50 = arith.constant 0 : i32
      %dma_start3A_51 = tpu.memref_slice %arg6[%add3A_45, %dma_start3A_50] : memref<20480x128xf32, #tpu.memory_space<hbm>> -> memref<128x128xf32, #tpu.memory_space<hbm>>
      %dma_start3A_52 = arith.constant 0 : i32
      %dma_start3A_53 = arith.constant 0 : i32
      %dma_start3A_54 = tpu.memref_slice %arg10[%dma_start3A_52, %dma_start3A_53] : memref<128x128xf32, #tpu.memory_space<vmem>> -> memref<128x128xf32, #tpu.memory_space<vmem>>
      tpu.enqueue_dma source(%dma_start3A_54 : memref<128x128xf32, #tpu.memory_space<vmem>>) target(%dma_start3A_51 : memref<128x128xf32, #tpu.memory_space<hbm>>) target_semaphore(%run_scoped3A : memref<!tpu.dma_semaphore, #tpu.memory_space<semaphore_mem>>)
      %dma_wait3A = arith.constant 0 : i32
      %dma_wait3A_55 = arith.constant 0 : i32
      %dma_wait3A_56 = tpu.memref_slice %arg10[%dma_wait3A, %dma_wait3A_55] : memref<128x128xf32, #tpu.memory_space<vmem>> -> memref<128x128xf32, #tpu.memory_space<vmem>>
      %dma_wait3A_57 = arith.constant 0 : i32
      %dma_wait3A_58 = tpu.memref_slice %arg6[%add3A_45, %dma_wait3A_57] : memref<20480x128xf32, #tpu.memory_space<hbm>> -> memref<128x128xf32, #tpu.memory_space<hbm>>
      %dma_wait3A_59 = arith.constant 0 : i32
      %dma_wait3A_60 = tpu.memref_slice %arg6[%add3A_45, %dma_wait3A_59] : memref<20480x128xf32, #tpu.memory_space<hbm>> -> memref<128x128xf32, #tpu.memory_space<hbm>>
      %dma_wait3A_61 = arith.constant 0 : i32
      %dma_wait3A_62 = arith.constant 0 : i32
      %dma_wait3A_63 = tpu.memref_slice %arg10[%dma_wait3A_61, %dma_wait3A_62] : memref<128x128xf32, #tpu.memory_space<vmem>> -> memref<128x128xf32, #tpu.memory_space<vmem>>
      tpu.wait_dma2 semaphore(%run_scoped3A : memref<!tpu.dma_semaphore, #tpu.memory_space<semaphore_mem>>) src(%dma_wait3A_63 : memref<128x128xf32, #tpu.memory_space<vmem>>) dst(%dma_wait3A_60 : memref<128x128xf32, #tpu.memory_space<hbm>>)
      tpu.yield
    }) : () -> ()
    return
  }
}

#map = affine_map<(d0, d1) -> (0, 0)>
module attributes {stable_mosaic.version = 14 : i64} {
  func.func @body(%arg0: i32, %arg1: i32, %arg2: memref<10000x128xf32, #tpu.memory_space<hbm>>, %arg3: memref<2528x128xi32, #tpu.memory_space<hbm>>, %arg4: memref<2528x128xi32, #tpu.memory_space<hbm>>, %arg5: memref<128x128xf32, #tpu.memory_space<hbm>>, %arg6: memref<20480x128xf32, #tpu.memory_space<hbm>>, %arg7: memref<10240x128xf32, #tpu.memory_space<vmem_shared>>, %arg8: memref<128xi32, #tpu.memory_space<vmem>>, %arg9: memref<128xi32, #tpu.memory_space<vmem>>, %arg10: memref<128x128xf32, #tpu.memory_space<vmem>>, %arg11: memref<!tpu.dma_semaphore, #tpu.memory_space<semaphore_mem>>) attributes {dimension_semantics = [#tpu.dimension_semantics<core_parallel>, #tpu.dimension_semantics<subcore_parallel>], iteration_bounds = array<i64: 2, 16>, scalar_prefetch = 0 : i64, scratch_operands = 5 : i64, tpu.core_type = #tpu.core_type<sc_vector_subcore>, window_params = [{transform_indices = #map}, {transform_indices = #map}, {transform_indices = #map}, {transform_indices = #map}, {transform_indices = #map}]} {
    %mul3A = arith.constant 640 : i32
    %mul3A_0 = arith.muli %arg1, %mul3A : i32
    %multiple_of3A = tpu.assume_multiple %mul3A_0, 640 : i32
    %mul3A_1 = arith.constant 16 : i32
    %mul3A_2 = arith.muli %arg0, %mul3A_1 : i32
    %add3A = arith.addi %mul3A_2, %arg1 : i32
    %mul3A_3 = arith.constant 79 : i32
    %mul3A_4 = arith.muli %add3A, %mul3A_3 : i32
    "tpu.region"() ({
      %run_scoped3A = tpu.sem_alloc : memref<!tpu.dma_semaphore, #tpu.memory_space<semaphore_mem>>
      tpu.enqueue_dma source(%arg5 : memref<128x128xf32, #tpu.memory_space<hbm>>) target(%arg10 : memref<128x128xf32, #tpu.memory_space<vmem>>) target_semaphore(%run_scoped3A : memref<!tpu.dma_semaphore, #tpu.memory_space<semaphore_mem>>)
      tpu.wait_dma2 semaphore(%run_scoped3A : memref<!tpu.dma_semaphore, #tpu.memory_space<semaphore_mem>>) src(%arg5 : memref<128x128xf32, #tpu.memory_space<hbm>>) dst(%arg10 : memref<128x128xf32, #tpu.memory_space<vmem>>)
      tpu.yield
    }) : () -> ()
    %add3A_5 = arith.constant 0 : i32
    %add3A_6 = arith.addi %multiple_of3A, %add3A_5 : i32
    "tpu.region"() ({
      %run_scoped3A = tpu.sem_alloc : memref<!tpu.dma_semaphore, #tpu.memory_space<semaphore_mem>>
      %dma_start3A = arith.constant 0 : i32
      %dma_start3A_46 = arith.constant 0 : i32
      %dma_start3A_47 = tpu.memref_slice %arg10[%dma_start3A, %dma_start3A_46] : memref<128x128xf32, #tpu.memory_space<vmem>> -> memref<128x128xf32, #tpu.memory_space<vmem>>
      %dma_start3A_48 = arith.constant 0 : i32
      %dma_start3A_49 = tpu.memref_slice %arg7[%add3A_6, %dma_start3A_48] : memref<10240x128xf32, #tpu.memory_space<vmem_shared>> -> memref<128x128xf32, #tpu.memory_space<vmem_shared>>
      %dma_start3A_50 = arith.constant 0 : i32
      %dma_start3A_51 = tpu.memref_slice %arg7[%add3A_6, %dma_start3A_50] : memref<10240x128xf32, #tpu.memory_space<vmem_shared>> -> memref<128x128xf32, #tpu.memory_space<vmem_shared>>
      %dma_start3A_52 = arith.constant 0 : i32
      %dma_start3A_53 = arith.constant 0 : i32
      %dma_start3A_54 = tpu.memref_slice %arg10[%dma_start3A_52, %dma_start3A_53] : memref<128x128xf32, #tpu.memory_space<vmem>> -> memref<128x128xf32, #tpu.memory_space<vmem>>
      tpu.enqueue_dma source(%dma_start3A_54 : memref<128x128xf32, #tpu.memory_space<vmem>>) target(%dma_start3A_51 : memref<128x128xf32, #tpu.memory_space<vmem_shared>>) target_semaphore(%run_scoped3A : memref<!tpu.dma_semaphore, #tpu.memory_space<semaphore_mem>>)
      %dma_wait3A = arith.constant 0 : i32
      %dma_wait3A_55 = arith.constant 0 : i32
      %dma_wait3A_56 = tpu.memref_slice %arg10[%dma_wait3A, %dma_wait3A_55] : memref<128x128xf32, #tpu.memory_space<vmem>> -> memref<128x128xf32, #tpu.memory_space<vmem>>
      %dma_wait3A_57 = arith.constant 0 : i32
      %dma_wait3A_58 = tpu.memref_slice %arg7[%add3A_6, %dma_wait3A_57] : memref<10240x128xf32, #tpu.memory_space<vmem_shared>> -> memref<128x128xf32, #tpu.memory_space<vmem_shared>>
      %dma_wait3A_59 = arith.constant 0 : i32
      %dma_wait3A_60 = tpu.memref_slice %arg7[%add3A_6, %dma_wait3A_59] : memref<10240x128xf32, #tpu.memory_space<vmem_shared>> -> memref<128x128xf32, #tpu.memory_space<vmem_shared>>
      %dma_wait3A_61 = arith.constant 0 : i32
      %dma_wait3A_62 = arith.constant 0 : i32
      %dma_wait3A_63 = tpu.memref_slice %arg10[%dma_wait3A_61, %dma_wait3A_62] : memref<128x128xf32, #tpu.memory_space<vmem>> -> memref<128x128xf32, #tpu.memory_space<vmem>>
      tpu.wait_dma2 semaphore(%run_scoped3A : memref<!tpu.dma_semaphore, #tpu.memory_space<semaphore_mem>>) src(%dma_wait3A_63 : memref<128x128xf32, #tpu.memory_space<vmem>>) dst(%dma_wait3A_60 : memref<128x128xf32, #tpu.memory_space<vmem_shared>>)
      tpu.yield
    }) : () -> ()
    %add3A_7 = arith.constant 128 : i32
    %add3A_8 = arith.addi %multiple_of3A, %add3A_7 : i32
    "tpu.region"() ({
      %run_scoped3A = tpu.sem_alloc : memref<!tpu.dma_semaphore, #tpu.memory_space<semaphore_mem>>
      %dma_start3A = arith.constant 0 : i32
      %dma_start3A_46 = arith.constant 0 : i32
      %dma_start3A_47 = tpu.memref_slice %arg10[%dma_start3A, %dma_start3A_46] : memref<128x128xf32, #tpu.memory_space<vmem>> -> memref<128x128xf32, #tpu.memory_space<vmem>>
      %dma_start3A_48 = arith.constant 0 : i32
      %dma_start3A_49 = tpu.memref_slice %arg7[%add3A_8, %dma_start3A_48] : memref<10240x128xf32, #tpu.memory_space<vmem_shared>> -> memref<128x128xf32, #tpu.memory_space<vmem_shared>>
      %dma_start3A_50 = arith.constant 0 : i32
      %dma_start3A_51 = tpu.memref_slice %arg7[%add3A_8, %dma_start3A_50] : memref<10240x128xf32, #tpu.memory_space<vmem_shared>> -> memref<128x128xf32, #tpu.memory_space<vmem_shared>>
      %dma_start3A_52 = arith.constant 0 : i32
      %dma_start3A_53 = arith.constant 0 : i32
      %dma_start3A_54 = tpu.memref_slice %arg10[%dma_start3A_52, %dma_start3A_53] : memref<128x128xf32, #tpu.memory_space<vmem>> -> memref<128x128xf32, #tpu.memory_space<vmem>>
      tpu.enqueue_dma source(%dma_start3A_54 : memref<128x128xf32, #tpu.memory_space<vmem>>) target(%dma_start3A_51 : memref<128x128xf32, #tpu.memory_space<vmem_shared>>) target_semaphore(%run_scoped3A : memref<!tpu.dma_semaphore, #tpu.memory_space<semaphore_mem>>)
      %dma_wait3A = arith.constant 0 : i32
      %dma_wait3A_55 = arith.constant 0 : i32
      %dma_wait3A_56 = tpu.memref_slice %arg10[%dma_wait3A, %dma_wait3A_55] : memref<128x128xf32, #tpu.memory_space<vmem>> -> memref<128x128xf32, #tpu.memory_space<vmem>>
      %dma_wait3A_57 = arith.constant 0 : i32
      %dma_wait3A_58 = tpu.memref_slice %arg7[%add3A_8, %dma_wait3A_57] : memref<10240x128xf32, #tpu.memory_space<vmem_shared>> -> memref<128x128xf32, #tpu.memory_space<vmem_shared>>
      %dma_wait3A_59 = arith.constant 0 : i32
      %dma_wait3A_60 = tpu.memref_slice %arg7[%add3A_8, %dma_wait3A_59] : memref<10240x128xf32, #tpu.memory_space<vmem_shared>> -> memref<128x128xf32, #tpu.memory_space<vmem_shared>>
      %dma_wait3A_61 = arith.constant 0 : i32
      %dma_wait3A_62 = arith.constant 0 : i32
      %dma_wait3A_63 = tpu.memref_slice %arg10[%dma_wait3A_61, %dma_wait3A_62] : memref<128x128xf32, #tpu.memory_space<vmem>> -> memref<128x128xf32, #tpu.memory_space<vmem>>
      tpu.wait_dma2 semaphore(%run_scoped3A : memref<!tpu.dma_semaphore, #tpu.memory_space<semaphore_mem>>) src(%dma_wait3A_63 : memref<128x128xf32, #tpu.memory_space<vmem>>) dst(%dma_wait3A_60 : memref<128x128xf32, #tpu.memory_space<vmem_shared>>)
      tpu.yield
    }) : () -> ()
    %add3A_9 = arith.constant 256 : i32
    %add3A_10 = arith.addi %multiple_of3A, %add3A_9 : i32
    "tpu.region"() ({
      %run_scoped3A = tpu.sem_alloc : memref<!tpu.dma_semaphore, #tpu.memory_space<semaphore_mem>>
      %dma_start3A = arith.constant 0 : i32
      %dma_start3A_46 = arith.constant 0 : i32
      %dma_start3A_47 = tpu.memref_slice %arg10[%dma_start3A, %dma_start3A_46] : memref<128x128xf32, #tpu.memory_space<vmem>> -> memref<128x128xf32, #tpu.memory_space<vmem>>
      %dma_start3A_48 = arith.constant 0 : i32
      %dma_start3A_49 = tpu.memref_slice %arg7[%add3A_10, %dma_start3A_48] : memref<10240x128xf32, #tpu.memory_space<vmem_shared>> -> memref<128x128xf32, #tpu.memory_space<vmem_shared>>
      %dma_start3A_50 = arith.constant 0 : i32
      %dma_start3A_51 = tpu.memref_slice %arg7[%add3A_10, %dma_start3A_50] : memref<10240x128xf32, #tpu.memory_space<vmem_shared>> -> memref<128x128xf32, #tpu.memory_space<vmem_shared>>
      %dma_start3A_52 = arith.constant 0 : i32
      %dma_start3A_53 = arith.constant 0 : i32
      %dma_start3A_54 = tpu.memref_slice %arg10[%dma_start3A_52, %dma_start3A_53] : memref<128x128xf32, #tpu.memory_space<vmem>> -> memref<128x128xf32, #tpu.memory_space<vmem>>
      tpu.enqueue_dma source(%dma_start3A_54 : memref<128x128xf32, #tpu.memory_space<vmem>>) target(%dma_start3A_51 : memref<128x128xf32, #tpu.memory_space<vmem_shared>>) target_semaphore(%run_scoped3A : memref<!tpu.dma_semaphore, #tpu.memory_space<semaphore_mem>>)
      %dma_wait3A = arith.constant 0 : i32
      %dma_wait3A_55 = arith.constant 0 : i32
      %dma_wait3A_56 = tpu.memref_slice %arg10[%dma_wait3A, %dma_wait3A_55] : memref<128x128xf32, #tpu.memory_space<vmem>> -> memref<128x128xf32, #tpu.memory_space<vmem>>
      %dma_wait3A_57 = arith.constant 0 : i32
      %dma_wait3A_58 = tpu.memref_slice %arg7[%add3A_10, %dma_wait3A_57] : memref<10240x128xf32, #tpu.memory_space<vmem_shared>> -> memref<128x128xf32, #tpu.memory_space<vmem_shared>>
      %dma_wait3A_59 = arith.constant 0 : i32
      %dma_wait3A_60 = tpu.memref_slice %arg7[%add3A_10, %dma_wait3A_59] : memref<10240x128xf32, #tpu.memory_space<vmem_shared>> -> memref<128x128xf32, #tpu.memory_space<vmem_shared>>
      %dma_wait3A_61 = arith.constant 0 : i32
      %dma_wait3A_62 = arith.constant 0 : i32
      %dma_wait3A_63 = tpu.memref_slice %arg10[%dma_wait3A_61, %dma_wait3A_62] : memref<128x128xf32, #tpu.memory_space<vmem>> -> memref<128x128xf32, #tpu.memory_space<vmem>>
      tpu.wait_dma2 semaphore(%run_scoped3A : memref<!tpu.dma_semaphore, #tpu.memory_space<semaphore_mem>>) src(%dma_wait3A_63 : memref<128x128xf32, #tpu.memory_space<vmem>>) dst(%dma_wait3A_60 : memref<128x128xf32, #tpu.memory_space<vmem_shared>>)
      tpu.yield
    }) : () -> ()
    %add3A_11 = arith.constant 384 : i32
    %add3A_12 = arith.addi %multiple_of3A, %add3A_11 : i32
    "tpu.region"() ({
      %run_scoped3A = tpu.sem_alloc : memref<!tpu.dma_semaphore, #tpu.memory_space<semaphore_mem>>
      %dma_start3A = arith.constant 0 : i32
      %dma_start3A_46 = arith.constant 0 : i32
      %dma_start3A_47 = tpu.memref_slice %arg10[%dma_start3A, %dma_start3A_46] : memref<128x128xf32, #tpu.memory_space<vmem>> -> memref<128x128xf32, #tpu.memory_space<vmem>>
      %dma_start3A_48 = arith.constant 0 : i32
      %dma_start3A_49 = tpu.memref_slice %arg7[%add3A_12, %dma_start3A_48] : memref<10240x128xf32, #tpu.memory_space<vmem_shared>> -> memref<128x128xf32, #tpu.memory_space<vmem_shared>>
      %dma_start3A_50 = arith.constant 0 : i32
      %dma_start3A_51 = tpu.memref_slice %arg7[%add3A_12, %dma_start3A_50] : memref<10240x128xf32, #tpu.memory_space<vmem_shared>> -> memref<128x128xf32, #tpu.memory_space<vmem_shared>>
      %dma_start3A_52 = arith.constant 0 : i32
      %dma_start3A_53 = arith.constant 0 : i32
      %dma_start3A_54 = tpu.memref_slice %arg10[%dma_start3A_52, %dma_start3A_53] : memref<128x128xf32, #tpu.memory_space<vmem>> -> memref<128x128xf32, #tpu.memory_space<vmem>>
      tpu.enqueue_dma source(%dma_start3A_54 : memref<128x128xf32, #tpu.memory_space<vmem>>) target(%dma_start3A_51 : memref<128x128xf32, #tpu.memory_space<vmem_shared>>) target_semaphore(%run_scoped3A : memref<!tpu.dma_semaphore, #tpu.memory_space<semaphore_mem>>)
      %dma_wait3A = arith.constant 0 : i32
      %dma_wait3A_55 = arith.constant 0 : i32
      %dma_wait3A_56 = tpu.memref_slice %arg10[%dma_wait3A, %dma_wait3A_55] : memref<128x128xf32, #tpu.memory_space<vmem>> -> memref<128x128xf32, #tpu.memory_space<vmem>>
      %dma_wait3A_57 = arith.constant 0 : i32
      %dma_wait3A_58 = tpu.memref_slice %arg7[%add3A_12, %dma_wait3A_57] : memref<10240x128xf32, #tpu.memory_space<vmem_shared>> -> memref<128x128xf32, #tpu.memory_space<vmem_shared>>
      %dma_wait3A_59 = arith.constant 0 : i32
      %dma_wait3A_60 = tpu.memref_slice %arg7[%add3A_12, %dma_wait3A_59] : memref<10240x128xf32, #tpu.memory_space<vmem_shared>> -> memref<128x128xf32, #tpu.memory_space<vmem_shared>>
      %dma_wait3A_61 = arith.constant 0 : i32
      %dma_wait3A_62 = arith.constant 0 : i32
      %dma_wait3A_63 = tpu.memref_slice %arg10[%dma_wait3A_61, %dma_wait3A_62] : memref<128x128xf32, #tpu.memory_space<vmem>> -> memref<128x128xf32, #tpu.memory_space<vmem>>
      tpu.wait_dma2 semaphore(%run_scoped3A : memref<!tpu.dma_semaphore, #tpu.memory_space<semaphore_mem>>) src(%dma_wait3A_63 : memref<128x128xf32, #tpu.memory_space<vmem>>) dst(%dma_wait3A_60 : memref<128x128xf32, #tpu.memory_space<vmem_shared>>)
      tpu.yield
    }) : () -> ()
    %add3A_13 = arith.constant 512 : i32
    %add3A_14 = arith.addi %multiple_of3A, %add3A_13 : i32
    "tpu.region"() ({
      %run_scoped3A = tpu.sem_alloc : memref<!tpu.dma_semaphore, #tpu.memory_space<semaphore_mem>>
      %dma_start3A = arith.constant 0 : i32
      %dma_start3A_46 = arith.constant 0 : i32
      %dma_start3A_47 = tpu.memref_slice %arg10[%dma_start3A, %dma_start3A_46] : memref<128x128xf32, #tpu.memory_space<vmem>> -> memref<128x128xf32, #tpu.memory_space<vmem>>
      %dma_start3A_48 = arith.constant 0 : i32
      %dma_start3A_49 = tpu.memref_slice %arg7[%add3A_14, %dma_start3A_48] : memref<10240x128xf32, #tpu.memory_space<vmem_shared>> -> memref<128x128xf32, #tpu.memory_space<vmem_shared>>
      %dma_start3A_50 = arith.constant 0 : i32
      %dma_start3A_51 = tpu.memref_slice %arg7[%add3A_14, %dma_start3A_50] : memref<10240x128xf32, #tpu.memory_space<vmem_shared>> -> memref<128x128xf32, #tpu.memory_space<vmem_shared>>
      %dma_start3A_52 = arith.constant 0 : i32
      %dma_start3A_53 = arith.constant 0 : i32
      %dma_start3A_54 = tpu.memref_slice %arg10[%dma_start3A_52, %dma_start3A_53] : memref<128x128xf32, #tpu.memory_space<vmem>> -> memref<128x128xf32, #tpu.memory_space<vmem>>
      tpu.enqueue_dma source(%dma_start3A_54 : memref<128x128xf32, #tpu.memory_space<vmem>>) target(%dma_start3A_51 : memref<128x128xf32, #tpu.memory_space<vmem_shared>>) target_semaphore(%run_scoped3A : memref<!tpu.dma_semaphore, #tpu.memory_space<semaphore_mem>>)
      %dma_wait3A = arith.constant 0 : i32
      %dma_wait3A_55 = arith.constant 0 : i32
      %dma_wait3A_56 = tpu.memref_slice %arg10[%dma_wait3A, %dma_wait3A_55] : memref<128x128xf32, #tpu.memory_space<vmem>> -> memref<128x128xf32, #tpu.memory_space<vmem>>
      %dma_wait3A_57 = arith.constant 0 : i32
      %dma_wait3A_58 = tpu.memref_slice %arg7[%add3A_14, %dma_wait3A_57] : memref<10240x128xf32, #tpu.memory_space<vmem_shared>> -> memref<128x128xf32, #tpu.memory_space<vmem_shared>>
      %dma_wait3A_59 = arith.constant 0 : i32
      %dma_wait3A_60 = tpu.memref_slice %arg7[%add3A_14, %dma_wait3A_59] : memref<10240x128xf32, #tpu.memory_space<vmem_shared>> -> memref<128x128xf32, #tpu.memory_space<vmem_shared>>
      %dma_wait3A_61 = arith.constant 0 : i32
      %dma_wait3A_62 = arith.constant 0 : i32
      %dma_wait3A_63 = tpu.memref_slice %arg10[%dma_wait3A_61, %dma_wait3A_62] : memref<128x128xf32, #tpu.memory_space<vmem>> -> memref<128x128xf32, #tpu.memory_space<vmem>>
      tpu.wait_dma2 semaphore(%run_scoped3A : memref<!tpu.dma_semaphore, #tpu.memory_space<semaphore_mem>>) src(%dma_wait3A_63 : memref<128x128xf32, #tpu.memory_space<vmem>>) dst(%dma_wait3A_60 : memref<128x128xf32, #tpu.memory_space<vmem_shared>>)
      tpu.yield
    }) : () -> ()
    %barrier3A = arith.constant 0 : index
    tpu.barrier barrier_id(%barrier3A)
    %scan3A = arith.constant 0 : i32
    %scan3A_15 = arith.constant 79 : i32
    %scan3A_16 = arith.addi %scan3A, %scan3A_15 : i32
    %scan3A_17 = arith.constant 1 : i32
    scf.for %scan3A_46 = %scan3A to %scan3A_16 step %scan3A_17  : i32 {
      %mul3A_47 = arith.constant 1 : i32
      %mul3A_48 = arith.muli %scan3A_46, %mul3A_47 : i32
      %add3A_49 = arith.constant 0 : i32
      %add3A_50 = arith.addi %add3A_49, %mul3A_48 : i32
      %add3A_51 = arith.addi %mul3A_4, %add3A_50 : i32
      "tpu.region"() ({
        %run_scoped3A = tpu.sem_alloc : memref<!tpu.dma_semaphore, #tpu.memory_space<semaphore_mem>>
        %dma_start3A_57 = arith.constant 0 : i32
        %dma_start3A_58 = tpu.memref_slice %arg3[%add3A_51, %dma_start3A_57] : memref<2528x128xi32, #tpu.memory_space<hbm>> -> memref<1x128xi32, #tpu.memory_space<hbm>>
        %dma_start3A_59 = tpu.memref_squeeze %dma_start3A_58 : memref<1x128xi32, #tpu.memory_space<hbm>> -> memref<128xi32, #tpu.memory_space<hbm>>
        %dma_start3A_60 = arith.constant 0 : i32
        %dma_start3A_61 = tpu.memref_slice %arg3[%add3A_51, %dma_start3A_60] : memref<2528x128xi32, #tpu.memory_space<hbm>> -> memref<1x128xi32, #tpu.memory_space<hbm>>
        %dma_start3A_62 = tpu.memref_squeeze %dma_start3A_61 : memref<1x128xi32, #tpu.memory_space<hbm>> -> memref<128xi32, #tpu.memory_space<hbm>>
        tpu.enqueue_dma source(%dma_start3A_62 : memref<128xi32, #tpu.memory_space<hbm>>) target(%arg8 : memref<128xi32, #tpu.memory_space<vmem>>) target_semaphore(%run_scoped3A : memref<!tpu.dma_semaphore, #tpu.memory_space<semaphore_mem>>)
        %dma_wait3A_63 = arith.constant 0 : i32
        %dma_wait3A_64 = tpu.memref_slice %arg3[%add3A_51, %dma_wait3A_63] : memref<2528x128xi32, #tpu.memory_space<hbm>> -> memref<1x128xi32, #tpu.memory_space<hbm>>
        %dma_wait3A_65 = tpu.memref_squeeze %dma_wait3A_64 : memref<1x128xi32, #tpu.memory_space<hbm>> -> memref<128xi32, #tpu.memory_space<hbm>>
        %dma_wait3A_66 = arith.constant 0 : i32
        %dma_wait3A_67 = tpu.memref_slice %arg3[%add3A_51, %dma_wait3A_66] : memref<2528x128xi32, #tpu.memory_space<hbm>> -> memref<1x128xi32, #tpu.memory_space<hbm>>
        %dma_wait3A_68 = tpu.memref_squeeze %dma_wait3A_67 : memref<1x128xi32, #tpu.memory_space<hbm>> -> memref<128xi32, #tpu.memory_space<hbm>>
        tpu.wait_dma2 semaphore(%run_scoped3A : memref<!tpu.dma_semaphore, #tpu.memory_space<semaphore_mem>>) src(%dma_wait3A_68 : memref<128xi32, #tpu.memory_space<hbm>>) dst(%arg8 : memref<128xi32, #tpu.memory_space<vmem>>)
        tpu.yield
      }) : () -> ()
      %dma_start3A = arith.constant 0 : i32
      %dma_start3A_52 = arith.constant 0 : i32
      %dma_start3A_53 = tpu.memref_slice %arg2[%dma_start3A, %dma_start3A_52] : memref<10000x128xf32, #tpu.memory_space<hbm>> -> memref<10000x128xf32, #tpu.memory_space<hbm>>
      tpu.enqueue_indirect_dma source(%dma_start3A_53 : memref<10000x128xf32, #tpu.memory_space<hbm>>) target(%arg10 : memref<128x128xf32, #tpu.memory_space<vmem>>) offsets(%arg8 : memref<128xi32, #tpu.memory_space<vmem>>) semaphore(%arg11 : memref<!tpu.dma_semaphore, #tpu.memory_space<semaphore_mem>>)
      %add3A_54 = arith.addi %mul3A_4, %add3A_50 : i32
      "tpu.region"() ({
        %run_scoped3A = tpu.sem_alloc : memref<!tpu.dma_semaphore, #tpu.memory_space<semaphore_mem>>
        %dma_start3A_57 = arith.constant 0 : i32
        %dma_start3A_58 = tpu.memref_slice %arg4[%add3A_54, %dma_start3A_57] : memref<2528x128xi32, #tpu.memory_space<hbm>> -> memref<1x128xi32, #tpu.memory_space<hbm>>
        %dma_start3A_59 = tpu.memref_squeeze %dma_start3A_58 : memref<1x128xi32, #tpu.memory_space<hbm>> -> memref<128xi32, #tpu.memory_space<hbm>>
        %dma_start3A_60 = arith.constant 0 : i32
        %dma_start3A_61 = tpu.memref_slice %arg4[%add3A_54, %dma_start3A_60] : memref<2528x128xi32, #tpu.memory_space<hbm>> -> memref<1x128xi32, #tpu.memory_space<hbm>>
        %dma_start3A_62 = tpu.memref_squeeze %dma_start3A_61 : memref<1x128xi32, #tpu.memory_space<hbm>> -> memref<128xi32, #tpu.memory_space<hbm>>
        tpu.enqueue_dma source(%dma_start3A_62 : memref<128xi32, #tpu.memory_space<hbm>>) target(%arg9 : memref<128xi32, #tpu.memory_space<vmem>>) target_semaphore(%run_scoped3A : memref<!tpu.dma_semaphore, #tpu.memory_space<semaphore_mem>>)
        %dma_wait3A_63 = arith.constant 0 : i32
        %dma_wait3A_64 = tpu.memref_slice %arg4[%add3A_54, %dma_wait3A_63] : memref<2528x128xi32, #tpu.memory_space<hbm>> -> memref<1x128xi32, #tpu.memory_space<hbm>>
        %dma_wait3A_65 = tpu.memref_squeeze %dma_wait3A_64 : memref<1x128xi32, #tpu.memory_space<hbm>> -> memref<128xi32, #tpu.memory_space<hbm>>
        %dma_wait3A_66 = arith.constant 0 : i32
        %dma_wait3A_67 = tpu.memref_slice %arg4[%add3A_54, %dma_wait3A_66] : memref<2528x128xi32, #tpu.memory_space<hbm>> -> memref<1x128xi32, #tpu.memory_space<hbm>>
        %dma_wait3A_68 = tpu.memref_squeeze %dma_wait3A_67 : memref<1x128xi32, #tpu.memory_space<hbm>> -> memref<128xi32, #tpu.memory_space<hbm>>
        tpu.wait_dma2 semaphore(%run_scoped3A : memref<!tpu.dma_semaphore, #tpu.memory_space<semaphore_mem>>) src(%dma_wait3A_68 : memref<128xi32, #tpu.memory_space<hbm>>) dst(%arg9 : memref<128xi32, #tpu.memory_space<vmem>>)
        tpu.yield
      }) : () -> ()
      %dma_wait3A = arith.constant 0 : i32
      %dma_wait3A_55 = arith.constant 0 : i32
      %dma_wait3A_56 = tpu.memref_slice %arg2[%dma_wait3A, %dma_wait3A_55] : memref<10000x128xf32, #tpu.memory_space<hbm>> -> memref<10000x128xf32, #tpu.memory_space<hbm>>
      tpu.wait_indirect_dma semaphore(%arg11 : memref<!tpu.dma_semaphore, #tpu.memory_space<semaphore_mem>>) src(%dma_wait3A_56 : memref<10000x128xf32, #tpu.memory_space<hbm>>) dst(%arg10 : memref<128x128xf32, #tpu.memory_space<vmem>>)
      "tpu.region"() ({
        %run_scoped3A = tpu.sem_alloc : memref<!tpu.dma_semaphore, #tpu.memory_space<semaphore_mem>>
        %dma_start3A_57 = arith.constant 0 : i32
        %dma_start3A_58 = arith.constant 0 : i32
        %dma_start3A_59 = tpu.memref_slice %arg7[%dma_start3A_57, %dma_start3A_58] : memref<10240x128xf32, #tpu.memory_space<vmem_shared>> -> memref<10240x128xf32, #tpu.memory_space<vmem_shared>>
        tpu.enqueue_indirect_dma source(%arg10 : memref<128x128xf32, #tpu.memory_space<vmem>>) target(%dma_start3A_59 : memref<10240x128xf32, #tpu.memory_space<vmem_shared>>) offsets(%arg9 : memref<128xi32, #tpu.memory_space<vmem>>) semaphore(%run_scoped3A : memref<!tpu.dma_semaphore, #tpu.memory_space<semaphore_mem>>) {add = true}
        %dma_wait3A_60 = arith.constant 0 : i32
        %dma_wait3A_61 = arith.constant 0 : i32
        %dma_wait3A_62 = tpu.memref_slice %arg7[%dma_wait3A_60, %dma_wait3A_61] : memref<10240x128xf32, #tpu.memory_space<vmem_shared>> -> memref<10240x128xf32, #tpu.memory_space<vmem_shared>>
        tpu.wait_indirect_dma semaphore(%run_scoped3A : memref<!tpu.dma_semaphore, #tpu.memory_space<semaphore_mem>>) src(%arg10 : memref<128x128xf32, #tpu.memory_space<vmem>>) dst(%dma_wait3A_62 : memref<10240x128xf32, #tpu.memory_space<vmem_shared>>)
        tpu.yield
      }) : () -> ()
    }
    %scan3A_18 = arith.constant 79 : i32
    %barrier3A_19 = arith.constant 0 : index
    tpu.barrier barrier_id(%barrier3A_19)
    %mul3A_20 = arith.constant 10240 : i32
    %mul3A_21 = arith.muli %arg0, %mul3A_20 : i32
    %mul3A_22 = arith.constant 640 : i32
    %mul3A_23 = arith.muli %arg1, %mul3A_22 : i32
    %add3A_24 = arith.addi %mul3A_21, %mul3A_23 : i32
    %multiple_of3A_25 = tpu.assume_multiple %add3A_24, 640 : i32
    %add3A_26 = arith.constant 0 : i32
    %add3A_27 = arith.addi %multiple_of3A, %add3A_26 : i32
    "tpu.region"() ({
      %run_scoped3A = tpu.sem_alloc : memref<!tpu.dma_semaphore, #tpu.memory_space<semaphore_mem>>
      %dma_start3A = arith.constant 0 : i32
      %dma_start3A_46 = arith.constant 0 : i32
      %dma_start3A_47 = tpu.memref_slice %arg10[%dma_start3A, %dma_start3A_46] : memref<128x128xf32, #tpu.memory_space<vmem>> -> memref<128x128xf32, #tpu.memory_space<vmem>>
      %dma_start3A_48 = arith.constant 0 : i32
      %dma_start3A_49 = tpu.memref_slice %arg7[%add3A_27, %dma_start3A_48] : memref<10240x128xf32, #tpu.memory_space<vmem_shared>> -> memref<128x128xf32, #tpu.memory_space<vmem_shared>>
      %dma_start3A_50 = arith.constant 0 : i32
      %dma_start3A_51 = arith.constant 0 : i32
      %dma_start3A_52 = tpu.memref_slice %arg10[%dma_start3A_50, %dma_start3A_51] : memref<128x128xf32, #tpu.memory_space<vmem>> -> memref<128x128xf32, #tpu.memory_space<vmem>>
      %dma_start3A_53 = arith.constant 0 : i32
      %dma_start3A_54 = tpu.memref_slice %arg7[%add3A_27, %dma_start3A_53] : memref<10240x128xf32, #tpu.memory_space<vmem_shared>> -> memref<128x128xf32, #tpu.memory_space<vmem_shared>>
      tpu.enqueue_dma source(%dma_start3A_54 : memref<128x128xf32, #tpu.memory_space<vmem_shared>>) target(%dma_start3A_52 : memref<128x128xf32, #tpu.memory_space<vmem>>) target_semaphore(%run_scoped3A : memref<!tpu.dma_semaphore, #tpu.memory_space<semaphore_mem>>)
      %dma_wait3A = arith.constant 0 : i32
      %dma_wait3A_55 = arith.constant 0 : i32
      %dma_wait3A_56 = tpu.memref_slice %arg10[%dma_wait3A, %dma_wait3A_55] : memref<128x128xf32, #tpu.memory_space<vmem>> -> memref<128x128xf32, #tpu.memory_space<vmem>>
      %dma_wait3A_57 = arith.constant 0 : i32
      %dma_wait3A_58 = tpu.memref_slice %arg7[%add3A_27, %dma_wait3A_57] : memref<10240x128xf32, #tpu.memory_space<vmem_shared>> -> memref<128x128xf32, #tpu.memory_space<vmem_shared>>
      %dma_wait3A_59 = arith.constant 0 : i32
      %dma_wait3A_60 = arith.constant 0 : i32
      %dma_wait3A_61 = tpu.memref_slice %arg10[%dma_wait3A_59, %dma_wait3A_60] : memref<128x128xf32, #tpu.memory_space<vmem>> -> memref<128x128xf32, #tpu.memory_space<vmem>>
      %dma_wait3A_62 = arith.constant 0 : i32
      %dma_wait3A_63 = tpu.memref_slice %arg7[%add3A_27, %dma_wait3A_62] : memref<10240x128xf32, #tpu.memory_space<vmem_shared>> -> memref<128x128xf32, #tpu.memory_space<vmem_shared>>
      tpu.wait_dma2 semaphore(%run_scoped3A : memref<!tpu.dma_semaphore, #tpu.memory_space<semaphore_mem>>) src(%dma_wait3A_63 : memref<128x128xf32, #tpu.memory_space<vmem_shared>>) dst(%dma_wait3A_61 : memref<128x128xf32, #tpu.memory_space<vmem>>)
      tpu.yield
    }) : () -> ()
    %add3A_28 = arith.constant 0 : i32
    %add3A_29 = arith.addi %multiple_of3A_25, %add3A_28 : i32
    "tpu.region"() ({
      %run_scoped3A = tpu.sem_alloc : memref<!tpu.dma_semaphore, #tpu.memory_space<semaphore_mem>>
      %dma_start3A = arith.constant 0 : i32
      %dma_start3A_46 = arith.constant 0 : i32
      %dma_start3A_47 = tpu.memref_slice %arg10[%dma_start3A, %dma_start3A_46] : memref<128x128xf32, #tpu.memory_space<vmem>> -> memref<128x128xf32, #tpu.memory_space<vmem>>
      %dma_start3A_48 = arith.constant 0 : i32
      %dma_start3A_49 = tpu.memref_slice %arg6[%add3A_29, %dma_start3A_48] : memref<20480x128xf32, #tpu.memory_space<hbm>> -> memref<128x128xf32, #tpu.memory_space<hbm>>
      %dma_start3A_50 = arith.constant 0 : i32
      %dma_start3A_51 = tpu.memref_slice %arg6[%add3A_29, %dma_start3A_50] : memref<20480x128xf32, #tpu.memory_space<hbm>> -> memref<128x128xf32, #tpu.memory_space<hbm>>
      %dma_start3A_52 = arith.constant 0 : i32
      %dma_start3A_53 = arith.constant 0 : i32
      %dma_start3A_54 = tpu.memref_slice %arg10[%dma_start3A_52, %dma_start3A_53] : memref<128x128xf32, #tpu.memory_space<vmem>> -> memref<128x128xf32, #tpu.memory_space<vmem>>
      tpu.enqueue_dma source(%dma_start3A_54 : memref<128x128xf32, #tpu.memory_space<vmem>>) target(%dma_start3A_51 : memref<128x128xf32, #tpu.memory_space<hbm>>) target_semaphore(%run_scoped3A : memref<!tpu.dma_semaphore, #tpu.memory_space<semaphore_mem>>)
      %dma_wait3A = arith.constant 0 : i32
      %dma_wait3A_55 = arith.constant 0 : i32
      %dma_wait3A_56 = tpu.memref_slice %arg10[%dma_wait3A, %dma_wait3A_55] : memref<128x128xf32, #tpu.memory_space<vmem>> -> memref<128x128xf32, #tpu.memory_space<vmem>>
      %dma_wait3A_57 = arith.constant 0 : i32
      %dma_wait3A_58 = tpu.memref_slice %arg6[%add3A_29, %dma_wait3A_57] : memref<20480x128xf32, #tpu.memory_space<hbm>> -> memref<128x128xf32, #tpu.memory_space<hbm>>
      %dma_wait3A_59 = arith.constant 0 : i32
      %dma_wait3A_60 = tpu.memref_slice %arg6[%add3A_29, %dma_wait3A_59] : memref<20480x128xf32, #tpu.memory_space<hbm>> -> memref<128x128xf32, #tpu.memory_space<hbm>>
      %dma_wait3A_61 = arith.constant 0 : i32
      %dma_wait3A_62 = arith.constant 0 : i32
      %dma_wait3A_63 = tpu.memref_slice %arg10[%dma_wait3A_61, %dma_wait3A_62] : memref<128x128xf32, #tpu.memory_space<vmem>> -> memref<128x128xf32, #tpu.memory_space<vmem>>
      tpu.wait_dma2 semaphore(%run_scoped3A : memref<!tpu.dma_semaphore, #tpu.memory_space<semaphore_mem>>) src(%dma_wait3A_63 : memref<128x128xf32, #tpu.memory_space<vmem>>) dst(%dma_wait3A_60 : memref<128x128xf32, #tpu.memory_space<hbm>>)
      tpu.yield
    }) : () -> ()
    %add3A_30 = arith.constant 128 : i32
    %add3A_31 = arith.addi %multiple_of3A, %add3A_30 : i32
    "tpu.region"() ({
      %run_scoped3A = tpu.sem_alloc : memref<!tpu.dma_semaphore, #tpu.memory_space<semaphore_mem>>
      %dma_start3A = arith.constant 0 : i32
      %dma_start3A_46 = arith.constant 0 : i32
      %dma_start3A_47 = tpu.memref_slice %arg10[%dma_start3A, %dma_start3A_46] : memref<128x128xf32, #tpu.memory_space<vmem>> -> memref<128x128xf32, #tpu.memory_space<vmem>>
      %dma_start3A_48 = arith.constant 0 : i32
      %dma_start3A_49 = tpu.memref_slice %arg7[%add3A_31, %dma_start3A_48] : memref<10240x128xf32, #tpu.memory_space<vmem_shared>> -> memref<128x128xf32, #tpu.memory_space<vmem_shared>>
      %dma_start3A_50 = arith.constant 0 : i32
      %dma_start3A_51 = arith.constant 0 : i32
      %dma_start3A_52 = tpu.memref_slice %arg10[%dma_start3A_50, %dma_start3A_51] : memref<128x128xf32, #tpu.memory_space<vmem>> -> memref<128x128xf32, #tpu.memory_space<vmem>>
      %dma_start3A_53 = arith.constant 0 : i32
      %dma_start3A_54 = tpu.memref_slice %arg7[%add3A_31, %dma_start3A_53] : memref<10240x128xf32, #tpu.memory_space<vmem_shared>> -> memref<128x128xf32, #tpu.memory_space<vmem_shared>>
      tpu.enqueue_dma source(%dma_start3A_54 : memref<128x128xf32, #tpu.memory_space<vmem_shared>>) target(%dma_start3A_52 : memref<128x128xf32, #tpu.memory_space<vmem>>) target_semaphore(%run_scoped3A : memref<!tpu.dma_semaphore, #tpu.memory_space<semaphore_mem>>)
      %dma_wait3A = arith.constant 0 : i32
      %dma_wait3A_55 = arith.constant 0 : i32
      %dma_wait3A_56 = tpu.memref_slice %arg10[%dma_wait3A, %dma_wait3A_55] : memref<128x128xf32, #tpu.memory_space<vmem>> -> memref<128x128xf32, #tpu.memory_space<vmem>>
      %dma_wait3A_57 = arith.constant 0 : i32
      %dma_wait3A_58 = tpu.memref_slice %arg7[%add3A_31, %dma_wait3A_57] : memref<10240x128xf32, #tpu.memory_space<vmem_shared>> -> memref<128x128xf32, #tpu.memory_space<vmem_shared>>
      %dma_wait3A_59 = arith.constant 0 : i32
      %dma_wait3A_60 = arith.constant 0 : i32
      %dma_wait3A_61 = tpu.memref_slice %arg10[%dma_wait3A_59, %dma_wait3A_60] : memref<128x128xf32, #tpu.memory_space<vmem>> -> memref<128x128xf32, #tpu.memory_space<vmem>>
      %dma_wait3A_62 = arith.constant 0 : i32
      %dma_wait3A_63 = tpu.memref_slice %arg7[%add3A_31, %dma_wait3A_62] : memref<10240x128xf32, #tpu.memory_space<vmem_shared>> -> memref<128x128xf32, #tpu.memory_space<vmem_shared>>
      tpu.wait_dma2 semaphore(%run_scoped3A : memref<!tpu.dma_semaphore, #tpu.memory_space<semaphore_mem>>) src(%dma_wait3A_63 : memref<128x128xf32, #tpu.memory_space<vmem_shared>>) dst(%dma_wait3A_61 : memref<128x128xf32, #tpu.memory_space<vmem>>)
      tpu.yield
    }) : () -> ()
    %add3A_32 = arith.constant 128 : i32
    %add3A_33 = arith.addi %multiple_of3A_25, %add3A_32 : i32
    "tpu.region"() ({
      %run_scoped3A = tpu.sem_alloc : memref<!tpu.dma_semaphore, #tpu.memory_space<semaphore_mem>>
      %dma_start3A = arith.constant 0 : i32
      %dma_start3A_46 = arith.constant 0 : i32
      %dma_start3A_47 = tpu.memref_slice %arg10[%dma_start3A, %dma_start3A_46] : memref<128x128xf32, #tpu.memory_space<vmem>> -> memref<128x128xf32, #tpu.memory_space<vmem>>
      %dma_start3A_48 = arith.constant 0 : i32
      %dma_start3A_49 = tpu.memref_slice %arg6[%add3A_33, %dma_start3A_48] : memref<20480x128xf32, #tpu.memory_space<hbm>> -> memref<128x128xf32, #tpu.memory_space<hbm>>
      %dma_start3A_50 = arith.constant 0 : i32
      %dma_start3A_51 = tpu.memref_slice %arg6[%add3A_33, %dma_start3A_50] : memref<20480x128xf32, #tpu.memory_space<hbm>> -> memref<128x128xf32, #tpu.memory_space<hbm>>
      %dma_start3A_52 = arith.constant 0 : i32
      %dma_start3A_53 = arith.constant 0 : i32
      %dma_start3A_54 = tpu.memref_slice %arg10[%dma_start3A_52, %dma_start3A_53] : memref<128x128xf32, #tpu.memory_space<vmem>> -> memref<128x128xf32, #tpu.memory_space<vmem>>
      tpu.enqueue_dma source(%dma_start3A_54 : memref<128x128xf32, #tpu.memory_space<vmem>>) target(%dma_start3A_51 : memref<128x128xf32, #tpu.memory_space<hbm>>) target_semaphore(%run_scoped3A : memref<!tpu.dma_semaphore, #tpu.memory_space<semaphore_mem>>)
      %dma_wait3A = arith.constant 0 : i32
      %dma_wait3A_55 = arith.constant 0 : i32
      %dma_wait3A_56 = tpu.memref_slice %arg10[%dma_wait3A, %dma_wait3A_55] : memref<128x128xf32, #tpu.memory_space<vmem>> -> memref<128x128xf32, #tpu.memory_space<vmem>>
      %dma_wait3A_57 = arith.constant 0 : i32
      %dma_wait3A_58 = tpu.memref_slice %arg6[%add3A_33, %dma_wait3A_57] : memref<20480x128xf32, #tpu.memory_space<hbm>> -> memref<128x128xf32, #tpu.memory_space<hbm>>
      %dma_wait3A_59 = arith.constant 0 : i32
      %dma_wait3A_60 = tpu.memref_slice %arg6[%add3A_33, %dma_wait3A_59] : memref<20480x128xf32, #tpu.memory_space<hbm>> -> memref<128x128xf32, #tpu.memory_space<hbm>>
      %dma_wait3A_61 = arith.constant 0 : i32
      %dma_wait3A_62 = arith.constant 0 : i32
      %dma_wait3A_63 = tpu.memref_slice %arg10[%dma_wait3A_61, %dma_wait3A_62] : memref<128x128xf32, #tpu.memory_space<vmem>> -> memref<128x128xf32, #tpu.memory_space<vmem>>
      tpu.wait_dma2 semaphore(%run_scoped3A : memref<!tpu.dma_semaphore, #tpu.memory_space<semaphore_mem>>) src(%dma_wait3A_63 : memref<128x128xf32, #tpu.memory_space<vmem>>) dst(%dma_wait3A_60 : memref<128x128xf32, #tpu.memory_space<hbm>>)
      tpu.yield
    }) : () -> ()
    %add3A_34 = arith.constant 256 : i32
    %add3A_35 = arith.addi %multiple_of3A, %add3A_34 : i32
    "tpu.region"() ({
      %run_scoped3A = tpu.sem_alloc : memref<!tpu.dma_semaphore, #tpu.memory_space<semaphore_mem>>
      %dma_start3A = arith.constant 0 : i32
      %dma_start3A_46 = arith.constant 0 : i32
      %dma_start3A_47 = tpu.memref_slice %arg10[%dma_start3A, %dma_start3A_46] : memref<128x128xf32, #tpu.memory_space<vmem>> -> memref<128x128xf32, #tpu.memory_space<vmem>>
      %dma_start3A_48 = arith.constant 0 : i32
      %dma_start3A_49 = tpu.memref_slice %arg7[%add3A_35, %dma_start3A_48] : memref<10240x128xf32, #tpu.memory_space<vmem_shared>> -> memref<128x128xf32, #tpu.memory_space<vmem_shared>>
      %dma_start3A_50 = arith.constant 0 : i32
      %dma_start3A_51 = arith.constant 0 : i32
      %dma_start3A_52 = tpu.memref_slice %arg10[%dma_start3A_50, %dma_start3A_51] : memref<128x128xf32, #tpu.memory_space<vmem>> -> memref<128x128xf32, #tpu.memory_space<vmem>>
      %dma_start3A_53 = arith.constant 0 : i32
      %dma_start3A_54 = tpu.memref_slice %arg7[%add3A_35, %dma_start3A_53] : memref<10240x128xf32, #tpu.memory_space<vmem_shared>> -> memref<128x128xf32, #tpu.memory_space<vmem_shared>>
      tpu.enqueue_dma source(%dma_start3A_54 : memref<128x128xf32, #tpu.memory_space<vmem_shared>>) target(%dma_start3A_52 : memref<128x128xf32, #tpu.memory_space<vmem>>) target_semaphore(%run_scoped3A : memref<!tpu.dma_semaphore, #tpu.memory_space<semaphore_mem>>)
      %dma_wait3A = arith.constant 0 : i32
      %dma_wait3A_55 = arith.constant 0 : i32
      %dma_wait3A_56 = tpu.memref_slice %arg10[%dma_wait3A, %dma_wait3A_55] : memref<128x128xf32, #tpu.memory_space<vmem>> -> memref<128x128xf32, #tpu.memory_space<vmem>>
      %dma_wait3A_57 = arith.constant 0 : i32
      %dma_wait3A_58 = tpu.memref_slice %arg7[%add3A_35, %dma_wait3A_57] : memref<10240x128xf32, #tpu.memory_space<vmem_shared>> -> memref<128x128xf32, #tpu.memory_space<vmem_shared>>
      %dma_wait3A_59 = arith.constant 0 : i32
      %dma_wait3A_60 = arith.constant 0 : i32
      %dma_wait3A_61 = tpu.memref_slice %arg10[%dma_wait3A_59, %dma_wait3A_60] : memref<128x128xf32, #tpu.memory_space<vmem>> -> memref<128x128xf32, #tpu.memory_space<vmem>>
      %dma_wait3A_62 = arith.constant 0 : i32
      %dma_wait3A_63 = tpu.memref_slice %arg7[%add3A_35, %dma_wait3A_62] : memref<10240x128xf32, #tpu.memory_space<vmem_shared>> -> memref<128x128xf32, #tpu.memory_space<vmem_shared>>
      tpu.wait_dma2 semaphore(%run_scoped3A : memref<!tpu.dma_semaphore, #tpu.memory_space<semaphore_mem>>) src(%dma_wait3A_63 : memref<128x128xf32, #tpu.memory_space<vmem_shared>>) dst(%dma_wait3A_61 : memref<128x128xf32, #tpu.memory_space<vmem>>)
      tpu.yield
    }) : () -> ()
    %add3A_36 = arith.constant 256 : i32
    %add3A_37 = arith.addi %multiple_of3A_25, %add3A_36 : i32
    "tpu.region"() ({
      %run_scoped3A = tpu.sem_alloc : memref<!tpu.dma_semaphore, #tpu.memory_space<semaphore_mem>>
      %dma_start3A = arith.constant 0 : i32
      %dma_start3A_46 = arith.constant 0 : i32
      %dma_start3A_47 = tpu.memref_slice %arg10[%dma_start3A, %dma_start3A_46] : memref<128x128xf32, #tpu.memory_space<vmem>> -> memref<128x128xf32, #tpu.memory_space<vmem>>
      %dma_start3A_48 = arith.constant 0 : i32
      %dma_start3A_49 = tpu.memref_slice %arg6[%add3A_37, %dma_start3A_48] : memref<20480x128xf32, #tpu.memory_space<hbm>> -> memref<128x128xf32, #tpu.memory_space<hbm>>
      %dma_start3A_50 = arith.constant 0 : i32
      %dma_start3A_51 = tpu.memref_slice %arg6[%add3A_37, %dma_start3A_50] : memref<20480x128xf32, #tpu.memory_space<hbm>> -> memref<128x128xf32, #tpu.memory_space<hbm>>
      %dma_start3A_52 = arith.constant 0 : i32
      %dma_start3A_53 = arith.constant 0 : i32
      %dma_start3A_54 = tpu.memref_slice %arg10[%dma_start3A_52, %dma_start3A_53] : memref<128x128xf32, #tpu.memory_space<vmem>> -> memref<128x128xf32, #tpu.memory_space<vmem>>
      tpu.enqueue_dma source(%dma_start3A_54 : memref<128x128xf32, #tpu.memory_space<vmem>>) target(%dma_start3A_51 : memref<128x128xf32, #tpu.memory_space<hbm>>) target_semaphore(%run_scoped3A : memref<!tpu.dma_semaphore, #tpu.memory_space<semaphore_mem>>)
      %dma_wait3A = arith.constant 0 : i32
      %dma_wait3A_55 = arith.constant 0 : i32
      %dma_wait3A_56 = tpu.memref_slice %arg10[%dma_wait3A, %dma_wait3A_55] : memref<128x128xf32, #tpu.memory_space<vmem>> -> memref<128x128xf32, #tpu.memory_space<vmem>>
      %dma_wait3A_57 = arith.constant 0 : i32
      %dma_wait3A_58 = tpu.memref_slice %arg6[%add3A_37, %dma_wait3A_57] : memref<20480x128xf32, #tpu.memory_space<hbm>> -> memref<128x128xf32, #tpu.memory_space<hbm>>
      %dma_wait3A_59 = arith.constant 0 : i32
      %dma_wait3A_60 = tpu.memref_slice %arg6[%add3A_37, %dma_wait3A_59] : memref<20480x128xf32, #tpu.memory_space<hbm>> -> memref<128x128xf32, #tpu.memory_space<hbm>>
      %dma_wait3A_61 = arith.constant 0 : i32
      %dma_wait3A_62 = arith.constant 0 : i32
      %dma_wait3A_63 = tpu.memref_slice %arg10[%dma_wait3A_61, %dma_wait3A_62] : memref<128x128xf32, #tpu.memory_space<vmem>> -> memref<128x128xf32, #tpu.memory_space<vmem>>
      tpu.wait_dma2 semaphore(%run_scoped3A : memref<!tpu.dma_semaphore, #tpu.memory_space<semaphore_mem>>) src(%dma_wait3A_63 : memref<128x128xf32, #tpu.memory_space<vmem>>) dst(%dma_wait3A_60 : memref<128x128xf32, #tpu.memory_space<hbm>>)
      tpu.yield
    }) : () -> ()
    %add3A_38 = arith.constant 384 : i32
    %add3A_39 = arith.addi %multiple_of3A, %add3A_38 : i32
    "tpu.region"() ({
      %run_scoped3A = tpu.sem_alloc : memref<!tpu.dma_semaphore, #tpu.memory_space<semaphore_mem>>
      %dma_start3A = arith.constant 0 : i32
      %dma_start3A_46 = arith.constant 0 : i32
      %dma_start3A_47 = tpu.memref_slice %arg10[%dma_start3A, %dma_start3A_46] : memref<128x128xf32, #tpu.memory_space<vmem>> -> memref<128x128xf32, #tpu.memory_space<vmem>>
      %dma_start3A_48 = arith.constant 0 : i32
      %dma_start3A_49 = tpu.memref_slice %arg7[%add3A_39, %dma_start3A_48] : memref<10240x128xf32, #tpu.memory_space<vmem_shared>> -> memref<128x128xf32, #tpu.memory_space<vmem_shared>>
      %dma_start3A_50 = arith.constant 0 : i32
      %dma_start3A_51 = arith.constant 0 : i32
      %dma_start3A_52 = tpu.memref_slice %arg10[%dma_start3A_50, %dma_start3A_51] : memref<128x128xf32, #tpu.memory_space<vmem>> -> memref<128x128xf32, #tpu.memory_space<vmem>>
      %dma_start3A_53 = arith.constant 0 : i32
      %dma_start3A_54 = tpu.memref_slice %arg7[%add3A_39, %dma_start3A_53] : memref<10240x128xf32, #tpu.memory_space<vmem_shared>> -> memref<128x128xf32, #tpu.memory_space<vmem_shared>>
      tpu.enqueue_dma source(%dma_start3A_54 : memref<128x128xf32, #tpu.memory_space<vmem_shared>>) target(%dma_start3A_52 : memref<128x128xf32, #tpu.memory_space<vmem>>) target_semaphore(%run_scoped3A : memref<!tpu.dma_semaphore, #tpu.memory_space<semaphore_mem>>)
      %dma_wait3A = arith.constant 0 : i32
      %dma_wait3A_55 = arith.constant 0 : i32
      %dma_wait3A_56 = tpu.memref_slice %arg10[%dma_wait3A, %dma_wait3A_55] : memref<128x128xf32, #tpu.memory_space<vmem>> -> memref<128x128xf32, #tpu.memory_space<vmem>>
      %dma_wait3A_57 = arith.constant 0 : i32
      %dma_wait3A_58 = tpu.memref_slice %arg7[%add3A_39, %dma_wait3A_57] : memref<10240x128xf32, #tpu.memory_space<vmem_shared>> -> memref<128x128xf32, #tpu.memory_space<vmem_shared>>
      %dma_wait3A_59 = arith.constant 0 : i32
      %dma_wait3A_60 = arith.constant 0 : i32
      %dma_wait3A_61 = tpu.memref_slice %arg10[%dma_wait3A_59, %dma_wait3A_60] : memref<128x128xf32, #tpu.memory_space<vmem>> -> memref<128x128xf32, #tpu.memory_space<vmem>>
      %dma_wait3A_62 = arith.constant 0 : i32
      %dma_wait3A_63 = tpu.memref_slice %arg7[%add3A_39, %dma_wait3A_62] : memref<10240x128xf32, #tpu.memory_space<vmem_shared>> -> memref<128x128xf32, #tpu.memory_space<vmem_shared>>
      tpu.wait_dma2 semaphore(%run_scoped3A : memref<!tpu.dma_semaphore, #tpu.memory_space<semaphore_mem>>) src(%dma_wait3A_63 : memref<128x128xf32, #tpu.memory_space<vmem_shared>>) dst(%dma_wait3A_61 : memref<128x128xf32, #tpu.memory_space<vmem>>)
      tpu.yield
    }) : () -> ()
    %add3A_40 = arith.constant 384 : i32
    %add3A_41 = arith.addi %multiple_of3A_25, %add3A_40 : i32
    "tpu.region"() ({
      %run_scoped3A = tpu.sem_alloc : memref<!tpu.dma_semaphore, #tpu.memory_space<semaphore_mem>>
      %dma_start3A = arith.constant 0 : i32
      %dma_start3A_46 = arith.constant 0 : i32
      %dma_start3A_47 = tpu.memref_slice %arg10[%dma_start3A, %dma_start3A_46] : memref<128x128xf32, #tpu.memory_space<vmem>> -> memref<128x128xf32, #tpu.memory_space<vmem>>
      %dma_start3A_48 = arith.constant 0 : i32
      %dma_start3A_49 = tpu.memref_slice %arg6[%add3A_41, %dma_start3A_48] : memref<20480x128xf32, #tpu.memory_space<hbm>> -> memref<128x128xf32, #tpu.memory_space<hbm>>
      %dma_start3A_50 = arith.constant 0 : i32
      %dma_start3A_51 = tpu.memref_slice %arg6[%add3A_41, %dma_start3A_50] : memref<20480x128xf32, #tpu.memory_space<hbm>> -> memref<128x128xf32, #tpu.memory_space<hbm>>
      %dma_start3A_52 = arith.constant 0 : i32
      %dma_start3A_53 = arith.constant 0 : i32
      %dma_start3A_54 = tpu.memref_slice %arg10[%dma_start3A_52, %dma_start3A_53] : memref<128x128xf32, #tpu.memory_space<vmem>> -> memref<128x128xf32, #tpu.memory_space<vmem>>
      tpu.enqueue_dma source(%dma_start3A_54 : memref<128x128xf32, #tpu.memory_space<vmem>>) target(%dma_start3A_51 : memref<128x128xf32, #tpu.memory_space<hbm>>) target_semaphore(%run_scoped3A : memref<!tpu.dma_semaphore, #tpu.memory_space<semaphore_mem>>)
      %dma_wait3A = arith.constant 0 : i32
      %dma_wait3A_55 = arith.constant 0 : i32
      %dma_wait3A_56 = tpu.memref_slice %arg10[%dma_wait3A, %dma_wait3A_55] : memref<128x128xf32, #tpu.memory_space<vmem>> -> memref<128x128xf32, #tpu.memory_space<vmem>>
      %dma_wait3A_57 = arith.constant 0 : i32
      %dma_wait3A_58 = tpu.memref_slice %arg6[%add3A_41, %dma_wait3A_57] : memref<20480x128xf32, #tpu.memory_space<hbm>> -> memref<128x128xf32, #tpu.memory_space<hbm>>
      %dma_wait3A_59 = arith.constant 0 : i32
      %dma_wait3A_60 = tpu.memref_slice %arg6[%add3A_41, %dma_wait3A_59] : memref<20480x128xf32, #tpu.memory_space<hbm>> -> memref<128x128xf32, #tpu.memory_space<hbm>>
      %dma_wait3A_61 = arith.constant 0 : i32
      %dma_wait3A_62 = arith.constant 0 : i32
      %dma_wait3A_63 = tpu.memref_slice %arg10[%dma_wait3A_61, %dma_wait3A_62] : memref<128x128xf32, #tpu.memory_space<vmem>> -> memref<128x128xf32, #tpu.memory_space<vmem>>
      tpu.wait_dma2 semaphore(%run_scoped3A : memref<!tpu.dma_semaphore, #tpu.memory_space<semaphore_mem>>) src(%dma_wait3A_63 : memref<128x128xf32, #tpu.memory_space<vmem>>) dst(%dma_wait3A_60 : memref<128x128xf32, #tpu.memory_space<hbm>>)
      tpu.yield
    }) : () -> ()
    %add3A_42 = arith.constant 512 : i32
    %add3A_43 = arith.addi %multiple_of3A, %add3A_42 : i32
    "tpu.region"() ({
      %run_scoped3A = tpu.sem_alloc : memref<!tpu.dma_semaphore, #tpu.memory_space<semaphore_mem>>
      %dma_start3A = arith.constant 0 : i32
      %dma_start3A_46 = arith.constant 0 : i32
      %dma_start3A_47 = tpu.memref_slice %arg10[%dma_start3A, %dma_start3A_46] : memref<128x128xf32, #tpu.memory_space<vmem>> -> memref<128x128xf32, #tpu.memory_space<vmem>>
      %dma_start3A_48 = arith.constant 0 : i32
      %dma_start3A_49 = tpu.memref_slice %arg7[%add3A_43, %dma_start3A_48] : memref<10240x128xf32, #tpu.memory_space<vmem_shared>> -> memref<128x128xf32, #tpu.memory_space<vmem_shared>>
      %dma_start3A_50 = arith.constant 0 : i32
      %dma_start3A_51 = arith.constant 0 : i32
      %dma_start3A_52 = tpu.memref_slice %arg10[%dma_start3A_50, %dma_start3A_51] : memref<128x128xf32, #tpu.memory_space<vmem>> -> memref<128x128xf32, #tpu.memory_space<vmem>>
      %dma_start3A_53 = arith.constant 0 : i32
      %dma_start3A_54 = tpu.memref_slice %arg7[%add3A_43, %dma_start3A_53] : memref<10240x128xf32, #tpu.memory_space<vmem_shared>> -> memref<128x128xf32, #tpu.memory_space<vmem_shared>>
      tpu.enqueue_dma source(%dma_start3A_54 : memref<128x128xf32, #tpu.memory_space<vmem_shared>>) target(%dma_start3A_52 : memref<128x128xf32, #tpu.memory_space<vmem>>) target_semaphore(%run_scoped3A : memref<!tpu.dma_semaphore, #tpu.memory_space<semaphore_mem>>)
      %dma_wait3A = arith.constant 0 : i32
      %dma_wait3A_55 = arith.constant 0 : i32
      %dma_wait3A_56 = tpu.memref_slice %arg10[%dma_wait3A, %dma_wait3A_55] : memref<128x128xf32, #tpu.memory_space<vmem>> -> memref<128x128xf32, #tpu.memory_space<vmem>>
      %dma_wait3A_57 = arith.constant 0 : i32
      %dma_wait3A_58 = tpu.memref_slice %arg7[%add3A_43, %dma_wait3A_57] : memref<10240x128xf32, #tpu.memory_space<vmem_shared>> -> memref<128x128xf32, #tpu.memory_space<vmem_shared>>
      %dma_wait3A_59 = arith.constant 0 : i32
      %dma_wait3A_60 = arith.constant 0 : i32
      %dma_wait3A_61 = tpu.memref_slice %arg10[%dma_wait3A_59, %dma_wait3A_60] : memref<128x128xf32, #tpu.memory_space<vmem>> -> memref<128x128xf32, #tpu.memory_space<vmem>>
      %dma_wait3A_62 = arith.constant 0 : i32
      %dma_wait3A_63 = tpu.memref_slice %arg7[%add3A_43, %dma_wait3A_62] : memref<10240x128xf32, #tpu.memory_space<vmem_shared>> -> memref<128x128xf32, #tpu.memory_space<vmem_shared>>
      tpu.wait_dma2 semaphore(%run_scoped3A : memref<!tpu.dma_semaphore, #tpu.memory_space<semaphore_mem>>) src(%dma_wait3A_63 : memref<128x128xf32, #tpu.memory_space<vmem_shared>>) dst(%dma_wait3A_61 : memref<128x128xf32, #tpu.memory_space<vmem>>)
      tpu.yield
    }) : () -> ()
    %add3A_44 = arith.constant 512 : i32
    %add3A_45 = arith.addi %multiple_of3A_25, %add3A_44 : i32
    "tpu.region"() ({
      %run_scoped3A = tpu.sem_alloc : memref<!tpu.dma_semaphore, #tpu.memory_space<semaphore_mem>>
      %dma_start3A = arith.constant 0 : i32
      %dma_start3A_46 = arith.constant 0 : i32
      %dma_start3A_47 = tpu.memref_slice %arg10[%dma_start3A, %dma_start3A_46] : memref<128x128xf32, #tpu.memory_space<vmem>> -> memref<128x128xf32, #tpu.memory_space<vmem>>
      %dma_start3A_48 = arith.constant 0 : i32
      %dma_start3A_49 = tpu.memref_slice %arg6[%add3A_45, %dma_start3A_48] : memref<20480x128xf32, #tpu.memory_space<hbm>> -> memref<128x128xf32, #tpu.memory_space<hbm>>
      %dma_start3A_50 = arith.constant 0 : i32
      %dma_start3A_51 = tpu.memref_slice %arg6[%add3A_45, %dma_start3A_50] : memref<20480x128xf32, #tpu.memory_space<hbm>> -> memref<128x128xf32, #tpu.memory_space<hbm>>
      %dma_start3A_52 = arith.constant 0 : i32
      %dma_start3A_53 = arith.constant 0 : i32
      %dma_start3A_54 = tpu.memref_slice %arg10[%dma_start3A_52, %dma_start3A_53] : memref<128x128xf32, #tpu.memory_space<vmem>> -> memref<128x128xf32, #tpu.memory_space<vmem>>
      tpu.enqueue_dma source(%dma_start3A_54 : memref<128x128xf32, #tpu.memory_space<vmem>>) target(%dma_start3A_51 : memref<128x128xf32, #tpu.memory_space<hbm>>) target_semaphore(%run_scoped3A : memref<!tpu.dma_semaphore, #tpu.memory_space<semaphore_mem>>)
      %dma_wait3A = arith.constant 0 : i32
      %dma_wait3A_55 = arith.constant 0 : i32
      %dma_wait3A_56 = tpu.memref_slice %arg10[%dma_wait3A, %dma_wait3A_55] : memref<128x128xf32, #tpu.memory_space<vmem>> -> memref<128x128xf32, #tpu.memory_space<vmem>>
      %dma_wait3A_57 = arith.constant 0 : i32
      %dma_wait3A_58 = tpu.memref_slice %arg6[%add3A_45, %dma_wait3A_57] : memref<20480x128xf32, #tpu.memory_space<hbm>> -> memref<128x128xf32, #tpu.memory_space<hbm>>
      %dma_wait3A_59 = arith.constant 0 : i32
      %dma_wait3A_60 = tpu.memref_slice %arg6[%add3A_45, %dma_wait3A_59] : memref<20480x128xf32, #tpu.memory_space<hbm>> -> memref<128x128xf32, #tpu.memory_space<hbm>>
      %dma_wait3A_61 = arith.constant 0 : i32
      %dma_wait3A_62 = arith.constant 0 : i32
      %dma_wait3A_63 = tpu.memref_slice %arg10[%dma_wait3A_61, %dma_wait3A_62] : memref<128x128xf32, #tpu.memory_space<vmem>> -> memref<128x128xf32, #tpu.memory_space<vmem>>
      tpu.wait_dma2 semaphore(%run_scoped3A : memref<!tpu.dma_semaphore, #tpu.memory_space<semaphore_mem>>) src(%dma_wait3A_63 : memref<128x128xf32, #tpu.memory_space<vmem>>) dst(%dma_wait3A_60 : memref<128x128xf32, #tpu.memory_space<hbm>>)
      tpu.yield
    }) : () -> ()
    return
  }
}

module attributes {stable_mosaic.version = 14 : i64} {
  func.func @_dense_body(%arg0: memref<10000x128xf32, #tpu.memory_space<vmem>>, %arg1: memref<20480x128xf32, #tpu.memory_space<vmem>>, %arg2: memref<20480x16xf32, #tpu.memory_space<vmem>>, %arg3: memref<128x128xf32, #tpu.memory_space<vmem>>, %arg4: memref<128x128xf32, #tpu.memory_space<vmem>>, %arg5: memref<128x256xf32, #tpu.memory_space<vmem>>, %arg6: memref<128x128xf32, #tpu.memory_space<vmem>>, %arg7: memref<128x128xf32, #tpu.memory_space<vmem>>, %arg8: memref<128x256xf32, #tpu.memory_space<vmem>>, %arg9: memref<1x128xf32, #tpu.memory_space<vmem>>, %arg10: memref<1x128xf32, #tpu.memory_space<vmem>>, %arg11: memref<10000x128xf32, #tpu.memory_space<vmem>>) attributes {dimension_semantics = [], scalar_prefetch = 0 : i64, scratch_operands = 0 : i64, tpu.core_type = #tpu.core_type<tc>} {
    %get3A = arith.constant 0 : index
    %get3A_0 = arith.constant 0 : index
    %get3A_1 = vector.load %arg0[%get3A, %get3A_0] : memref<10000x128xf32, #tpu.memory_space<vmem>>, vector<10000x128xf32>
    %get3A_2 = arith.constant 0 : index
    %get3A_3 = arith.constant 0 : index
    %get3A_4 = vector.load %arg1[%get3A_2, %get3A_3] : memref<20480x128xf32, #tpu.memory_space<vmem>>, vector<20480x128xf32>
    %get3A_5 = arith.constant 0 : index
    %get3A_6 = arith.constant 0 : index
    %get3A_7 = vector.load %arg2[%get3A_5, %get3A_6] : memref<20480x16xf32, #tpu.memory_space<vmem>>, vector<20480x16xf32>
    %slice3A = vector.extract_strided_slice %get3A_4 {offsets = [0, 0], sizes = [10000, 128], strides = [1, 1]} : vector<20480x128xf32> to vector<10000x128xf32>
    %slice3A_8 = vector.extract_strided_slice %get3A_7 {offsets = [0, 0], sizes = [10000, 1], strides = [1, 1]} : vector<20480x16xf32> to vector<10000x1xf32>
    %max3A = arith.constant 1.000000e+00 : f32
    %max3A_9 = vector.broadcast %max3A : f32 to vector<10000x1xf32>
    %max3A_10 = arith.maximumf %slice3A_8, %max3A_9 : vector<10000x1xf32>
    %div3A = vector.broadcast %max3A_10 : vector<10000x1xf32> to vector<10000x128xf32>
    %div3A_11 = arith.divf %slice3A, %div3A : vector<10000x128xf32>
    %get3A_12 = arith.constant 0 : index
    %get3A_13 = arith.constant 0 : index
    %get3A_14 = vector.load %arg5[%get3A_12, %get3A_13] : memref<128x256xf32, #tpu.memory_space<vmem>>, vector<128x256xf32>
    %get3A_15 = arith.constant 0 : index
    %get3A_16 = arith.constant 0 : index
    %get3A_17 = vector.load %arg3[%get3A_15, %get3A_16] : memref<128x128xf32, #tpu.memory_space<vmem>>, vector<128x128xf32>
    %dot_general3A = arith.constant dense<0.000000e+00> : vector<10000x128xf32>
    %dot_general3A_18 = tpu.matmul %get3A_1, %get3A_17, %dot_general3A {dimension_numbers = #tpu.dot_dimension_numbers<[1], [1], [0], [0], [0, 0, 1, 0], [], []>, transpose_lhs_hint = false} : vector<10000x128xf32>, vector<128x128xf32>, vector<10000x128xf32> -> vector<10000x128xf32>
    %get3A_19 = arith.constant 0 : index
    %get3A_20 = arith.constant 0 : index
    %get3A_21 = vector.load %arg4[%get3A_19, %get3A_20] : memref<128x128xf32, #tpu.memory_space<vmem>>, vector<128x128xf32>
    %dot_general3A_22 = arith.constant dense<0.000000e+00> : vector<10000x128xf32>
    %dot_general3A_23 = tpu.matmul %div3A_11, %get3A_21, %dot_general3A_22 {dimension_numbers = #tpu.dot_dimension_numbers<[1], [1], [0], [0], [0, 0, 1, 0], [], []>, transpose_lhs_hint = false} : vector<10000x128xf32>, vector<128x128xf32>, vector<10000x128xf32> -> vector<10000x128xf32>
    %slice3A_24 = vector.extract_strided_slice %get3A_14 {offsets = [0, 0], sizes = [128, 128], strides = [1, 1]} : vector<128x256xf32> to vector<128x128xf32>
    %dot_general3A_25 = arith.constant dense<0.000000e+00> : vector<10000x128xf32>
    %dot_general3A_26 = tpu.matmul %dot_general3A_18, %slice3A_24, %dot_general3A_25 {dimension_numbers = #tpu.dot_dimension_numbers<[1], [1], [0], [0], [0, 0, 1, 0], [], []>, transpose_lhs_hint = false} : vector<10000x128xf32>, vector<128x128xf32>, vector<10000x128xf32> -> vector<10000x128xf32>
    %slice3A_27 = vector.extract_strided_slice %get3A_14 {offsets = [0, 128], sizes = [128, 128], strides = [1, 1]} : vector<128x256xf32> to vector<128x128xf32>
    %dot_general3A_28 = arith.constant dense<0.000000e+00> : vector<10000x128xf32>
    %dot_general3A_29 = tpu.matmul %dot_general3A_23, %slice3A_27, %dot_general3A_28 {dimension_numbers = #tpu.dot_dimension_numbers<[1], [1], [0], [0], [0, 0, 1, 0], [], []>, transpose_lhs_hint = false} : vector<10000x128xf32>, vector<128x128xf32>, vector<10000x128xf32> -> vector<10000x128xf32>
    %add3A = arith.addf %dot_general3A_26, %dot_general3A_29 : vector<10000x128xf32>
    %slice3A_30 = vector.extract_strided_slice %get3A_4 {offsets = [10240, 0], sizes = [10000, 128], strides = [1, 1]} : vector<20480x128xf32> to vector<10000x128xf32>
    %slice3A_31 = vector.extract_strided_slice %get3A_7 {offsets = [10240, 0], sizes = [10000, 1], strides = [1, 1]} : vector<20480x16xf32> to vector<10000x1xf32>
    %max3A_32 = arith.constant 1.000000e+00 : f32
    %max3A_33 = vector.broadcast %max3A_32 : f32 to vector<10000x1xf32>
    %max3A_34 = arith.maximumf %slice3A_31, %max3A_33 : vector<10000x1xf32>
    %div3A_35 = vector.broadcast %max3A_34 : vector<10000x1xf32> to vector<10000x128xf32>
    %div3A_36 = arith.divf %slice3A_30, %div3A_35 : vector<10000x128xf32>
    %get3A_37 = arith.constant 0 : index
    %get3A_38 = arith.constant 0 : index
    %get3A_39 = vector.load %arg8[%get3A_37, %get3A_38] : memref<128x256xf32, #tpu.memory_space<vmem>>, vector<128x256xf32>
    %get3A_40 = arith.constant 0 : index
    %get3A_41 = arith.constant 0 : index
    %get3A_42 = vector.load %arg6[%get3A_40, %get3A_41] : memref<128x128xf32, #tpu.memory_space<vmem>>, vector<128x128xf32>
    %dot_general3A_43 = arith.constant dense<0.000000e+00> : vector<10000x128xf32>
    %dot_general3A_44 = tpu.matmul %get3A_1, %get3A_42, %dot_general3A_43 {dimension_numbers = #tpu.dot_dimension_numbers<[1], [1], [0], [0], [0, 0, 1, 0], [], []>, transpose_lhs_hint = false} : vector<10000x128xf32>, vector<128x128xf32>, vector<10000x128xf32> -> vector<10000x128xf32>
    %get3A_45 = arith.constant 0 : index
    %get3A_46 = arith.constant 0 : index
    %get3A_47 = vector.load %arg7[%get3A_45, %get3A_46] : memref<128x128xf32, #tpu.memory_space<vmem>>, vector<128x128xf32>
    %dot_general3A_48 = arith.constant dense<0.000000e+00> : vector<10000x128xf32>
    %dot_general3A_49 = tpu.matmul %div3A_36, %get3A_47, %dot_general3A_48 {dimension_numbers = #tpu.dot_dimension_numbers<[1], [1], [0], [0], [0, 0, 1, 0], [], []>, transpose_lhs_hint = false} : vector<10000x128xf32>, vector<128x128xf32>, vector<10000x128xf32> -> vector<10000x128xf32>
    %slice3A_50 = vector.extract_strided_slice %get3A_39 {offsets = [0, 0], sizes = [128, 128], strides = [1, 1]} : vector<128x256xf32> to vector<128x128xf32>
    %dot_general3A_51 = arith.constant dense<0.000000e+00> : vector<10000x128xf32>
    %dot_general3A_52 = tpu.matmul %dot_general3A_44, %slice3A_50, %dot_general3A_51 {dimension_numbers = #tpu.dot_dimension_numbers<[1], [1], [0], [0], [0, 0, 1, 0], [], []>, transpose_lhs_hint = false} : vector<10000x128xf32>, vector<128x128xf32>, vector<10000x128xf32> -> vector<10000x128xf32>
    %slice3A_53 = vector.extract_strided_slice %get3A_39 {offsets = [0, 128], sizes = [128, 128], strides = [1, 1]} : vector<128x256xf32> to vector<128x128xf32>
    %dot_general3A_54 = arith.constant dense<0.000000e+00> : vector<10000x128xf32>
    %dot_general3A_55 = tpu.matmul %dot_general3A_49, %slice3A_53, %dot_general3A_54 {dimension_numbers = #tpu.dot_dimension_numbers<[1], [1], [0], [0], [0, 0, 1, 0], [], []>, transpose_lhs_hint = false} : vector<10000x128xf32>, vector<128x128xf32>, vector<10000x128xf32> -> vector<10000x128xf32>
    %add3A_56 = arith.addf %dot_general3A_52, %dot_general3A_55 : vector<10000x128xf32>
    %add3A_57 = arith.addf %add3A, %add3A_56 : vector<10000x128xf32>
    %mul3A = arith.constant 5.000000e-01 : f32
    %mul3A_58 = vector.broadcast %mul3A : f32 to vector<10000x128xf32>
    %mul3A_59 = arith.mulf %mul3A_58, %add3A_57 : vector<10000x128xf32>
    %reduce_sum3A = arith.constant dense<0.000000e+00> : vector<128xf32>
    %reduce_sum3A_60 = vector.multi_reduction <add>, %mul3A_59, %reduce_sum3A [0] : vector<10000x128xf32> to vector<128xf32>
    %broadcast_in_dim3A = vector.shape_cast %reduce_sum3A_60 : vector<128xf32> to vector<1x128xf32>
    %div3A_61 = arith.constant 1.000000e+04 : f32
    %div3A_62 = vector.broadcast %div3A_61 : f32 to vector<1x128xf32>
    %div3A_63 = arith.divf %broadcast_in_dim3A, %div3A_62 : vector<1x128xf32>
    %sub3A = vector.broadcast %div3A_63 : vector<1x128xf32> to vector<10000x128xf32>
    %sub3A_64 = arith.subf %mul3A_59, %sub3A : vector<10000x128xf32>
    %integer_pow3A = arith.mulf %sub3A_64, %sub3A_64 : vector<10000x128xf32>
    %reduce_sum3A_65 = arith.constant dense<0.000000e+00> : vector<128xf32>
    %reduce_sum3A_66 = vector.multi_reduction <add>, %integer_pow3A, %reduce_sum3A_65 [0] : vector<10000x128xf32> to vector<128xf32>
    %broadcast_in_dim3A_67 = vector.shape_cast %reduce_sum3A_66 : vector<128xf32> to vector<1x128xf32>
    %div3A_68 = arith.constant 1.000000e+04 : f32
    %div3A_69 = vector.broadcast %div3A_68 : f32 to vector<1x128xf32>
    %div3A_70 = arith.divf %broadcast_in_dim3A_67, %div3A_69 : vector<1x128xf32>
    %get3A_71 = arith.constant 0 : index
    %get3A_72 = arith.constant 0 : index
    %get3A_73 = vector.load %arg9[%get3A_71, %get3A_72] : memref<1x128xf32, #tpu.memory_space<vmem>>, vector<1x128xf32>
    %sub3A_74 = vector.broadcast %div3A_63 : vector<1x128xf32> to vector<10000x128xf32>
    %sub3A_75 = arith.subf %mul3A_59, %sub3A_74 : vector<10000x128xf32>
    %mul3A_76 = vector.broadcast %get3A_73 : vector<1x128xf32> to vector<10000x128xf32>
    %mul3A_77 = arith.mulf %mul3A_76, %sub3A_75 : vector<10000x128xf32>
    %add3A_78 = arith.constant 1.000000e+00 : f32
    %add3A_79 = vector.broadcast %add3A_78 : f32 to vector<1x128xf32>
    %add3A_80 = arith.addf %div3A_70, %add3A_79 : vector<1x128xf32>
    %rsqrt3A = math.rsqrt %add3A_80 : vector<1x128xf32>
    %mul3A_81 = vector.broadcast %rsqrt3A : vector<1x128xf32> to vector<10000x128xf32>
    %mul3A_82 = arith.mulf %mul3A_77, %mul3A_81 : vector<10000x128xf32>
    %get3A_83 = arith.constant 0 : index
    %get3A_84 = arith.constant 0 : index
    %get3A_85 = vector.load %arg10[%get3A_83, %get3A_84] : memref<1x128xf32, #tpu.memory_space<vmem>>, vector<1x128xf32>
    %add3A_86 = vector.broadcast %get3A_85 : vector<1x128xf32> to vector<10000x128xf32>
    %add3A_87 = arith.addf %mul3A_82, %add3A_86 : vector<10000x128xf32>
    %gt3A = arith.constant 0.000000e+00 : f32
    %gt3A_88 = vector.broadcast %gt3A : f32 to vector<10000x128xf32>
    %gt3A_89 = arith.cmpf ogt, %add3A_87, %gt3A_88 : vector<10000x128xf32>
    %mul3A_90 = arith.constant 0.00999999977 : f32
    %mul3A_91 = vector.broadcast %mul3A_90 : f32 to vector<10000x128xf32>
    %mul3A_92 = arith.mulf %mul3A_91, %add3A_87 : vector<10000x128xf32>
    %select_n3A = arith.select %gt3A_89, %add3A_87, %mul3A_92 : vector<10000x128xi1>, vector<10000x128xf32>
    %swap3A = arith.constant 0 : index
    %swap3A_93 = arith.constant 0 : index
    %swap3A_94 = vector.load %arg11[%swap3A, %swap3A_93] : memref<10000x128xf32, #tpu.memory_space<vmem>>, vector<10000x128xf32>
    tpu.vector_store %arg11[%swap3A, %swap3A_93], %select_n3A {strides = array<i32>} : memref<10000x128xf32, #tpu.memory_space<vmem>>, vector<10000x128xf32>,
    return
  }
}

</mosaic_0001>

<sc_bundles>
// kernel: kernel.11.cloned.1.call-start
scs
__scs_entry_jumppad:
0x0: {  	(pc) =	sbr.rel $0x88, $3  }
0x1: {  	(tag) =	ssettag $0x0;
	lr =	simm.s32 $0x1  }
0x2: {  	[smem:$0x3F8E] =	sst lr;
	_ =	strace $0xD0000000  }
0x3: {  	_ = 	snop  }
0x4: {  	_ = 	snop  }
0x5: {  	_ = 	snop  }
0x6: {  	_ = 	snop  }
0x7: {  	_ = 	snop  }
__scs_overlays_trampoline_lowered:
0x8: {  	[smem:$0x3F9D] =	sst s0  }
0x9: {  	[smem:$0x3F9E] =	sst s1  }
0xa: {  	[smem:$0x3F9F] =	sst s2  }
0xb: {  	[smem:$0x3FA0] =	sst s3  }
0xc: {  	[smem:$0x3FA1] =	sst s4  }
0xd: {  	[smem:$0x3FA2] =	sst s5  }
0xe: {  	[smem:$0x3FA3] =	sst s6  }
0xf: {  	[smem:$0x3FA4] =	sst s7  }
0x10: {  	[smem:$0x3FA5] =	sst s8  }
0x11: {  	[smem:$0x3FA6] =	sst s9;
	s0 =	simm.s32 @!p0 $0x0  }
0x12: {  	s1 =	sld [smem:$0x3F8C];
	s0 =	simm.s32 @p0 $0x1  }
0x13: {  	[smem:$0x3FA7] =	sst s0;
	s0 =	simm.s32 @!p1 $0x0  }
0x14: {  	s2 =	sld [smem:$0x3F8B];
	s0 =	simm.s32 @p1 $0x1  }
0x15: {  	[smem:$0x3FA8] =	sst s0;
	s0 =	simm.s32 @!p2 $0x0  }
0x16: {  	s3 =	sld [smem:$0x3FDB];
	s0 =	simm.s32 @p2 $0x1  }
0x17: {  	s4 =	simm.s32 $0x1BF5;
	[smem:$0x3FAA] =	sst s0  }
0x18: {  	s0 =	sld [smem:$0x3F8D];
	_ =	swait.ge [sflag:s4], $0x0  }
0x19: {  	s7 =	sld [smem:$0x3F8E]  }
0x1a: {  	s8 =	sadd.s32 $0xFFFFE003, lr  }
0x1b: {  	s9 =	sadd.s32 $0xFFFFFEF7, lr;
	s5 =	simm.s32 $0xFFFFFFFF;
	p2 =	slt.u32 s8, $0xFFFFF086  }
0x1c: {  	p1 =	slt.u32 s9, $0xF7A;
	s5 =	simm.s32 @!p2 $0x0  }
0x1d: {  	s5 =	simm.s32 @p1 $0x1;
	p0 =	seq.s32 s7, s2  }
0x1e: {  	s7 =	smul.u32 @!p0 $0xF7A, s2;
	p2 =	seq.s32 @!p0 s5, $0x0  }
0x1f: {  	s9 =	smul.u32 $0xF7A, s1;
	s8 =	simm.s32 @!p0 $0x1BF5;
	p2 =	por !p2, p0  }
0x20: {  	[sflag:s8] =	ssyncset.s32 @!p0 $0xFFFFF086;
	s6 =	sadd.s32 @!p0 s3, s7;
	s7 =	simm.s32 @!p0 $0x108  }
0x21: {  	s3 =	sadd.s32 s3, s9;
	s6 =	sadd.s32 @!p0 $0x88, s6;
	s7 =	simm.s32 @p2 $0x1082  }
0x22: {  	[simem:s7], [sflag:s8] =	dma.local @!p0 [hbm:s6], $0xF7A  }
0x23: {  	s9 =	sor.u32 $0xD0000000, s2;
	s6 =	simm.s32 $0x108;
	_ =	swait.ge @!p0 [sflag:s8], $0x0  }
0x24: {  	s3 =	sadd.s32 $0x88, s3;
	s6 =	simm.s32 @!p1 $0x1082;
	[sflag:s4] =	ssyncset.s32 $0xFFFFF086  }
0x25: {  	[simem:s6], [sflag:s4] =	dma.local [hbm:s3], $0xF7A  }
0x26: {  	[smem:$0x3F8E] =	sst s1;
	(tag) =	ssettag s2;
	_ =	strace s9  }
0x27: {  	s1 =	sld [smem:$0x3F9E]  }
0x28: {  	s2 =	sld [smem:$0x3F9F]  }
0x29: {  	s4 =	sld [smem:$0x3FA1]  }
0x2a: {  	p0 =	seq.s32 s5, $0x0;
	s5 =	sld [smem:$0x3FA2]  }
0x2b: {  	s6 =	sld [smem:$0x3FA3]  }
0x2c: {  	s7 =	sld [smem:$0x3FA4]  }
0x2d: {  	s3 =	simm.s32 $0x108;
	s8 =	sld [smem:$0x3FA5]  }
0x2e: {  	s3 =	simm.s32 @!p0 $0x1082;
	s9 =	sld [smem:$0x3FA6]  }
0x2f: {  	lr =	sadd.s32 s0, s3;
	s0 =	sld [smem:$0x3F9D]  }
0x30: {  	s3 =	sld [smem:$0x3FA0]  }
0x31: {  	[smem:$0x3FA9] =	sst s10  }
0x32: {  	s10 =	sld [smem:$0x3FA7];
	_ =	sdelay $0x3  }
0x33: {  	p0 =	seq.s32 s10, $0x1;
	s10 =	sld [smem:$0x3FA9];
	_ =	sdelay $0x3  }
0x34: {  	[smem:$0x3FA9] =	sst s10  }
0x35: {  	s10 =	sld [smem:$0x3FA8];
	_ =	sdelay $0x3  }
0x36: {  	p1 =	seq.s32 s10, $0x1;
	s10 =	sld [smem:$0x3FA9];
	_ =	sdelay $0x3  }
0x37: {  	[smem:$0x3FA9] =	sst s10  }
0x38: {  	s10 =	sld [smem:$0x3FAA]  }
0x39: {  	_ = 	snop;
	(pc) =	sbr.ind lr, $3  }
0x3a: {  	_ = 	snop  }
0x3b: {  	_ = 	snop  }
0x3c: {  	p2 =	seq.s32 s10, $0x1;
	s10 =	sld [smem:$0x3FA9]  }
0x3d: {  	_ =	shalt  }
0x3e: {  	_ =	shalt  }
0x3f: {  	_ =	shalt  }
0x40: {  	_ =	shalt  }
0x41: {  	_ =	shalt  }
0x42: {  	_ =	shalt  }
0x43: {  	_ =	shalt  }
0x44: {  	_ =	shalt  }
0x45: {  	_ =	shalt  }
0x46: {  	_ =	shalt  }
0x47: {  	_ =	shalt  }
0x48: {  	_ =	shalt  }
0x49: {  	_ =	shalt  }
0x4a: {  	_ =	shalt  }
0x4b: {  	_ =	shalt  }
0x4c: {  	_ =	shalt  }
0x4d: {  	_ =	shalt  }
0x4e: {  	_ =	shalt  }
0x4f: {  	_ =	shalt  }
0x50: {  	_ =	shalt  }
0x51: {  	_ =	shalt  }
0x52: {  	_ =	shalt  }
0x53: {  	_ =	shalt  }
0x54: {  	_ =	shalt  }
0x55: {  	_ =	shalt  }
0x56: {  	_ =	shalt  }
0x57: {  	_ =	shalt  }
0x58: {  	_ =	shalt  }
0x59: {  	_ =	shalt  }
0x5a: {  	_ =	shalt  }
0x5b: {  	_ =	shalt  }
0x5c: {  	_ =	shalt  }
0x5d: {  	_ =	shalt  }
0x5e: {  	_ =	shalt  }
0x5f: {  	_ =	shalt  }
0x60: {  	_ =	shalt  }
0x61: {  	_ =	shalt  }
0x62: {  	_ =	shalt  }
0x63: {  	_ =	shalt  }
0x64: {  	_ =	shalt  }
0x65: {  	_ =	shalt  }
0x66: {  	_ =	shalt  }
0x67: {  	_ =	shalt  }
0x68: {  	_ =	shalt  }
0x69: {  	_ =	shalt  }
0x6a: {  	_ =	shalt  }
0x6b: {  	_ =	shalt  }
0x6c: {  	_ =	shalt  }
0x6d: {  	_ =	shalt  }
0x6e: {  	_ =	shalt  }
0x6f: {  	_ =	shalt  }
0x70: {  	_ =	shalt  }
0x71: {  	_ =	shalt  }
0x72: {  	_ =	shalt  }
0x73: {  	_ =	shalt  }
0x74: {  	_ =	shalt  }
0x75: {  	_ =	shalt  }
0x76: {  	_ =	shalt  }
0x77: {  	_ =	shalt  }
0x78: {  	_ =	shalt  }
0x79: {  	_ =	shalt  }
0x7a: {  	_ =	shalt  }
0x7b: {  	_ =	shalt  }
0x7c: {  	_ =	shalt  }
0x7d: {  	_ =	shalt  }
0x7e: {  	_ =	shalt  }
0x7f: {  	_ =	shalt  }
0x80: {  	_ =	shalt  }
0x81: {  	_ =	shalt  }
0x82: {  	_ =	shalt  }
0x83: {  	_ =	shalt  }
0x84: {  	_ =	shalt  }
0x85: {  	_ =	shalt  }
0x86: {  	_ =	shalt  }
0x87: {  	_ =	shalt  }
.Lfunc_end0:
.L_simem_size_0:
called_computation.1_lowered:
.L_overlay_start_0:
0x88: {  	s2 =	sld [smem:$0x3FD9]  }
0x89: {  	s3 =	sld [smem:$0x3FFE];
	_ =	sdelay $0x1  }
0x8a: {  	s1 =	srdreg.scid  }
0x8b: {  	s0 =	sand.u32 $0x1, s1  }
0x8c: {  	s17 =	sshll.u32 s0, $0xA;
	s2 =	sadd.s32 s3, s2  }
0x8d: {  	s2 =	sadd.s32 s2, s17  }
0x8e: {  	[smem:$0x3FB5] =	sst s2  }
0x8f: {  	_ = 	snop  }
0x90: {  	s2 =	sld [smem:$0x3FC9]  }
0x91: {  	s18 =	sld [smem:$0x3FD0];
	(tm) =	ssettm $0x1  }
0x92: {  	s4 =	sld [smem:$0x3FFB];
	_ =	sdelay $0x3  }
0x93: {  	_ =	strace s4  }
0x94: {  	s4 =	sld [smem:$0x3FFC];
	_ =	sdelay $0x3  }
0x95: {  	_ =	strace s4  }
0x96: {  	s4 =	sld [smem:$0x3FFD];
	_ =	sdelay $0x3  }
0x97: {  	_ =	strace s4  }
0x98: {  	_ =	strace $0x8FFFFFFF  }
0x99: {  	s19 =	sld [smem:$0x3FDB];
	_ =	sdelay $0x1  }
0x9a: {  	s5 =	simm.s32 $_scs_section_size  }
0x9b: {  	s6 =	simm.s32 $_size__tile_overlayer_lowered;
	s7 =	simm.s32 $_tile_overlayer_lowered  }
0x9c: {  	s22 =	simm.s32 $0x1BFF;
	s21 =	sshll.u32 s7, $0x1;
	s4 =	sadd.s32 s5, s19  }
0x9d: {  	s8 =	simm.s32 $0x0;
	s20 =	sshll.u32 s6, $0x1;
	s6 =	sadd.s32 s21, s4  }
0x9e: {  	[timem:s8], [sflag:s22] =	dma.local [hbm:s6], s20  }
0x9f: {  	_ =	swait.ge [sflag:s22], s20  }
0xa0: {  	s5 =	ssub.s32 $0x0, s20;
	[sflag:s22] =	ssyncset.done $0x0  }
0xa1: {  	[sflag:s22] =	ssyncadd.s32 s5;
	_ =	sdelay $0x1  }
0xa2: {  	s23 =	simm.s32 $0x1B8B  }
0xa3: {  	_ =	swait.ge [sflag:s23], $0x1  }
0xa4: {  	[sflag:s23] =	ssyncset.done $0x0  }
0xa5: {  	s25 =	simm.s32 $0x1B8E;
	s24 =	sld [smem:$0x3FFE];
	[sflag:s23] =	ssyncadd.s32 $0xFFFFFFFF  }
0xa6: {  	s26 =	simm.s32 $execute0_lowered;
	[smem:$0x3FD2] =	sst s25  }
0xa7: {  	s6 =	sshll.u32 s26, $0x1;
	_ =	strace $0x80000046;
	[dreg:$0x1] =	wrdreg $0xFFFFFFFF  }
0xa8: {  	s28 =	simm.s32 $_size_execute0_lowered;
	s4 =	sadd.s32 s4, s6;
	[dreg:$0x0] =	wrdreg $0x0  }
0xa9: {  	s6 =	sshll.u32 s28, $0x1;
	[dreg:$0x2] =	wrdreg s4  }
0xaa: {  	[dreg:$0x3] =	wrdreg s6  }
0xab: {  	[dreg:$0x4] =	wrdreg $0xC0  }
0xac: {  	_ =	task [dreg:s8], $0x5FFFF  }
0xad: {  	[dreg:$0x1] =	wrdreg $0xFFFFFFFF  }
0xae: {  	[dreg:$0x0] =	wrdreg $0x60  }
0xaf: {  	[dreg:$0x2] =	wrdreg s2  }
0xb0: {  	[dreg:$0x3] =	wrdreg s24  }
0xb1: {  	[dreg:$0x4] =	wrdreg s18  }
0xb2: {  	[dreg:$0x5] =	wrdreg $0x0  }
0xb3: {  	[dreg:$0x6] =	wrdreg $0xA  }
0xb4: {  	_ =	task.clear_ibuf [dreg:s8], $0x7FFFF;
	_ =	strace $0x90000046  }
0xb5: {  	s29 =	simm.s32 $0xA;
	_ =	strace $0x80000048  }
0xb6: {  	_ =	swait.ge [sflag:s29], $0x1  }
0xb7: {  	[sflag:s29] =	ssyncadd.s32 $0xFFFFFFFF  }
0xb8: {  	_ =	strace $0x90000048  }
0xb9: {  	_ =	sfence  }
0xba: {  	s30 =	sld [smem:$0x0];
	_ =	sdelay $0x2  }
0xbb: {  	s31 =	sshll.u32 s1, $0xD;
	s1 =	sshrl.u32 s1, $0x2  }
0xbc: {  	s3 =	sand.u32 $0x4000, s31;
	s1 =	sadd.s32 s1, s30  }
0xbd: {  	s0 =	sor.u32 s3, s0;
	s1 =	sshll.u32 s1, $0x11  }
0xbe: {  	s0 =	sor.u32 s1, s0  }
0xbf: {  	s0 =	sadd.s32 $0x8F2B, s0  }
0xc0: {  	[sflag:s0] =	ssyncadd.remote.s32 $0x1  }
0xc1: {  	_ =	sfence.sel $0xFFFF  }
0xc2: {  	[dreg:$0x0] =	wrdreg $0xFFFFFFFF;
	(pc) =	sbr.abs _section_cstart, $3  }
0xc3: {  	[dreg:$0x1] =	wrdreg $0xFFFFFFFF  }
0xc4: {  	_ =	task.clear_ibuf [dreg:s8], $0x2FFFF;
	_ =	strace $0x9FFFFFFF  }
0xc5: {  	(tm) =	ssettm $0x7FFFFFFF  }
tec
execute0_lowered:
.L_overlay_start_1:
0x0: {  	(tag) =	ssettag $0x1  }
0x1: {  	s1 =	rddreg [dreg:$0x0]  }
0x2: {  	s5 =	rddreg [dreg:$0x1]  }
0x3: {  	s11 =	rddreg [dreg:$0x2]  }
0x4: {  	s2 =	rddreg [dreg:$0x3]  }
0x5: {  	s3 =	srdreg.scid;
	s0 =	rddreg [dreg:$0x4]  }
0x6: {  	s4 =	simm.s32 $0x0;
	s19 =	simm.s32 $0x14100;
	s6 =	sand.u32 $0x1, s3  }
0x7: {  	s20 =	simm.s32 $0x2;
	s3 =	stileid.u32;
	s7 =	smul.u32 $0x4F00, s6  }
0x8: {  	s21 =	simm.s32 $0x14000;
	s22 =	simm.s32 $0x80;
	s8 =	smul.u32 $0x50000, s3  }
0x9: {  	s23 =	simm.s32 $0x14080;
	s24 =	simm.s32 $0x1;
	s9 =	smul.u32 $0x280, s3  }
0xa: {  	s25 =	simm.s32 $0x0;
	[smem:$0x7FF] =	sst s4;
	s10 =	smul.u32 $0x2800, s6  }
0xb: {  	_ =	strace $0x80000047;
	s30 =	ssub.s32 $0x2, s6;
	s18 =	smul.u32 $0x4F0, s3  }
0xc: {  	s12 =	sshrl.u32 s30, $0x1;
	s17 =	sadd.s32 s7, s5;
	s8 =	sshrl.u32 s8, $0x2  }
0xd: {  	s5 =	sadd.s32 $0x17800, s5;
	s16 =	ssub.s32 s30, s12;
	s10 =	sadd.s32 s9, s10  }
0xe: {  	s6 =	sadd.s32 s8, s2;
	s31 =	sshll.u32 s10, $0x4;
	s16 =	smax.u32 s16, $0x1  }
0xf: {  	s18 =	sadd.s32 s18, s17;
	s7 =	sadd.s32 $0x4000, s6;
	s8 =	sadd.s32 $0x8000, s6  }
0x10: {  	s9 =	sadd.s32 $0xC000, s6;
	s10 =	sadd.s32 $0x10000, s6;
	s11 =	sadd.s32 s11, s31  }
0x11: {  	s17 =	sadd.s32 $0x3C00, s18;
	s18 =	sadd.s32 $0xDA00, s18;
	s12 =	sadd.s32 $0x800, s11  }
0x12: {  	s13 =	sadd.s32 $0x1000, s11;
	s14 =	sadd.s32 $0x1800, s11;
	s15 =	sadd.s32 $0x2000, s11  }
.LBB2_1:
0x13: {  	[tilespmem:s19], [sflag:$0x2] =	stream.linear.gather [hbm4b:s5+s4], $0x4000, $0x38;
	[tilespmem:$0x18100] =	vst v63  }
0x14: {  	_ =	swait.ge [sflag:s20], $0x4000  }
0x15: {  	[sflag:s20] =	ssyncset.done $0x0  }
0x16: {  	[sflag:s20] =	ssyncadd.s32 $0xFFFFC000  }
0x17: {  	[spmem:s6] =	stream.linear.scatter [tilespmem:s19], [sflag:$0x2], $0x4000, $0x38;
	[tilespmem:$0x18100] =	vst v63  }
0x18: {  	_ =	swait.ge [sflag:s20], $0x4000  }
0x19: {  	[sflag:s20] =	ssyncset.done $0x0  }
0x1a: {  	[sflag:s20] =	ssyncadd.s32 $0xFFFFC000  }
0x1b: {  	[spmem:s7] =	stream.linear.scatter [tilespmem:s19], [sflag:$0x2], $0x4000, $0x38;
	[tilespmem:$0x18100] =	vst v63  }
0x1c: {  	_ =	swait.ge [sflag:s20], $0x4000  }
0x1d: {  	[sflag:s20] =	ssyncset.done $0x0  }
0x1e: {  	[sflag:s20] =	ssyncadd.s32 $0xFFFFC000  }
0x1f: {  	[spmem:s8] =	stream.linear.scatter [tilespmem:s19], [sflag:$0x2], $0x4000, $0x38;
	[tilespmem:$0x18100] =	vst v63  }
0x20: {  	_ =	swait.ge [sflag:s20], $0x4000  }
0x21: {  	[sflag:s20] =	ssyncset.done $0x0  }
0x22: {  	[sflag:s20] =	ssyncadd.s32 $0xFFFFC000  }
0x23: {  	[spmem:s9] =	stream.linear.scatter [tilespmem:s19], [sflag:$0x2], $0x4000, $0x38;
	[tilespmem:$0x18100] =	vst v63  }
0x24: {  	_ =	swait.ge [sflag:s20], $0x4000  }
0x25: {  	[sflag:s20] =	ssyncset.done $0x0  }
0x26: {  	[sflag:s20] =	ssyncadd.s32 $0xFFFFC000  }
0x27: {  	[spmem:s10] =	stream.linear.scatter [tilespmem:s19], [sflag:$0x2], $0x4000, $0x38;
	[tilespmem:$0x18100] =	vst v63  }
0x28: {  	_ =	swait.ge [sflag:s20], $0x4000  }
0x29: {  	[sflag:s20] =	ssyncset.done $0x0  }
0x2a: {  	[sflag:s20] =	ssyncadd.s32 $0xFFFFC000  }
0x2b: {  	s26 =	sadd.s32 $0x0, s17;
	[bflag:$0x0] =	sbarrier.arrive $0xFFFF  }
0x2c: {  	[tilespmem:s21], [sflag:$0x2] =	stream.linear.gather [hbm4b:s26+s4], $0x80, $0x38;
	[tilespmem:$0x18100] =	vst v63  }
0x2d: {  	_ =	swait.ge [sflag:s20], $0x80  }
0x2e: {  	[sflag:s20] =	ssyncset.done $0x0  }
0x2f: {  	[sflag:s20] =	ssyncadd.s32 $0xFFFFFF80  }
0x30: {  	[tilespmem:s19], [sflag:$0x1] =	stream.indirect.gather [hbm4b:s1+s22], $0x80, s21, s22, $0xb8;
	[tilespmem:$0x18100] =	vst v63  }
0x31: {  	s31 =	sadd.s32 $0x0, s18  }
0x32: {  	[tilespmem:s23], [sflag:$0x2] =	stream.linear.gather [hbm4b:s31+s4], $0x80, $0x38;
	[tilespmem:$0x18100] =	vst v63  }
0x33: {  	_ =	swait.ge [sflag:s20], $0x80  }
0x34: {  	[sflag:s20] =	ssyncset.done $0x0  }
0x35: {  	[sflag:s20] =	ssyncadd.s32 $0xFFFFFF80  }
0x36: {  	_ =	swait.ge [sflag:s24], $0x4000  }
0x37: {  	[sflag:s24] =	ssyncset.done $0x0  }
0x38: {  	[sflag:s24] =	ssyncadd.s32 $0xFFFFC000  }
0x39: {  	[spmem:s2] =	stream.indirect.scatter.add.f32 [tilespmem:s19], [sflag:$0x2], $0x80, s23, s22, $0xb8;
	[tilespmem:$0x18100] =	vst v63  }
0x3a: {  	_ =	swait.ge [sflag:s20], $0x4000  }
0x3b: {  	s28 =	simm.s32 $0x20;
	s26 =	simm.s32 $0x10;
	[sflag:s20] =	ssyncset.done $0x0  }
.LBB2_2:
0x3c: {  	s29 =	sadd.s32 s26, s17  }
0x3d: {  	[sflag:s20] =	ssyncadd.s32 $0xFFFFC000;
	s30 =	smov.u32 s28;
	s31 =	sadd.s32 $0x10, s28  }
0x3e: {  	[tilespmem:s21], [sflag:$0x2] =	stream.linear.gather [hbm4b:s29+s4], $0x80, $0x38;
	[tilespmem:$0x18100] =	vst v63  }
0x3f: {  	p0 =	sne.s32 s28, $0x4E0;
	_ =	swait.ge [sflag:s20], $0x80  }
0x40: {  	[sflag:s20] =	ssyncset.done $0x0  }
0x41: {  	[sflag:s20] =	ssyncadd.s32 $0xFFFFFF80  }
0x42: {  	[tilespmem:s19], [sflag:$0x1] =	stream.indirect.gather [hbm4b:s1+s22], $0x80, s21, s22, $0xb8;
	[tilespmem:$0x18100] =	vst v63  }
0x43: {  	s28 =	sadd.s32 s26, s18;
	s26 =	smov.u32 s30  }
0x44: {  	[tilespmem:s23], [sflag:$0x2] =	stream.linear.gather [hbm4b:s28+s4], $0x80, $0x38;
	[tilespmem:$0x18100] =	vst v63  }
0x45: {  	_ =	swait.ge [sflag:s20], $0x80  }
0x46: {  	[sflag:s20] =	ssyncset.done $0x0  }
0x47: {  	[sflag:s20] =	ssyncadd.s32 $0xFFFFFF80  }
0x48: {  	_ =	swait.ge [sflag:s24], $0x4000  }
.Ltmp0:
0x49: {  	[sflag:s24] =	ssyncset.done $0x0;
	(pc) =	sbr.rel @p0 .LBB2_2-.Ltmp0, $4  }
0x4a: {  	[sflag:s24] =	ssyncadd.s32 $0xFFFFC000  }
0x4b: {  	[spmem:s2] =	stream.indirect.scatter.add.f32 [tilespmem:s19], [sflag:$0x2], $0x80, s23, s22, $0xb8;
	[tilespmem:$0x18100] =	vst v63  }
0x4c: {  	_ =	swait.ge [sflag:s20], $0x4000  }
0x4d: {  	s28 =	smov.u32 s31;
	[sflag:s20] =	ssyncset.done $0x0  }
0x4e: {  	s28 =	sadd.s32 s26, s17;
	[sflag:s20] =	ssyncadd.s32 $0xFFFFC000  }
0x4f: {  	[tilespmem:s21], [sflag:$0x2] =	stream.linear.gather [hbm4b:s28+s4], $0x80, $0x38;
	[tilespmem:$0x18100] =	vst v63  }
0x50: {  	_ =	swait.ge [sflag:s20], $0x80  }
0x51: {  	[sflag:s20] =	ssyncset.done $0x0  }
0x52: {  	[sflag:s20] =	ssyncadd.s32 $0xFFFFFF80  }
0x53: {  	[tilespmem:s19], [sflag:$0x1] =	stream.indirect.gather [hbm4b:s1+s22], $0x80, s21, s22, $0xb8;
	[tilespmem:$0x18100] =	vst v63  }
0x54: {  	s31 =	sadd.s32 s26, s18  }
0x55: {  	[tilespmem:s23], [sflag:$0x2] =	stream.linear.gather [hbm4b:s31+s4], $0x80, $0x38;
	[tilespmem:$0x18100] =	vst v63  }
0x56: {  	_ =	swait.ge [sflag:s20], $0x80  }
0x57: {  	[sflag:s20] =	ssyncset.done $0x0  }
0x58: {  	[sflag:s20] =	ssyncadd.s32 $0xFFFFFF80  }
0x59: {  	_ =	swait.ge [sflag:s24], $0x4000  }
0x5a: {  	[sflag:s24] =	ssyncset.done $0x0  }
0x5b: {  	[sflag:s24] =	ssyncadd.s32 $0xFFFFC000  }
0x5c: {  	[spmem:s2] =	stream.indirect.scatter.add.f32 [tilespmem:s19], [sflag:$0x2], $0x80, s23, s22, $0xb8;
	[tilespmem:$0x18100] =	vst v63  }
0x5d: {  	_ =	swait.ge [sflag:s20], $0x4000  }
0x5e: {  	[sflag:s20] =	ssyncset.done $0x0  }
0x5f: {  	[sflag:s20] =	ssyncadd.s32 $0xFFFFC000  }
0x60: {  	[bflag:$0x0] =	sbarrier.arrive $0xFFFF  }
0x61: {  	[tilespmem:s19], [sflag:$0x2] =	stream.linear.gather [spmem:s6], $0x4000, $0x38;
	[tilespmem:$0x18100] =	vst v63  }
0x62: {  	_ =	swait.ge [sflag:s20], $0x4000  }
0x63: {  	[sflag:s20] =	ssyncset.done $0x0  }
0x64: {  	[sflag:s20] =	ssyncadd.s32 $0xFFFFC000  }
0x65: {  	[hbm4b:s11+s4] =	stream.linear.scatter [tilespmem:s19], [sflag:$0x2], $0x4000, $0x38;
	[tilespmem:$0x18100] =	vst v63  }
0x66: {  	_ =	swait.ge [sflag:s20], $0x4000  }
0x67: {  	[sflag:s20] =	ssyncset.done $0x0  }
0x68: {  	[sflag:s20] =	ssyncadd.s32 $0xFFFFC000  }
0x69: {  	[tilespmem:s19], [sflag:$0x2] =	stream.linear.gather [spmem:s7], $0x4000, $0x38;
	[tilespmem:$0x18100] =	vst v63  }
0x6a: {  	_ =	swait.ge [sflag:s20], $0x4000  }
0x6b: {  	[sflag:s20] =	ssyncset.done $0x0  }
0x6c: {  	[sflag:s20] =	ssyncadd.s32 $0xFFFFC000  }
0x6d: {  	[hbm4b:s12+s4] =	stream.linear.scatter [tilespmem:s19], [sflag:$0x2], $0x4000, $0x38;
	[tilespmem:$0x18100] =	vst v63  }
0x6e: {  	_ =	swait.ge [sflag:s20], $0x4000  }
0x6f: {  	[sflag:s20] =	ssyncset.done $0x0  }
0x70: {  	[sflag:s20] =	ssyncadd.s32 $0xFFFFC000  }
0x71: {  	[tilespmem:s19], [sflag:$0x2] =	stream.linear.gather [spmem:s8], $0x4000, $0x38;
	[tilespmem:$0x18100] =	vst v63  }
0x72: {  	_ =	swait.ge [sflag:s20], $0x4000  }
0x73: {  	[sflag:s20] =	ssyncset.done $0x0  }
0x74: {  	[sflag:s20] =	ssyncadd.s32 $0xFFFFC000  }
0x75: {  	[hbm4b:s13+s4] =	stream.linear.scatter [tilespmem:s19], [sflag:$0x2], $0x4000, $0x38;
	[tilespmem:$0x18100] =	vst v63  }
0x76: {  	_ =	swait.ge [sflag:s20], $0x4000  }
0x77: {  	[sflag:s20] =	ssyncset.done $0x0  }
0x78: {  	[sflag:s20] =	ssyncadd.s32 $0xFFFFC000  }
0x79: {  	[tilespmem:s19], [sflag:$0x2] =	stream.linear.gather [spmem:s9], $0x4000, $0x38;
	[tilespmem:$0x18100] =	vst v63  }
0x7a: {  	_ =	swait.ge [sflag:s20], $0x4000  }
0x7b: {  	[sflag:s20] =	ssyncset.done $0x0  }
0x7c: {  	[sflag:s20] =	ssyncadd.s32 $0xFFFFC000  }
0x7d: {  	[hbm4b:s14+s4] =	stream.linear.scatter [tilespmem:s19], [sflag:$0x2], $0x4000, $0x38;
	[tilespmem:$0x18100] =	vst v63  }
0x7e: {  	_ =	swait.ge [sflag:s20], $0x4000  }
0x7f: {  	[sflag:s20] =	ssyncset.done $0x0  }
0x80: {  	[sflag:s20] =	ssyncadd.s32 $0xFFFFC000  }
0x81: {  	[tilespmem:s19], [sflag:$0x2] =	stream.linear.gather [spmem:s10], $0x4000, $0x38;
	[tilespmem:$0x18100] =	vst v63  }
0x82: {  	s25 =	sadd.s32 $0x1, s25;
	_ =	swait.ge [sflag:s20], $0x4000  }
0x83: {  	p0 =	sne.s32 s25, s16;
	[sflag:s20] =	ssyncset.done $0x0  }
.Ltmp1:
0x84: {  	[sflag:s20] =	ssyncadd.s32 $0xFFFFC000;
	(pc) =	sbr.rel @p0 .LBB2_1-.Ltmp1, $4  }
0x85: {  	[hbm4b:s15+s4] =	stream.linear.scatter [tilespmem:s19], [sflag:$0x2], $0x4000, $0x38;
	[tilespmem:$0x18100] =	vst v63  }
0x86: {  	_ =	swait.ge [sflag:s20], $0x4000  }
0x87: {  	[sflag:s20] =	ssyncset.done $0x0  }
0x88: {  	[sflag:s20] =	ssyncadd.s32 $0xFFFFC000  }
0x89: {  	_ =	sfence.sel $0x180000  }
0x8a: {  	[bflag:$0x0] =	sbarrier.arrive $0xFFFF  }
0x8b: {  	p0 =	sne.s32 s3, $0x0;
	_ =	strace $0x90000047  }
0x8c: {  	s0 =	sadd.s32 @!p0 $0x100000, s0;
	[bflag:$0x2] =	sbarrier.arrive $0xFFFF  }
0x8d: {  	[sflag:s0] =	ssyncadd.tile.s32 @!p0 $0x1;
	_ =	shalt  }
.Lfunc_end2:
_tile_overlayer_lowered:
.L_overlay_start_2:
0x8e: {  	(tag) =	ssettag $0x2  }
0x8f: {  	s0 =	rddreg [dreg:$0x0];
	s2 =	stileid.u32  }
0x90: {  	s1 =	rddreg [dreg:$0x1];
	p0 =	sne.s32 s2, $0x0  }
0x91: {  	s3 =	rddreg [dreg:$0x2];
	[bflag:$0x3] =	sbarrier.arrive $0xFFFF;
	s2 =	simm.s32 @!p0 $0x1C02  }
0x92: {  	[timem:s3], [sflag:s2] =	dma.local @!p0 [hbm:s0], s1  }
0x93: {  	s0 =	simm.s32 @!p0 $0x2  }
0x94: {  	_ =	swait.ge @!p0 [sflag:s0], s1  }
0x95: {  	s1 =	ssub.s32 @!p0 $0x0, s1;
	[sflag:s0] =	ssyncset.done @!p0 $0x0  }
0x96: {  	[sflag:s0] =	ssyncadd.s32 @!p0 s1  }
0x97: {  	[bflag:$0x3] =	sbarrier.arrive $0xFFFF  }
0x98: {  	_ =	shalt  }

// kernel: kernel.14.cloned.1.call-start
scs
__scs_entry_jumppad:
0x0: {  	(pc) =	sbr.rel $0x88, $3  }
0x1: {  	(tag) =	ssettag $0x0;
	lr =	simm.s32 $0x1  }
0x2: {  	[smem:$0x3F8E] =	sst lr;
	_ =	strace $0xD0000000  }
0x3: {  	_ = 	snop  }
0x4: {  	_ = 	snop  }
0x5: {  	_ = 	snop  }
0x6: {  	_ = 	snop  }
0x7: {  	_ = 	snop  }
__scs_overlays_trampoline_lowered:
0x8: {  	[smem:$0x3F9D] =	sst s0  }
0x9: {  	[smem:$0x3F9E] =	sst s1  }
0xa: {  	[smem:$0x3F9F] =	sst s2  }
0xb: {  	[smem:$0x3FA0] =	sst s3  }
0xc: {  	[smem:$0x3FA1] =	sst s4  }
0xd: {  	[smem:$0x3FA2] =	sst s5  }
0xe: {  	[smem:$0x3FA3] =	sst s6  }
0xf: {  	[smem:$0x3FA4] =	sst s7  }
0x10: {  	[smem:$0x3FA5] =	sst s8  }
0x11: {  	[smem:$0x3FA6] =	sst s9;
	s0 =	simm.s32 @!p0 $0x0  }
0x12: {  	s1 =	sld [smem:$0x3F8C];
	s0 =	simm.s32 @p0 $0x1  }
0x13: {  	[smem:$0x3FA7] =	sst s0;
	s0 =	simm.s32 @!p1 $0x0  }
0x14: {  	s2 =	sld [smem:$0x3F8B];
	s0 =	simm.s32 @p1 $0x1  }
0x15: {  	[smem:$0x3FA8] =	sst s0;
	s0 =	simm.s32 @!p2 $0x0  }
0x16: {  	s3 =	sld [smem:$0x3FDB];
	s0 =	simm.s32 @p2 $0x1  }
0x17: {  	s4 =	simm.s32 $0x1BF5;
	[smem:$0x3FAA] =	sst s0  }
0x18: {  	s0 =	sld [smem:$0x3F8D];
	_ =	swait.ge [sflag:s4], $0x0  }
0x19: {  	s7 =	sld [smem:$0x3F8E]  }
0x1a: {  	s8 =	sadd.s32 $0xFFFFE003, lr  }
0x1b: {  	s9 =	sadd.s32 $0xFFFFFEF7, lr;
	s5 =	simm.s32 $0xFFFFFFFF;
	p2 =	slt.u32 s8, $0xFFFFF086  }
0x1c: {  	p1 =	slt.u32 s9, $0xF7A;
	s5 =	simm.s32 @!p2 $0x0  }
0x1d: {  	s5 =	simm.s32 @p1 $0x1;
	p0 =	seq.s32 s7, s2  }
0x1e: {  	s7 =	smul.u32 @!p0 $0xF7A, s2;
	p2 =	seq.s32 @!p0 s5, $0x0  }
0x1f: {  	s9 =	smul.u32 $0xF7A, s1;
	s8 =	simm.s32 @!p0 $0x1BF5;
	p2 =	por !p2, p0  }
0x20: {  	[sflag:s8] =	ssyncset.s32 @!p0 $0xFFFFF086;
	s6 =	sadd.s32 @!p0 s3, s7;
	s7 =	simm.s32 @!p0 $0x108  }
0x21: {  	s3 =	sadd.s32 s3, s9;
	s6 =	sadd.s32 @!p0 $0x88, s6;
	s7 =	simm.s32 @p2 $0x1082  }
0x22: {  	[simem:s7], [sflag:s8] =	dma.local @!p0 [hbm:s6], $0xF7A  }
0x23: {  	s9 =	sor.u32 $0xD0000000, s2;
	s6 =	simm.s32 $0x108;
	_ =	swait.ge @!p0 [sflag:s8], $0x0  }
0x24: {  	s3 =	sadd.s32 $0x88, s3;
	s6 =	simm.s32 @!p1 $0x1082;
	[sflag:s4] =	ssyncset.s32 $0xFFFFF086  }
0x25: {  	[simem:s6], [sflag:s4] =	dma.local [hbm:s3], $0xF7A  }
0x26: {  	[smem:$0x3F8E] =	sst s1;
	(tag) =	ssettag s2;
	_ =	strace s9  }
0x27: {  	s1 =	sld [smem:$0x3F9E]  }
0x28: {  	s2 =	sld [smem:$0x3F9F]  }
0x29: {  	s4 =	sld [smem:$0x3FA1]  }
0x2a: {  	p0 =	seq.s32 s5, $0x0;
	s5 =	sld [smem:$0x3FA2]  }
0x2b: {  	s6 =	sld [smem:$0x3FA3]  }
0x2c: {  	s7 =	sld [smem:$0x3FA4]  }
0x2d: {  	s3 =	simm.s32 $0x108;
	s8 =	sld [smem:$0x3FA5]  }
0x2e: {  	s3 =	simm.s32 @!p0 $0x1082;
	s9 =	sld [smem:$0x3FA6]  }
0x2f: {  	lr =	sadd.s32 s0, s3;
	s0 =	sld [smem:$0x3F9D]  }
0x30: {  	s3 =	sld [smem:$0x3FA0]  }
0x31: {  	[smem:$0x3FA9] =	sst s10  }
0x32: {  	s10 =	sld [smem:$0x3FA7];
	_ =	sdelay $0x3  }
0x33: {  	p0 =	seq.s32 s10, $0x1;
	s10 =	sld [smem:$0x3FA9];
	_ =	sdelay $0x3  }
0x34: {  	[smem:$0x3FA9] =	sst s10  }
0x35: {  	s10 =	sld [smem:$0x3FA8];
	_ =	sdelay $0x3  }
0x36: {  	p1 =	seq.s32 s10, $0x1;
	s10 =	sld [smem:$0x3FA9];
	_ =	sdelay $0x3  }
0x37: {  	[smem:$0x3FA9] =	sst s10  }
0x38: {  	s10 =	sld [smem:$0x3FAA]  }
0x39: {  	_ = 	snop;
	(pc) =	sbr.ind lr, $3  }
0x3a: {  	_ = 	snop  }
0x3b: {  	_ = 	snop  }
0x3c: {  	p2 =	seq.s32 s10, $0x1;
	s10 =	sld [smem:$0x3FA9]  }
0x3d: {  	_ =	shalt  }
0x3e: {  	_ =	shalt  }
0x3f: {  	_ =	shalt  }
0x40: {  	_ =	shalt  }
0x41: {  	_ =	shalt  }
0x42: {  	_ =	shalt  }
0x43: {  	_ =	shalt  }
0x44: {  	_ =	shalt  }
0x45: {  	_ =	shalt  }
0x46: {  	_ =	shalt  }
0x47: {  	_ =	shalt  }
0x48: {  	_ =	shalt  }
0x49: {  	_ =	shalt  }
0x4a: {  	_ =	shalt  }
0x4b: {  	_ =	shalt  }
0x4c: {  	_ =	shalt  }
0x4d: {  	_ =	shalt  }
0x4e: {  	_ =	shalt  }
0x4f: {  	_ =	shalt  }
0x50: {  	_ =	shalt  }
0x51: {  	_ =	shalt  }
0x52: {  	_ =	shalt  }
0x53: {  	_ =	shalt  }
0x54: {  	_ =	shalt  }
0x55: {  	_ =	shalt  }
0x56: {  	_ =	shalt  }
0x57: {  	_ =	shalt  }
0x58: {  	_ =	shalt  }
0x59: {  	_ =	shalt  }
0x5a: {  	_ =	shalt  }
0x5b: {  	_ =	shalt  }
0x5c: {  	_ =	shalt  }
0x5d: {  	_ =	shalt  }
0x5e: {  	_ =	shalt  }
0x5f: {  	_ =	shalt  }
0x60: {  	_ =	shalt  }
0x61: {  	_ =	shalt  }
0x62: {  	_ =	shalt  }
0x63: {  	_ =	shalt  }
0x64: {  	_ =	shalt  }
0x65: {  	_ =	shalt  }
0x66: {  	_ =	shalt  }
0x67: {  	_ =	shalt  }
0x68: {  	_ =	shalt  }
0x69: {  	_ =	shalt  }
0x6a: {  	_ =	shalt  }
0x6b: {  	_ =	shalt  }
0x6c: {  	_ =	shalt  }
0x6d: {  	_ =	shalt  }
0x6e: {  	_ =	shalt  }
0x6f: {  	_ =	shalt  }
0x70: {  	_ =	shalt  }
0x71: {  	_ =	shalt  }
0x72: {  	_ =	shalt  }
0x73: {  	_ =	shalt  }
0x74: {  	_ =	shalt  }
0x75: {  	_ =	shalt  }
0x76: {  	_ =	shalt  }
0x77: {  	_ =	shalt  }
0x78: {  	_ =	shalt  }
0x79: {  	_ =	shalt  }
0x7a: {  	_ =	shalt  }
0x7b: {  	_ =	shalt  }
0x7c: {  	_ =	shalt  }
0x7d: {  	_ =	shalt  }
0x7e: {  	_ =	shalt  }
0x7f: {  	_ =	shalt  }
0x80: {  	_ =	shalt  }
0x81: {  	_ =	shalt  }
0x82: {  	_ =	shalt  }
0x83: {  	_ =	shalt  }
0x84: {  	_ =	shalt  }
0x85: {  	_ =	shalt  }
0x86: {  	_ =	shalt  }
0x87: {  	_ =	shalt  }
.Lfunc_end0:
.L_simem_size_0:
called_computation.2_lowered:
.L_overlay_start_0:
0x88: {  	s2 =	sld [smem:$0x3FD9]  }
0x89: {  	s3 =	sld [smem:$0x3FFE];
	_ =	sdelay $0x1  }
0x8a: {  	s1 =	srdreg.scid  }
0x8b: {  	s0 =	sand.u32 $0x1, s1  }
0x8c: {  	s16 =	sshll.u32 s0, $0xA;
	s2 =	sadd.s32 s3, s2  }
0x8d: {  	s2 =	sadd.s32 s2, s16  }
0x8e: {  	[smem:$0x3FB5] =	sst s2  }
0x8f: {  	_ = 	snop  }
0x90: {  	(tm) =	ssettm $0x1  }
0x91: {  	s17 =	sld [smem:$0x3FFB];
	_ =	sdelay $0x3  }
0x92: {  	_ =	strace s17  }
0x93: {  	s2 =	sld [smem:$0x3FFC];
	_ =	sdelay $0x3  }
0x94: {  	_ =	strace s2  }
0x95: {  	s2 =	sld [smem:$0x3FFD];
	_ =	sdelay $0x3  }
0x96: {  	_ =	strace s2  }
0x97: {  	_ =	strace $0x8FFFFFFF  }
0x98: {  	s18 =	sld [smem:$0x3FDB];
	_ =	sdelay $0x1  }
0x99: {  	s19 =	simm.s32 $_scs_section_size  }
0x9a: {  	s4 =	simm.s32 $_size__tile_overlayer_lowered;
	s5 =	simm.s32 $_tile_overlayer_lowered  }
0x9b: {  	s22 =	simm.s32 $0x1BFF;
	s21 =	sshll.u32 s5, $0x1;
	s2 =	sadd.s32 s19, s18  }
0x9c: {  	s6 =	simm.s32 $0x0;
	s20 =	sshll.u32 s4, $0x1;
	s4 =	sadd.s32 s21, s2  }
0x9d: {  	[timem:s6], [sflag:s22] =	dma.local [hbm:s4], s20  }
0x9e: {  	_ =	swait.ge [sflag:s22], s20  }
0x9f: {  	s3 =	ssub.s32 $0x0, s20;
	[sflag:s22] =	ssyncset.done $0x0  }
0xa0: {  	[sflag:s22] =	ssyncadd.s32 s3;
	_ =	sdelay $0x1  }
0xa1: {  	s23 =	simm.s32 $0x1B8B  }
0xa2: {  	_ =	swait.ge [sflag:s23], $0x1  }
0xa3: {  	[sflag:s23] =	ssyncset.done $0x0  }
0xa4: {  	s25 =	simm.s32 $0x1B8E;
	s24 =	sld [smem:$0x3FFE];
	[sflag:s23] =	ssyncadd.s32 $0xFFFFFFFF  }
0xa5: {  	s26 =	simm.s32 $execute0_lowered;
	[smem:$0x3FD2] =	sst s25  }
0xa6: {  	s4 =	sshll.u32 s26, $0x1;
	_ =	strace $0x8000004C;
	[dreg:$0x1] =	wrdreg $0xFFFFFFFF  }
0xa7: {  	s28 =	simm.s32 $_size_execute0_lowered;
	s2 =	sadd.s32 s2, s4;
	[dreg:$0x0] =	wrdreg $0x0  }
0xa8: {  	s4 =	sshll.u32 s28, $0x1;
	[dreg:$0x2] =	wrdreg s2  }
0xa9: {  	[dreg:$0x3] =	wrdreg s4  }
0xaa: {  	[dreg:$0x4] =	wrdreg $0xC0  }
0xab: {  	_ =	task [dreg:s6], $0x5FFFF  }
0xac: {  	[dreg:$0x1] =	wrdreg $0xFFFFFFFF  }
0xad: {  	[dreg:$0x0] =	wrdreg $0x60  }
0xae: {  	[dreg:$0x2] =	wrdreg s24  }
0xaf: {  	[dreg:$0x3] =	wrdreg $0x0  }
0xb0: {  	[dreg:$0x4] =	wrdreg $0x9  }
0xb1: {  	_ =	task.clear_ibuf [dreg:s6], $0x5FFFF;
	_ =	strace $0x9000004C  }
0xb2: {  	s29 =	simm.s32 $0x9;
	_ =	strace $0x8000004E  }
0xb3: {  	_ =	swait.ge [sflag:s29], $0x1  }
0xb4: {  	[sflag:s29] =	ssyncadd.s32 $0xFFFFFFFF  }
0xb5: {  	_ =	strace $0x9000004E  }
0xb6: {  	_ =	sfence  }
0xb7: {  	s30 =	sld [smem:$0x0];
	_ =	sdelay $0x2  }
0xb8: {  	s31 =	sshll.u32 s1, $0xD;
	s1 =	sshrl.u32 s1, $0x2  }
0xb9: {  	s3 =	sand.u32 $0x4000, s31;
	s1 =	sadd.s32 s1, s30  }
0xba: {  	s0 =	sor.u32 s3, s0;
	s1 =	sshll.u32 s1, $0x11  }
0xbb: {  	s0 =	sor.u32 s1, s0  }
0xbc: {  	s0 =	sadd.s32 $0x8F2B, s0  }
0xbd: {  	[sflag:s0] =	ssyncadd.remote.s32 $0x1  }
0xbe: {  	_ =	sfence.sel $0xFFFF  }
0xbf: {  	[dreg:$0x0] =	wrdreg $0xFFFFFFFF;
	(pc) =	sbr.abs _section_cstart, $3  }
0xc0: {  	[dreg:$0x1] =	wrdreg $0xFFFFFFFF  }
0xc1: {  	_ =	task.clear_ibuf [dreg:s6], $0x2FFFF;
	_ =	strace $0x9FFFFFFF  }
0xc2: {  	(tm) =	ssettm $0x7FFFFFFF  }
0xc3: {  	_ =	shalt  }
tec
execute0_lowered:
.L_overlay_start_1:
0x0: {  	(tag) =	ssettag $0x1  }
0x1: {  	s6 =	rddreg [dreg:$0x0]  }
0x2: {  	s1 =	rddreg [dreg:$0x1];
	s2 =	srdreg.scid  }
0x3: {  	s0 =	rddreg [dreg:$0x2];
	s3 =	simm.s32 $0x0;
	s19 =	simm.s32 $0x14100  }
0x4: {  	s20 =	simm.s32 $0x2;
	s21 =	simm.s32 $0x14000;
	s7 =	sand.u32 $0x1, s2  }
0x5: {  	s22 =	simm.s32 $0x80;
	s2 =	stileid.u32;
	s5 =	smul.u32 $0x4F00, s7  }
0x6: {  	s23 =	simm.s32 $0x14080;
	s24 =	simm.s32 $0x1;
	s8 =	smul.u32 $0x280, s2  }
0x7: {  	s25 =	simm.s32 $0x0;
	[smem:$0x7FF] =	sst s3;
	s9 =	smul.u32 $0x2800, s7  }
0x8: {  	s4 =	sadd.s32 $0x68800, s6;
	s10 =	smul.u32 $0x50000, s2;
	s7 =	ssub.s32 $0x2, s7  }
0x9: {  	_ =	strace $0x8000004D;
	s18 =	smul.u32 $0x4F0, s2;
	s31 =	sshrl.u32 s7, $0x1  }
0xa: {  	s17 =	sadd.s32 s5, s6;
	s5 =	sadd.s32 $0x17800, s6;
	s8 =	sadd.s32 s8, s9  }
0xb: {  	s10 =	sshrl.u32 s10, $0x2;
	s16 =	ssub.s32 s7, s31;
	s8 =	sshll.u32 s8, $0x4  }
0xc: {  	s16 =	smax.u32 s16, $0x1;
	s18 =	sadd.s32 s18, s17;
	s15 =	sadd.s32 s8, s6  }
0xd: {  	s6 =	sadd.s32 s10, s1;
	s17 =	sadd.s32 $0x3C00, s18;
	s18 =	sadd.s32 $0xDA00, s18  }
0xe: {  	s7 =	sadd.s32 $0x4000, s6;
	s8 =	sadd.s32 $0x8000, s6;
	s9 =	sadd.s32 $0xC000, s6  }
0xf: {  	s10 =	sadd.s32 $0x10000, s6;
	s11 =	sadd.s32 $0x8FA00, s15;
	s12 =	sadd.s32 $0x90200, s15  }
0x10: {  	s13 =	sadd.s32 $0x90A00, s15;
	s14 =	sadd.s32 $0x91200, s15;
	s15 =	sadd.s32 $0x91A00, s15  }
.LBB2_1:
0x11: {  	[tilespmem:s19], [sflag:$0x2] =	stream.linear.gather [hbm4b:s5+s3], $0x4000, $0x38;
	[tilespmem:$0x18100] =	vst v63  }
0x12: {  	_ =	swait.ge [sflag:s20], $0x4000  }
0x13: {  	[sflag:s20] =	ssyncset.done $0x0  }
0x14: {  	[sflag:s20] =	ssyncadd.s32 $0xFFFFC000  }
0x15: {  	[spmem:s6] =	stream.linear.scatter [tilespmem:s19], [sflag:$0x2], $0x4000, $0x38;
	[tilespmem:$0x18100] =	vst v63  }
0x16: {  	_ =	swait.ge [sflag:s20], $0x4000  }
0x17: {  	[sflag:s20] =	ssyncset.done $0x0  }
0x18: {  	[sflag:s20] =	ssyncadd.s32 $0xFFFFC000  }
0x19: {  	[spmem:s7] =	stream.linear.scatter [tilespmem:s19], [sflag:$0x2], $0x4000, $0x38;
	[tilespmem:$0x18100] =	vst v63  }
0x1a: {  	_ =	swait.ge [sflag:s20], $0x4000  }
0x1b: {  	[sflag:s20] =	ssyncset.done $0x0  }
0x1c: {  	[sflag:s20] =	ssyncadd.s32 $0xFFFFC000  }
0x1d: {  	[spmem:s8] =	stream.linear.scatter [tilespmem:s19], [sflag:$0x2], $0x4000, $0x38;
	[tilespmem:$0x18100] =	vst v63  }
0x1e: {  	_ =	swait.ge [sflag:s20], $0x4000  }
0x1f: {  	[sflag:s20] =	ssyncset.done $0x0  }
0x20: {  	[sflag:s20] =	ssyncadd.s32 $0xFFFFC000  }
0x21: {  	[spmem:s9] =	stream.linear.scatter [tilespmem:s19], [sflag:$0x2], $0x4000, $0x38;
	[tilespmem:$0x18100] =	vst v63  }
0x22: {  	_ =	swait.ge [sflag:s20], $0x4000  }
0x23: {  	[sflag:s20] =	ssyncset.done $0x0  }
0x24: {  	[sflag:s20] =	ssyncadd.s32 $0xFFFFC000  }
0x25: {  	[spmem:s10] =	stream.linear.scatter [tilespmem:s19], [sflag:$0x2], $0x4000, $0x38;
	[tilespmem:$0x18100] =	vst v63  }
0x26: {  	_ =	swait.ge [sflag:s20], $0x4000  }
0x27: {  	[sflag:s20] =	ssyncset.done $0x0  }
0x28: {  	[sflag:s20] =	ssyncadd.s32 $0xFFFFC000  }
0x29: {  	s26 =	sadd.s32 $0x0, s17;
	[bflag:$0x0] =	sbarrier.arrive $0xFFFF  }
0x2a: {  	[tilespmem:s21], [sflag:$0x2] =	stream.linear.gather [hbm4b:s26+s3], $0x80, $0x38;
	[tilespmem:$0x18100] =	vst v63  }
0x2b: {  	_ =	swait.ge [sflag:s20], $0x80  }
0x2c: {  	[sflag:s20] =	ssyncset.done $0x0  }
0x2d: {  	[sflag:s20] =	ssyncadd.s32 $0xFFFFFF80  }
0x2e: {  	[tilespmem:s19], [sflag:$0x1] =	stream.indirect.gather [hbm4b:s4+s22], $0x80, s21, s22, $0xb8;
	[tilespmem:$0x18100] =	vst v63  }
0x2f: {  	s31 =	sadd.s32 $0x0, s18  }
0x30: {  	[tilespmem:s23], [sflag:$0x2] =	stream.linear.gather [hbm4b:s31+s3], $0x80, $0x38;
	[tilespmem:$0x18100] =	vst v63  }
0x31: {  	_ =	swait.ge [sflag:s20], $0x80  }
0x32: {  	[sflag:s20] =	ssyncset.done $0x0  }
0x33: {  	[sflag:s20] =	ssyncadd.s32 $0xFFFFFF80  }
0x34: {  	_ =	swait.ge [sflag:s24], $0x4000  }
0x35: {  	[sflag:s24] =	ssyncset.done $0x0  }
0x36: {  	[sflag:s24] =	ssyncadd.s32 $0xFFFFC000  }
0x37: {  	[spmem:s1] =	stream.indirect.scatter.add.f32 [tilespmem:s19], [sflag:$0x2], $0x80, s23, s22, $0xb8;
	[tilespmem:$0x18100] =	vst v63  }
0x38: {  	_ =	swait.ge [sflag:s20], $0x4000  }
0x39: {  	s28 =	simm.s32 $0x20;
	s26 =	simm.s32 $0x10;
	[sflag:s20] =	ssyncset.done $0x0  }
.LBB2_2:
0x3a: {  	s29 =	sadd.s32 s26, s17  }
0x3b: {  	[sflag:s20] =	ssyncadd.s32 $0xFFFFC000;
	s30 =	smov.u32 s28;
	s31 =	sadd.s32 $0x10, s28  }
0x3c: {  	[tilespmem:s21], [sflag:$0x2] =	stream.linear.gather [hbm4b:s29+s3], $0x80, $0x38;
	[tilespmem:$0x18100] =	vst v63  }
0x3d: {  	p0 =	sne.s32 s28, $0x4E0;
	_ =	swait.ge [sflag:s20], $0x80  }
0x3e: {  	[sflag:s20] =	ssyncset.done $0x0  }
0x3f: {  	[sflag:s20] =	ssyncadd.s32 $0xFFFFFF80  }
0x40: {  	[tilespmem:s19], [sflag:$0x1] =	stream.indirect.gather [hbm4b:s4+s22], $0x80, s21, s22, $0xb8;
	[tilespmem:$0x18100] =	vst v63  }
0x41: {  	s28 =	sadd.s32 s26, s18;
	s26 =	smov.u32 s30  }
0x42: {  	[tilespmem:s23], [sflag:$0x2] =	stream.linear.gather [hbm4b:s28+s3], $0x80, $0x38;
	[tilespmem:$0x18100] =	vst v63  }
0x43: {  	_ =	swait.ge [sflag:s20], $0x80  }
0x44: {  	[sflag:s20] =	ssyncset.done $0x0  }
0x45: {  	[sflag:s20] =	ssyncadd.s32 $0xFFFFFF80  }
0x46: {  	_ =	swait.ge [sflag:s24], $0x4000  }
.Ltmp0:
0x47: {  	[sflag:s24] =	ssyncset.done $0x0;
	(pc) =	sbr.rel @p0 .LBB2_2-.Ltmp0, $4  }
0x48: {  	[sflag:s24] =	ssyncadd.s32 $0xFFFFC000  }
0x49: {  	[spmem:s1] =	stream.indirect.scatter.add.f32 [tilespmem:s19], [sflag:$0x2], $0x80, s23, s22, $0xb8;
	[tilespmem:$0x18100] =	vst v63  }
0x4a: {  	_ =	swait.ge [sflag:s20], $0x4000  }
0x4b: {  	s28 =	smov.u32 s31;
	[sflag:s20] =	ssyncset.done $0x0  }
0x4c: {  	s28 =	sadd.s32 s26, s17;
	[sflag:s20] =	ssyncadd.s32 $0xFFFFC000  }
0x4d: {  	[tilespmem:s21], [sflag:$0x2] =	stream.linear.gather [hbm4b:s28+s3], $0x80, $0x38;
	[tilespmem:$0x18100] =	vst v63  }
0x4e: {  	_ =	swait.ge [sflag:s20], $0x80  }
0x4f: {  	[sflag:s20] =	ssyncset.done $0x0  }
0x50: {  	[sflag:s20] =	ssyncadd.s32 $0xFFFFFF80  }
0x51: {  	[tilespmem:s19], [sflag:$0x1] =	stream.indirect.gather [hbm4b:s4+s22], $0x80, s21, s22, $0xb8;
	[tilespmem:$0x18100] =	vst v63  }
0x52: {  	s31 =	sadd.s32 s26, s18  }
0x53: {  	[tilespmem:s23], [sflag:$0x2] =	stream.linear.gather [hbm4b:s31+s3], $0x80, $0x38;
	[tilespmem:$0x18100] =	vst v63  }
0x54: {  	_ =	swait.ge [sflag:s20], $0x80  }
0x55: {  	[sflag:s20] =	ssyncset.done $0x0  }
0x56: {  	[sflag:s20] =	ssyncadd.s32 $0xFFFFFF80  }
0x57: {  	_ =	swait.ge [sflag:s24], $0x4000  }
0x58: {  	[sflag:s24] =	ssyncset.done $0x0  }
0x59: {  	[sflag:s24] =	ssyncadd.s32 $0xFFFFC000  }
0x5a: {  	[spmem:s1] =	stream.indirect.scatter.add.f32 [tilespmem:s19], [sflag:$0x2], $0x80, s23, s22, $0xb8;
	[tilespmem:$0x18100] =	vst v63  }
0x5b: {  	_ =	swait.ge [sflag:s20], $0x4000  }
0x5c: {  	[sflag:s20] =	ssyncset.done $0x0  }
0x5d: {  	[sflag:s20] =	ssyncadd.s32 $0xFFFFC000  }
0x5e: {  	[bflag:$0x0] =	sbarrier.arrive $0xFFFF  }
0x5f: {  	[tilespmem:s19], [sflag:$0x2] =	stream.linear.gather [spmem:s6], $0x4000, $0x38;
	[tilespmem:$0x18100] =	vst v63  }
0x60: {  	_ =	swait.ge [sflag:s20], $0x4000  }
0x61: {  	[sflag:s20] =	ssyncset.done $0x0  }
0x62: {  	[sflag:s20] =	ssyncadd.s32 $0xFFFFC000  }
0x63: {  	[hbm4b:s11+s3] =	stream.linear.scatter [tilespmem:s19], [sflag:$0x2], $0x4000, $0x38;
	[tilespmem:$0x18100] =	vst v63  }
0x64: {  	_ =	swait.ge [sflag:s20], $0x4000  }
0x65: {  	[sflag:s20] =	ssyncset.done $0x0  }
0x66: {  	[sflag:s20] =	ssyncadd.s32 $0xFFFFC000  }
0x67: {  	[tilespmem:s19], [sflag:$0x2] =	stream.linear.gather [spmem:s7], $0x4000, $0x38;
	[tilespmem:$0x18100] =	vst v63  }
0x68: {  	_ =	swait.ge [sflag:s20], $0x4000  }
0x69: {  	[sflag:s20] =	ssyncset.done $0x0  }
0x6a: {  	[sflag:s20] =	ssyncadd.s32 $0xFFFFC000  }
0x6b: {  	[hbm4b:s12+s3] =	stream.linear.scatter [tilespmem:s19], [sflag:$0x2], $0x4000, $0x38;
	[tilespmem:$0x18100] =	vst v63  }
0x6c: {  	_ =	swait.ge [sflag:s20], $0x4000  }
0x6d: {  	[sflag:s20] =	ssyncset.done $0x0  }
0x6e: {  	[sflag:s20] =	ssyncadd.s32 $0xFFFFC000  }
0x6f: {  	[tilespmem:s19], [sflag:$0x2] =	stream.linear.gather [spmem:s8], $0x4000, $0x38;
	[tilespmem:$0x18100] =	vst v63  }
0x70: {  	_ =	swait.ge [sflag:s20], $0x4000  }
0x71: {  	[sflag:s20] =	ssyncset.done $0x0  }
0x72: {  	[sflag:s20] =	ssyncadd.s32 $0xFFFFC000  }
0x73: {  	[hbm4b:s13+s3] =	stream.linear.scatter [tilespmem:s19], [sflag:$0x2], $0x4000, $0x38;
	[tilespmem:$0x18100] =	vst v63  }
0x74: {  	_ =	swait.ge [sflag:s20], $0x4000  }
0x75: {  	[sflag:s20] =	ssyncset.done $0x0  }
0x76: {  	[sflag:s20] =	ssyncadd.s32 $0xFFFFC000  }
0x77: {  	[tilespmem:s19], [sflag:$0x2] =	stream.linear.gather [spmem:s9], $0x4000, $0x38;
	[tilespmem:$0x18100] =	vst v63  }
0x78: {  	_ =	swait.ge [sflag:s20], $0x4000  }
0x79: {  	[sflag:s20] =	ssyncset.done $0x0  }
0x7a: {  	[sflag:s20] =	ssyncadd.s32 $0xFFFFC000  }
0x7b: {  	[hbm4b:s14+s3] =	stream.linear.scatter [tilespmem:s19], [sflag:$0x2], $0x4000, $0x38;
	[tilespmem:$0x18100] =	vst v63  }
0x7c: {  	_ =	swait.ge [sflag:s20], $0x4000  }
0x7d: {  	[sflag:s20] =	ssyncset.done $0x0  }
0x7e: {  	[sflag:s20] =	ssyncadd.s32 $0xFFFFC000  }
0x7f: {  	[tilespmem:s19], [sflag:$0x2] =	stream.linear.gather [spmem:s10], $0x4000, $0x38;
	[tilespmem:$0x18100] =	vst v63  }
0x80: {  	s25 =	sadd.s32 $0x1, s25;
	_ =	swait.ge [sflag:s20], $0x4000  }
0x81: {  	p0 =	sne.s32 s25, s16;
	[sflag:s20] =	ssyncset.done $0x0  }
.Ltmp1:
0x82: {  	[sflag:s20] =	ssyncadd.s32 $0xFFFFC000;
	(pc) =	sbr.rel @p0 .LBB2_1-.Ltmp1, $4  }
0x83: {  	[hbm4b:s15+s3] =	stream.linear.scatter [tilespmem:s19], [sflag:$0x2], $0x4000, $0x38;
	[tilespmem:$0x18100] =	vst v63  }
0x84: {  	_ =	swait.ge [sflag:s20], $0x4000  }
0x85: {  	[sflag:s20] =	ssyncset.done $0x0  }
0x86: {  	[sflag:s20] =	ssyncadd.s32 $0xFFFFC000  }
0x87: {  	_ =	sfence.sel $0x180000  }
0x88: {  	[bflag:$0x0] =	sbarrier.arrive $0xFFFF  }
0x89: {  	p0 =	sne.s32 s2, $0x0;
	_ =	strace $0x9000004D  }
0x8a: {  	s0 =	sadd.s32 @!p0 $0x100000, s0;
	[bflag:$0x2] =	sbarrier.arrive $0xFFFF  }
0x8b: {  	[sflag:s0] =	ssyncadd.tile.s32 @!p0 $0x1;
	_ =	shalt  }
.Lfunc_end2:
_tile_overlayer_lowered:
.L_overlay_start_2:
0x8c: {  	(tag) =	ssettag $0x2  }
0x8d: {  	s0 =	rddreg [dreg:$0x0];
	s2 =	stileid.u32  }
0x8e: {  	s1 =	rddreg [dreg:$0x1];
	p0 =	sne.s32 s2, $0x0  }
0x8f: {  	s3 =	rddreg [dreg:$0x2];
	[bflag:$0x3] =	sbarrier.arrive $0xFFFF;
	s2 =	simm.s32 @!p0 $0x1C02  }
0x90: {  	[timem:s3], [sflag:s2] =	dma.local @!p0 [hbm:s0], s1  }
0x91: {  	s0 =	simm.s32 @!p0 $0x2  }
0x92: {  	_ =	swait.ge @!p0 [sflag:s0], s1  }
0x93: {  	s1 =	ssub.s32 @!p0 $0x0, s1;
	[sflag:s0] =	ssyncset.done @!p0 $0x0  }
0x94: {  	[sflag:s0] =	ssyncadd.s32 @!p0 s1  }
0x95: {  	[bflag:$0x3] =	sbarrier.arrive $0xFFFF  }
0x96: {  	_ =	shalt  }

// kernel: kernel.17.cloned.1.call-start
scs
__scs_entry_jumppad:
0x0: {  	(pc) =	sbr.rel $0x88, $3  }
0x1: {  	(tag) =	ssettag $0x0;
	lr =	simm.s32 $0x1  }
0x2: {  	[smem:$0x3F8E] =	sst lr;
	_ =	strace $0xD0000000  }
0x3: {  	_ = 	snop  }
0x4: {  	_ = 	snop  }
0x5: {  	_ = 	snop  }
0x6: {  	_ = 	snop  }
0x7: {  	_ = 	snop  }
__scs_overlays_trampoline_lowered:
0x8: {  	[smem:$0x3F9D] =	sst s0  }
0x9: {  	[smem:$0x3F9E] =	sst s1  }
0xa: {  	[smem:$0x3F9F] =	sst s2  }
0xb: {  	[smem:$0x3FA0] =	sst s3  }
0xc: {  	[smem:$0x3FA1] =	sst s4  }
0xd: {  	[smem:$0x3FA2] =	sst s5  }
0xe: {  	[smem:$0x3FA3] =	sst s6  }
0xf: {  	[smem:$0x3FA4] =	sst s7  }
0x10: {  	[smem:$0x3FA5] =	sst s8  }
0x11: {  	[smem:$0x3FA6] =	sst s9;
	s0 =	simm.s32 @!p0 $0x0  }
0x12: {  	s1 =	sld [smem:$0x3F8C];
	s0 =	simm.s32 @p0 $0x1  }
0x13: {  	[smem:$0x3FA7] =	sst s0;
	s0 =	simm.s32 @!p1 $0x0  }
0x14: {  	s2 =	sld [smem:$0x3F8B];
	s0 =	simm.s32 @p1 $0x1  }
0x15: {  	[smem:$0x3FA8] =	sst s0;
	s0 =	simm.s32 @!p2 $0x0  }
0x16: {  	s3 =	sld [smem:$0x3FDB];
	s0 =	simm.s32 @p2 $0x1  }
0x17: {  	s4 =	simm.s32 $0x1BF5;
	[smem:$0x3FAA] =	sst s0  }
0x18: {  	s0 =	sld [smem:$0x3F8D];
	_ =	swait.ge [sflag:s4], $0x0  }
0x19: {  	s7 =	sld [smem:$0x3F8E]  }
0x1a: {  	s8 =	sadd.s32 $0xFFFFE003, lr  }
0x1b: {  	s9 =	sadd.s32 $0xFFFFFEF7, lr;
	s5 =	simm.s32 $0xFFFFFFFF;
	p2 =	slt.u32 s8, $0xFFFFF086  }
0x1c: {  	p1 =	slt.u32 s9, $0xF7A;
	s5 =	simm.s32 @!p2 $0x0  }
0x1d: {  	s5 =	simm.s32 @p1 $0x1;
	p0 =	seq.s32 s7, s2  }
0x1e: {  	s7 =	smul.u32 @!p0 $0xF7A, s2;
	p2 =	seq.s32 @!p0 s5, $0x0  }
0x1f: {  	s9 =	smul.u32 $0xF7A, s1;
	s8 =	simm.s32 @!p0 $0x1BF5;
	p2 =	por !p2, p0  }
0x20: {  	[sflag:s8] =	ssyncset.s32 @!p0 $0xFFFFF086;
	s6 =	sadd.s32 @!p0 s3, s7;
	s7 =	simm.s32 @!p0 $0x108  }
0x21: {  	s3 =	sadd.s32 s3, s9;
	s6 =	sadd.s32 @!p0 $0x88, s6;
	s7 =	simm.s32 @p2 $0x1082  }
0x22: {  	[simem:s7], [sflag:s8] =	dma.local @!p0 [hbm:s6], $0xF7A  }
0x23: {  	s9 =	sor.u32 $0xD0000000, s2;
	s6 =	simm.s32 $0x108;
	_ =	swait.ge @!p0 [sflag:s8], $0x0  }
0x24: {  	s3 =	sadd.s32 $0x88, s3;
	s6 =	simm.s32 @!p1 $0x1082;
	[sflag:s4] =	ssyncset.s32 $0xFFFFF086  }
0x25: {  	[simem:s6], [sflag:s4] =	dma.local [hbm:s3], $0xF7A  }
0x26: {  	[smem:$0x3F8E] =	sst s1;
	(tag) =	ssettag s2;
	_ =	strace s9  }
0x27: {  	s1 =	sld [smem:$0x3F9E]  }
0x28: {  	s2 =	sld [smem:$0x3F9F]  }
0x29: {  	s4 =	sld [smem:$0x3FA1]  }
0x2a: {  	p0 =	seq.s32 s5, $0x0;
	s5 =	sld [smem:$0x3FA2]  }
0x2b: {  	s6 =	sld [smem:$0x3FA3]  }
0x2c: {  	s7 =	sld [smem:$0x3FA4]  }
0x2d: {  	s3 =	simm.s32 $0x108;
	s8 =	sld [smem:$0x3FA5]  }
0x2e: {  	s3 =	simm.s32 @!p0 $0x1082;
	s9 =	sld [smem:$0x3FA6]  }
0x2f: {  	lr =	sadd.s32 s0, s3;
	s0 =	sld [smem:$0x3F9D]  }
0x30: {  	s3 =	sld [smem:$0x3FA0]  }
0x31: {  	[smem:$0x3FA9] =	sst s10  }
0x32: {  	s10 =	sld [smem:$0x3FA7];
	_ =	sdelay $0x3  }
0x33: {  	p0 =	seq.s32 s10, $0x1;
	s10 =	sld [smem:$0x3FA9];
	_ =	sdelay $0x3  }
0x34: {  	[smem:$0x3FA9] =	sst s10  }
0x35: {  	s10 =	sld [smem:$0x3FA8];
	_ =	sdelay $0x3  }
0x36: {  	p1 =	seq.s32 s10, $0x1;
	s10 =	sld [smem:$0x3FA9];
	_ =	sdelay $0x3  }
0x37: {  	[smem:$0x3FA9] =	sst s10  }
0x38: {  	s10 =	sld [smem:$0x3FAA]  }
0x39: {  	_ = 	snop;
	(pc) =	sbr.ind lr, $3  }
0x3a: {  	_ = 	snop  }
0x3b: {  	_ = 	snop  }
0x3c: {  	p2 =	seq.s32 s10, $0x1;
	s10 =	sld [smem:$0x3FA9]  }
0x3d: {  	_ =	shalt  }
0x3e: {  	_ =	shalt  }
0x3f: {  	_ =	shalt  }
0x40: {  	_ =	shalt  }
0x41: {  	_ =	shalt  }
0x42: {  	_ =	shalt  }
0x43: {  	_ =	shalt  }
0x44: {  	_ =	shalt  }
0x45: {  	_ =	shalt  }
0x46: {  	_ =	shalt  }
0x47: {  	_ =	shalt  }
0x48: {  	_ =	shalt  }
0x49: {  	_ =	shalt  }
0x4a: {  	_ =	shalt  }
0x4b: {  	_ =	shalt  }
0x4c: {  	_ =	shalt  }
0x4d: {  	_ =	shalt  }
0x4e: {  	_ =	shalt  }
0x4f: {  	_ =	shalt  }
0x50: {  	_ =	shalt  }
0x51: {  	_ =	shalt  }
0x52: {  	_ =	shalt  }
0x53: {  	_ =	shalt  }
0x54: {  	_ =	shalt  }
0x55: {  	_ =	shalt  }
0x56: {  	_ =	shalt  }
0x57: {  	_ =	shalt  }
0x58: {  	_ =	shalt  }
0x59: {  	_ =	shalt  }
0x5a: {  	_ =	shalt  }
0x5b: {  	_ =	shalt  }
0x5c: {  	_ =	shalt  }
0x5d: {  	_ =	shalt  }
0x5e: {  	_ =	shalt  }
0x5f: {  	_ =	shalt  }
0x60: {  	_ =	shalt  }
0x61: {  	_ =	shalt  }
0x62: {  	_ =	shalt  }
0x63: {  	_ =	shalt  }
0x64: {  	_ =	shalt  }
0x65: {  	_ =	shalt  }
0x66: {  	_ =	shalt  }
0x67: {  	_ =	shalt  }
0x68: {  	_ =	shalt  }
0x69: {  	_ =	shalt  }
0x6a: {  	_ =	shalt  }
0x6b: {  	_ =	shalt  }
0x6c: {  	_ =	shalt  }
0x6d: {  	_ =	shalt  }
0x6e: {  	_ =	shalt  }
0x6f: {  	_ =	shalt  }
0x70: {  	_ =	shalt  }
0x71: {  	_ =	shalt  }
0x72: {  	_ =	shalt  }
0x73: {  	_ =	shalt  }
0x74: {  	_ =	shalt  }
0x75: {  	_ =	shalt  }
0x76: {  	_ =	shalt  }
0x77: {  	_ =	shalt  }
0x78: {  	_ =	shalt  }
0x79: {  	_ =	shalt  }
0x7a: {  	_ =	shalt  }
0x7b: {  	_ =	shalt  }
0x7c: {  	_ =	shalt  }
0x7d: {  	_ =	shalt  }
0x7e: {  	_ =	shalt  }
0x7f: {  	_ =	shalt  }
0x80: {  	_ =	shalt  }
0x81: {  	_ =	shalt  }
0x82: {  	_ =	shalt  }
0x83: {  	_ =	shalt  }
0x84: {  	_ =	shalt  }
0x85: {  	_ =	shalt  }
0x86: {  	_ =	shalt  }
0x87: {  	_ =	shalt  }
.Lfunc_end0:
.L_simem_size_0:
called_computation.3_lowered:
.L_overlay_start_0:
0x88: {  	s2 =	sld [smem:$0x3FD9]  }
0x89: {  	s3 =	sld [smem:$0x3FFE];
	_ =	sdelay $0x1  }
0x8a: {  	s1 =	srdreg.scid  }
0x8b: {  	s0 =	sand.u32 $0x1, s1  }
0x8c: {  	s17 =	sshll.u32 s0, $0xA;
	s2 =	sadd.s32 s3, s2  }
0x8d: {  	s2 =	sadd.s32 s2, s17  }
0x8e: {  	[smem:$0x3FB5] =	sst s2  }
0x8f: {  	_ = 	snop  }
0x90: {  	s2 =	sld [smem:$0x3FD0];
	(tm) =	ssettm $0x1  }
0x91: {  	s18 =	sld [smem:$0x3FFB];
	_ =	sdelay $0x3  }
0x92: {  	_ =	strace s18  }
0x93: {  	s3 =	sld [smem:$0x3FFC];
	_ =	sdelay $0x3  }
0x94: {  	_ =	strace s3  }
0x95: {  	s3 =	sld [smem:$0x3FFD];
	_ =	sdelay $0x3  }
0x96: {  	_ =	strace s3  }
0x97: {  	_ =	strace $0x8FFFFFFF  }
0x98: {  	s19 =	sld [smem:$0x3FDB];
	_ =	sdelay $0x1  }
0x99: {  	s4 =	simm.s32 $_scs_section_size  }
0x9a: {  	s5 =	simm.s32 $_size__tile_overlayer_lowered;
	s6 =	simm.s32 $_tile_overlayer_lowered  }
0x9b: {  	s22 =	simm.s32 $0x1BFF;
	s21 =	sshll.u32 s6, $0x1;
	s3 =	sadd.s32 s4, s19  }
0x9c: {  	s7 =	simm.s32 $0x0;
	s20 =	sshll.u32 s5, $0x1;
	s5 =	sadd.s32 s21, s3  }
0x9d: {  	[timem:s7], [sflag:s22] =	dma.local [hbm:s5], s20  }
0x9e: {  	_ =	swait.ge [sflag:s22], s20  }
0x9f: {  	s4 =	ssub.s32 $0x0, s20;
	[sflag:s22] =	ssyncset.done $0x0  }
0xa0: {  	[sflag:s22] =	ssyncadd.s32 s4;
	_ =	sdelay $0x1  }
0xa1: {  	s23 =	simm.s32 $0x1B8B  }
0xa2: {  	_ =	swait.ge [sflag:s23], $0x1  }
0xa3: {  	[sflag:s23] =	ssyncset.done $0x0  }
0xa4: {  	s25 =	simm.s32 $0x1B8E;
	s24 =	sld [smem:$0x3FFE];
	[sflag:s23] =	ssyncadd.s32 $0xFFFFFFFF  }
0xa5: {  	s26 =	simm.s32 $execute0_lowered;
	[smem:$0x3FD2] =	sst s25  }
0xa6: {  	s5 =	sshll.u32 s26, $0x1;
	_ =	strace $0x8000004F;
	[dreg:$0x1] =	wrdreg $0xFFFFFFFF  }
0xa7: {  	s28 =	simm.s32 $_size_execute0_lowered;
	s3 =	sadd.s32 s3, s5;
	[dreg:$0x0] =	wrdreg $0x0  }
0xa8: {  	s5 =	sshll.u32 s28, $0x1;
	[dreg:$0x2] =	wrdreg s3  }
0xa9: {  	[dreg:$0x3] =	wrdreg s5  }
0xaa: {  	[dreg:$0x4] =	wrdreg $0xC0  }
0xab: {  	_ =	task [dreg:s7], $0x5FFFF  }
0xac: {  	[dreg:$0x1] =	wrdreg $0xFFFFFFFF  }
0xad: {  	[dreg:$0x0] =	wrdreg $0x60  }
0xae: {  	[dreg:$0x2] =	wrdreg s2  }
0xaf: {  	[dreg:$0x3] =	wrdreg s24  }
0xb0: {  	[dreg:$0x4] =	wrdreg $0x9  }
0xb1: {  	_ =	task.clear_ibuf [dreg:s7], $0x5FFFF;
	_ =	strace $0x9000004F  }
0xb2: {  	s29 =	simm.s32 $0x9;
	_ =	strace $0x80000051  }
0xb3: {  	_ =	swait.ge [sflag:s29], $0x1  }
0xb4: {  	[sflag:s29] =	ssyncadd.s32 $0xFFFFFFFF  }
0xb5: {  	_ =	strace $0x90000051  }
0xb6: {  	_ =	sfence  }
0xb7: {  	s30 =	sld [smem:$0x0];
	_ =	sdelay $0x2  }
0xb8: {  	s31 =	sshll.u32 s1, $0xD;
	s1 =	sshrl.u32 s1, $0x2  }
0xb9: {  	s3 =	sand.u32 $0x4000, s31;
	s1 =	sadd.s32 s1, s30  }
0xba: {  	s0 =	sor.u32 s3, s0;
	s1 =	sshll.u32 s1, $0x11  }
0xbb: {  	s0 =	sor.u32 s1, s0  }
0xbc: {  	s0 =	sadd.s32 $0x8F2B, s0  }
0xbd: {  	[sflag:s0] =	ssyncadd.remote.s32 $0x1  }
0xbe: {  	_ =	sfence.sel $0xFFFF  }
0xbf: {  	[dreg:$0x0] =	wrdreg $0xFFFFFFFF;
	(pc) =	sbr.abs _section_cstart, $3  }
0xc0: {  	[dreg:$0x1] =	wrdreg $0xFFFFFFFF  }
0xc1: {  	_ =	task.clear_ibuf [dreg:s7], $0x2FFFF;
	_ =	strace $0x9FFFFFFF  }
0xc2: {  	(tm) =	ssettm $0x7FFFFFFF  }
0xc3: {  	_ =	shalt  }
tec
execute0_lowered:
.L_overlay_start_1:
0x0: {  	(tag) =	ssettag $0x1  }
0x1: {  	s1 =	srdreg.scid  }
0x2: {  	s0 =	stileid.u32;
	s2 =	rddreg [dreg:$0x0]  }
0x3: {  	s6 =	rddreg [dreg:$0x1];
	s3 =	simm.s32 $0x0;
	s12 =	simm.s32 $0x1  }
0x4: {  	s13 =	simm.s32 $0x2;
	s14 =	simm.s32 $0x20;
	s15 =	simm.s32 $0x4E00  }
0x5: {  	s16 =	simm.s32 $0xCE80;
	s4 =	sand.u32 $0x1, s1;
	s30 =	sshll.u32 s0, $0x1  }
0x6: {  	s1 =	rddreg [dreg:$0x2];
	s9 =	smul.u32 $0x9C400, s0;
	s5 =	sor.u32 s4, s30  }
0x7: {  	s17 =	simm.s32 $0x0;
	[smem:$0x7FF] =	sst s3;
	s7 =	smul.u32 $0x4E20, s5  }
0x8: {  	_ =	strace $0x80000050;
	s8 =	ssub.s32 $0x2, s4;
	s5 =	smul.u32 $0x271000, s5  }
0x9: {  	s11 =	smul.u32 $0x4E200, s4;
	s10 =	sshrl.u32 s8, $0x1;
	s7 =	sshrl.u32 s7, $0x3  }
0xa: {  	s5 =	sshrl.u32 s5, $0x3;
	s7 =	sadd.s32 s7, s6;
	s6 =	sadd.s32 $0xF3400, s6  }
0xb: {  	s8 =	ssub.s32 s8, s10;
	s10 =	simm.s32 $0x4E80;
	s5 =	sadd.s32 s6, s5  }
0xc: {  	s6 =	sadd.s32 s9, s6;
	s4 =	sadd.s32 $0xDFA00, s7;
	s9 =	simm.s32 $0x80  }
0xd: {  	s5 =	sadd.s32 $0x4E000, s5;
	s31 =	sadd.s32 s11, s6;
	s6 =	smax.u32 s8, $0x1  }
0xe: {  	s8 =	simm.s32 $0x3;
	s11 =	simm.s32 $0x8E80;
	s7 =	sadd.s32 $0x6000, s31  }
.LBB2_1:
0xf: {  	[tilespmem:s3], [sflag:$0x3] =	stream.linear.gather [hbm4b:s4+s3], $0x4E20, $0x38;
	[tilespmem:$0xDE80] =	vst v63  }
0x10: {  	_ =	swait.ge [sflag:s8], $0x4E20  }
0x11: {  	[sflag:s8] =	ssyncset.done $0x0  }
0x12: {  	s18 =	simm.s32 $0x0;
	[sflag:s8] =	ssyncadd.s32 $0xFFFFB1E0  }
0x13: {  	[tilespmem:s10], [sflag:$0x1] =	stream.indirect.gather [hbm4b:s2+s9], $0x80, s18, s9, $0xb8;
	[tilespmem:$0xDE80] =	vst v63  }
0x14: {  	s19 =	simm.s32 $0x80  }
0x15: {  	[tilespmem:s11], [sflag:$0x2] =	stream.indirect.gather [hbm4b:s2+s9], $0x80, s19, s9, $0xb8;
	[tilespmem:$0xDE80] =	vst v63  }
0x16: {  	_ =	swait.ge [sflag:s12], $0x4000  }
0x17: {  	[sflag:s12] =	ssyncset.done $0x0  }
0x18: {  	s20 =	sadd.s32 $0xFFFFA000, s7;
	[sflag:s12] =	ssyncadd.s32 $0xFFFFC000  }
0x19: {  	[hbm4b:s20+s3] =	stream.linear.scatter [tilespmem:s10], [sflag:$0x3], $0x4000, $0x38;
	[tilespmem:$0xDE80] =	vst v63  }
0x1a: {  	_ =	swait.ge [sflag:s8], $0x4000  }
0x1b: {  	[sflag:s8] =	ssyncset.done $0x0  }
0x1c: {  	s21 =	simm.s32 $0x100;
	[sflag:s8] =	ssyncadd.s32 $0xFFFFC000  }
0x1d: {  	[tilespmem:s10], [sflag:$0x1] =	stream.indirect.gather [hbm4b:s2+s9], $0x80, s21, s9, $0xb8;
	[tilespmem:$0xDE80] =	vst v63  }
0x1e: {  	_ =	swait.ge [sflag:s13], $0x4000  }
0x1f: {  	[sflag:s13] =	ssyncset.done $0x0  }
0x20: {  	s22 =	sadd.s32 $0xFFFFA800, s7;
	[sflag:s13] =	ssyncadd.s32 $0xFFFFC000  }
0x21: {  	[hbm4b:s22+s3] =	stream.linear.scatter [tilespmem:s11], [sflag:$0x3], $0x4000, $0x38;
	[tilespmem:$0xDE80] =	vst v63  }
0x22: {  	_ =	swait.ge [sflag:s8], $0x4000  }
0x23: {  	[sflag:s8] =	ssyncset.done $0x0  }
0x24: {  	s23 =	simm.s32 $0x180;
	[sflag:s8] =	ssyncadd.s32 $0xFFFFC000  }
0x25: {  	[tilespmem:s11], [sflag:$0x2] =	stream.indirect.gather [hbm4b:s2+s9], $0x80, s23, s9, $0xb8;
	[tilespmem:$0xDE80] =	vst v63  }
0x26: {  	_ =	swait.ge [sflag:s12], $0x4000  }
0x27: {  	[sflag:s12] =	ssyncset.done $0x0  }
0x28: {  	s24 =	sadd.s32 $0xFFFFB000, s7;
	[sflag:s12] =	ssyncadd.s32 $0xFFFFC000  }
0x29: {  	[hbm4b:s24+s3] =	stream.linear.scatter [tilespmem:s10], [sflag:$0x3], $0x4000, $0x38;
	[tilespmem:$0xDE80] =	vst v63  }
0x2a: {  	_ =	swait.ge [sflag:s8], $0x4000  }
0x2b: {  	[sflag:s8] =	ssyncset.done $0x0  }
0x2c: {  	s25 =	simm.s32 $0x200;
	[sflag:s8] =	ssyncadd.s32 $0xFFFFC000  }
0x2d: {  	[tilespmem:s10], [sflag:$0x1] =	stream.indirect.gather [hbm4b:s2+s9], $0x80, s25, s9, $0xb8;
	[tilespmem:$0xDE80] =	vst v63  }
0x2e: {  	_ =	swait.ge [sflag:s13], $0x4000  }
0x2f: {  	[sflag:s13] =	ssyncset.done $0x0  }
0x30: {  	s26 =	sadd.s32 $0xFFFFB800, s7;
	[sflag:s13] =	ssyncadd.s32 $0xFFFFC000  }
0x31: {  	[hbm4b:s26+s3] =	stream.linear.scatter [tilespmem:s11], [sflag:$0x3], $0x4000, $0x38;
	[tilespmem:$0xDE80] =	vst v63  }
0x32: {  	_ =	swait.ge [sflag:s8], $0x4000  }
0x33: {  	[sflag:s8] =	ssyncset.done $0x0  }
0x34: {  	s28 =	simm.s32 $0x280;
	[sflag:s8] =	ssyncadd.s32 $0xFFFFC000  }
0x35: {  	[tilespmem:s11], [sflag:$0x2] =	stream.indirect.gather [hbm4b:s2+s9], $0x80, s28, s9, $0xb8;
	[tilespmem:$0xDE80] =	vst v63  }
0x36: {  	_ =	swait.ge [sflag:s12], $0x4000  }
0x37: {  	[sflag:s12] =	ssyncset.done $0x0  }
0x38: {  	s29 =	sadd.s32 $0xFFFFC000, s7;
	[sflag:s12] =	ssyncadd.s32 $0xFFFFC000  }
0x39: {  	[hbm4b:s29+s3] =	stream.linear.scatter [tilespmem:s10], [sflag:$0x3], $0x4000, $0x38;
	[tilespmem:$0xDE80] =	vst v63  }
0x3a: {  	_ =	swait.ge [sflag:s8], $0x4000  }
0x3b: {  	[sflag:s8] =	ssyncset.done $0x0  }
0x3c: {  	s30 =	simm.s32 $0x300;
	[sflag:s8] =	ssyncadd.s32 $0xFFFFC000  }
0x3d: {  	[tilespmem:s10], [sflag:$0x1] =	stream.indirect.gather [hbm4b:s2+s9], $0x80, s30, s9, $0xb8;
	[tilespmem:$0xDE80] =	vst v63  }
0x3e: {  	_ =	swait.ge [sflag:s13], $0x4000  }
0x3f: {  	[sflag:s13] =	ssyncset.done $0x0  }
0x40: {  	s31 =	sadd.s32 $0xFFFFC800, s7;
	[sflag:s13] =	ssyncadd.s32 $0xFFFFC000  }
0x41: {  	[hbm4b:s31+s3] =	stream.linear.scatter [tilespmem:s11], [sflag:$0x3], $0x4000, $0x38;
	[tilespmem:$0xDE80] =	vst v63  }
0x42: {  	_ =	swait.ge [sflag:s8], $0x4000  }
0x43: {  	[sflag:s8] =	ssyncset.done $0x0  }
0x44: {  	s19 =	simm.s32 $0x380;
	[sflag:s8] =	ssyncadd.s32 $0xFFFFC000  }
0x45: {  	[tilespmem:s11], [sflag:$0x2] =	stream.indirect.gather [hbm4b:s2+s9], $0x80, s19, s9, $0xb8;
	[tilespmem:$0xDE80] =	vst v63  }
0x46: {  	_ =	swait.ge [sflag:s12], $0x4000  }
0x47: {  	[sflag:s12] =	ssyncset.done $0x0  }
0x48: {  	s20 =	sadd.s32 $0xFFFFD000, s7;
	[sflag:s12] =	ssyncadd.s32 $0xFFFFC000  }
0x49: {  	[hbm4b:s20+s3] =	stream.linear.scatter [tilespmem:s10], [sflag:$0x3], $0x4000, $0x38;
	[tilespmem:$0xDE80] =	vst v63  }
0x4a: {  	_ =	swait.ge [sflag:s8], $0x4000  }
0x4b: {  	[sflag:s8] =	ssyncset.done $0x0  }
0x4c: {  	s21 =	simm.s32 $0x400;
	[sflag:s8] =	ssyncadd.s32 $0xFFFFC000  }
0x4d: {  	[tilespmem:s10], [sflag:$0x1] =	stream.indirect.gather [hbm4b:s2+s9], $0x80, s21, s9, $0xb8;
	[tilespmem:$0xDE80] =	vst v63  }
0x4e: {  	_ =	swait.ge [sflag:s13], $0x4000  }
0x4f: {  	[sflag:s13] =	ssyncset.done $0x0  }
0x50: {  	s22 =	sadd.s32 $0xFFFFD800, s7;
	[sflag:s13] =	ssyncadd.s32 $0xFFFFC000  }
0x51: {  	[hbm4b:s22+s3] =	stream.linear.scatter [tilespmem:s11], [sflag:$0x3], $0x4000, $0x38;
	[tilespmem:$0xDE80] =	vst v63  }
0x52: {  	_ =	swait.ge [sflag:s8], $0x4000  }
0x53: {  	[sflag:s8] =	ssyncset.done $0x0  }
0x54: {  	s23 =	simm.s32 $0x480;
	[sflag:s8] =	ssyncadd.s32 $0xFFFFC000  }
0x55: {  	[tilespmem:s11], [sflag:$0x2] =	stream.indirect.gather [hbm4b:s2+s9], $0x80, s23, s9, $0xb8;
	[tilespmem:$0xDE80] =	vst v63  }
0x56: {  	_ =	swait.ge [sflag:s12], $0x4000  }
0x57: {  	[sflag:s12] =	ssyncset.done $0x0  }
0x58: {  	s24 =	sadd.s32 $0xFFFFE000, s7;
	[sflag:s12] =	ssyncadd.s32 $0xFFFFC000  }
0x59: {  	[hbm4b:s24+s3] =	stream.linear.scatter [tilespmem:s10], [sflag:$0x3], $0x4000, $0x38;
	[tilespmem:$0xDE80] =	vst v63  }
0x5a: {  	_ =	swait.ge [sflag:s8], $0x4000  }
0x5b: {  	[sflag:s8] =	ssyncset.done $0x0  }
0x5c: {  	s25 =	simm.s32 $0x500;
	[sflag:s8] =	ssyncadd.s32 $0xFFFFC000  }
0x5d: {  	[tilespmem:s10], [sflag:$0x1] =	stream.indirect.gather [hbm4b:s2+s9], $0x80, s25, s9, $0xb8;
	[tilespmem:$0xDE80] =	vst v63  }
0x5e: {  	_ =	swait.ge [sflag:s13], $0x4000  }
0x5f: {  	[sflag:s13] =	ssyncset.done $0x0  }
0x60: {  	s26 =	sadd.s32 $0xFFFFE800, s7;
	[sflag:s13] =	ssyncadd.s32 $0xFFFFC000  }
0x61: {  	[hbm4b:s26+s3] =	stream.linear.scatter [tilespmem:s11], [sflag:$0x3], $0x4000, $0x38;
	[tilespmem:$0xDE80] =	vst v63  }
0x62: {  	_ =	swait.ge [sflag:s8], $0x4000  }
0x63: {  	[sflag:s8] =	ssyncset.done $0x0  }
0x64: {  	s28 =	simm.s32 $0x580;
	[sflag:s8] =	ssyncadd.s32 $0xFFFFC000  }
0x65: {  	[tilespmem:s11], [sflag:$0x2] =	stream.indirect.gather [hbm4b:s2+s9], $0x80, s28, s9, $0xb8;
	[tilespmem:$0xDE80] =	vst v63  }
0x66: {  	_ =	swait.ge [sflag:s12], $0x4000  }
0x67: {  	[sflag:s12] =	ssyncset.done $0x0  }
0x68: {  	s29 =	sadd.s32 $0xFFFFF000, s7;
	[sflag:s12] =	ssyncadd.s32 $0xFFFFC000  }
0x69: {  	[hbm4b:s29+s3] =	stream.linear.scatter [tilespmem:s10], [sflag:$0x3], $0x4000, $0x38;
	[tilespmem:$0xDE80] =	vst v63  }
0x6a: {  	_ =	swait.ge [sflag:s8], $0x4000  }
0x6b: {  	[sflag:s8] =	ssyncset.done $0x0  }
0x6c: {  	s30 =	simm.s32 $0x600;
	[sflag:s8] =	ssyncadd.s32 $0xFFFFC000  }
0x6d: {  	[tilespmem:s10], [sflag:$0x1] =	stream.indirect.gather [hbm4b:s2+s9], $0x80, s30, s9, $0xb8;
	[tilespmem:$0xDE80] =	vst v63  }
0x6e: {  	_ =	swait.ge [sflag:s13], $0x4000  }
0x6f: {  	[sflag:s13] =	ssyncset.done $0x0  }
0x70: {  	s31 =	sadd.s32 $0xFFFFF800, s7;
	[sflag:s13] =	ssyncadd.s32 $0xFFFFC000  }
0x71: {  	[hbm4b:s31+s3] =	stream.linear.scatter [tilespmem:s11], [sflag:$0x3], $0x4000, $0x38;
	[tilespmem:$0xDE80] =	vst v63  }
0x72: {  	_ =	swait.ge [sflag:s8], $0x4000  }
0x73: {  	[sflag:s8] =	ssyncset.done $0x0  }
0x74: {  	[sflag:s8] =	ssyncadd.s32 $0xFFFFC000  }
0x75: {  	_ =	swait.ge [sflag:s12], $0x4000  }
0x76: {  	[sflag:s12] =	ssyncset.done $0x0  }
0x77: {  	[sflag:s12] =	ssyncadd.s32 $0xFFFFC000  }
0x78: {  	[hbm4b:s7+s3] =	stream.linear.scatter [tilespmem:s10], [sflag:$0x3], $0x4000, $0x38;
	[tilespmem:$0xDE80] =	vst v63  }
0x79: {  	s18 =	sadd.s32 $0x6800, s7;
	_ =	swait.ge [sflag:s8], $0x4000  }
0x7a: {  	s19 =	simm.s32 $0x1A00;
	s22 =	simm.s32 $0x3400;
	[sflag:s8] =	ssyncset.done $0x0  }
.LBB2_2:
0x7b: {  	s21 =	sshra.s32 s19, $0x2  }
0x7c: {  	[sflag:s8] =	ssyncadd.s32 $0xFFFFC000;
	s19 =	smov.u32 s22;
	s20 =	sadd.s32 $0x1A00, s22  }
0x7d: {  	[tilespmem:s10], [sflag:$0x1] =	stream.indirect.gather [hbm4b:s2+s9], $0x80, s21, s9, $0xb8;
	[tilespmem:$0xDE80] =	vst v63  }
0x7e: {  	p0 =	sne.s32 s22, $0x11E00;
	s22 =	sadd.s32 $0x80, s21  }
0x7f: {  	[tilespmem:s11], [sflag:$0x2] =	stream.indirect.gather [hbm4b:s2+s9], $0x80, s22, s9, $0xb8;
	[tilespmem:$0xDE80] =	vst v63  }
0x80: {  	_ =	swait.ge [sflag:s12], $0x4000  }
0x81: {  	[sflag:s12] =	ssyncset.done $0x0  }
0x82: {  	s22 =	sadd.s32 $0xFFFFA000, s18;
	[sflag:s12] =	ssyncadd.s32 $0xFFFFC000  }
0x83: {  	[hbm4b:s22+s3] =	stream.linear.scatter [tilespmem:s10], [sflag:$0x3], $0x4000, $0x38;
	[tilespmem:$0xDE80] =	vst v63  }
0x84: {  	_ =	swait.ge [sflag:s8], $0x4000  }
0x85: {  	[sflag:s8] =	ssyncset.done $0x0  }
0x86: {  	s22 =	sadd.s32 $0x100, s21;
	[sflag:s8] =	ssyncadd.s32 $0xFFFFC000  }
0x87: {  	[tilespmem:s10], [sflag:$0x1] =	stream.indirect.gather [hbm4b:s2+s9], $0x80, s22, s9, $0xb8;
	[tilespmem:$0xDE80] =	vst v63  }
0x88: {  	_ =	swait.ge [sflag:s13], $0x4000  }
0x89: {  	[sflag:s13] =	ssyncset.done $0x0  }
0x8a: {  	s22 =	sadd.s32 $0xFFFFA800, s18;
	[sflag:s13] =	ssyncadd.s32 $0xFFFFC000  }
0x8b: {  	[hbm4b:s22+s3] =	stream.linear.scatter [tilespmem:s11], [sflag:$0x3], $0x4000, $0x38;
	[tilespmem:$0xDE80] =	vst v63  }
0x8c: {  	_ =	swait.ge [sflag:s8], $0x4000  }
0x8d: {  	[sflag:s8] =	ssyncset.done $0x0  }
0x8e: {  	s22 =	sadd.s32 $0x180, s21;
	[sflag:s8] =	ssyncadd.s32 $0xFFFFC000  }
0x8f: {  	[tilespmem:s11], [sflag:$0x2] =	stream.indirect.gather [hbm4b:s2+s9], $0x80, s22, s9, $0xb8;
	[tilespmem:$0xDE80] =	vst v63  }
0x90: {  	_ =	swait.ge [sflag:s12], $0x4000  }
0x91: {  	[sflag:s12] =	ssyncset.done $0x0  }
0x92: {  	s22 =	sadd.s32 $0xFFFFB000, s18;
	[sflag:s12] =	ssyncadd.s32 $0xFFFFC000  }
0x93: {  	[hbm4b:s22+s3] =	stream.linear.scatter [tilespmem:s10], [sflag:$0x3], $0x4000, $0x38;
	[tilespmem:$0xDE80] =	vst v63  }
0x94: {  	_ =	swait.ge [sflag:s8], $0x4000  }
0x95: {  	[sflag:s8] =	ssyncset.done $0x0  }
0x96: {  	s22 =	sadd.s32 $0x200, s21;
	[sflag:s8] =	ssyncadd.s32 $0xFFFFC000  }
0x97: {  	[tilespmem:s10], [sflag:$0x1] =	stream.indirect.gather [hbm4b:s2+s9], $0x80, s22, s9, $0xb8;
	[tilespmem:$0xDE80] =	vst v63  }
0x98: {  	_ =	swait.ge [sflag:s13], $0x4000  }
0x99: {  	[sflag:s13] =	ssyncset.done $0x0  }
0x9a: {  	s22 =	sadd.s32 $0xFFFFB800, s18;
	[sflag:s13] =	ssyncadd.s32 $0xFFFFC000  }
0x9b: {  	[hbm4b:s22+s3] =	stream.linear.scatter [tilespmem:s11], [sflag:$0x3], $0x4000, $0x38;
	[tilespmem:$0xDE80] =	vst v63  }
0x9c: {  	_ =	swait.ge [sflag:s8], $0x4000  }
0x9d: {  	[sflag:s8] =	ssyncset.done $0x0  }
0x9e: {  	s22 =	sadd.s32 $0x280, s21;
	[sflag:s8] =	ssyncadd.s32 $0xFFFFC000  }
0x9f: {  	[tilespmem:s11], [sflag:$0x2] =	stream.indirect.gather [hbm4b:s2+s9], $0x80, s22, s9, $0xb8;
	[tilespmem:$0xDE80] =	vst v63  }
0xa0: {  	_ =	swait.ge [sflag:s12], $0x4000  }
0xa1: {  	[sflag:s12] =	ssyncset.done $0x0  }
0xa2: {  	s22 =	sadd.s32 $0xFFFFC000, s18;
	[sflag:s12] =	ssyncadd.s32 $0xFFFFC000  }
0xa3: {  	[hbm4b:s22+s3] =	stream.linear.scatter [tilespmem:s10], [sflag:$0x3], $0x4000, $0x38;
	[tilespmem:$0xDE80] =	vst v63  }
0xa4: {  	_ =	swait.ge [sflag:s8], $0x4000  }
0xa5: {  	[sflag:s8] =	ssyncset.done $0x0  }
0xa6: {  	s22 =	sadd.s32 $0x300, s21;
	[sflag:s8] =	ssyncadd.s32 $0xFFFFC000  }
0xa7: {  	[tilespmem:s10], [sflag:$0x1] =	stream.indirect.gather [hbm4b:s2+s9], $0x80, s22, s9, $0xb8;
	[tilespmem:$0xDE80] =	vst v63  }
0xa8: {  	_ =	swait.ge [sflag:s13], $0x4000  }
0xa9: {  	[sflag:s13] =	ssyncset.done $0x0  }
0xaa: {  	s22 =	sadd.s32 $0xFFFFC800, s18;
	[sflag:s13] =	ssyncadd.s32 $0xFFFFC000  }
0xab: {  	[hbm4b:s22+s3] =	stream.linear.scatter [tilespmem:s11], [sflag:$0x3], $0x4000, $0x38;
	[tilespmem:$0xDE80] =	vst v63  }
0xac: {  	_ =	swait.ge [sflag:s8], $0x4000  }
0xad: {  	[sflag:s8] =	ssyncset.done $0x0  }
0xae: {  	s22 =	sadd.s32 $0x380, s21;
	[sflag:s8] =	ssyncadd.s32 $0xFFFFC000  }
0xaf: {  	[tilespmem:s11], [sflag:$0x2] =	stream.indirect.gather [hbm4b:s2+s9], $0x80, s22, s9, $0xb8;
	[tilespmem:$0xDE80] =	vst v63  }
0xb0: {  	_ =	swait.ge [sflag:s12], $0x4000  }
0xb1: {  	[sflag:s12] =	ssyncset.done $0x0  }
0xb2: {  	s22 =	sadd.s32 $0xFFFFD000, s18;
	[sflag:s12] =	ssyncadd.s32 $0xFFFFC000  }
0xb3: {  	[hbm4b:s22+s3] =	stream.linear.scatter [tilespmem:s10], [sflag:$0x3], $0x4000, $0x38;
	[tilespmem:$0xDE80] =	vst v63  }
0xb4: {  	_ =	swait.ge [sflag:s8], $0x4000  }
0xb5: {  	[sflag:s8] =	ssyncset.done $0x0  }
0xb6: {  	s22 =	sadd.s32 $0x400, s21;
	[sflag:s8] =	ssyncadd.s32 $0xFFFFC000  }
0xb7: {  	[tilespmem:s10], [sflag:$0x1] =	stream.indirect.gather [hbm4b:s2+s9], $0x80, s22, s9, $0xb8;
	[tilespmem:$0xDE80] =	vst v63  }
0xb8: {  	_ =	swait.ge [sflag:s13], $0x4000  }
0xb9: {  	[sflag:s13] =	ssyncset.done $0x0  }
0xba: {  	s22 =	sadd.s32 $0xFFFFD800, s18;
	[sflag:s13] =	ssyncadd.s32 $0xFFFFC000  }
0xbb: {  	[hbm4b:s22+s3] =	stream.linear.scatter [tilespmem:s11], [sflag:$0x3], $0x4000, $0x38;
	[tilespmem:$0xDE80] =	vst v63  }
0xbc: {  	_ =	swait.ge [sflag:s8], $0x4000  }
0xbd: {  	[sflag:s8] =	ssyncset.done $0x0  }
0xbe: {  	s22 =	sadd.s32 $0x480, s21;
	[sflag:s8] =	ssyncadd.s32 $0xFFFFC000  }
0xbf: {  	[tilespmem:s11], [sflag:$0x2] =	stream.indirect.gather [hbm4b:s2+s9], $0x80, s22, s9, $0xb8;
	[tilespmem:$0xDE80] =	vst v63  }
0xc0: {  	_ =	swait.ge [sflag:s12], $0x4000  }
0xc1: {  	[sflag:s12] =	ssyncset.done $0x0  }
0xc2: {  	s22 =	sadd.s32 $0xFFFFE000, s18;
	[sflag:s12] =	ssyncadd.s32 $0xFFFFC000  }
0xc3: {  	[hbm4b:s22+s3] =	stream.linear.scatter [tilespmem:s10], [sflag:$0x3], $0x4000, $0x38;
	[tilespmem:$0xDE80] =	vst v63  }
0xc4: {  	_ =	swait.ge [sflag:s8], $0x4000  }
0xc5: {  	[sflag:s8] =	ssyncset.done $0x0  }
0xc6: {  	s22 =	sadd.s32 $0x500, s21;
	[sflag:s8] =	ssyncadd.s32 $0xFFFFC000  }
0xc7: {  	[tilespmem:s10], [sflag:$0x1] =	stream.indirect.gather [hbm4b:s2+s9], $0x80, s22, s9, $0xb8;
	[tilespmem:$0xDE80] =	vst v63  }
0xc8: {  	_ =	swait.ge [sflag:s13], $0x4000  }
0xc9: {  	[sflag:s13] =	ssyncset.done $0x0  }
0xca: {  	s22 =	sadd.s32 $0xFFFFE800, s18;
	[sflag:s13] =	ssyncadd.s32 $0xFFFFC000  }
0xcb: {  	[hbm4b:s22+s3] =	stream.linear.scatter [tilespmem:s11], [sflag:$0x3], $0x4000, $0x38;
	[tilespmem:$0xDE80] =	vst v63  }
0xcc: {  	_ =	swait.ge [sflag:s8], $0x4000  }
0xcd: {  	[sflag:s8] =	ssyncset.done $0x0  }
0xce: {  	s22 =	sadd.s32 $0x580, s21;
	[sflag:s8] =	ssyncadd.s32 $0xFFFFC000  }
0xcf: {  	[tilespmem:s11], [sflag:$0x2] =	stream.indirect.gather [hbm4b:s2+s9], $0x80, s22, s9, $0xb8;
	[tilespmem:$0xDE80] =	vst v63  }
0xd0: {  	_ =	swait.ge [sflag:s12], $0x4000  }
0xd1: {  	[sflag:s12] =	ssyncset.done $0x0  }
0xd2: {  	s22 =	sadd.s32 $0xFFFFF000, s18;
	[sflag:s12] =	ssyncadd.s32 $0xFFFFC000  }
0xd3: {  	[hbm4b:s22+s3] =	stream.linear.scatter [tilespmem:s10], [sflag:$0x3], $0x4000, $0x38;
	[tilespmem:$0xDE80] =	vst v63  }
0xd4: {  	_ =	swait.ge [sflag:s8], $0x4000  }
0xd5: {  	[sflag:s8] =	ssyncset.done $0x0  }
0xd6: {  	s21 =	sadd.s32 $0x600, s21;
	[sflag:s8] =	ssyncadd.s32 $0xFFFFC000  }
0xd7: {  	[tilespmem:s10], [sflag:$0x1] =	stream.indirect.gather [hbm4b:s2+s9], $0x80, s21, s9, $0xb8;
	[tilespmem:$0xDE80] =	vst v63  }
0xd8: {  	_ =	swait.ge [sflag:s13], $0x4000  }
0xd9: {  	[sflag:s13] =	ssyncset.done $0x0  }
0xda: {  	s21 =	sadd.s32 $0xFFFFF800, s18;
	[sflag:s13] =	ssyncadd.s32 $0xFFFFC000  }
0xdb: {  	[hbm4b:s21+s3] =	stream.linear.scatter [tilespmem:s11], [sflag:$0x3], $0x4000, $0x38;
	[tilespmem:$0xDE80] =	vst v63  }
0xdc: {  	_ =	swait.ge [sflag:s8], $0x4000  }
0xdd: {  	[sflag:s8] =	ssyncset.done $0x0  }
0xde: {  	[sflag:s8] =	ssyncadd.s32 $0xFFFFC000  }
0xdf: {  	_ =	swait.ge [sflag:s12], $0x4000  }
.Ltmp0:
0xe0: {  	[sflag:s12] =	ssyncset.done $0x0;
	(pc) =	sbr.rel @p0 .LBB2_2-.Ltmp0, $4  }
0xe1: {  	[sflag:s12] =	ssyncadd.s32 $0xFFFFC000  }
0xe2: {  	[hbm4b:s18+s3] =	stream.linear.scatter [tilespmem:s10], [sflag:$0x3], $0x4000, $0x38;
	[tilespmem:$0xDE80] =	vst v63  }
0xe3: {  	_ =	swait.ge [sflag:s8], $0x4000  }
0xe4: {  	s22 =	smov.u32 s20;
	s18 =	sadd.s32 $0x6800, s18;
	[sflag:s8] =	ssyncset.done $0x0  }
0xe5: {  	s19 =	sshra.s32 s19, $0x2;
	[sflag:s8] =	ssyncadd.s32 $0xFFFFC000  }
0xe6: {  	[tilespmem:s10], [sflag:$0x1] =	stream.indirect.gather [hbm4b:s2+s9], $0x80, s19, s9, $0xb8;
	[tilespmem:$0xDE80] =	vst v63  }
0xe7: {  	s20 =	sadd.s32 $0x80, s19  }
0xe8: {  	[tilespmem:s11], [sflag:$0x2] =	stream.indirect.gather [hbm4b:s2+s9], $0x80, s20, s9, $0xb8;
	[tilespmem:$0xDE80] =	vst v63  }
0xe9: {  	_ =	swait.ge [sflag:s12], $0x4000  }
0xea: {  	[sflag:s12] =	ssyncset.done $0x0  }
0xeb: {  	s30 =	sadd.s32 $0xFFFFA000, s18;
	[sflag:s12] =	ssyncadd.s32 $0xFFFFC000  }
0xec: {  	[hbm4b:s30+s3] =	stream.linear.scatter [tilespmem:s10], [sflag:$0x3], $0x4000, $0x38;
	[tilespmem:$0xDE80] =	vst v63  }
0xed: {  	_ =	swait.ge [sflag:s8], $0x4000  }
0xee: {  	[sflag:s8] =	ssyncset.done $0x0  }
0xef: {  	s31 =	sadd.s32 $0x100, s19;
	[sflag:s8] =	ssyncadd.s32 $0xFFFFC000  }
0xf0: {  	[tilespmem:s10], [sflag:$0x1] =	stream.indirect.gather [hbm4b:s2+s9], $0x80, s31, s9, $0xb8;
	[tilespmem:$0xDE80] =	vst v63  }
0xf1: {  	_ =	swait.ge [sflag:s13], $0x4000  }
0xf2: {  	[sflag:s13] =	ssyncset.done $0x0  }
0xf3: {  	s21 =	sadd.s32 $0xFFFFA800, s18;
	[sflag:s13] =	ssyncadd.s32 $0xFFFFC000  }
0xf4: {  	[hbm4b:s21+s3] =	stream.linear.scatter [tilespmem:s11], [sflag:$0x3], $0x4000, $0x38;
	[tilespmem:$0xDE80] =	vst v63  }
0xf5: {  	_ =	swait.ge [sflag:s8], $0x4000  }
0xf6: {  	[sflag:s8] =	ssyncset.done $0x0  }
0xf7: {  	s22 =	sadd.s32 $0x180, s19;
	[sflag:s8] =	ssyncadd.s32 $0xFFFFC000  }
0xf8: {  	[tilespmem:s11], [sflag:$0x2] =	stream.indirect.gather [hbm4b:s2+s9], $0x80, s22, s9, $0xb8;
	[tilespmem:$0xDE80] =	vst v63  }
0xf9: {  	_ =	swait.ge [sflag:s12], $0x4000  }
0xfa: {  	[sflag:s12] =	ssyncset.done $0x0  }
0xfb: {  	s23 =	sadd.s32 $0xFFFFB000, s18;
	[sflag:s12] =	ssyncadd.s32 $0xFFFFC000  }
0xfc: {  	[hbm4b:s23+s3] =	stream.linear.scatter [tilespmem:s10], [sflag:$0x3], $0x4000, $0x38;
	[tilespmem:$0xDE80] =	vst v63  }
0xfd: {  	_ =	swait.ge [sflag:s8], $0x4000  }
0xfe: {  	[sflag:s8] =	ssyncset.done $0x0  }
0xff: {  	s24 =	sadd.s32 $0x200, s19;
	[sflag:s8] =	ssyncadd.s32 $0xFFFFC000  }
0x100: {  	[tilespmem:s10], [sflag:$0x1] =	stream.indirect.gather [hbm4b:s2+s9], $0x80, s24, s9, $0xb8;
	[tilespmem:$0xDE80] =	vst v63  }
0x101: {  	_ =	swait.ge [sflag:s13], $0x4000  }
0x102: {  	[sflag:s13] =	ssyncset.done $0x0  }
0x103: {  	s25 =	sadd.s32 $0xFFFFB800, s18;
	[sflag:s13] =	ssyncadd.s32 $0xFFFFC000  }
0x104: {  	[hbm4b:s25+s3] =	stream.linear.scatter [tilespmem:s11], [sflag:$0x3], $0x4000, $0x38;
	[tilespmem:$0xDE80] =	vst v63  }
0x105: {  	_ =	swait.ge [sflag:s8], $0x4000  }
0x106: {  	[sflag:s8] =	ssyncset.done $0x0  }
0x107: {  	s26 =	sadd.s32 $0x280, s19;
	[sflag:s8] =	ssyncadd.s32 $0xFFFFC000  }
0x108: {  	[tilespmem:s11], [sflag:$0x2] =	stream.indirect.gather [hbm4b:s2+s9], $0x80, s26, s9, $0xb8;
	[tilespmem:$0xDE80] =	vst v63  }
0x109: {  	_ =	swait.ge [sflag:s12], $0x4000  }
0x10a: {  	[sflag:s12] =	ssyncset.done $0x0  }
0x10b: {  	s28 =	sadd.s32 $0xFFFFC000, s18;
	[sflag:s12] =	ssyncadd.s32 $0xFFFFC000  }
0x10c: {  	[hbm4b:s28+s3] =	stream.linear.scatter [tilespmem:s10], [sflag:$0x3], $0x4000, $0x38;
	[tilespmem:$0xDE80] =	vst v63  }
0x10d: {  	_ =	swait.ge [sflag:s8], $0x4000  }
0x10e: {  	[sflag:s8] =	ssyncset.done $0x0  }
0x10f: {  	s29 =	sadd.s32 $0x300, s19;
	[sflag:s8] =	ssyncadd.s32 $0xFFFFC000  }
0x110: {  	[tilespmem:s10], [sflag:$0x1] =	stream.indirect.gather [hbm4b:s2+s9], $0x80, s29, s9, $0xb8;
	[tilespmem:$0xDE80] =	vst v63  }
0x111: {  	_ =	swait.ge [sflag:s13], $0x4000  }
0x112: {  	[sflag:s13] =	ssyncset.done $0x0  }
0x113: {  	s30 =	sadd.s32 $0xFFFFC800, s18;
	[sflag:s13] =	ssyncadd.s32 $0xFFFFC000  }
0x114: {  	[hbm4b:s30+s3] =	stream.linear.scatter [tilespmem:s11], [sflag:$0x3], $0x4000, $0x38;
	[tilespmem:$0xDE80] =	vst v63  }
0x115: {  	_ =	swait.ge [sflag:s8], $0x4000  }
0x116: {  	[sflag:s8] =	ssyncset.done $0x0  }
0x117: {  	s31 =	sadd.s32 $0x380, s19;
	[sflag:s8] =	ssyncadd.s32 $0xFFFFC000  }
0x118: {  	[tilespmem:s11], [sflag:$0x2] =	stream.indirect.gather [hbm4b:s2+s9], $0x80, s31, s9, $0xb8;
	[tilespmem:$0xDE80] =	vst v63  }
0x119: {  	_ =	swait.ge [sflag:s12], $0x4000  }
0x11a: {  	[sflag:s12] =	ssyncset.done $0x0  }
0x11b: {  	s21 =	sadd.s32 $0xFFFFD000, s18;
	[sflag:s12] =	ssyncadd.s32 $0xFFFFC000  }
0x11c: {  	[hbm4b:s21+s3] =	stream.linear.scatter [tilespmem:s10], [sflag:$0x3], $0x4000, $0x38;
	[tilespmem:$0xDE80] =	vst v63  }
0x11d: {  	_ =	swait.ge [sflag:s8], $0x4000  }
0x11e: {  	[sflag:s8] =	ssyncset.done $0x0  }
0x11f: {  	s22 =	sadd.s32 $0x400, s19;
	[sflag:s8] =	ssyncadd.s32 $0xFFFFC000  }
0x120: {  	[tilespmem:s10], [sflag:$0x1] =	stream.indirect.gather [hbm4b:s2+s9], $0x80, s22, s9, $0xb8;
	[tilespmem:$0xDE80] =	vst v63  }
0x121: {  	_ =	swait.ge [sflag:s13], $0x4000  }
0x122: {  	[sflag:s13] =	ssyncset.done $0x0  }
0x123: {  	s23 =	sadd.s32 $0xFFFFD800, s18;
	[sflag:s13] =	ssyncadd.s32 $0xFFFFC000  }
0x124: {  	[hbm4b:s23+s3] =	stream.linear.scatter [tilespmem:s11], [sflag:$0x3], $0x4000, $0x38;
	[tilespmem:$0xDE80] =	vst v63  }
0x125: {  	_ =	swait.ge [sflag:s8], $0x4000  }
0x126: {  	[sflag:s8] =	ssyncset.done $0x0  }
0x127: {  	s24 =	sadd.s32 $0x480, s19;
	[sflag:s8] =	ssyncadd.s32 $0xFFFFC000  }
0x128: {  	[tilespmem:s11], [sflag:$0x2] =	stream.indirect.gather [hbm4b:s2+s9], $0x80, s24, s9, $0xb8;
	[tilespmem:$0xDE80] =	vst v63  }
0x129: {  	_ =	swait.ge [sflag:s12], $0x4000  }
0x12a: {  	[sflag:s12] =	ssyncset.done $0x0  }
0x12b: {  	s25 =	sadd.s32 $0xFFFFE000, s18;
	[sflag:s12] =	ssyncadd.s32 $0xFFFFC000  }
0x12c: {  	[hbm4b:s25+s3] =	stream.linear.scatter [tilespmem:s10], [sflag:$0x3], $0x4000, $0x38;
	[tilespmem:$0xDE80] =	vst v63  }
0x12d: {  	_ =	swait.ge [sflag:s8], $0x4000  }
0x12e: {  	[sflag:s8] =	ssyncset.done $0x0  }
0x12f: {  	s26 =	sadd.s32 $0x500, s19;
	[sflag:s8] =	ssyncadd.s32 $0xFFFFC000  }
0x130: {  	[tilespmem:s10], [sflag:$0x1] =	stream.indirect.gather [hbm4b:s2+s9], $0x80, s26, s9, $0xb8;
	[tilespmem:$0xDE80] =	vst v63  }
0x131: {  	_ =	swait.ge [sflag:s13], $0x4000  }
0x132: {  	[sflag:s13] =	ssyncset.done $0x0  }
0x133: {  	s28 =	sadd.s32 $0xFFFFE800, s18;
	[sflag:s13] =	ssyncadd.s32 $0xFFFFC000  }
0x134: {  	[hbm4b:s28+s3] =	stream.linear.scatter [tilespmem:s11], [sflag:$0x3], $0x4000, $0x38;
	[tilespmem:$0xDE80] =	vst v63  }
0x135: {  	_ =	swait.ge [sflag:s8], $0x4000  }
0x136: {  	[sflag:s8] =	ssyncset.done $0x0  }
0x137: {  	s29 =	sadd.s32 $0x580, s19;
	[sflag:s8] =	ssyncadd.s32 $0xFFFFC000  }
0x138: {  	[tilespmem:s11], [sflag:$0x2] =	stream.indirect.gather [hbm4b:s2+s9], $0x80, s29, s9, $0xb8;
	[tilespmem:$0xDE80] =	vst v63  }
0x139: {  	_ =	swait.ge [sflag:s12], $0x4000  }
0x13a: {  	[sflag:s12] =	ssyncset.done $0x0  }
0x13b: {  	s30 =	sadd.s32 $0xFFFFF000, s18;
	[sflag:s12] =	ssyncadd.s32 $0xFFFFC000  }
0x13c: {  	[hbm4b:s30+s3] =	stream.linear.scatter [tilespmem:s10], [sflag:$0x3], $0x4000, $0x38;
	[tilespmem:$0xDE80] =	vst v63  }
0x13d: {  	_ =	swait.ge [sflag:s8], $0x4000  }
0x13e: {  	[sflag:s8] =	ssyncset.done $0x0  }
0x13f: {  	s19 =	sadd.s32 $0x600, s19;
	[sflag:s8] =	ssyncadd.s32 $0xFFFFC000  }
0x140: {  	[tilespmem:s10], [sflag:$0x1] =	stream.indirect.gather [hbm4b:s2+s9], $0x80, s19, s9, $0xb8;
	[tilespmem:$0xDE80] =	vst v63  }
0x141: {  	_ =	swait.ge [sflag:s13], $0x4000  }
0x142: {  	[sflag:s13] =	ssyncset.done $0x0  }
0x143: {  	s31 =	sadd.s32 $0xFFFFF800, s18;
	[sflag:s13] =	ssyncadd.s32 $0xFFFFC000  }
0x144: {  	[hbm4b:s31+s3] =	stream.linear.scatter [tilespmem:s11], [sflag:$0x3], $0x4000, $0x38;
	[tilespmem:$0xDE80] =	vst v63  }
0x145: {  	_ =	swait.ge [sflag:s8], $0x4000  }
0x146: {  	[sflag:s8] =	ssyncset.done $0x0  }
0x147: {  	[sflag:s8] =	ssyncadd.s32 $0xFFFFC000  }
0x148: {  	_ =	swait.ge [sflag:s12], $0x4000  }
0x149: {  	[sflag:s12] =	ssyncset.done $0x0  }
0x14a: {  	[sflag:s12] =	ssyncadd.s32 $0xFFFFC000  }
0x14b: {  	[hbm4b:s18+s3] =	stream.linear.scatter [tilespmem:s10], [sflag:$0x3], $0x4000, $0x38;
	[tilespmem:$0xDE80] =	vst v63  }
0x14c: {  	_ =	swait.ge [sflag:s8], $0x4000  }
0x14d: {  	[sflag:s8] =	ssyncset.done $0x0  }
0x14e: {  	[sflag:s8] =	ssyncadd.s32 $0xFFFFC000  }
0x14f: {  	[tilespmem:s16], [sflag:$0x1] =	stream.indirect.gather [hbm4b:s2+s14], $0x80, s15, s14, $0xb8;
	[tilespmem:$0xDE80] =	vst v63  }
0x150: {  	s17 =	sadd.s32 $0x1, s17;
	_ =	swait.ge [sflag:s12], $0x1000  }
0x151: {  	p0 =	sne.s32 s17, s6;
	[sflag:s12] =	ssyncset.done $0x0  }
.Ltmp1:
0x152: {  	[sflag:s12] =	ssyncadd.s32 $0xFFFFF000;
	(pc) =	sbr.rel @p0 .LBB2_1-.Ltmp1, $4  }
0x153: {  	[hbm4b:s5+s3] =	stream.linear.scatter [tilespmem:s16], [sflag:$0x3], $0x1000, $0x38;
	[tilespmem:$0xDE80] =	vst v63  }
0x154: {  	_ =	swait.ge [sflag:s8], $0x1000  }
0x155: {  	[sflag:s8] =	ssyncset.done $0x0  }
0x156: {  	[sflag:s8] =	ssyncadd.s32 $0xFFFFF000  }
0x157: {  	_ =	sfence.sel $0x180000  }
0x158: {  	[bflag:$0x0] =	sbarrier.arrive $0xFFFF  }
0x159: {  	p0 =	sne.s32 s0, $0x0;
	_ =	strace $0x90000050  }
0x15a: {  	s0 =	sadd.s32 @!p0 $0x100000, s1;
	[bflag:$0x2] =	sbarrier.arrive $0xFFFF  }
0x15b: {  	[sflag:s0] =	ssyncadd.tile.s32 @!p0 $0x1;
	_ =	shalt  }
.Lfunc_end2:
_tile_overlayer_lowered:
.L_overlay_start_2:
0x15c: {  	(tag) =	ssettag $0x2  }
0x15d: {  	s0 =	rddreg [dreg:$0x0];
	s2 =	stileid.u32  }
0x15e: {  	s1 =	rddreg [dreg:$0x1];
	p0 =	sne.s32 s2, $0x0  }
0x15f: {  	s3 =	rddreg [dreg:$0x2];
	[bflag:$0x3] =	sbarrier.arrive $0xFFFF;
	s2 =	simm.s32 @!p0 $0x1C03  }
0x160: {  	[timem:s3], [sflag:s2] =	dma.local @!p0 [hbm:s0], s1  }
0x161: {  	s0 =	simm.s32 @!p0 $0x3  }
0x162: {  	_ =	swait.ge @!p0 [sflag:s0], s1  }
0x163: {  	s1 =	ssub.s32 @!p0 $0x0, s1;
	[sflag:s0] =	ssyncset.done @!p0 $0x0  }
0x164: {  	[sflag:s0] =	ssyncadd.s32 @!p0 s1  }
0x165: {  	[bflag:$0x3] =	sbarrier.arrive $0xFFFF  }
0x166: {  	_ =	shalt  }

// kernel: kernel.8.cloned.1.call-start
scs
__scs_entry_jumppad:
0x0: {  	(pc) =	sbr.rel $0x88, $3  }
0x1: {  	(tag) =	ssettag $0x0;
	lr =	simm.s32 $0x1  }
0x2: {  	[smem:$0x3F8E] =	sst lr;
	_ =	strace $0xD0000000  }
0x3: {  	_ = 	snop  }
0x4: {  	_ = 	snop  }
0x5: {  	_ = 	snop  }
0x6: {  	_ = 	snop  }
0x7: {  	_ = 	snop  }
__scs_overlays_trampoline_lowered:
0x8: {  	[smem:$0x3F9D] =	sst s0  }
0x9: {  	[smem:$0x3F9E] =	sst s1  }
0xa: {  	[smem:$0x3F9F] =	sst s2  }
0xb: {  	[smem:$0x3FA0] =	sst s3  }
0xc: {  	[smem:$0x3FA1] =	sst s4  }
0xd: {  	[smem:$0x3FA2] =	sst s5  }
0xe: {  	[smem:$0x3FA3] =	sst s6  }
0xf: {  	[smem:$0x3FA4] =	sst s7  }
0x10: {  	[smem:$0x3FA5] =	sst s8  }
0x11: {  	[smem:$0x3FA6] =	sst s9;
	s0 =	simm.s32 @!p0 $0x0  }
0x12: {  	s1 =	sld [smem:$0x3F8C];
	s0 =	simm.s32 @p0 $0x1  }
0x13: {  	[smem:$0x3FA7] =	sst s0;
	s0 =	simm.s32 @!p1 $0x0  }
0x14: {  	s2 =	sld [smem:$0x3F8B];
	s0 =	simm.s32 @p1 $0x1  }
0x15: {  	[smem:$0x3FA8] =	sst s0;
	s0 =	simm.s32 @!p2 $0x0  }
0x16: {  	s3 =	sld [smem:$0x3FDB];
	s0 =	simm.s32 @p2 $0x1  }
0x17: {  	s4 =	simm.s32 $0x1BF5;
	[smem:$0x3FAA] =	sst s0  }
0x18: {  	s0 =	sld [smem:$0x3F8D];
	_ =	swait.ge [sflag:s4], $0x0  }
0x19: {  	s7 =	sld [smem:$0x3F8E]  }
0x1a: {  	s8 =	sadd.s32 $0xFFFFE003, lr  }
0x1b: {  	s9 =	sadd.s32 $0xFFFFFEF7, lr;
	s5 =	simm.s32 $0xFFFFFFFF;
	p2 =	slt.u32 s8, $0xFFFFF086  }
0x1c: {  	p1 =	slt.u32 s9, $0xF7A;
	s5 =	simm.s32 @!p2 $0x0  }
0x1d: {  	s5 =	simm.s32 @p1 $0x1;
	p0 =	seq.s32 s7, s2  }
0x1e: {  	s7 =	smul.u32 @!p0 $0xF7A, s2;
	p2 =	seq.s32 @!p0 s5, $0x0  }
0x1f: {  	s9 =	smul.u32 $0xF7A, s1;
	s8 =	simm.s32 @!p0 $0x1BF5;
	p2 =	por !p2, p0  }
0x20: {  	[sflag:s8] =	ssyncset.s32 @!p0 $0xFFFFF086;
	s6 =	sadd.s32 @!p0 s3, s7;
	s7 =	simm.s32 @!p0 $0x108  }
0x21: {  	s3 =	sadd.s32 s3, s9;
	s6 =	sadd.s32 @!p0 $0x88, s6;
	s7 =	simm.s32 @p2 $0x1082  }
0x22: {  	[simem:s7], [sflag:s8] =	dma.local @!p0 [hbm:s6], $0xF7A  }
0x23: {  	s9 =	sor.u32 $0xD0000000, s2;
	s6 =	simm.s32 $0x108;
	_ =	swait.ge @!p0 [sflag:s8], $0x0  }
0x24: {  	s3 =	sadd.s32 $0x88, s3;
	s6 =	simm.s32 @!p1 $0x1082;
	[sflag:s4] =	ssyncset.s32 $0xFFFFF086  }
0x25: {  	[simem:s6], [sflag:s4] =	dma.local [hbm:s3], $0xF7A  }
0x26: {  	[smem:$0x3F8E] =	sst s1;
	(tag) =	ssettag s2;
	_ =	strace s9  }
0x27: {  	s1 =	sld [smem:$0x3F9E]  }
0x28: {  	s2 =	sld [smem:$0x3F9F]  }
0x29: {  	s4 =	sld [smem:$0x3FA1]  }
0x2a: {  	p0 =	seq.s32 s5, $0x0;
	s5 =	sld [smem:$0x3FA2]  }
0x2b: {  	s6 =	sld [smem:$0x3FA3]  }
0x2c: {  	s7 =	sld [smem:$0x3FA4]  }
0x2d: {  	s3 =	simm.s32 $0x108;
	s8 =	sld [smem:$0x3FA5]  }
0x2e: {  	s3 =	simm.s32 @!p0 $0x1082;
	s9 =	sld [smem:$0x3FA6]  }
0x2f: {  	lr =	sadd.s32 s0, s3;
	s0 =	sld [smem:$0x3F9D]  }
0x30: {  	s3 =	sld [smem:$0x3FA0]  }
0x31: {  	[smem:$0x3FA9] =	sst s10  }
0x32: {  	s10 =	sld [smem:$0x3FA7];
	_ =	sdelay $0x3  }
0x33: {  	p0 =	seq.s32 s10, $0x1;
	s10 =	sld [smem:$0x3FA9];
	_ =	sdelay $0x3  }
0x34: {  	[smem:$0x3FA9] =	sst s10  }
0x35: {  	s10 =	sld [smem:$0x3FA8];
	_ =	sdelay $0x3  }
0x36: {  	p1 =	seq.s32 s10, $0x1;
	s10 =	sld [smem:$0x3FA9];
	_ =	sdelay $0x3  }
0x37: {  	[smem:$0x3FA9] =	sst s10  }
0x38: {  	s10 =	sld [smem:$0x3FAA]  }
0x39: {  	_ = 	snop;
	(pc) =	sbr.ind lr, $3  }
0x3a: {  	_ = 	snop  }
0x3b: {  	_ = 	snop  }
0x3c: {  	p2 =	seq.s32 s10, $0x1;
	s10 =	sld [smem:$0x3FA9]  }
0x3d: {  	_ =	shalt  }
0x3e: {  	_ =	shalt  }
0x3f: {  	_ =	shalt  }
0x40: {  	_ =	shalt  }
0x41: {  	_ =	shalt  }
0x42: {  	_ =	shalt  }
0x43: {  	_ =	shalt  }
0x44: {  	_ =	shalt  }
0x45: {  	_ =	shalt  }
0x46: {  	_ =	shalt  }
0x47: {  	_ =	shalt  }
0x48: {  	_ =	shalt  }
0x49: {  	_ =	shalt  }
0x4a: {  	_ =	shalt  }
0x4b: {  	_ =	shalt  }
0x4c: {  	_ =	shalt  }
0x4d: {  	_ =	shalt  }
0x4e: {  	_ =	shalt  }
0x4f: {  	_ =	shalt  }
0x50: {  	_ =	shalt  }
0x51: {  	_ =	shalt  }
0x52: {  	_ =	shalt  }
0x53: {  	_ =	shalt  }
0x54: {  	_ =	shalt  }
0x55: {  	_ =	shalt  }
0x56: {  	_ =	shalt  }
0x57: {  	_ =	shalt  }
0x58: {  	_ =	shalt  }
0x59: {  	_ =	shalt  }
0x5a: {  	_ =	shalt  }
0x5b: {  	_ =	shalt  }
0x5c: {  	_ =	shalt  }
0x5d: {  	_ =	shalt  }
0x5e: {  	_ =	shalt  }
0x5f: {  	_ =	shalt  }
0x60: {  	_ =	shalt  }
0x61: {  	_ =	shalt  }
0x62: {  	_ =	shalt  }
0x63: {  	_ =	shalt  }
0x64: {  	_ =	shalt  }
0x65: {  	_ =	shalt  }
0x66: {  	_ =	shalt  }
0x67: {  	_ =	shalt  }
0x68: {  	_ =	shalt  }
0x69: {  	_ =	shalt  }
0x6a: {  	_ =	shalt  }
0x6b: {  	_ =	shalt  }
0x6c: {  	_ =	shalt  }
0x6d: {  	_ =	shalt  }
0x6e: {  	_ =	shalt  }
0x6f: {  	_ =	shalt  }
0x70: {  	_ =	shalt  }
0x71: {  	_ =	shalt  }
0x72: {  	_ =	shalt  }
0x73: {  	_ =	shalt  }
0x74: {  	_ =	shalt  }
0x75: {  	_ =	shalt  }
0x76: {  	_ =	shalt  }
0x77: {  	_ =	shalt  }
0x78: {  	_ =	shalt  }
0x79: {  	_ =	shalt  }
0x7a: {  	_ =	shalt  }
0x7b: {  	_ =	shalt  }
0x7c: {  	_ =	shalt  }
0x7d: {  	_ =	shalt  }
0x7e: {  	_ =	shalt  }
0x7f: {  	_ =	shalt  }
0x80: {  	_ =	shalt  }
0x81: {  	_ =	shalt  }
0x82: {  	_ =	shalt  }
0x83: {  	_ =	shalt  }
0x84: {  	_ =	shalt  }
0x85: {  	_ =	shalt  }
0x86: {  	_ =	shalt  }
0x87: {  	_ =	shalt  }
.Lfunc_end0:
.L_simem_size_0:
called_computation_lowered:
.L_overlay_start_0:
0x88: {  	s2 =	sld [smem:$0x3FD9]  }
0x89: {  	s3 =	sld [smem:$0x3FFE];
	_ =	sdelay $0x1  }
0x8a: {  	s1 =	srdreg.scid  }
0x8b: {  	s0 =	sand.u32 $0x1, s1  }
0x8c: {  	s17 =	sshll.u32 s0, $0xA;
	s2 =	sadd.s32 s3, s2  }
0x8d: {  	s2 =	sadd.s32 s2, s17  }
0x8e: {  	[smem:$0x3FB5] =	sst s2  }
0x8f: {  	_ = 	snop  }
0x90: {  	(tm) =	ssettm $0x1  }
0x91: {  	s18 =	sld [smem:$0x3FFB];
	_ =	sdelay $0x3  }
0x92: {  	_ =	strace s18  }
0x93: {  	s2 =	sld [smem:$0x3FFC];
	_ =	sdelay $0x3  }
0x94: {  	_ =	strace s2  }
0x95: {  	s2 =	sld [smem:$0x3FFD];
	_ =	sdelay $0x3  }
0x96: {  	_ =	strace s2  }
0x97: {  	_ =	strace $0x8FFFFFFF  }
0x98: {  	s19 =	sld [smem:$0x3FDB];
	_ =	sdelay $0x1  }
0x99: {  	s20 =	simm.s32 $_scs_section_size  }
0x9a: {  	s4 =	simm.s32 $_size__tile_overlayer_lowered;
	s5 =	simm.s32 $_tile_overlayer_lowered  }
0x9b: {  	s6 =	simm.s32 $0x1BFF;
	s21 =	sshll.u32 s5, $0x1;
	s3 =	sadd.s32 s20, s19  }
0x9c: {  	s22 =	simm.s32 $0x0;
	s4 =	sshll.u32 s4, $0x1;
	s5 =	sadd.s32 s21, s3  }
0x9d: {  	[timem:s22], [sflag:s6] =	dma.local [hbm:s5], s4  }
0x9e: {  	_ =	swait.ge [sflag:s6], s4  }
0x9f: {  	s4 =	ssub.s32 $0x0, s4;
	[sflag:s6] =	ssyncset.done $0x0  }
0xa0: {  	[sflag:s6] =	ssyncadd.s32 s4;
	_ =	sdelay $0x1  }
0xa1: {  	s23 =	simm.s32 $0x1B8B  }
0xa2: {  	_ =	swait.ge [sflag:s23], $0x1  }
0xa3: {  	[sflag:s23] =	ssyncset.done $0x0  }
0xa4: {  	[sflag:s23] =	ssyncadd.s32 $0xFFFFFFFF  }
0xa5: {  	s4 =	sld [smem:$0x0]  }
0xa6: {  	s5 =	sand.u32 $0xFFFFFFFE, s1  }
0xa7: {  	p0 =	sne.s32 s1, s5  }
0xa8: {  	s5 =	sshll.u32 @p0 s5, $0xE  }
0xa9: {  	s5 =	sadd.s32 @p0 $0x11B8D, s5;
	s6 =	sshll.u32 @p0 s4, $0x11  }
0xaa: {  	s5 =	sor.u32 @p0 s6, s5  }
0xab: {  	[sflag:s5] =	ssyncadd.remote.s32 @p0 $0x1;
	_ =	sdelay $0x1  }
0xac: {  	s5 =	simm.s32 @p0 $0x1B8D  }
0xad: {  	_ =	swait.eq @p0 [sflag:s5], $0x1  }
0xae: {  	[sflag:s5] =	ssyncadd.s32 @p0 $0xFFFFFFFF  }
0xaf: {  	s6 =	sshll.u32 @!p0 s1, $0xE  }
0xb0: {  	s6 =	sor.u32 @!p0 $0x4000, s6;
	s5 =	simm.s32 @!p0 $0x1B8D  }
0xb1: {  	s4 =	sshll.u32 @!p0 s4, $0x11;
	s6 =	sadd.s32 @!p0 $0x11B8D, s6;
	_ =	swait.eq @!p0 [sflag:s5], $0x1  }
0xb2: {  	s4 =	sor.u32 @!p0 s4, s6;
	[sflag:s5] =	ssyncadd.s32 @!p0 $0xFFFFFFFF  }
0xb3: {  	s25 =	simm.s32 $0x1B8E;
	s24 =	sld [smem:$0x3FFE];
	[sflag:s4] =	ssyncadd.remote.s32 @!p0 $0x1  }
0xb4: {  	s26 =	simm.s32 $execute0_lowered;
	[smem:$0x3FD2] =	sst s25  }
0xb5: {  	s5 =	sshll.u32 s26, $0x1;
	_ =	strace $0x80000049;
	[dreg:$0x1] =	wrdreg $0xFFFFFFFF  }
0xb6: {  	s28 =	simm.s32 $_size_execute0_lowered;
	s3 =	sadd.s32 s3, s5;
	[dreg:$0x0] =	wrdreg $0x0  }
0xb7: {  	s5 =	sshll.u32 s28, $0x1;
	[dreg:$0x2] =	wrdreg s3  }
0xb8: {  	[dreg:$0x3] =	wrdreg s5  }
0xb9: {  	[dreg:$0x4] =	wrdreg $0xC0  }
0xba: {  	_ =	task [dreg:s22], $0x5FFFF  }
0xbb: {  	[dreg:$0x1] =	wrdreg $0xFFFFFFFF  }
0xbc: {  	[dreg:$0x0] =	wrdreg $0x60  }
0xbd: {  	[dreg:$0x2] =	wrdreg s24  }
0xbe: {  	[dreg:$0x3] =	wrdreg $0x0  }
0xbf: {  	[dreg:$0x4] =	wrdreg $0x9  }
0xc0: {  	_ =	task.clear_ibuf [dreg:s22], $0x5FFFF;
	_ =	strace $0x90000049  }
0xc1: {  	s29 =	simm.s32 $0x9;
	_ =	strace $0x8000004B  }
0xc2: {  	_ =	swait.ge [sflag:s29], $0x1  }
0xc3: {  	[sflag:s29] =	ssyncadd.s32 $0xFFFFFFFF  }
0xc4: {  	_ =	strace $0x9000004B  }
0xc5: {  	_ =	sfence  }
0xc6: {  	s30 =	sld [smem:$0x0];
	_ =	sdelay $0x2  }
0xc7: {  	s31 =	sshll.u32 s1, $0xD;
	s1 =	sshrl.u32 s1, $0x2  }
0xc8: {  	s4 =	sand.u32 $0x4000, s31;
	s1 =	sadd.s32 s1, s30  }
0xc9: {  	s0 =	sor.u32 s4, s0;
	s1 =	sshll.u32 s1, $0x11  }
0xca: {  	s0 =	sor.u32 s1, s0  }
0xcb: {  	s0 =	sadd.s32 $0x8F2B, s0  }
0xcc: {  	[sflag:s0] =	ssyncadd.remote.s32 $0x1  }
0xcd: {  	_ =	sfence.sel $0xFFFF  }
0xce: {  	[dreg:$0x0] =	wrdreg $0xFFFFFFFF;
	(pc) =	sbr.abs _section_cstart, $3  }
0xcf: {  	[dreg:$0x1] =	wrdreg $0xFFFFFFFF  }
0xd0: {  	_ =	task.clear_ibuf [dreg:s22], $0x2FFFF;
	_ =	strace $0x9FFFFFFF  }
0xd1: {  	(tm) =	ssettm $0x7FFFFFFF  }
tec
execute0_lowered:
.L_overlay_start_1:
0x0: {  	(tag) =	ssettag $0x1  }
0x1: {  	s6 =	rddreg [dreg:$0x0]  }
0x2: {  	s1 =	rddreg [dreg:$0x1];
	s2 =	srdreg.scid  }
0x3: {  	s0 =	rddreg [dreg:$0x2];
	s3 =	simm.s32 $0x0;
	s7 =	sand.u32 $0x1, s2  }
0x4: {  	s19 =	simm.s32 $0x1;
	s2 =	stileid.u32;
	s4 =	smul.u32 $0x4F00, s7  }
0x5: {  	s20 =	simm.s32 $0x14000;
	s21 =	simm.s32 $0x80;
	s8 =	smul.u32 $0x280, s2  }
0x6: {  	s22 =	simm.s32 $0x0;
	[smem:$0x7FF] =	sst s3;
	s9 =	smul.u32 $0x2800, s7  }
0x7: {  	s5 =	sadd.s32 $0x18000, s6;
	s10 =	smul.u32 $0x50000, s2;
	s7 =	ssub.s32 $0x2, s7  }
0x8: {  	_ =	strace $0x8000004A;
	s18 =	smul.u32 $0x4F0, s2;
	s31 =	sshrl.u32 s7, $0x1  }
0x9: {  	s17 =	sadd.s32 s4, s6;
	s4 =	sadd.s32 $0x17800, s6;
	s8 =	sadd.s32 s8, s9  }
0xa: {  	s10 =	sshrl.u32 s10, $0x2;
	s16 =	ssub.s32 s7, s31;
	s8 =	sshll.u32 s8, $0x4  }
0xb: {  	s16 =	smax.u32 s16, $0x1;
	s17 =	sadd.s32 s18, s17;
	s18 =	simm.s32 $0x14080  }
0xc: {  	s15 =	sadd.s32 s8, s6;
	s6 =	sadd.s32 s10, s1;
	s17 =	sadd.s32 $0xDA00, s17  }
0xd: {  	s7 =	sadd.s32 $0x4000, s6;
	s8 =	sadd.s32 $0x8000, s6;
	s9 =	sadd.s32 $0xC000, s6  }
0xe: {  	s10 =	sadd.s32 $0x10000, s6;
	s11 =	sadd.s32 $0x18800, s15;
	s12 =	sadd.s32 $0x19000, s15  }
0xf: {  	s13 =	sadd.s32 $0x19800, s15;
	s14 =	sadd.s32 $0x1A000, s15;
	s15 =	sadd.s32 $0x1A800, s15  }
.LBB2_1:
0x10: {  	[tilespmem:s18], [sflag:$0x1] =	stream.linear.gather [hbm4b:s4+s3], $0x4000, $0x38;
	[tilespmem:$0x18080] =	vst v63  }
0x11: {  	_ =	swait.ge [sflag:s19], $0x4000  }
0x12: {  	[sflag:s19] =	ssyncset.done $0x0  }
0x13: {  	[sflag:s19] =	ssyncadd.s32 $0xFFFFC000  }
0x14: {  	[spmem:s6] =	stream.linear.scatter [tilespmem:s18], [sflag:$0x1], $0x4000, $0x38;
	[tilespmem:$0x18080] =	vst v63  }
0x15: {  	_ =	swait.ge [sflag:s19], $0x4000  }
0x16: {  	[sflag:s19] =	ssyncset.done $0x0  }
0x17: {  	[sflag:s19] =	ssyncadd.s32 $0xFFFFC000  }
0x18: {  	[spmem:s7] =	stream.linear.scatter [tilespmem:s18], [sflag:$0x1], $0x4000, $0x38;
	[tilespmem:$0x18080] =	vst v63  }
0x19: {  	_ =	swait.ge [sflag:s19], $0x4000  }
0x1a: {  	[sflag:s19] =	ssyncset.done $0x0  }
0x1b: {  	[sflag:s19] =	ssyncadd.s32 $0xFFFFC000  }
0x1c: {  	[spmem:s8] =	stream.linear.scatter [tilespmem:s18], [sflag:$0x1], $0x4000, $0x38;
	[tilespmem:$0x18080] =	vst v63  }
0x1d: {  	_ =	swait.ge [sflag:s19], $0x4000  }
0x1e: {  	[sflag:s19] =	ssyncset.done $0x0  }
0x1f: {  	[sflag:s19] =	ssyncadd.s32 $0xFFFFC000  }
0x20: {  	[spmem:s9] =	stream.linear.scatter [tilespmem:s18], [sflag:$0x1], $0x4000, $0x38;
	[tilespmem:$0x18080] =	vst v63  }
0x21: {  	_ =	swait.ge [sflag:s19], $0x4000  }
0x22: {  	[sflag:s19] =	ssyncset.done $0x0  }
0x23: {  	[sflag:s19] =	ssyncadd.s32 $0xFFFFC000  }
0x24: {  	[spmem:s10] =	stream.linear.scatter [tilespmem:s18], [sflag:$0x1], $0x4000, $0x38;
	[tilespmem:$0x18080] =	vst v63  }
0x25: {  	_ =	swait.ge [sflag:s19], $0x4000  }
0x26: {  	[sflag:s19] =	ssyncset.done $0x0  }
0x27: {  	[sflag:s19] =	ssyncadd.s32 $0xFFFFC000  }
0x28: {  	[tilespmem:s18], [sflag:$0x1] =	stream.linear.gather [hbm4b:s5+s3], $0x4000, $0x38;
	[tilespmem:$0x18080] =	vst v63  }
0x29: {  	_ =	swait.ge [sflag:s19], $0x4000  }
0x2a: {  	[sflag:s19] =	ssyncset.done $0x0  }
0x2b: {  	[sflag:s19] =	ssyncadd.s32 $0xFFFFC000  }
0x2c: {  	s23 =	sadd.s32 $0x0, s17;
	[bflag:$0x0] =	sbarrier.arrive $0xFFFF  }
0x2d: {  	[tilespmem:s20], [sflag:$0x1] =	stream.linear.gather [hbm4b:s23+s3], $0x80, $0x38;
	[tilespmem:$0x18080] =	vst v63  }
0x2e: {  	_ =	swait.ge [sflag:s19], $0x80  }
0x2f: {  	[sflag:s19] =	ssyncset.done $0x0  }
0x30: {  	[sflag:s19] =	ssyncadd.s32 $0xFFFFFF80  }
0x31: {  	[spmem:s1] =	stream.indirect.scatter.add.f32 [tilespmem:s18], [sflag:$0x1], $0x80, s20, s21, $0xb8;
	[tilespmem:$0x18080] =	vst v63  }
0x32: {  	_ =	swait.ge [sflag:s19], $0x4000  }
0x33: {  	s24 =	simm.s32 $0x20;
	s23 =	simm.s32 $0x10;
	[sflag:s19] =	ssyncset.done $0x0  }
.LBB2_2:
0x34: {  	s25 =	sadd.s32 s23, s17  }
0x35: {  	[sflag:s19] =	ssyncadd.s32 $0xFFFFC000;
	s23 =	smov.u32 s24;
	s26 =	sadd.s32 $0x10, s24  }
0x36: {  	[tilespmem:s20], [sflag:$0x1] =	stream.linear.gather [hbm4b:s25+s3], $0x80, $0x38;
	[tilespmem:$0x18080] =	vst v63  }
0x37: {  	p0 =	sne.s32 s24, $0x4E0;
	_ =	swait.ge [sflag:s19], $0x80  }
.Ltmp0:
0x38: {  	[sflag:s19] =	ssyncset.done $0x0;
	(pc) =	sbr.rel @p0 .LBB2_2-.Ltmp0, $4  }
0x39: {  	[sflag:s19] =	ssyncadd.s32 $0xFFFFFF80  }
0x3a: {  	[spmem:s1] =	stream.indirect.scatter.add.f32 [tilespmem:s18], [sflag:$0x1], $0x80, s20, s21, $0xb8;
	[tilespmem:$0x18080] =	vst v63  }
0x3b: {  	_ =	swait.ge [sflag:s19], $0x4000  }
0x3c: {  	s24 =	smov.u32 s26;
	[sflag:s19] =	ssyncset.done $0x0  }
0x3d: {  	s23 =	sadd.s32 s23, s17;
	[sflag:s19] =	ssyncadd.s32 $0xFFFFC000  }
0x3e: {  	[tilespmem:s20], [sflag:$0x1] =	stream.linear.gather [hbm4b:s23+s3], $0x80, $0x38;
	[tilespmem:$0x18080] =	vst v63  }
0x3f: {  	_ =	swait.ge [sflag:s19], $0x80  }
0x40: {  	[sflag:s19] =	ssyncset.done $0x0  }
0x41: {  	[sflag:s19] =	ssyncadd.s32 $0xFFFFFF80  }
0x42: {  	[spmem:s1] =	stream.indirect.scatter.add.f32 [tilespmem:s18], [sflag:$0x1], $0x80, s20, s21, $0xb8;
	[tilespmem:$0x18080] =	vst v63  }
0x43: {  	_ =	swait.ge [sflag:s19], $0x4000  }
0x44: {  	[sflag:s19] =	ssyncset.done $0x0  }
0x45: {  	[sflag:s19] =	ssyncadd.s32 $0xFFFFC000  }
0x46: {  	[bflag:$0x0] =	sbarrier.arrive $0xFFFF  }
0x47: {  	[tilespmem:s18], [sflag:$0x1] =	stream.linear.gather [spmem:s6], $0x4000, $0x38;
	[tilespmem:$0x18080] =	vst v63  }
0x48: {  	_ =	swait.ge [sflag:s19], $0x4000  }
0x49: {  	[sflag:s19] =	ssyncset.done $0x0  }
0x4a: {  	[sflag:s19] =	ssyncadd.s32 $0xFFFFC000  }
0x4b: {  	[hbm4b:s11+s3] =	stream.linear.scatter [tilespmem:s18], [sflag:$0x1], $0x4000, $0x38;
	[tilespmem:$0x18080] =	vst v63  }
0x4c: {  	_ =	swait.ge [sflag:s19], $0x4000  }
0x4d: {  	[sflag:s19] =	ssyncset.done $0x0  }
0x4e: {  	[sflag:s19] =	ssyncadd.s32 $0xFFFFC000  }
0x4f: {  	[tilespmem:s18], [sflag:$0x1] =	stream.linear.gather [spmem:s7], $0x4000, $0x38;
	[tilespmem:$0x18080] =	vst v63  }
0x50: {  	_ =	swait.ge [sflag:s19], $0x4000  }
0x51: {  	[sflag:s19] =	ssyncset.done $0x0  }
0x52: {  	[sflag:s19] =	ssyncadd.s32 $0xFFFFC000  }
0x53: {  	[hbm4b:s12+s3] =	stream.linear.scatter [tilespmem:s18], [sflag:$0x1], $0x4000, $0x38;
	[tilespmem:$0x18080] =	vst v63  }
0x54: {  	_ =	swait.ge [sflag:s19], $0x4000  }
0x55: {  	[sflag:s19] =	ssyncset.done $0x0  }
0x56: {  	[sflag:s19] =	ssyncadd.s32 $0xFFFFC000  }
0x57: {  	[tilespmem:s18], [sflag:$0x1] =	stream.linear.gather [spmem:s8], $0x4000, $0x38;
	[tilespmem:$0x18080] =	vst v63  }
0x58: {  	_ =	swait.ge [sflag:s19], $0x4000  }
0x59: {  	[sflag:s19] =	ssyncset.done $0x0  }
0x5a: {  	[sflag:s19] =	ssyncadd.s32 $0xFFFFC000  }
0x5b: {  	[hbm4b:s13+s3] =	stream.linear.scatter [tilespmem:s18], [sflag:$0x1], $0x4000, $0x38;
	[tilespmem:$0x18080] =	vst v63  }
0x5c: {  	_ =	swait.ge [sflag:s19], $0x4000  }
0x5d: {  	[sflag:s19] =	ssyncset.done $0x0  }
0x5e: {  	[sflag:s19] =	ssyncadd.s32 $0xFFFFC000  }
0x5f: {  	[tilespmem:s18], [sflag:$0x1] =	stream.linear.gather [spmem:s9], $0x4000, $0x38;
	[tilespmem:$0x18080] =	vst v63  }
0x60: {  	_ =	swait.ge [sflag:s19], $0x4000  }
0x61: {  	[sflag:s19] =	ssyncset.done $0x0  }
0x62: {  	[sflag:s19] =	ssyncadd.s32 $0xFFFFC000  }
0x63: {  	[hbm4b:s14+s3] =	stream.linear.scatter [tilespmem:s18], [sflag:$0x1], $0x4000, $0x38;
	[tilespmem:$0x18080] =	vst v63  }
0x64: {  	_ =	swait.ge [sflag:s19], $0x4000  }
0x65: {  	[sflag:s19] =	ssyncset.done $0x0  }
0x66: {  	[sflag:s19] =	ssyncadd.s32 $0xFFFFC000  }
0x67: {  	[tilespmem:s18], [sflag:$0x1] =	stream.linear.gather [spmem:s10], $0x4000, $0x38;
	[tilespmem:$0x18080] =	vst v63  }
0x68: {  	s22 =	sadd.s32 $0x1, s22;
	_ =	swait.ge [sflag:s19], $0x4000  }
0x69: {  	p0 =	sne.s32 s22, s16;
	[sflag:s19] =	ssyncset.done $0x0  }
.Ltmp1:
0x6a: {  	[sflag:s19] =	ssyncadd.s32 $0xFFFFC000;
	(pc) =	sbr.rel @p0 .LBB2_1-.Ltmp1, $4  }
0x6b: {  	[hbm4b:s15+s3] =	stream.linear.scatter [tilespmem:s18], [sflag:$0x1], $0x4000, $0x38;
	[tilespmem:$0x18080] =	vst v63  }
0x6c: {  	_ =	swait.ge [sflag:s19], $0x4000  }
0x6d: {  	[sflag:s19] =	ssyncset.done $0x0  }
0x6e: {  	[sflag:s19] =	ssyncadd.s32 $0xFFFFC000  }
0x6f: {  	_ =	sfence.sel $0x180000  }
0x70: {  	[bflag:$0x0] =	sbarrier.arrive $0xFFFF  }
0x71: {  	p0 =	sne.s32 s2, $0x0;
	_ =	strace $0x9000004A  }
0x72: {  	s0 =	sadd.s32 @!p0 $0x100000, s0;
	[bflag:$0x2] =	sbarrier.arrive $0xFFFF  }
0x73: {  	[sflag:s0] =	ssyncadd.tile.s32 @!p0 $0x1;
	_ =	shalt  }
.Lfunc_end2:
_tile_overlayer_lowered:
.L_overlay_start_2:
0x74: {  	(tag) =	ssettag $0x2  }
0x75: {  	s0 =	rddreg [dreg:$0x0];
	s2 =	stileid.u32  }
0x76: {  	s1 =	rddreg [dreg:$0x1];
	p0 =	sne.s32 s2, $0x0  }
0x77: {  	s3 =	rddreg [dreg:$0x2];
	[bflag:$0x3] =	sbarrier.arrive $0xFFFF;
	s2 =	simm.s32 @!p0 $0x1C01  }
0x78: {  	[timem:s3], [sflag:s2] =	dma.local @!p0 [hbm:s0], s1  }
0x79: {  	s0 =	simm.s32 @!p0 $0x1  }
0x7a: {  	_ =	swait.ge @!p0 [sflag:s0], s1  }
0x7b: {  	s1 =	ssub.s32 @!p0 $0x0, s1;
	[sflag:s0] =	ssyncset.done @!p0 $0x0  }
0x7c: {  	[sflag:s0] =	ssyncadd.s32 @!p0 s1  }
0x7d: {  	[bflag:$0x3] =	sbarrier.arrive $0xFFFF  }
0x7e: {  	_ =	shalt  }

</sc_bundles>
